<compile_context>
chip_gen: v7x
topology: tpu7x:2x2x1
jax: 0.10.2.dev20260603
libtpu: 0.0.44.dev20260713+nightly
codegen_flags: <defaults>
</compile_context>

<pallas_src>
import functools

import jax
import jax.numpy as jnp
import numpy as np
from jax import lax
from jax.experimental import pallas as pl
from jax.experimental.pallas import tpu as pltpu
from jax.experimental.pallas import tpu_sc as plsc

N = 10000
E = 320000
IN_DIM = 128
HID = 256
OUT_DIM = 128
NUM_GRAPHS = 64

E_CHUNKS = 2560
E_PAD = E_CHUNKS * 128
CHUNKS_PER_TILE = 160
CHUNKS_PER_TILE32 = 80

NODE_HALF = 5000
ACC_H = 5120
ACC_ROWS_PER_TILE = 320
DUMMY = 5056

N_DEG = 10016

ROW_BLK = 1000

C1 = float(np.sqrt(2.0 / HID))
C3 = float(np.sqrt(2.0 / OUT_DIM))



def _sc_mesh():
    return plsc.VectorSubcoreMesh(core_axis_name="c", subcore_axis_name="s")


def _deg_body(row_hbm, out_hbm, ridx, hist):
    c = lax.axis_index("c")
    s = lax.axis_index("s")
    t = c * 16 + s
    pltpu.sync_copy(row_hbm.at[pl.ds(t * CHUNKS_PER_TILE32, CHUNKS_PER_TILE32)], ridx)

    @pl.loop(0, N_DEG // 16)
    def _z(i):
        hist[pl.ds(i * 16, 16)] = jnp.zeros((16,), jnp.float32)

    ones16 = jnp.ones((16,), jnp.float32)

    @pl.loop(0, CHUNKS_PER_TILE32)
    def _chunk(j):
        for k in range(8):
            idx16 = ridx[j, pl.ds(k * 16, 16)]
            plsc.addupdate_scatter(hist, [idx16], ones16)

    pltpu.sync_copy(hist, out_hbm.at[pl.ds(t * N_DEG, N_DEG)])


def _deg_counts(rowd):
    k = pl.kernel(
        _deg_body,
        out_type=jax.ShapeDtypeStruct((32 * N_DEG,), jnp.float32),
        mesh=_sc_mesh(),
        compiler_params=pltpu.CompilerParams(needs_layout_passes=False),
        scratch_types=[
            pltpu.VMEM((CHUNKS_PER_TILE32, 128), jnp.int32),
            pltpu.VMEM((N_DEG,), jnp.float32),
        ],
    )
    return k(rowd)


RCHUNK = 80


def _part_body(row_hbm, col_hbm, rows_out, cols_out, cnt_out,
               ridx, cidx, rlo, clo, rhi, chi, cntv):
    c = lax.axis_index("c")
    s = lax.axis_index("s")
    t = c * 16 + s
    pltpu.sync_copy(row_hbm.at[pl.ds(t * RCHUNK, RCHUNK)], ridx)
    pltpu.sync_copy(col_hbm.at[pl.ds(t * RCHUNK, RCHUNK)], cidx)

    lanes = lax.iota(jnp.int32, 16)
    zero16 = jnp.zeros((16,), jnp.int32)

    @pl.loop(0, RCHUNK)
    def _fill(kk):
        for k in range(8):
            dummy16 = DUMMY + ((lanes + kk * 128 + k * 16) & 63)
            rlo[kk, pl.ds(k * 16, 16)] = zero16
            clo[kk, pl.ds(k * 16, 16)] = dummy16
            rhi[kk, pl.ds(k * 16, 16)] = zero16
            chi[kk, pl.ds(k * 16, 16)] = dummy16

    def _group(kk, carry):
        olo, ohi = carry
        for k in range(8):
            r16 = ridx[kk, pl.ds(k * 16, 16)]
            c16 = cidx[kk, pl.ds(k * 16, 16)]
            mlo = c16 < NODE_HALF
            mhi = jnp.logical_and(c16 >= NODE_HALF, c16 < N)
            dlo = olo + plsc.cumsum(mlo.astype(jnp.int32)) - 1
            plsc.store_scatter(rlo, [dlo >> 7, dlo & 127], r16, mask=mlo)
            plsc.store_scatter(clo, [dlo >> 7, dlo & 127], c16, mask=mlo)
            olo = olo + plsc.all_reduce_population_count(mlo)
            dhi = ohi + plsc.cumsum(mhi.astype(jnp.int32)) - 1
            plsc.store_scatter(rhi, [dhi >> 7, dhi & 127], r16, mask=mhi)
            plsc.store_scatter(chi, [dhi >> 7, dhi & 127], c16 - NODE_HALF, mask=mhi)
            ohi = ohi + plsc.all_reduce_population_count(mhi)
        return olo, ohi

    olo, ohi = pl.loop(0, RCHUNK,
                       init_carry=(zero16, zero16))(_group)

    for k in range(8):
        cntv[pl.ds(k * 16, 16)] = olo
        cntv[pl.ds(128 + k * 16, 16)] = ohi

    pltpu.sync_copy(rlo, rows_out.at[pl.ds(t * RCHUNK, RCHUNK)])
    pltpu.sync_copy(rhi, rows_out.at[pl.ds(E_CHUNKS + t * RCHUNK, RCHUNK)])
    pltpu.sync_copy(clo, cols_out.at[pl.ds(t * RCHUNK, RCHUNK)])
    pltpu.sync_copy(chi, cols_out.at[pl.ds(E_CHUNKS + t * RCHUNK, RCHUNK)])
    pltpu.sync_copy(cntv, cnt_out.at[pl.ds(t * 256, 256)])


def _partition(row2, col2):
    k = pl.kernel(
        _part_body,
        out_type=(
            jax.ShapeDtypeStruct((2 * E_CHUNKS, 128), jnp.int32),
            jax.ShapeDtypeStruct((2 * E_CHUNKS, 128), jnp.int32),
            jax.ShapeDtypeStruct((32 * 256,), jnp.int32),
        ),
        mesh=_sc_mesh(),
        compiler_params=pltpu.CompilerParams(needs_layout_passes=False),
        scratch_types=[
            pltpu.VMEM((RCHUNK, 128), jnp.int32),
            pltpu.VMEM((RCHUNK, 128), jnp.int32),
            pltpu.VMEM((RCHUNK, 128), jnp.int32),
            pltpu.VMEM((RCHUNK, 128), jnp.int32),
            pltpu.VMEM((RCHUNK, 128), jnp.int32),
            pltpu.VMEM((RCHUNK, 128), jnp.int32),
            pltpu.VMEM((256,), jnp.int32),
        ],
    )
    return k(row2, col2)


def _scatter_body(g_hbm, rowp_hbm, colp_hbm, cnt_hbm, zeros_hbm, out_hbm,
                  ridx, cidx, cntb, r0, r1, acc, s0, s1):
    c = lax.axis_index("c")
    s = lax.axis_index("s")
    pltpu.sync_copy(zeros_hbm.at[pl.ds(s * ACC_ROWS_PER_TILE, ACC_ROWS_PER_TILE)],
                    acc.at[pl.ds(s * ACC_ROWS_PER_TILE, ACC_ROWS_PER_TILE)])
    pltpu.sync_copy(rowp_hbm.at[pl.ds(c * E_CHUNKS + s * 2 * RCHUNK, 2 * RCHUNK)],
                    ridx)
    pltpu.sync_copy(colp_hbm.at[pl.ds(c * E_CHUNKS + s * 2 * RCHUNK, 2 * RCHUNK)],
                    cidx)
    pltpu.sync_copy(cnt_hbm.at[pl.ds((2 * s) * 256 + c * 128, 128)],
                    cntb.at[pl.ds(0, 128)])
    pltpu.sync_copy(cnt_hbm.at[pl.ds((2 * s + 1) * 256 + c * 128, 128)],
                    cntb.at[pl.ds(128, 128)])
    plsc.subcore_barrier()

    cnt0 = jnp.max(cntb[pl.ds(0, 16)])
    cnt1 = jnp.max(cntb[pl.ds(128, 16)])
    nch0 = (cnt0 + 127) >> 7
    nch1 = (cnt1 + 127) >> 7

    @pl.loop(0, nch0)
    def _a(j):
        pltpu.async_copy(g_hbm.at[ridx.at[j]], r0, s0).wait()
        pltpu.sync_copy(r0, acc.at[cidx.at[j]], add=True)

    @pl.loop(0, nch1)
    def _b(j):
        pltpu.async_copy(g_hbm.at[ridx.at[RCHUNK + j]], r1, s1).wait()
        pltpu.sync_copy(r1, acc.at[cidx.at[RCHUNK + j]], add=True)

    plsc.subcore_barrier()
    pltpu.sync_copy(acc.at[pl.ds(s * ACC_ROWS_PER_TILE, ACC_ROWS_PER_TILE)],
                    out_hbm.at[pl.ds(c * ACC_H + s * ACC_ROWS_PER_TILE,
                                     ACC_ROWS_PER_TILE)])


def _sc_scatter(g_half, rows_part, cols_part, cnt, zeros):
    k = pl.kernel(
        _scatter_body,
        out_type=jax.ShapeDtypeStruct((2 * ACC_H, 128), jnp.float32),
        mesh=_sc_mesh(),
        compiler_params=pltpu.CompilerParams(needs_layout_passes=False),
        scratch_types=[
            pltpu.VMEM((2 * RCHUNK, 128), jnp.int32),
            pltpu.VMEM((2 * RCHUNK, 128), jnp.int32),
            pltpu.VMEM((256,), jnp.int32),
            pltpu.VMEM((128, 128), jnp.float32),
            pltpu.VMEM((128, 128), jnp.float32),
            pltpu.VMEM_SHARED((ACC_H, 128), jnp.float32),
            pltpu.SemaphoreType.DMA,
            pltpu.SemaphoreType.DMA,
        ],
    )
    return k(g_half, rows_part, cols_part, cnt, zeros)



def _smap(i):
    return (i // 5, i % 5, 0)


def _l1_body(x_ref, deg32_ref, w_ref, b_ref, h_ref, g_ref, dinv_ref):
    deg = jnp.sum(deg32_ref[...], axis=1) + 1.0
    dinv = lax.rsqrt(deg)[:, None]
    h = lax.dot_general(x_ref[...], w_ref[...], (((1,), (1,)), ((), ())),
                        preferred_element_type=jnp.float32) + b_ref[...]
    h_ref[...] = h
    dinv_ref[...] = dinv
    g = dinv * h
    g_ref[0] = g[:, :128]
    g_ref[1] = g[:, 128:]


def _layer1(x, deg32, W1, b1):
    grid = N // ROW_BLK
    return pl.pallas_call(
        _l1_body,
        grid=(grid,),
        in_specs=[
            pl.BlockSpec((ROW_BLK, IN_DIM), lambda i: (i, 0)),
            pl.BlockSpec((ROW_BLK, 32), lambda i: (i, 0)),
            pl.BlockSpec((HID, IN_DIM), lambda i: (0, 0)),
            pl.BlockSpec((1, HID), lambda i: (0, 0)),
        ],
        out_specs=[
            pl.BlockSpec((ROW_BLK, HID), lambda i: (i, 0)),
            pl.BlockSpec((2, ROW_BLK, 128), lambda i: (0, i, 0)),
            pl.BlockSpec((ROW_BLK, 1), lambda i: (i, 0)),
        ],
        out_shape=[
            jax.ShapeDtypeStruct((N, HID), jnp.float32),
            jax.ShapeDtypeStruct((2, N, 128), jnp.float32),
            jax.ShapeDtypeStruct((N, 1), jnp.float32),
        ],
    )(x, deg32, W1, b1)


def _mid_body(sa_ref, sb_ref, hprev_ref, dinv_ref, w_ref, b_ref, h_ref,
              g_ref, *, coef, nh):
    dinv = dinv_ref[...]
    sfull = jnp.concatenate([sa_ref[0], sb_ref[0]], axis=1)
    xk = coef * jnp.maximum(dinv * sfull + dinv * dinv * hprev_ref[...], 0.0)
    h = lax.dot_general(xk, w_ref[...], (((1,), (1,)), ((), ())),
                        preferred_element_type=jnp.float32) + b_ref[...]
    h_ref[...] = h
    g = dinv * h
    for q in range(nh):
        g_ref[q] = g[:, q * 128:(q + 1) * 128]


def _mid_layer(s_a, s_b, h_prev, dinv, W, b, coef):
    grid = N // ROW_BLK
    out_dim, in_dim = W.shape
    nh = out_dim // 128
    body = functools.partial(_mid_body, coef=coef, nh=nh)
    return pl.pallas_call(
        body,
        grid=(grid,),
        in_specs=[
            pl.BlockSpec((1, ROW_BLK, 128), _smap),
            pl.BlockSpec((1, ROW_BLK, 128), _smap),
            pl.BlockSpec((ROW_BLK, in_dim), lambda i: (i, 0)),
            pl.BlockSpec((ROW_BLK, 1), lambda i: (i, 0)),
            pl.BlockSpec((out_dim, in_dim), lambda i: (0, 0)),
            pl.BlockSpec((1, out_dim), lambda i: (0, 0)),
        ],
        out_specs=[
            pl.BlockSpec((ROW_BLK, out_dim), lambda i: (i, 0)),
            pl.BlockSpec((nh, ROW_BLK, 128), lambda i: (0, i, 0)),
        ],
        out_shape=[
            jax.ShapeDtypeStruct((N, out_dim), jnp.float32),
            jax.ShapeDtypeStruct((nh, N, 128), jnp.float32),
        ],
    )(s_a, s_b, h_prev, dinv, W, b)


def _final_body(s_ref, h_ref, dinv_ref, batch_ref, out_ref):
    i = pl.program_id(0)
    dinv = dinv_ref[...]
    x4 = C3 * jnp.maximum(dinv * s_ref[0] + dinv * dinv * h_ref[...], 0.0)
    b = batch_ref[...]
    seg = lax.broadcasted_iota(jnp.int32, (NUM_GRAPHS, ROW_BLK), 0)
    onehot = (seg == b[:, 0][None, :]).astype(jnp.float32)
    contrib = jnp.dot(onehot, x4, preferred_element_type=jnp.float32)

    @pl.when(i == 0)
    def _():
        out_ref[...] = jnp.zeros_like(out_ref)

    out_ref[...] += contrib


def _final_pool(s3, h3, dinv, batch2d):
    grid = N // ROW_BLK
    return pl.pallas_call(
        _final_body,
        grid=(grid,),
        in_specs=[
            pl.BlockSpec((1, ROW_BLK, OUT_DIM), _smap),
            pl.BlockSpec((ROW_BLK, OUT_DIM), lambda i: (i, 0)),
            pl.BlockSpec((ROW_BLK, 1), lambda i: (i, 0)),
            pl.BlockSpec((ROW_BLK, 1), lambda i: (i, 0)),
        ],
        out_specs=pl.BlockSpec((NUM_GRAPHS, OUT_DIM), lambda i: (0, 0)),
        out_shape=jax.ShapeDtypeStruct((NUM_GRAPHS, OUT_DIM), jnp.float32),
    )(s3, h3, dinv, batch2d)



def kernel(x, edge_index, batch, W1, b1, W2, b2, W3, b3):
    row = edge_index[0].astype(jnp.int32)
    col = edge_index[1].astype(jnp.int32)
    pad = E_PAD - E
    row_p = jnp.concatenate([row, jnp.zeros((pad,), jnp.int32)])
    col_p = jnp.concatenate([col, jnp.full((pad,), N, jnp.int32)])
    row2 = row_p.reshape(E_CHUNKS, 128)
    col2 = col_p.reshape(E_CHUNKS, 128)
    rowd = jnp.concatenate([row, jnp.full((pad,), N, jnp.int32)]
                           ).reshape(E_CHUNKS, 128)

    zacc = jnp.zeros((ACC_H, 128), jnp.float32)
    rows_part, cols_part, cnt = _partition(row2, col2)

    def scat(g_half):
        return _sc_scatter(g_half, rows_part, cols_part, cnt,
                           zacc).reshape(2, ACC_H, 128)

    deg32 = _deg_counts(rowd).reshape(32, N_DEG).T

    h1, g1, dinv = _layer1(x, deg32, W1, b1.reshape(1, HID))
    s1a, s1b = scat(g1[0]), scat(g1[1])
    h2, g2 = _mid_layer(s1a, s1b, h1, dinv, W2, b2.reshape(1, HID), C1)
    s2a, s2b = scat(g2[0]), scat(g2[1])
    h3, g3 = _mid_layer(s2a, s2b, h2, dinv, W3, b3.reshape(1, OUT_DIM), C1)
    s3 = scat(g3[0])
    out = _final_pool(s3, h3, dinv, batch.reshape(N, 1).astype(jnp.int32))
    return out

# --- scband reference (transcript-rebuilt; emitter-appended) ---
"""Pipeline reference for scband-gnn-41059887350055 (READ-ONLY COPY).

The authoritative reference and input builder live on the scoring server;
editing this copy changes nothing except your own understanding.
"""

import jax, jax.numpy as jnp
import numpy as np

N_NODES = 10000
N_EDGES = 320000
IN_DIM = 128
HID_DIM = 256
OUT_DIM = 128
C_SIGMA = 2.0
C_U = 1.0
NUM_GRAPHS = 64


def _glorot_linear(key, out_f, in_f):
    k1, k2 = jax.random.split(key)
    bound = 1.0 / np.sqrt(in_f)
    W = jax.random.uniform(k1, (out_f, in_f), minval=-bound, maxval=bound, dtype=jnp.float32)
    b = jax.random.uniform(k2, (out_f,), minval=-bound, maxval=bound, dtype=jnp.float32)
    return W, b


def setup_inputs(seed: int = 0) -> dict:
    key = jax.random.key(seed)
    ks = jax.random.split(key, 6)
    x = jax.random.normal(ks[0], (N_NODES, IN_DIM), dtype=jnp.float32)
    edge_index = jax.random.randint(ks[1], (2, N_EDGES), 0, N_NODES, dtype=jnp.int64 if jax.config.jax_enable_x64 else jnp.int32)
    batch = jnp.sort(jax.random.randint(ks[2], (N_NODES,), 0, NUM_GRAPHS, dtype=jnp.int32))
    W1, b1 = _glorot_linear(ks[3], HID_DIM, IN_DIM)
    W2, b2 = _glorot_linear(ks[4], HID_DIM, HID_DIM)
    W3, b3 = _glorot_linear(ks[5], OUT_DIM, HID_DIM)
    return {"x": x, "edge_index": edge_index, "batch": batch,
            "W1": W1, "b1": b1, "W2": W2, "b2": b2, "W3": W3, "b3": b3}


def _gcn_conv(x, edge_index, W, b):
    n = x.shape[0]
    loops = jnp.arange(n, dtype=edge_index.dtype)
    ei = jnp.concatenate([edge_index, jnp.stack([loops, loops])], axis=1)
    h = x @ W.T + b
    row, col = ei[0], ei[1]
    deg = jnp.bincount(row, length=n).astype(h.dtype)
    deg_inv_sqrt = deg ** (-0.5)
    norm = deg_inv_sqrt[row] * deg_inv_sqrt[col]
    msg = norm[:, None] * h[row]
    out = jnp.zeros((n, h.shape[1]), dtype=h.dtype).at[col].add(msg)
    return out


def _block(x, edge_index, W, b, out_dim):
    conv = _gcn_conv(x, edge_index, W, b)
    x = jax.nn.relu(C_U * conv)
    coef = np.sqrt(C_SIGMA / out_dim)
    return coef * x


def reference(x, edge_index, batch, W1, b1, W2, b2, W3, b3):
    h = _block(x, edge_index, W1, b1, HID_DIM)
    h = _block(h, edge_index, W2, b2, HID_DIM)
    h = _block(h, edge_index, W3, b3, OUT_DIM)
    out = jax.ops.segment_sum(h, batch, num_segments=NUM_GRAPHS)
    return out

if __name__ == "__main__":
    import jax
    _d = setup_inputs()
    print(jax.jit(kernel)(*tuple(_d.values())))

</pallas_src>

<mosaic_0001>
#map = affine_map<(d0, d1) -> (0, 0)>
#map1 = affine_map<(d0, d1) -> (0)>
module attributes {stable_mosaic.version = 14 : i64} {
  func.func @_scatter_body(%arg0: i32, %arg1: i32, %arg2: memref<10000x128xf32, #tpu.memory_space<hbm>>, %arg3: memref<5120x128xi32, #tpu.memory_space<hbm>>, %arg4: memref<5120x128xi32, #tpu.memory_space<hbm>>, %arg5: memref<8192xi32, #tpu.memory_space<hbm>>, %arg6: memref<5120x128xf32, #tpu.memory_space<hbm>>, %arg7: memref<10240x128xf32, #tpu.memory_space<hbm>>, %arg8: memref<160x128xi32, #tpu.memory_space<vmem>>, %arg9: memref<160x128xi32, #tpu.memory_space<vmem>>, %arg10: memref<256xi32, #tpu.memory_space<vmem>>, %arg11: memref<128x128xf32, #tpu.memory_space<vmem>>, %arg12: memref<128x128xf32, #tpu.memory_space<vmem>>, %arg13: memref<5120x128xf32, #tpu.memory_space<vmem_shared>>, %arg14: memref<!tpu.dma_semaphore, #tpu.memory_space<semaphore_mem>>, %arg15: memref<!tpu.dma_semaphore, #tpu.memory_space<semaphore_mem>>) attributes {dimension_semantics = [#tpu.dimension_semantics<core_parallel>, #tpu.dimension_semantics<subcore_parallel>], iteration_bounds = array<i64: 2, 16>, scalar_prefetch = 0 : i64, scratch_operands = 8 : i64, tpu.core_type = #tpu.core_type<sc_vector_subcore>, window_params = [{transform_indices = #map}, {transform_indices = #map}, {transform_indices = #map}, {transform_indices = #map1}, {transform_indices = #map}, {transform_indices = #map}]} {
    %mul3A = arith.constant 320 : i32
    %mul3A_0 = arith.muli %arg1, %mul3A : i32
    %mul3A_1 = arith.constant 320 : i32
    %mul3A_2 = arith.muli %arg1, %mul3A_1 : i32
    "tpu.region"() ({
      %run_scoped3A = tpu.sem_alloc : memref<!tpu.dma_semaphore, #tpu.memory_space<semaphore_mem>>
      %dma_start3A = arith.constant 0 : i32
      %dma_start3A_100 = tpu.memref_slice %arg13[%mul3A_2, %dma_start3A] : memref<5120x128xf32, #tpu.memory_space<vmem_shared>> -> memref<320x128xf32, #tpu.memory_space<vmem_shared>>
      %dma_start3A_101 = arith.constant 0 : i32
      %dma_start3A_102 = tpu.memref_slice %arg6[%mul3A_0, %dma_start3A_101] : memref<5120x128xf32, #tpu.memory_space<hbm>> -> memref<320x128xf32, #tpu.memory_space<hbm>>
      tpu.enqueue_dma source(%dma_start3A_102 : memref<320x128xf32, #tpu.memory_space<hbm>>) target(%dma_start3A_100 : memref<320x128xf32, #tpu.memory_space<vmem_shared>>) target_semaphore(%run_scoped3A : memref<!tpu.dma_semaphore, #tpu.memory_space<semaphore_mem>>)
      %dma_wait3A = arith.constant 0 : i32
      %dma_wait3A_103 = tpu.memref_slice %arg13[%mul3A_2, %dma_wait3A] : memref<5120x128xf32, #tpu.memory_space<vmem_shared>> -> memref<320x128xf32, #tpu.memory_space<vmem_shared>>
      %dma_wait3A_104 = arith.constant 0 : i32
      %dma_wait3A_105 = tpu.memref_slice %arg6[%mul3A_0, %dma_wait3A_104] : memref<5120x128xf32, #tpu.memory_space<hbm>> -> memref<320x128xf32, #tpu.memory_space<hbm>>
      tpu.wait_dma2 semaphore(%run_scoped3A : memref<!tpu.dma_semaphore, #tpu.memory_space<semaphore_mem>>) src(%dma_wait3A_105 : memref<320x128xf32, #tpu.memory_space<hbm>>) dst(%dma_wait3A_103 : memref<320x128xf32, #tpu.memory_space<vmem_shared>>)
      tpu.yield
    }) : () -> ()
    %mul3A_3 = arith.constant 2560 : i32
    %mul3A_4 = arith.muli %arg0, %mul3A_3 : i32
    %mul3A_5 = arith.constant 2 : i32
    %mul3A_6 = arith.muli %arg1, %mul3A_5 : i32
    %mul3A_7 = arith.constant 80 : i32
    %mul3A_8 = arith.muli %mul3A_6, %mul3A_7 : i32
    %add3A = arith.addi %mul3A_4, %mul3A_8 : i32
    "tpu.region"() ({
      %run_scoped3A = tpu.sem_alloc : memref<!tpu.dma_semaphore, #tpu.memory_space<semaphore_mem>>
      %dma_start3A = arith.constant 0 : i32
      %dma_start3A_100 = tpu.memref_slice %arg3[%add3A, %dma_start3A] : memref<5120x128xi32, #tpu.memory_space<hbm>> -> memref<160x128xi32, #tpu.memory_space<hbm>>
      %dma_start3A_101 = arith.constant 0 : i32
      %dma_start3A_102 = tpu.memref_slice %arg3[%add3A, %dma_start3A_101] : memref<5120x128xi32, #tpu.memory_space<hbm>> -> memref<160x128xi32, #tpu.memory_space<hbm>>
      tpu.enqueue_dma source(%dma_start3A_102 : memref<160x128xi32, #tpu.memory_space<hbm>>) target(%arg8 : memref<160x128xi32, #tpu.memory_space<vmem>>) target_semaphore(%run_scoped3A : memref<!tpu.dma_semaphore, #tpu.memory_space<semaphore_mem>>)
      %dma_wait3A = arith.constant 0 : i32
      %dma_wait3A_103 = tpu.memref_slice %arg3[%add3A, %dma_wait3A] : memref<5120x128xi32, #tpu.memory_space<hbm>> -> memref<160x128xi32, #tpu.memory_space<hbm>>
      %dma_wait3A_104 = arith.constant 0 : i32
      %dma_wait3A_105 = tpu.memref_slice %arg3[%add3A, %dma_wait3A_104] : memref<5120x128xi32, #tpu.memory_space<hbm>> -> memref<160x128xi32, #tpu.memory_space<hbm>>
      tpu.wait_dma2 semaphore(%run_scoped3A : memref<!tpu.dma_semaphore, #tpu.memory_space<semaphore_mem>>) src(%dma_wait3A_105 : memref<160x128xi32, #tpu.memory_space<hbm>>) dst(%arg8 : memref<160x128xi32, #tpu.memory_space<vmem>>)
      tpu.yield
    }) : () -> ()
    %mul3A_9 = arith.constant 2560 : i32
    %mul3A_10 = arith.muli %arg0, %mul3A_9 : i32
    %mul3A_11 = arith.constant 2 : i32
    %mul3A_12 = arith.muli %arg1, %mul3A_11 : i32
    %mul3A_13 = arith.constant 80 : i32
    %mul3A_14 = arith.muli %mul3A_12, %mul3A_13 : i32
    %add3A_15 = arith.addi %mul3A_10, %mul3A_14 : i32
    "tpu.region"() ({
      %run_scoped3A = tpu.sem_alloc : memref<!tpu.dma_semaphore, #tpu.memory_space<semaphore_mem>>
      %dma_start3A = arith.constant 0 : i32
      %dma_start3A_100 = tpu.memref_slice %arg4[%add3A_15, %dma_start3A] : memref<5120x128xi32, #tpu.memory_space<hbm>> -> memref<160x128xi32, #tpu.memory_space<hbm>>
      %dma_start3A_101 = arith.constant 0 : i32
      %dma_start3A_102 = tpu.memref_slice %arg4[%add3A_15, %dma_start3A_101] : memref<5120x128xi32, #tpu.memory_space<hbm>> -> memref<160x128xi32, #tpu.memory_space<hbm>>
      tpu.enqueue_dma source(%dma_start3A_102 : memref<160x128xi32, #tpu.memory_space<hbm>>) target(%arg9 : memref<160x128xi32, #tpu.memory_space<vmem>>) target_semaphore(%run_scoped3A : memref<!tpu.dma_semaphore, #tpu.memory_space<semaphore_mem>>)
      %dma_wait3A = arith.constant 0 : i32
      %dma_wait3A_103 = tpu.memref_slice %arg4[%add3A_15, %dma_wait3A] : memref<5120x128xi32, #tpu.memory_space<hbm>> -> memref<160x128xi32, #tpu.memory_space<hbm>>
      %dma_wait3A_104 = arith.constant 0 : i32
      %dma_wait3A_105 = tpu.memref_slice %arg4[%add3A_15, %dma_wait3A_104] : memref<5120x128xi32, #tpu.memory_space<hbm>> -> memref<160x128xi32, #tpu.memory_space<hbm>>
      tpu.wait_dma2 semaphore(%run_scoped3A : memref<!tpu.dma_semaphore, #tpu.memory_space<semaphore_mem>>) src(%dma_wait3A_105 : memref<160x128xi32, #tpu.memory_space<hbm>>) dst(%arg9 : memref<160x128xi32, #tpu.memory_space<vmem>>)
      tpu.yield
    }) : () -> ()
    %mul3A_16 = arith.constant 2 : i32
    %mul3A_17 = arith.muli %mul3A_16, %arg1 : i32
    %mul3A_18 = arith.constant 256 : i32
    %mul3A_19 = arith.muli %mul3A_17, %mul3A_18 : i32
    %mul3A_20 = arith.constant 128 : i32
    %mul3A_21 = arith.muli %arg0, %mul3A_20 : i32
    %add3A_22 = arith.addi %mul3A_19, %mul3A_21 : i32
    "tpu.region"() ({
      %run_scoped3A = tpu.sem_alloc : memref<!tpu.dma_semaphore, #tpu.memory_space<semaphore_mem>>
      %dma_start3A = arith.constant 0 : i32
      %dma_start3A_100 = tpu.memref_slice %arg10[%dma_start3A] : memref<256xi32, #tpu.memory_space<vmem>> -> memref<128xi32, #tpu.memory_space<vmem>>
      %dma_start3A_101 = tpu.memref_slice %arg5[%add3A_22] : memref<8192xi32, #tpu.memory_space<hbm>> -> memref<128xi32, #tpu.memory_space<hbm>>
      %dma_start3A_102 = arith.constant 0 : i32
      %dma_start3A_103 = tpu.memref_slice %arg10[%dma_start3A_102] : memref<256xi32, #tpu.memory_space<vmem>> -> memref<128xi32, #tpu.memory_space<vmem>>
      %dma_start3A_104 = tpu.memref_slice %arg5[%add3A_22] : memref<8192xi32, #tpu.memory_space<hbm>> -> memref<128xi32, #tpu.memory_space<hbm>>
      tpu.enqueue_dma source(%dma_start3A_104 : memref<128xi32, #tpu.memory_space<hbm>>) target(%dma_start3A_103 : memref<128xi32, #tpu.memory_space<vmem>>) target_semaphore(%run_scoped3A : memref<!tpu.dma_semaphore, #tpu.memory_space<semaphore_mem>>)
      %dma_wait3A = arith.constant 0 : i32
      %dma_wait3A_105 = tpu.memref_slice %arg10[%dma_wait3A] : memref<256xi32, #tpu.memory_space<vmem>> -> memref<128xi32, #tpu.memory_space<vmem>>
      %dma_wait3A_106 = tpu.memref_slice %arg5[%add3A_22] : memref<8192xi32, #tpu.memory_space<hbm>> -> memref<128xi32, #tpu.memory_space<hbm>>
      %dma_wait3A_107 = arith.constant 0 : i32
      %dma_wait3A_108 = tpu.memref_slice %arg10[%dma_wait3A_107] : memref<256xi32, #tpu.memory_space<vmem>> -> memref<128xi32, #tpu.memory_space<vmem>>
      %dma_wait3A_109 = tpu.memref_slice %arg5[%add3A_22] : memref<8192xi32, #tpu.memory_space<hbm>> -> memref<128xi32, #tpu.memory_space<hbm>>
      tpu.wait_dma2 semaphore(%run_scoped3A : memref<!tpu.dma_semaphore, #tpu.memory_space<semaphore_mem>>) src(%dma_wait3A_109 : memref<128xi32, #tpu.memory_space<hbm>>) dst(%dma_wait3A_108 : memref<128xi32, #tpu.memory_space<vmem>>)
      tpu.yield
    }) : () -> ()
    %mul3A_23 = arith.constant 2 : i32
    %mul3A_24 = arith.muli %mul3A_23, %arg1 : i32
    %add3A_25 = arith.constant 1 : i32
    %add3A_26 = arith.addi %mul3A_24, %add3A_25 : i32
    %mul3A_27 = arith.constant 256 : i32
    %mul3A_28 = arith.muli %add3A_26, %mul3A_27 : i32
    %mul3A_29 = arith.constant 128 : i32
    %mul3A_30 = arith.muli %arg0, %mul3A_29 : i32
    %add3A_31 = arith.addi %mul3A_28, %mul3A_30 : i32
    "tpu.region"() ({
      %run_scoped3A = tpu.sem_alloc : memref<!tpu.dma_semaphore, #tpu.memory_space<semaphore_mem>>
      %dma_start3A = arith.constant 128 : i32
      %dma_start3A_100 = tpu.memref_slice %arg10[%dma_start3A] : memref<256xi32, #tpu.memory_space<vmem>> -> memref<128xi32, #tpu.memory_space<vmem>>
      %dma_start3A_101 = tpu.memref_slice %arg5[%add3A_31] : memref<8192xi32, #tpu.memory_space<hbm>> -> memref<128xi32, #tpu.memory_space<hbm>>
      %dma_start3A_102 = arith.constant 128 : i32
      %dma_start3A_103 = tpu.memref_slice %arg10[%dma_start3A_102] : memref<256xi32, #tpu.memory_space<vmem>> -> memref<128xi32, #tpu.memory_space<vmem>>
      %dma_start3A_104 = tpu.memref_slice %arg5[%add3A_31] : memref<8192xi32, #tpu.memory_space<hbm>> -> memref<128xi32, #tpu.memory_space<hbm>>
      tpu.enqueue_dma source(%dma_start3A_104 : memref<128xi32, #tpu.memory_space<hbm>>) target(%dma_start3A_103 : memref<128xi32, #tpu.memory_space<vmem>>) target_semaphore(%run_scoped3A : memref<!tpu.dma_semaphore, #tpu.memory_space<semaphore_mem>>)
      %dma_wait3A = arith.constant 128 : i32
      %dma_wait3A_105 = tpu.memref_slice %arg10[%dma_wait3A] : memref<256xi32, #tpu.memory_space<vmem>> -> memref<128xi32, #tpu.memory_space<vmem>>
      %dma_wait3A_106 = tpu.memref_slice %arg5[%add3A_31] : memref<8192xi32, #tpu.memory_space<hbm>> -> memref<128xi32, #tpu.memory_space<hbm>>
      %dma_wait3A_107 = arith.constant 128 : i32
      %dma_wait3A_108 = tpu.memref_slice %arg10[%dma_wait3A_107] : memref<256xi32, #tpu.memory_space<vmem>> -> memref<128xi32, #tpu.memory_space<vmem>>
      %dma_wait3A_109 = tpu.memref_slice %arg5[%add3A_31] : memref<8192xi32, #tpu.memory_space<hbm>> -> memref<128xi32, #tpu.memory_space<hbm>>
      tpu.wait_dma2 semaphore(%run_scoped3A : memref<!tpu.dma_semaphore, #tpu.memory_space<semaphore_mem>>) src(%dma_wait3A_109 : memref<128xi32, #tpu.memory_space<hbm>>) dst(%dma_wait3A_108 : memref<128xi32, #tpu.memory_space<vmem>>)
      tpu.yield
    }) : () -> ()
    %barrier3A = arith.constant 0 : index
    tpu.barrier barrier_id(%barrier3A)
    %get3A = arith.constant 0 : index
    %get3A_32 = tpu.vector_load %arg10[%get3A] {strides = array<i32>} : memref<256xi32, #tpu.memory_space<vmem>>, vector<16xi32>,
    %reduce_max3A = arith.constant true
    %reduce_max3A_33 = vector.broadcast %reduce_max3A : i1 to vector<16xi1>
    %reduce_max3A_34 = arith.constant -2147483648 : i32
    %reduce_max3A_35 = vector.broadcast %reduce_max3A_34 : i32 to vector<16xi32>
    %reduce_max3A_36 = arith.xori %get3A_32, %reduce_max3A_35 : vector<16xi32>
    %reduce_max3A_37 = tpu.scan <max>, %reduce_max3A_36 masked %reduce_max3A_33 : vector<16xi32>, vector<16xi1> -> vector<16xi32>
    %reduce_max3A_38 = arith.xori %reduce_max3A_37, %reduce_max3A_35 : vector<16xi32>
    %reduce_max3A_39 = vector.extract %reduce_max3A_38[15] : i32 from vector<16xi32>
    %get3A_40 = arith.constant 128 : index
    %get3A_41 = tpu.vector_load %arg10[%get3A_40] {strides = array<i32>} : memref<256xi32, #tpu.memory_space<vmem>>, vector<16xi32>,
    %reduce_max3A_42 = arith.constant true
    %reduce_max3A_43 = vector.broadcast %reduce_max3A_42 : i1 to vector<16xi1>
    %reduce_max3A_44 = arith.constant -2147483648 : i32
    %reduce_max3A_45 = vector.broadcast %reduce_max3A_44 : i32 to vector<16xi32>
    %reduce_max3A_46 = arith.xori %get3A_41, %reduce_max3A_45 : vector<16xi32>
    %reduce_max3A_47 = tpu.scan <max>, %reduce_max3A_46 masked %reduce_max3A_43 : vector<16xi32>, vector<16xi1> -> vector<16xi32>
    %reduce_max3A_48 = arith.xori %reduce_max3A_47, %reduce_max3A_45 : vector<16xi32>
    %reduce_max3A_49 = vector.extract %reduce_max3A_48[15] : i32 from vector<16xi32>
    %add3A_50 = arith.constant 127 : i32
    %add3A_51 = arith.addi %reduce_max3A_39, %add3A_50 : i32
    %shift_right_arithmetic3A = arith.constant 7 : i32
    %shift_right_arithmetic3A_52 = arith.shrsi %add3A_51, %shift_right_arithmetic3A : i32
    %add3A_53 = arith.constant 127 : i32
    %add3A_54 = arith.addi %reduce_max3A_49, %add3A_53 : i32
    %shift_right_arithmetic3A_55 = arith.constant 7 : i32
    %shift_right_arithmetic3A_56 = arith.shrsi %add3A_54, %shift_right_arithmetic3A_55 : i32
    %sub3A = arith.constant 0 : i32
    %sub3A_57 = arith.subi %shift_right_arithmetic3A_52, %sub3A : i32
    %sub3A_58 = arith.constant 1 : i32
    %sub3A_59 = arith.constant 1 : i32
    %sub3A_60 = arith.subi %sub3A_58, %sub3A_59 : i32
    %add3A_61 = arith.addi %sub3A_57, %sub3A_60 : i32
    %div3A = arith.constant 1 : i32
    %div3A_62 = arith.divsi %add3A_61, %div3A : i32
    %while3A = arith.constant 1 : i32
    %while3A_63 = arith.constant 0 : i32
    %while3A_64 = arith.constant 0 : i32
    %while3A_65 = arith.subi %div3A_62, %while3A_64 : i32
    %while3A_66 = arith.addi %while3A_64, %while3A_65 : i32
    %while3A_67 = arith.constant 1 : i32
    %while3A_68 = arith.divsi %while3A_65, %while3A_67 : i32
    %while3A_69 = arith.muli %while3A_68, %while3A_67 : i32
    %while3A_70 = arith.addi %while3A_64, %while3A_69 : i32
    %while3A_71 = arith.constant 1 : i32
    scf.for %while3A_100 = %while3A_64 to %while3A_70 step %while3A_71  : i32 {
      %mul3A_101 = arith.muli %while3A_100, %while3A : i32
      %add3A_102 = arith.addi %while3A_63, %mul3A_101 : i32
      %dma_start3A = arith.constant 0 : i32
      %dma_start3A_103 = tpu.memref_slice %arg8[%add3A_102, %dma_start3A] : memref<160x128xi32, #tpu.memory_space<vmem>> -> memref<1x128xi32, #tpu.memory_space<vmem>>
      %dma_start3A_104 = tpu.memref_squeeze %dma_start3A_103 : memref<1x128xi32, #tpu.memory_space<vmem>> -> memref<128xi32, #tpu.memory_space<vmem>>
      %dma_start3A_105 = arith.constant 0 : i32
      %dma_start3A_106 = arith.constant 0 : i32
      %dma_start3A_107 = tpu.memref_slice %arg2[%dma_start3A_105, %dma_start3A_106] : memref<10000x128xf32, #tpu.memory_space<hbm>> -> memref<10000x128xf32, #tpu.memory_space<hbm>>
      tpu.enqueue_indirect_dma source(%dma_start3A_107 : memref<10000x128xf32, #tpu.memory_space<hbm>>) target(%arg11 : memref<128x128xf32, #tpu.memory_space<vmem>>) offsets(%dma_start3A_104 : memref<128xi32, #tpu.memory_space<vmem>>) semaphore(%arg14 : memref<!tpu.dma_semaphore, #tpu.memory_space<semaphore_mem>>)
      %dma_wait3A = arith.constant 0 : i32
      %dma_wait3A_108 = tpu.memref_slice %arg8[%add3A_102, %dma_wait3A] : memref<160x128xi32, #tpu.memory_space<vmem>> -> memref<1x128xi32, #tpu.memory_space<vmem>>
      %dma_wait3A_109 = tpu.memref_squeeze %dma_wait3A_108 : memref<1x128xi32, #tpu.memory_space<vmem>> -> memref<128xi32, #tpu.memory_space<vmem>>
      %dma_wait3A_110 = arith.constant 0 : i32
      %dma_wait3A_111 = arith.constant 0 : i32
      %dma_wait3A_112 = tpu.memref_slice %arg2[%dma_wait3A_110, %dma_wait3A_111] : memref<10000x128xf32, #tpu.memory_space<hbm>> -> memref<10000x128xf32, #tpu.memory_space<hbm>>
      tpu.wait_indirect_dma semaphore(%arg14 : memref<!tpu.dma_semaphore, #tpu.memory_space<semaphore_mem>>) src(%dma_wait3A_112 : memref<10000x128xf32, #tpu.memory_space<hbm>>) dst(%arg11 : memref<128x128xf32, #tpu.memory_space<vmem>>)
      "tpu.region"() ({
        %run_scoped3A = tpu.sem_alloc : memref<!tpu.dma_semaphore, #tpu.memory_space<semaphore_mem>>
        %dma_start3A_113 = arith.constant 0 : i32
        %dma_start3A_114 = tpu.memref_slice %arg9[%add3A_102, %dma_start3A_113] : memref<160x128xi32, #tpu.memory_space<vmem>> -> memref<1x128xi32, #tpu.memory_space<vmem>>
        %dma_start3A_115 = tpu.memref_squeeze %dma_start3A_114 : memref<1x128xi32, #tpu.memory_space<vmem>> -> memref<128xi32, #tpu.memory_space<vmem>>
        %dma_start3A_116 = arith.constant 0 : i32
        %dma_start3A_117 = arith.constant 0 : i32
        %dma_start3A_118 = tpu.memref_slice %arg13[%dma_start3A_116, %dma_start3A_117] : memref<5120x128xf32, #tpu.memory_space<vmem_shared>> -> memref<5120x128xf32, #tpu.memory_space<vmem_shared>>
        tpu.enqueue_indirect_dma source(%arg11 : memref<128x128xf32, #tpu.memory_space<vmem>>) target(%dma_start3A_118 : memref<5120x128xf32, #tpu.memory_space<vmem_shared>>) offsets(%dma_start3A_115 : memref<128xi32, #tpu.memory_space<vmem>>) semaphore(%run_scoped3A : memref<!tpu.dma_semaphore, #tpu.memory_space<semaphore_mem>>) {add = true}
        %dma_wait3A_119 = arith.constant 0 : i32
        %dma_wait3A_120 = tpu.memref_slice %arg9[%add3A_102, %dma_wait3A_119] : memref<160x128xi32, #tpu.memory_space<vmem>> -> memref<1x128xi32, #tpu.memory_space<vmem>>
        %dma_wait3A_121 = tpu.memref_squeeze %dma_wait3A_120 : memref<1x128xi32, #tpu.memory_space<vmem>> -> memref<128xi32, #tpu.memory_space<vmem>>
        %dma_wait3A_122 = arith.constant 0 : i32
        %dma_wait3A_123 = arith.constant 0 : i32
        %dma_wait3A_124 = tpu.memref_slice %arg13[%dma_wait3A_122, %dma_wait3A_123] : memref<5120x128xf32, #tpu.memory_space<vmem_shared>> -> memref<5120x128xf32, #tpu.memory_space<vmem_shared>>
        tpu.wait_indirect_dma semaphore(%run_scoped3A : memref<!tpu.dma_semaphore, #tpu.memory_space<semaphore_mem>>) src(%arg11 : memref<128x128xf32, #tpu.memory_space<vmem>>) dst(%dma_wait3A_124 : memref<5120x128xf32, #tpu.memory_space<vmem_shared>>)
        tpu.yield
      }) : () -> ()
    }
    %while3A_72 = arith.constant 1 : i32
    scf.for %while3A_100 = %while3A_70 to %while3A_66 step %while3A_72  : i32 {
      %mul3A_101 = arith.muli %while3A_100, %while3A : i32
      %add3A_102 = arith.addi %while3A_63, %mul3A_101 : i32
      %dma_start3A = arith.constant 0 : i32
      %dma_start3A_103 = tpu.memref_slice %arg8[%add3A_102, %dma_start3A] : memref<160x128xi32, #tpu.memory_space<vmem>> -> memref<1x128xi32, #tpu.memory_space<vmem>>
      %dma_start3A_104 = tpu.memref_squeeze %dma_start3A_103 : memref<1x128xi32, #tpu.memory_space<vmem>> -> memref<128xi32, #tpu.memory_space<vmem>>
      %dma_start3A_105 = arith.constant 0 : i32
      %dma_start3A_106 = arith.constant 0 : i32
      %dma_start3A_107 = tpu.memref_slice %arg2[%dma_start3A_105, %dma_start3A_106] : memref<10000x128xf32, #tpu.memory_space<hbm>> -> memref<10000x128xf32, #tpu.memory_space<hbm>>
      tpu.enqueue_indirect_dma source(%dma_start3A_107 : memref<10000x128xf32, #tpu.memory_space<hbm>>) target(%arg11 : memref<128x128xf32, #tpu.memory_space<vmem>>) offsets(%dma_start3A_104 : memref<128xi32, #tpu.memory_space<vmem>>) semaphore(%arg14 : memref<!tpu.dma_semaphore, #tpu.memory_space<semaphore_mem>>)
      %dma_wait3A = arith.constant 0 : i32
      %dma_wait3A_108 = tpu.memref_slice %arg8[%add3A_102, %dma_wait3A] : memref<160x128xi32, #tpu.memory_space<vmem>> -> memref<1x128xi32, #tpu.memory_space<vmem>>
      %dma_wait3A_109 = tpu.memref_squeeze %dma_wait3A_108 : memref<1x128xi32, #tpu.memory_space<vmem>> -> memref<128xi32, #tpu.memory_space<vmem>>
      %dma_wait3A_110 = arith.constant 0 : i32
      %dma_wait3A_111 = arith.constant 0 : i32
      %dma_wait3A_112 = tpu.memref_slice %arg2[%dma_wait3A_110, %dma_wait3A_111] : memref<10000x128xf32, #tpu.memory_space<hbm>> -> memref<10000x128xf32, #tpu.memory_space<hbm>>
      tpu.wait_indirect_dma semaphore(%arg14 : memref<!tpu.dma_semaphore, #tpu.memory_space<semaphore_mem>>) src(%dma_wait3A_112 : memref<10000x128xf32, #tpu.memory_space<hbm>>) dst(%arg11 : memref<128x128xf32, #tpu.memory_space<vmem>>)
      "tpu.region"() ({
        %run_scoped3A = tpu.sem_alloc : memref<!tpu.dma_semaphore, #tpu.memory_space<semaphore_mem>>
        %dma_start3A_113 = arith.constant 0 : i32
        %dma_start3A_114 = tpu.memref_slice %arg9[%add3A_102, %dma_start3A_113] : memref<160x128xi32, #tpu.memory_space<vmem>> -> memref<1x128xi32, #tpu.memory_space<vmem>>
        %dma_start3A_115 = tpu.memref_squeeze %dma_start3A_114 : memref<1x128xi32, #tpu.memory_space<vmem>> -> memref<128xi32, #tpu.memory_space<vmem>>
        %dma_start3A_116 = arith.constant 0 : i32
        %dma_start3A_117 = arith.constant 0 : i32
        %dma_start3A_118 = tpu.memref_slice %arg13[%dma_start3A_116, %dma_start3A_117] : memref<5120x128xf32, #tpu.memory_space<vmem_shared>> -> memref<5120x128xf32, #tpu.memory_space<vmem_shared>>
        tpu.enqueue_indirect_dma source(%arg11 : memref<128x128xf32, #tpu.memory_space<vmem>>) target(%dma_start3A_118 : memref<5120x128xf32, #tpu.memory_space<vmem_shared>>) offsets(%dma_start3A_115 : memref<128xi32, #tpu.memory_space<vmem>>) semaphore(%run_scoped3A : memref<!tpu.dma_semaphore, #tpu.memory_space<semaphore_mem>>) {add = true}
        %dma_wait3A_119 = arith.constant 0 : i32
        %dma_wait3A_120 = tpu.memref_slice %arg9[%add3A_102, %dma_wait3A_119] : memref<160x128xi32, #tpu.memory_space<vmem>> -> memref<1x128xi32, #tpu.memory_space<vmem>>
        %dma_wait3A_121 = tpu.memref_squeeze %dma_wait3A_120 : memref<1x128xi32, #tpu.memory_space<vmem>> -> memref<128xi32, #tpu.memory_space<vmem>>
        %dma_wait3A_122 = arith.constant 0 : i32
        %dma_wait3A_123 = arith.constant 0 : i32
        %dma_wait3A_124 = tpu.memref_slice %arg13[%dma_wait3A_122, %dma_wait3A_123] : memref<5120x128xf32, #tpu.memory_space<vmem_shared>> -> memref<5120x128xf32, #tpu.memory_space<vmem_shared>>
        tpu.wait_indirect_dma semaphore(%run_scoped3A : memref<!tpu.dma_semaphore, #tpu.memory_space<semaphore_mem>>) src(%arg11 : memref<128x128xf32, #tpu.memory_space<vmem>>) dst(%dma_wait3A_124 : memref<5120x128xf32, #tpu.memory_space<vmem_shared>>)
        tpu.yield
      }) : () -> ()
    }
    %sub3A_73 = arith.constant 0 : i32
    %sub3A_74 = arith.subi %shift_right_arithmetic3A_56, %sub3A_73 : i32
    %sub3A_75 = arith.constant 1 : i32
    %sub3A_76 = arith.constant 1 : i32
    %sub3A_77 = arith.subi %sub3A_75, %sub3A_76 : i32
    %add3A_78 = arith.addi %sub3A_74, %sub3A_77 : i32
    %div3A_79 = arith.constant 1 : i32
    %div3A_80 = arith.divsi %add3A_78, %div3A_79 : i32
    %while3A_81 = arith.constant 1 : i32
    %while3A_82 = arith.constant 0 : i32
    %while3A_83 = arith.constant 0 : i32
    %while3A_84 = arith.subi %div3A_80, %while3A_83 : i32
    %while3A_85 = arith.addi %while3A_83, %while3A_84 : i32
    %while3A_86 = arith.constant 1 : i32
    %while3A_87 = arith.divsi %while3A_84, %while3A_86 : i32
    %while3A_88 = arith.muli %while3A_87, %while3A_86 : i32
    %while3A_89 = arith.addi %while3A_83, %while3A_88 : i32
    %while3A_90 = arith.constant 1 : i32
    scf.for %while3A_100 = %while3A_83 to %while3A_89 step %while3A_90  : i32 {
      %mul3A_101 = arith.muli %while3A_100, %while3A_81 : i32
      %add3A_102 = arith.addi %while3A_82, %mul3A_101 : i32
      %add3A_103 = arith.constant 80 : i32
      %add3A_104 = arith.addi %add3A_103, %add3A_102 : i32
      %dma_start3A = arith.constant 0 : i32
      %dma_start3A_105 = tpu.memref_slice %arg8[%add3A_104, %dma_start3A] : memref<160x128xi32, #tpu.memory_space<vmem>> -> memref<1x128xi32, #tpu.memory_space<vmem>>
      %dma_start3A_106 = tpu.memref_squeeze %dma_start3A_105 : memref<1x128xi32, #tpu.memory_space<vmem>> -> memref<128xi32, #tpu.memory_space<vmem>>
      %dma_start3A_107 = arith.constant 0 : i32
      %dma_start3A_108 = arith.constant 0 : i32
      %dma_start3A_109 = tpu.memref_slice %arg2[%dma_start3A_107, %dma_start3A_108] : memref<10000x128xf32, #tpu.memory_space<hbm>> -> memref<10000x128xf32, #tpu.memory_space<hbm>>
      tpu.enqueue_indirect_dma source(%dma_start3A_109 : memref<10000x128xf32, #tpu.memory_space<hbm>>) target(%arg12 : memref<128x128xf32, #tpu.memory_space<vmem>>) offsets(%dma_start3A_106 : memref<128xi32, #tpu.memory_space<vmem>>) semaphore(%arg15 : memref<!tpu.dma_semaphore, #tpu.memory_space<semaphore_mem>>)
      %dma_wait3A = arith.constant 0 : i32
      %dma_wait3A_110 = tpu.memref_slice %arg8[%add3A_104, %dma_wait3A] : memref<160x128xi32, #tpu.memory_space<vmem>> -> memref<1x128xi32, #tpu.memory_space<vmem>>
      %dma_wait3A_111 = tpu.memref_squeeze %dma_wait3A_110 : memref<1x128xi32, #tpu.memory_space<vmem>> -> memref<128xi32, #tpu.memory_space<vmem>>
      %dma_wait3A_112 = arith.constant 0 : i32
      %dma_wait3A_113 = arith.constant 0 : i32
      %dma_wait3A_114 = tpu.memref_slice %arg2[%dma_wait3A_112, %dma_wait3A_113] : memref<10000x128xf32, #tpu.memory_space<hbm>> -> memref<10000x128xf32, #tpu.memory_space<hbm>>
      tpu.wait_indirect_dma semaphore(%arg15 : memref<!tpu.dma_semaphore, #tpu.memory_space<semaphore_mem>>) src(%dma_wait3A_114 : memref<10000x128xf32, #tpu.memory_space<hbm>>) dst(%arg12 : memref<128x128xf32, #tpu.memory_space<vmem>>)
      %add3A_115 = arith.constant 80 : i32
      %add3A_116 = arith.addi %add3A_115, %add3A_102 : i32
      "tpu.region"() ({
        %run_scoped3A = tpu.sem_alloc : memref<!tpu.dma_semaphore, #tpu.memory_space<semaphore_mem>>
        %dma_start3A_117 = arith.constant 0 : i32
        %dma_start3A_118 = tpu.memref_slice %arg9[%add3A_116, %dma_start3A_117] : memref<160x128xi32, #tpu.memory_space<vmem>> -> memref<1x128xi32, #tpu.memory_space<vmem>>
        %dma_start3A_119 = tpu.memref_squeeze %dma_start3A_118 : memref<1x128xi32, #tpu.memory_space<vmem>> -> memref<128xi32, #tpu.memory_space<vmem>>
        %dma_start3A_120 = arith.constant 0 : i32
        %dma_start3A_121 = arith.constant 0 : i32
        %dma_start3A_122 = tpu.memref_slice %arg13[%dma_start3A_120, %dma_start3A_121] : memref<5120x128xf32, #tpu.memory_space<vmem_shared>> -> memref<5120x128xf32, #tpu.memory_space<vmem_shared>>
        tpu.enqueue_indirect_dma source(%arg12 : memref<128x128xf32, #tpu.memory_space<vmem>>) target(%dma_start3A_122 : memref<5120x128xf32, #tpu.memory_space<vmem_shared>>) offsets(%dma_start3A_119 : memref<128xi32, #tpu.memory_space<vmem>>) semaphore(%run_scoped3A : memref<!tpu.dma_semaphore, #tpu.memory_space<semaphore_mem>>) {add = true}
        %dma_wait3A_123 = arith.constant 0 : i32
        %dma_wait3A_124 = tpu.memref_slice %arg9[%add3A_116, %dma_wait3A_123] : memref<160x128xi32, #tpu.memory_space<vmem>> -> memref<1x128xi32, #tpu.memory_space<vmem>>
        %dma_wait3A_125 = tpu.memref_squeeze %dma_wait3A_124 : memref<1x128xi32, #tpu.memory_space<vmem>> -> memref<128xi32, #tpu.memory_space<vmem>>
        %dma_wait3A_126 = arith.constant 0 : i32
        %dma_wait3A_127 = arith.constant 0 : i32
        %dma_wait3A_128 = tpu.memref_slice %arg13[%dma_wait3A_126, %dma_wait3A_127] : memref<5120x128xf32, #tpu.memory_space<vmem_shared>> -> memref<5120x128xf32, #tpu.memory_space<vmem_shared>>
        tpu.wait_indirect_dma semaphore(%run_scoped3A : memref<!tpu.dma_semaphore, #tpu.memory_space<semaphore_mem>>) src(%arg12 : memref<128x128xf32, #tpu.memory_space<vmem>>) dst(%dma_wait3A_128 : memref<5120x128xf32, #tpu.memory_space<vmem_shared>>)
        tpu.yield
      }) : () -> ()
    }
    %while3A_91 = arith.constant 1 : i32
    scf.for %while3A_100 = %while3A_89 to %while3A_85 step %while3A_91  : i32 {
      %mul3A_101 = arith.muli %while3A_100, %while3A_81 : i32
      %add3A_102 = arith.addi %while3A_82, %mul3A_101 : i32
      %add3A_103 = arith.constant 80 : i32
      %add3A_104 = arith.addi %add3A_103, %add3A_102 : i32
      %dma_start3A = arith.constant 0 : i32
      %dma_start3A_105 = tpu.memref_slice %arg8[%add3A_104, %dma_start3A] : memref<160x128xi32, #tpu.memory_space<vmem>> -> memref<1x128xi32, #tpu.memory_space<vmem>>
      %dma_start3A_106 = tpu.memref_squeeze %dma_start3A_105 : memref<1x128xi32, #tpu.memory_space<vmem>> -> memref<128xi32, #tpu.memory_space<vmem>>
      %dma_start3A_107 = arith.constant 0 : i32
      %dma_start3A_108 = arith.constant 0 : i32
      %dma_start3A_109 = tpu.memref_slice %arg2[%dma_start3A_107, %dma_start3A_108] : memref<10000x128xf32, #tpu.memory_space<hbm>> -> memref<10000x128xf32, #tpu.memory_space<hbm>>
      tpu.enqueue_indirect_dma source(%dma_start3A_109 : memref<10000x128xf32, #tpu.memory_space<hbm>>) target(%arg12 : memref<128x128xf32, #tpu.memory_space<vmem>>) offsets(%dma_start3A_106 : memref<128xi32, #tpu.memory_space<vmem>>) semaphore(%arg15 : memref<!tpu.dma_semaphore, #tpu.memory_space<semaphore_mem>>)
      %dma_wait3A = arith.constant 0 : i32
      %dma_wait3A_110 = tpu.memref_slice %arg8[%add3A_104, %dma_wait3A] : memref<160x128xi32, #tpu.memory_space<vmem>> -> memref<1x128xi32, #tpu.memory_space<vmem>>
      %dma_wait3A_111 = tpu.memref_squeeze %dma_wait3A_110 : memref<1x128xi32, #tpu.memory_space<vmem>> -> memref<128xi32, #tpu.memory_space<vmem>>
      %dma_wait3A_112 = arith.constant 0 : i32
      %dma_wait3A_113 = arith.constant 0 : i32
      %dma_wait3A_114 = tpu.memref_slice %arg2[%dma_wait3A_112, %dma_wait3A_113] : memref<10000x128xf32, #tpu.memory_space<hbm>> -> memref<10000x128xf32, #tpu.memory_space<hbm>>
      tpu.wait_indirect_dma semaphore(%arg15 : memref<!tpu.dma_semaphore, #tpu.memory_space<semaphore_mem>>) src(%dma_wait3A_114 : memref<10000x128xf32, #tpu.memory_space<hbm>>) dst(%arg12 : memref<128x128xf32, #tpu.memory_space<vmem>>)
      %add3A_115 = arith.constant 80 : i32
      %add3A_116 = arith.addi %add3A_115, %add3A_102 : i32
      "tpu.region"() ({
        %run_scoped3A = tpu.sem_alloc : memref<!tpu.dma_semaphore, #tpu.memory_space<semaphore_mem>>
        %dma_start3A_117 = arith.constant 0 : i32
        %dma_start3A_118 = tpu.memref_slice %arg9[%add3A_116, %dma_start3A_117] : memref<160x128xi32, #tpu.memory_space<vmem>> -> memref<1x128xi32, #tpu.memory_space<vmem>>
        %dma_start3A_119 = tpu.memref_squeeze %dma_start3A_118 : memref<1x128xi32, #tpu.memory_space<vmem>> -> memref<128xi32, #tpu.memory_space<vmem>>
        %dma_start3A_120 = arith.constant 0 : i32
        %dma_start3A_121 = arith.constant 0 : i32
        %dma_start3A_122 = tpu.memref_slice %arg13[%dma_start3A_120, %dma_start3A_121] : memref<5120x128xf32, #tpu.memory_space<vmem_shared>> -> memref<5120x128xf32, #tpu.memory_space<vmem_shared>>
        tpu.enqueue_indirect_dma source(%arg12 : memref<128x128xf32, #tpu.memory_space<vmem>>) target(%dma_start3A_122 : memref<5120x128xf32, #tpu.memory_space<vmem_shared>>) offsets(%dma_start3A_119 : memref<128xi32, #tpu.memory_space<vmem>>) semaphore(%run_scoped3A : memref<!tpu.dma_semaphore, #tpu.memory_space<semaphore_mem>>) {add = true}
        %dma_wait3A_123 = arith.constant 0 : i32
        %dma_wait3A_124 = tpu.memref_slice %arg9[%add3A_116, %dma_wait3A_123] : memref<160x128xi32, #tpu.memory_space<vmem>> -> memref<1x128xi32, #tpu.memory_space<vmem>>
        %dma_wait3A_125 = tpu.memref_squeeze %dma_wait3A_124 : memref<1x128xi32, #tpu.memory_space<vmem>> -> memref<128xi32, #tpu.memory_space<vmem>>
        %dma_wait3A_126 = arith.constant 0 : i32
        %dma_wait3A_127 = arith.constant 0 : i32
        %dma_wait3A_128 = tpu.memref_slice %arg13[%dma_wait3A_126, %dma_wait3A_127] : memref<5120x128xf32, #tpu.memory_space<vmem_shared>> -> memref<5120x128xf32, #tpu.memory_space<vmem_shared>>
        tpu.wait_indirect_dma semaphore(%run_scoped3A : memref<!tpu.dma_semaphore, #tpu.memory_space<semaphore_mem>>) src(%arg12 : memref<128x128xf32, #tpu.memory_space<vmem>>) dst(%dma_wait3A_128 : memref<5120x128xf32, #tpu.memory_space<vmem_shared>>)
        tpu.yield
      }) : () -> ()
    }
    %barrier3A_92 = arith.constant 0 : index
    tpu.barrier barrier_id(%barrier3A_92)
    %mul3A_93 = arith.constant 320 : i32
    %mul3A_94 = arith.muli %arg1, %mul3A_93 : i32
    %mul3A_95 = arith.constant 5120 : i32
    %mul3A_96 = arith.muli %arg0, %mul3A_95 : i32
    %mul3A_97 = arith.constant 320 : i32
    %mul3A_98 = arith.muli %arg1, %mul3A_97 : i32
    %add3A_99 = arith.addi %mul3A_96, %mul3A_98 : i32
    "tpu.region"() ({
      %run_scoped3A = tpu.sem_alloc : memref<!tpu.dma_semaphore, #tpu.memory_space<semaphore_mem>>
      %dma_start3A = arith.constant 0 : i32
      %dma_start3A_100 = tpu.memref_slice %arg7[%add3A_99, %dma_start3A] : memref<10240x128xf32, #tpu.memory_space<hbm>> -> memref<320x128xf32, #tpu.memory_space<hbm>>
      %dma_start3A_101 = arith.constant 0 : i32
      %dma_start3A_102 = tpu.memref_slice %arg13[%mul3A_94, %dma_start3A_101] : memref<5120x128xf32, #tpu.memory_space<vmem_shared>> -> memref<320x128xf32, #tpu.memory_space<vmem_shared>>
      tpu.enqueue_dma source(%dma_start3A_102 : memref<320x128xf32, #tpu.memory_space<vmem_shared>>) target(%dma_start3A_100 : memref<320x128xf32, #tpu.memory_space<hbm>>) target_semaphore(%run_scoped3A : memref<!tpu.dma_semaphore, #tpu.memory_space<semaphore_mem>>)
      %dma_wait3A = arith.constant 0 : i32
      %dma_wait3A_103 = tpu.memref_slice %arg7[%add3A_99, %dma_wait3A] : memref<10240x128xf32, #tpu.memory_space<hbm>> -> memref<320x128xf32, #tpu.memory_space<hbm>>
      %dma_wait3A_104 = arith.constant 0 : i32
      %dma_wait3A_105 = tpu.memref_slice %arg13[%mul3A_94, %dma_wait3A_104] : memref<5120x128xf32, #tpu.memory_space<vmem_shared>> -> memref<320x128xf32, #tpu.memory_space<vmem_shared>>
      tpu.wait_dma2 semaphore(%run_scoped3A : memref<!tpu.dma_semaphore, #tpu.memory_space<semaphore_mem>>) src(%dma_wait3A_105 : memref<320x128xf32, #tpu.memory_space<vmem_shared>>) dst(%dma_wait3A_103 : memref<320x128xf32, #tpu.memory_space<hbm>>)
      tpu.yield
    }) : () -> ()
    return
  }
}

#map = affine_map<(d0, d1) -> (0, 0)>
#map1 = affine_map<(d0, d1) -> (0)>
module attributes {stable_mosaic.version = 14 : i64} {
  func.func @_deg_body(%arg0: i32, %arg1: i32, %arg2: memref<2560x128xi32, #tpu.memory_space<hbm>>, %arg3: memref<320512xf32, #tpu.memory_space<hbm>>, %arg4: memref<80x128xi32, #tpu.memory_space<vmem>>, %arg5: memref<10016xf32, #tpu.memory_space<vmem>>) attributes {dimension_semantics = [#tpu.dimension_semantics<core_parallel>, #tpu.dimension_semantics<subcore_parallel>], iteration_bounds = array<i64: 2, 16>, scalar_prefetch = 0 : i64, scratch_operands = 2 : i64, tpu.core_type = #tpu.core_type<sc_vector_subcore>, window_params = [{transform_indices = #map}, {transform_indices = #map1}]} {
    %mul3A = arith.constant 16 : i32
    %mul3A_0 = arith.muli %arg0, %mul3A : i32
    %add3A = arith.addi %mul3A_0, %arg1 : i32
    %mul3A_1 = arith.constant 80 : i32
    %mul3A_2 = arith.muli %add3A, %mul3A_1 : i32
    "tpu.region"() ({
      %run_scoped3A = tpu.sem_alloc : memref<!tpu.dma_semaphore, #tpu.memory_space<semaphore_mem>>
      %dma_start3A = arith.constant 0 : i32
      %dma_start3A_15 = tpu.memref_slice %arg2[%mul3A_2, %dma_start3A] : memref<2560x128xi32, #tpu.memory_space<hbm>> -> memref<80x128xi32, #tpu.memory_space<hbm>>
      %dma_start3A_16 = arith.constant 0 : i32
      %dma_start3A_17 = tpu.memref_slice %arg2[%mul3A_2, %dma_start3A_16] : memref<2560x128xi32, #tpu.memory_space<hbm>> -> memref<80x128xi32, #tpu.memory_space<hbm>>
      tpu.enqueue_dma source(%dma_start3A_17 : memref<80x128xi32, #tpu.memory_space<hbm>>) target(%arg4 : memref<80x128xi32, #tpu.memory_space<vmem>>) target_semaphore(%run_scoped3A : memref<!tpu.dma_semaphore, #tpu.memory_space<semaphore_mem>>)
      %dma_wait3A = arith.constant 0 : i32
      %dma_wait3A_18 = tpu.memref_slice %arg2[%mul3A_2, %dma_wait3A] : memref<2560x128xi32, #tpu.memory_space<hbm>> -> memref<80x128xi32, #tpu.memory_space<hbm>>
      %dma_wait3A_19 = arith.constant 0 : i32
      %dma_wait3A_20 = tpu.memref_slice %arg2[%mul3A_2, %dma_wait3A_19] : memref<2560x128xi32, #tpu.memory_space<hbm>> -> memref<80x128xi32, #tpu.memory_space<hbm>>
      tpu.wait_dma2 semaphore(%run_scoped3A : memref<!tpu.dma_semaphore, #tpu.memory_space<semaphore_mem>>) src(%dma_wait3A_20 : memref<80x128xi32, #tpu.memory_space<hbm>>) dst(%arg4 : memref<80x128xi32, #tpu.memory_space<vmem>>)
      tpu.yield
    }) : () -> ()
    %scan3A = arith.constant 0 : i32
    %scan3A_3 = arith.constant 626 : i32
    %scan3A_4 = arith.addi %scan3A, %scan3A_3 : i32
    %scan3A_5 = arith.constant 1 : i32
    scf.for %scan3A_15 = %scan3A to %scan3A_4 step %scan3A_5  : i32 {
      %mul3A_16 = arith.constant 1 : i32
      %mul3A_17 = arith.muli %scan3A_15, %mul3A_16 : i32
      %add3A_18 = arith.constant 0 : i32
      %add3A_19 = arith.addi %add3A_18, %mul3A_17 : i32
      %broadcast_in_dim3A_20 = arith.constant 0.000000e+00 : f32
      %broadcast_in_dim3A_21 = vector.broadcast %broadcast_in_dim3A_20 : f32 to vector<16xf32>
      %mul3A_22 = arith.constant 16 : i32
      %mul3A_23 = arith.muli %add3A_19, %mul3A_22 : i32
      %swap3A = arith.index_cast %mul3A_23 : i32 to index
      %swap3A_24 = tpu.vector_load %arg5[%swap3A] {strides = array<i32>} : memref<10016xf32, #tpu.memory_space<vmem>>, vector<16xf32>,
      tpu.vector_store %arg5[%swap3A], %broadcast_in_dim3A_21 {strides = array<i32>} : memref<10016xf32, #tpu.memory_space<vmem>>, vector<16xf32>,
    }
    %scan3A_6 = arith.constant 626 : i32
    %broadcast_in_dim3A = arith.constant 1.000000e+00 : f32
    %broadcast_in_dim3A_7 = vector.broadcast %broadcast_in_dim3A : f32 to vector<16xf32>
    %scan3A_8 = arith.constant 0 : i32
    %scan3A_9 = arith.constant 80 : i32
    %scan3A_10 = arith.addi %scan3A_8, %scan3A_9 : i32
    %scan3A_11 = arith.constant 1 : i32
    scf.for %scan3A_15 = %scan3A_8 to %scan3A_10 step %scan3A_11  : i32 {
      %mul3A_16 = arith.constant 1 : i32
      %mul3A_17 = arith.muli %scan3A_15, %mul3A_16 : i32
      %add3A_18 = arith.constant 0 : i32
      %add3A_19 = arith.addi %add3A_18, %mul3A_17 : i32
      %get3A = arith.index_cast %add3A_19 : i32 to index
      %get3A_20 = arith.constant 0 : index
      %get3A_21 = tpu.vector_load %arg4[%get3A, %get3A_20] {strides = array<i32>} : memref<80x128xi32, #tpu.memory_space<vmem>>, vector<16xi32>,
      tpu.vector_store_idx %arg5[%get3A_21], %broadcast_in_dim3A_7 {add = true} : memref<10016xf32, #tpu.memory_space<vmem>>[vector<16xi32>], vector<16xf32>,
      %get3A_22 = arith.index_cast %add3A_19 : i32 to index
      %get3A_23 = arith.constant 16 : index
      %get3A_24 = tpu.vector_load %arg4[%get3A_22, %get3A_23] {strides = array<i32>} : memref<80x128xi32, #tpu.memory_space<vmem>>, vector<16xi32>,
      tpu.vector_store_idx %arg5[%get3A_24], %broadcast_in_dim3A_7 {add = true} : memref<10016xf32, #tpu.memory_space<vmem>>[vector<16xi32>], vector<16xf32>,
      %get3A_25 = arith.index_cast %add3A_19 : i32 to index
      %get3A_26 = arith.constant 32 : index
      %get3A_27 = tpu.vector_load %arg4[%get3A_25, %get3A_26] {strides = array<i32>} : memref<80x128xi32, #tpu.memory_space<vmem>>, vector<16xi32>,
      tpu.vector_store_idx %arg5[%get3A_27], %broadcast_in_dim3A_7 {add = true} : memref<10016xf32, #tpu.memory_space<vmem>>[vector<16xi32>], vector<16xf32>,
      %get3A_28 = arith.index_cast %add3A_19 : i32 to index
      %get3A_29 = arith.constant 48 : index
      %get3A_30 = tpu.vector_load %arg4[%get3A_28, %get3A_29] {strides = array<i32>} : memref<80x128xi32, #tpu.memory_space<vmem>>, vector<16xi32>,
      tpu.vector_store_idx %arg5[%get3A_30], %broadcast_in_dim3A_7 {add = true} : memref<10016xf32, #tpu.memory_space<vmem>>[vector<16xi32>], vector<16xf32>,
      %get3A_31 = arith.index_cast %add3A_19 : i32 to index
      %get3A_32 = arith.constant 64 : index
      %get3A_33 = tpu.vector_load %arg4[%get3A_31, %get3A_32] {strides = array<i32>} : memref<80x128xi32, #tpu.memory_space<vmem>>, vector<16xi32>,
      tpu.vector_store_idx %arg5[%get3A_33], %broadcast_in_dim3A_7 {add = true} : memref<10016xf32, #tpu.memory_space<vmem>>[vector<16xi32>], vector<16xf32>,
      %get3A_34 = arith.index_cast %add3A_19 : i32 to index
      %get3A_35 = arith.constant 80 : index
      %get3A_36 = tpu.vector_load %arg4[%get3A_34, %get3A_35] {strides = array<i32>} : memref<80x128xi32, #tpu.memory_space<vmem>>, vector<16xi32>,
      tpu.vector_store_idx %arg5[%get3A_36], %broadcast_in_dim3A_7 {add = true} : memref<10016xf32, #tpu.memory_space<vmem>>[vector<16xi32>], vector<16xf32>,
      %get3A_37 = arith.index_cast %add3A_19 : i32 to index
      %get3A_38 = arith.constant 96 : index
      %get3A_39 = tpu.vector_load %arg4[%get3A_37, %get3A_38] {strides = array<i32>} : memref<80x128xi32, #tpu.memory_space<vmem>>, vector<16xi32>,
      tpu.vector_store_idx %arg5[%get3A_39], %broadcast_in_dim3A_7 {add = true} : memref<10016xf32, #tpu.memory_space<vmem>>[vector<16xi32>], vector<16xf32>,
      %get3A_40 = arith.index_cast %add3A_19 : i32 to index
      %get3A_41 = arith.constant 112 : index
      %get3A_42 = tpu.vector_load %arg4[%get3A_40, %get3A_41] {strides = array<i32>} : memref<80x128xi32, #tpu.memory_space<vmem>>, vector<16xi32>,
      tpu.vector_store_idx %arg5[%get3A_42], %broadcast_in_dim3A_7 {add = true} : memref<10016xf32, #tpu.memory_space<vmem>>[vector<16xi32>], vector<16xf32>,
    }
    %scan3A_12 = arith.constant 80 : i32
    %mul3A_13 = arith.constant 10016 : i32
    %mul3A_14 = arith.muli %add3A, %mul3A_13 : i32
    "tpu.region"() ({
      %run_scoped3A = tpu.sem_alloc : memref<!tpu.dma_semaphore, #tpu.memory_space<semaphore_mem>>
      %dma_start3A = tpu.memref_slice %arg3[%mul3A_14] : memref<320512xf32, #tpu.memory_space<hbm>> -> memref<10016xf32, #tpu.memory_space<hbm>>
      %dma_start3A_15 = tpu.memref_slice %arg3[%mul3A_14] : memref<320512xf32, #tpu.memory_space<hbm>> -> memref<10016xf32, #tpu.memory_space<hbm>>
      tpu.enqueue_dma source(%arg5 : memref<10016xf32, #tpu.memory_space<vmem>>) target(%dma_start3A_15 : memref<10016xf32, #tpu.memory_space<hbm>>) target_semaphore(%run_scoped3A : memref<!tpu.dma_semaphore, #tpu.memory_space<semaphore_mem>>)
      %dma_wait3A = tpu.memref_slice %arg3[%mul3A_14] : memref<320512xf32, #tpu.memory_space<hbm>> -> memref<10016xf32, #tpu.memory_space<hbm>>
      %dma_wait3A_16 = tpu.memref_slice %arg3[%mul3A_14] : memref<320512xf32, #tpu.memory_space<hbm>> -> memref<10016xf32, #tpu.memory_space<hbm>>
      tpu.wait_dma2 semaphore(%run_scoped3A : memref<!tpu.dma_semaphore, #tpu.memory_space<semaphore_mem>>) src(%arg5 : memref<10016xf32, #tpu.memory_space<vmem>>) dst(%dma_wait3A_16 : memref<10016xf32, #tpu.memory_space<hbm>>)
      tpu.yield
    }) : () -> ()
    return
  }
}

#map = affine_map<(d0, d1) -> (0, 0)>
#map1 = affine_map<(d0, d1) -> (0)>
module attributes {stable_mosaic.version = 14 : i64} {
  func.func @_part_body(%arg0: i32, %arg1: i32, %arg2: memref<2560x128xi32, #tpu.memory_space<hbm>>, %arg3: memref<2560x128xi32, #tpu.memory_space<hbm>>, %arg4: memref<5120x128xi32, #tpu.memory_space<hbm>>, %arg5: memref<5120x128xi32, #tpu.memory_space<hbm>>, %arg6: memref<8192xi32, #tpu.memory_space<hbm>>, %arg7: memref<80x128xi32, #tpu.memory_space<vmem>>, %arg8: memref<80x128xi32, #tpu.memory_space<vmem>>, %arg9: memref<80x128xi32, #tpu.memory_space<vmem>>, %arg10: memref<80x128xi32, #tpu.memory_space<vmem>>, %arg11: memref<80x128xi32, #tpu.memory_space<vmem>>, %arg12: memref<80x128xi32, #tpu.memory_space<vmem>>, %arg13: memref<256xi32, #tpu.memory_space<vmem>>) attributes {dimension_semantics = [#tpu.dimension_semantics<core_parallel>, #tpu.dimension_semantics<subcore_parallel>], iteration_bounds = array<i64: 2, 16>, scalar_prefetch = 0 : i64, scratch_operands = 7 : i64, tpu.core_type = #tpu.core_type<sc_vector_subcore>, window_params = [{transform_indices = #map}, {transform_indices = #map}, {transform_indices = #map}, {transform_indices = #map}, {transform_indices = #map1}]} {
    %mul3A = arith.constant 16 : i32
    %mul3A_0 = arith.muli %arg0, %mul3A : i32
    %add3A = arith.addi %mul3A_0, %arg1 : i32
    %mul3A_1 = arith.constant 80 : i32
    %mul3A_2 = arith.muli %add3A, %mul3A_1 : i32
    "tpu.region"() ({
      %run_scoped3A = tpu.sem_alloc : memref<!tpu.dma_semaphore, #tpu.memory_space<semaphore_mem>>
      %dma_start3A = arith.constant 0 : i32
      %dma_start3A_61 = tpu.memref_slice %arg2[%mul3A_2, %dma_start3A] : memref<2560x128xi32, #tpu.memory_space<hbm>> -> memref<80x128xi32, #tpu.memory_space<hbm>>
      %dma_start3A_62 = arith.constant 0 : i32
      %dma_start3A_63 = tpu.memref_slice %arg2[%mul3A_2, %dma_start3A_62] : memref<2560x128xi32, #tpu.memory_space<hbm>> -> memref<80x128xi32, #tpu.memory_space<hbm>>
      tpu.enqueue_dma source(%dma_start3A_63 : memref<80x128xi32, #tpu.memory_space<hbm>>) target(%arg7 : memref<80x128xi32, #tpu.memory_space<vmem>>) target_semaphore(%run_scoped3A : memref<!tpu.dma_semaphore, #tpu.memory_space<semaphore_mem>>)
      %dma_wait3A = arith.constant 0 : i32
      %dma_wait3A_64 = tpu.memref_slice %arg2[%mul3A_2, %dma_wait3A] : memref<2560x128xi32, #tpu.memory_space<hbm>> -> memref<80x128xi32, #tpu.memory_space<hbm>>
      %dma_wait3A_65 = arith.constant 0 : i32
      %dma_wait3A_66 = tpu.memref_slice %arg2[%mul3A_2, %dma_wait3A_65] : memref<2560x128xi32, #tpu.memory_space<hbm>> -> memref<80x128xi32, #tpu.memory_space<hbm>>
      tpu.wait_dma2 semaphore(%run_scoped3A : memref<!tpu.dma_semaphore, #tpu.memory_space<semaphore_mem>>) src(%dma_wait3A_66 : memref<80x128xi32, #tpu.memory_space<hbm>>) dst(%arg7 : memref<80x128xi32, #tpu.memory_space<vmem>>)
      tpu.yield
    }) : () -> ()
    %mul3A_3 = arith.constant 80 : i32
    %mul3A_4 = arith.muli %add3A, %mul3A_3 : i32
    "tpu.region"() ({
      %run_scoped3A = tpu.sem_alloc : memref<!tpu.dma_semaphore, #tpu.memory_space<semaphore_mem>>
      %dma_start3A = arith.constant 0 : i32
      %dma_start3A_61 = tpu.memref_slice %arg3[%mul3A_4, %dma_start3A] : memref<2560x128xi32, #tpu.memory_space<hbm>> -> memref<80x128xi32, #tpu.memory_space<hbm>>
      %dma_start3A_62 = arith.constant 0 : i32
      %dma_start3A_63 = tpu.memref_slice %arg3[%mul3A_4, %dma_start3A_62] : memref<2560x128xi32, #tpu.memory_space<hbm>> -> memref<80x128xi32, #tpu.memory_space<hbm>>
      tpu.enqueue_dma source(%dma_start3A_63 : memref<80x128xi32, #tpu.memory_space<hbm>>) target(%arg8 : memref<80x128xi32, #tpu.memory_space<vmem>>) target_semaphore(%run_scoped3A : memref<!tpu.dma_semaphore, #tpu.memory_space<semaphore_mem>>)
      %dma_wait3A = arith.constant 0 : i32
      %dma_wait3A_64 = tpu.memref_slice %arg3[%mul3A_4, %dma_wait3A] : memref<2560x128xi32, #tpu.memory_space<hbm>> -> memref<80x128xi32, #tpu.memory_space<hbm>>
      %dma_wait3A_65 = arith.constant 0 : i32
      %dma_wait3A_66 = tpu.memref_slice %arg3[%mul3A_4, %dma_wait3A_65] : memref<2560x128xi32, #tpu.memory_space<hbm>> -> memref<80x128xi32, #tpu.memory_space<hbm>>
      tpu.wait_dma2 semaphore(%run_scoped3A : memref<!tpu.dma_semaphore, #tpu.memory_space<semaphore_mem>>) src(%dma_wait3A_66 : memref<80x128xi32, #tpu.memory_space<hbm>>) dst(%arg8 : memref<80x128xi32, #tpu.memory_space<vmem>>)
      tpu.yield
    }) : () -> ()
    %iota3A = tpu.iota {dimensions = array<i32: 0>} : vector<16xi32>
    %broadcast_in_dim3A = arith.constant 0 : i32
    %broadcast_in_dim3A_5 = vector.broadcast %broadcast_in_dim3A : i32 to vector<16xi32>
    %scan3A = arith.constant 0 : i32
    %scan3A_6 = arith.constant 80 : i32
    %scan3A_7 = arith.addi %scan3A, %scan3A_6 : i32
    %scan3A_8 = arith.constant 1 : i32
    scf.for %scan3A_61 = %scan3A to %scan3A_7 step %scan3A_8  : i32 {
      %mul3A_62 = arith.constant 1 : i32
      %mul3A_63 = arith.muli %scan3A_61, %mul3A_62 : i32
      %add3A_64 = arith.constant 0 : i32
      %add3A_65 = arith.addi %add3A_64, %mul3A_63 : i32
      %mul3A_66 = arith.constant 128 : i32
      %mul3A_67 = arith.muli %add3A_65, %mul3A_66 : i32
      %add3A_68 = vector.broadcast %mul3A_67 : i32 to vector<16xi32>
      %add3A_69 = arith.addi %iota3A, %add3A_68 : vector<16xi32>
      %add3A_70 = arith.constant 0 : i32
      %add3A_71 = vector.broadcast %add3A_70 : i32 to vector<16xi32>
      %add3A_72 = arith.addi %add3A_69, %add3A_71 : vector<16xi32>
      %and3A = arith.constant 63 : i32
      %and3A_73 = vector.broadcast %and3A : i32 to vector<16xi32>
      %and3A_74 = arith.andi %add3A_72, %and3A_73 : vector<16xi32>
      %add3A_75 = arith.constant 5056 : i32
      %add3A_76 = vector.broadcast %add3A_75 : i32 to vector<16xi32>
      %add3A_77 = arith.addi %add3A_76, %and3A_74 : vector<16xi32>
      %swap3A_78 = arith.index_cast %add3A_65 : i32 to index
      %swap3A_79 = arith.constant 0 : index
      %swap3A_80 = tpu.vector_load %arg9[%swap3A_78, %swap3A_79] {strides = array<i32>} : memref<80x128xi32, #tpu.memory_space<vmem>>, vector<16xi32>,
      tpu.vector_store %arg9[%swap3A_78, %swap3A_79], %broadcast_in_dim3A_5 {strides = array<i32>} : memref<80x128xi32, #tpu.memory_space<vmem>>, vector<16xi32>,
      %swap3A_81 = arith.index_cast %add3A_65 : i32 to index
      %swap3A_82 = arith.constant 0 : index
      %swap3A_83 = tpu.vector_load %arg10[%swap3A_81, %swap3A_82] {strides = array<i32>} : memref<80x128xi32, #tpu.memory_space<vmem>>, vector<16xi32>,
      tpu.vector_store %arg10[%swap3A_81, %swap3A_82], %add3A_77 {strides = array<i32>} : memref<80x128xi32, #tpu.memory_space<vmem>>, vector<16xi32>,
      %swap3A_84 = arith.index_cast %add3A_65 : i32 to index
      %swap3A_85 = arith.constant 0 : index
      %swap3A_86 = tpu.vector_load %arg11[%swap3A_84, %swap3A_85] {strides = array<i32>} : memref<80x128xi32, #tpu.memory_space<vmem>>, vector<16xi32>,
      tpu.vector_store %arg11[%swap3A_84, %swap3A_85], %broadcast_in_dim3A_5 {strides = array<i32>} : memref<80x128xi32, #tpu.memory_space<vmem>>, vector<16xi32>,
      %swap3A_87 = arith.index_cast %add3A_65 : i32 to index
      %swap3A_88 = arith.constant 0 : index
      %swap3A_89 = tpu.vector_load %arg12[%swap3A_87, %swap3A_88] {strides = array<i32>} : memref<80x128xi32, #tpu.memory_space<vmem>>, vector<16xi32>,
      tpu.vector_store %arg12[%swap3A_87, %swap3A_88], %add3A_77 {strides = array<i32>} : memref<80x128xi32, #tpu.memory_space<vmem>>, vector<16xi32>,
      %mul3A_90 = arith.constant 128 : i32
      %mul3A_91 = arith.muli %add3A_65, %mul3A_90 : i32
      %add3A_92 = vector.broadcast %mul3A_91 : i32 to vector<16xi32>
      %add3A_93 = arith.addi %iota3A, %add3A_92 : vector<16xi32>
      %add3A_94 = arith.constant 16 : i32
      %add3A_95 = vector.broadcast %add3A_94 : i32 to vector<16xi32>
      %add3A_96 = arith.addi %add3A_93, %add3A_95 : vector<16xi32>
      %and3A_97 = arith.constant 63 : i32
      %and3A_98 = vector.broadcast %and3A_97 : i32 to vector<16xi32>
      %and3A_99 = arith.andi %add3A_96, %and3A_98 : vector<16xi32>
      %add3A_100 = arith.constant 5056 : i32
      %add3A_101 = vector.broadcast %add3A_100 : i32 to vector<16xi32>
      %add3A_102 = arith.addi %add3A_101, %and3A_99 : vector<16xi32>
      %swap3A_103 = arith.index_cast %add3A_65 : i32 to index
      %swap3A_104 = arith.constant 16 : index
      %swap3A_105 = tpu.vector_load %arg9[%swap3A_103, %swap3A_104] {strides = array<i32>} : memref<80x128xi32, #tpu.memory_space<vmem>>, vector<16xi32>,
      tpu.vector_store %arg9[%swap3A_103, %swap3A_104], %broadcast_in_dim3A_5 {strides = array<i32>} : memref<80x128xi32, #tpu.memory_space<vmem>>, vector<16xi32>,
      %swap3A_106 = arith.index_cast %add3A_65 : i32 to index
      %swap3A_107 = arith.constant 16 : index
      %swap3A_108 = tpu.vector_load %arg10[%swap3A_106, %swap3A_107] {strides = array<i32>} : memref<80x128xi32, #tpu.memory_space<vmem>>, vector<16xi32>,
      tpu.vector_store %arg10[%swap3A_106, %swap3A_107], %add3A_102 {strides = array<i32>} : memref<80x128xi32, #tpu.memory_space<vmem>>, vector<16xi32>,
      %swap3A_109 = arith.index_cast %add3A_65 : i32 to index
      %swap3A_110 = arith.constant 16 : index
      %swap3A_111 = tpu.vector_load %arg11[%swap3A_109, %swap3A_110] {strides = array<i32>} : memref<80x128xi32, #tpu.memory_space<vmem>>, vector<16xi32>,
      tpu.vector_store %arg11[%swap3A_109, %swap3A_110], %broadcast_in_dim3A_5 {strides = array<i32>} : memref<80x128xi32, #tpu.memory_space<vmem>>, vector<16xi32>,
      %swap3A_112 = arith.index_cast %add3A_65 : i32 to index
      %swap3A_113 = arith.constant 16 : index
      %swap3A_114 = tpu.vector_load %arg12[%swap3A_112, %swap3A_113] {strides = array<i32>} : memref<80x128xi32, #tpu.memory_space<vmem>>, vector<16xi32>,
      tpu.vector_store %arg12[%swap3A_112, %swap3A_113], %add3A_102 {strides = array<i32>} : memref<80x128xi32, #tpu.memory_space<vmem>>, vector<16xi32>,
      %mul3A_115 = arith.constant 128 : i32
      %mul3A_116 = arith.muli %add3A_65, %mul3A_115 : i32
      %add3A_117 = vector.broadcast %mul3A_116 : i32 to vector<16xi32>
      %add3A_118 = arith.addi %iota3A, %add3A_117 : vector<16xi32>
      %add3A_119 = arith.constant 32 : i32
      %add3A_120 = vector.broadcast %add3A_119 : i32 to vector<16xi32>
      %add3A_121 = arith.addi %add3A_118, %add3A_120 : vector<16xi32>
      %and3A_122 = arith.constant 63 : i32
      %and3A_123 = vector.broadcast %and3A_122 : i32 to vector<16xi32>
      %and3A_124 = arith.andi %add3A_121, %and3A_123 : vector<16xi32>
      %add3A_125 = arith.constant 5056 : i32
      %add3A_126 = vector.broadcast %add3A_125 : i32 to vector<16xi32>
      %add3A_127 = arith.addi %add3A_126, %and3A_124 : vector<16xi32>
      %swap3A_128 = arith.index_cast %add3A_65 : i32 to index
      %swap3A_129 = arith.constant 32 : index
      %swap3A_130 = tpu.vector_load %arg9[%swap3A_128, %swap3A_129] {strides = array<i32>} : memref<80x128xi32, #tpu.memory_space<vmem>>, vector<16xi32>,
      tpu.vector_store %arg9[%swap3A_128, %swap3A_129], %broadcast_in_dim3A_5 {strides = array<i32>} : memref<80x128xi32, #tpu.memory_space<vmem>>, vector<16xi32>,
      %swap3A_131 = arith.index_cast %add3A_65 : i32 to index
      %swap3A_132 = arith.constant 32 : index
      %swap3A_133 = tpu.vector_load %arg10[%swap3A_131, %swap3A_132] {strides = array<i32>} : memref<80x128xi32, #tpu.memory_space<vmem>>, vector<16xi32>,
      tpu.vector_store %arg10[%swap3A_131, %swap3A_132], %add3A_127 {strides = array<i32>} : memref<80x128xi32, #tpu.memory_space<vmem>>, vector<16xi32>,
      %swap3A_134 = arith.index_cast %add3A_65 : i32 to index
      %swap3A_135 = arith.constant 32 : index
      %swap3A_136 = tpu.vector_load %arg11[%swap3A_134, %swap3A_135] {strides = array<i32>} : memref<80x128xi32, #tpu.memory_space<vmem>>, vector<16xi32>,
      tpu.vector_store %arg11[%swap3A_134, %swap3A_135], %broadcast_in_dim3A_5 {strides = array<i32>} : memref<80x128xi32, #tpu.memory_space<vmem>>, vector<16xi32>,
      %swap3A_137 = arith.index_cast %add3A_65 : i32 to index
      %swap3A_138 = arith.constant 32 : index
      %swap3A_139 = tpu.vector_load %arg12[%swap3A_137, %swap3A_138] {strides = array<i32>} : memref<80x128xi32, #tpu.memory_space<vmem>>, vector<16xi32>,
      tpu.vector_store %arg12[%swap3A_137, %swap3A_138], %add3A_127 {strides = array<i32>} : memref<80x128xi32, #tpu.memory_space<vmem>>, vector<16xi32>,
      %mul3A_140 = arith.constant 128 : i32
      %mul3A_141 = arith.muli %add3A_65, %mul3A_140 : i32
      %add3A_142 = vector.broadcast %mul3A_141 : i32 to vector<16xi32>
      %add3A_143 = arith.addi %iota3A, %add3A_142 : vector<16xi32>
      %add3A_144 = arith.constant 48 : i32
      %add3A_145 = vector.broadcast %add3A_144 : i32 to vector<16xi32>
      %add3A_146 = arith.addi %add3A_143, %add3A_145 : vector<16xi32>
      %and3A_147 = arith.constant 63 : i32
      %and3A_148 = vector.broadcast %and3A_147 : i32 to vector<16xi32>
      %and3A_149 = arith.andi %add3A_146, %and3A_148 : vector<16xi32>
      %add3A_150 = arith.constant 5056 : i32
      %add3A_151 = vector.broadcast %add3A_150 : i32 to vector<16xi32>
      %add3A_152 = arith.addi %add3A_151, %and3A_149 : vector<16xi32>
      %swap3A_153 = arith.index_cast %add3A_65 : i32 to index
      %swap3A_154 = arith.constant 48 : index
      %swap3A_155 = tpu.vector_load %arg9[%swap3A_153, %swap3A_154] {strides = array<i32>} : memref<80x128xi32, #tpu.memory_space<vmem>>, vector<16xi32>,
      tpu.vector_store %arg9[%swap3A_153, %swap3A_154], %broadcast_in_dim3A_5 {strides = array<i32>} : memref<80x128xi32, #tpu.memory_space<vmem>>, vector<16xi32>,
      %swap3A_156 = arith.index_cast %add3A_65 : i32 to index
      %swap3A_157 = arith.constant 48 : index
      %swap3A_158 = tpu.vector_load %arg10[%swap3A_156, %swap3A_157] {strides = array<i32>} : memref<80x128xi32, #tpu.memory_space<vmem>>, vector<16xi32>,
      tpu.vector_store %arg10[%swap3A_156, %swap3A_157], %add3A_152 {strides = array<i32>} : memref<80x128xi32, #tpu.memory_space<vmem>>, vector<16xi32>,
      %swap3A_159 = arith.index_cast %add3A_65 : i32 to index
      %swap3A_160 = arith.constant 48 : index
      %swap3A_161 = tpu.vector_load %arg11[%swap3A_159, %swap3A_160] {strides = array<i32>} : memref<80x128xi32, #tpu.memory_space<vmem>>, vector<16xi32>,
      tpu.vector_store %arg11[%swap3A_159, %swap3A_160], %broadcast_in_dim3A_5 {strides = array<i32>} : memref<80x128xi32, #tpu.memory_space<vmem>>, vector<16xi32>,
      %swap3A_162 = arith.index_cast %add3A_65 : i32 to index
      %swap3A_163 = arith.constant 48 : index
      %swap3A_164 = tpu.vector_load %arg12[%swap3A_162, %swap3A_163] {strides = array<i32>} : memref<80x128xi32, #tpu.memory_space<vmem>>, vector<16xi32>,
      tpu.vector_store %arg12[%swap3A_162, %swap3A_163], %add3A_152 {strides = array<i32>} : memref<80x128xi32, #tpu.memory_space<vmem>>, vector<16xi32>,
      %mul3A_165 = arith.constant 128 : i32
      %mul3A_166 = arith.muli %add3A_65, %mul3A_165 : i32
      %add3A_167 = vector.broadcast %mul3A_166 : i32 to vector<16xi32>
      %add3A_168 = arith.addi %iota3A, %add3A_167 : vector<16xi32>
      %add3A_169 = arith.constant 64 : i32
      %add3A_170 = vector.broadcast %add3A_169 : i32 to vector<16xi32>
      %add3A_171 = arith.addi %add3A_168, %add3A_170 : vector<16xi32>
      %and3A_172 = arith.constant 63 : i32
      %and3A_173 = vector.broadcast %and3A_172 : i32 to vector<16xi32>
      %and3A_174 = arith.andi %add3A_171, %and3A_173 : vector<16xi32>
      %add3A_175 = arith.constant 5056 : i32
      %add3A_176 = vector.broadcast %add3A_175 : i32 to vector<16xi32>
      %add3A_177 = arith.addi %add3A_176, %and3A_174 : vector<16xi32>
      %swap3A_178 = arith.index_cast %add3A_65 : i32 to index
      %swap3A_179 = arith.constant 64 : index
      %swap3A_180 = tpu.vector_load %arg9[%swap3A_178, %swap3A_179] {strides = array<i32>} : memref<80x128xi32, #tpu.memory_space<vmem>>, vector<16xi32>,
      tpu.vector_store %arg9[%swap3A_178, %swap3A_179], %broadcast_in_dim3A_5 {strides = array<i32>} : memref<80x128xi32, #tpu.memory_space<vmem>>, vector<16xi32>,
      %swap3A_181 = arith.index_cast %add3A_65 : i32 to index
      %swap3A_182 = arith.constant 64 : index
      %swap3A_183 = tpu.vector_load %arg10[%swap3A_181, %swap3A_182] {strides = array<i32>} : memref<80x128xi32, #tpu.memory_space<vmem>>, vector<16xi32>,
      tpu.vector_store %arg10[%swap3A_181, %swap3A_182], %add3A_177 {strides = array<i32>} : memref<80x128xi32, #tpu.memory_space<vmem>>, vector<16xi32>,
      %swap3A_184 = arith.index_cast %add3A_65 : i32 to index
      %swap3A_185 = arith.constant 64 : index
      %swap3A_186 = tpu.vector_load %arg11[%swap3A_184, %swap3A_185] {strides = array<i32>} : memref<80x128xi32, #tpu.memory_space<vmem>>, vector<16xi32>,
      tpu.vector_store %arg11[%swap3A_184, %swap3A_185], %broadcast_in_dim3A_5 {strides = array<i32>} : memref<80x128xi32, #tpu.memory_space<vmem>>, vector<16xi32>,
      %swap3A_187 = arith.index_cast %add3A_65 : i32 to index
      %swap3A_188 = arith.constant 64 : index
      %swap3A_189 = tpu.vector_load %arg12[%swap3A_187, %swap3A_188] {strides = array<i32>} : memref<80x128xi32, #tpu.memory_space<vmem>>, vector<16xi32>,
      tpu.vector_store %arg12[%swap3A_187, %swap3A_188], %add3A_177 {strides = array<i32>} : memref<80x128xi32, #tpu.memory_space<vmem>>, vector<16xi32>,
      %mul3A_190 = arith.constant 128 : i32
      %mul3A_191 = arith.muli %add3A_65, %mul3A_190 : i32
      %add3A_192 = vector.broadcast %mul3A_191 : i32 to vector<16xi32>
      %add3A_193 = arith.addi %iota3A, %add3A_192 : vector<16xi32>
      %add3A_194 = arith.constant 80 : i32
      %add3A_195 = vector.broadcast %add3A_194 : i32 to vector<16xi32>
      %add3A_196 = arith.addi %add3A_193, %add3A_195 : vector<16xi32>
      %and3A_197 = arith.constant 63 : i32
      %and3A_198 = vector.broadcast %and3A_197 : i32 to vector<16xi32>
      %and3A_199 = arith.andi %add3A_196, %and3A_198 : vector<16xi32>
      %add3A_200 = arith.constant 5056 : i32
      %add3A_201 = vector.broadcast %add3A_200 : i32 to vector<16xi32>
      %add3A_202 = arith.addi %add3A_201, %and3A_199 : vector<16xi32>
      %swap3A_203 = arith.index_cast %add3A_65 : i32 to index
      %swap3A_204 = arith.constant 80 : index
      %swap3A_205 = tpu.vector_load %arg9[%swap3A_203, %swap3A_204] {strides = array<i32>} : memref<80x128xi32, #tpu.memory_space<vmem>>, vector<16xi32>,
      tpu.vector_store %arg9[%swap3A_203, %swap3A_204], %broadcast_in_dim3A_5 {strides = array<i32>} : memref<80x128xi32, #tpu.memory_space<vmem>>, vector<16xi32>,
      %swap3A_206 = arith.index_cast %add3A_65 : i32 to index
      %swap3A_207 = arith.constant 80 : index
      %swap3A_208 = tpu.vector_load %arg10[%swap3A_206, %swap3A_207] {strides = array<i32>} : memref<80x128xi32, #tpu.memory_space<vmem>>, vector<16xi32>,
      tpu.vector_store %arg10[%swap3A_206, %swap3A_207], %add3A_202 {strides = array<i32>} : memref<80x128xi32, #tpu.memory_space<vmem>>, vector<16xi32>,
      %swap3A_209 = arith.index_cast %add3A_65 : i32 to index
      %swap3A_210 = arith.constant 80 : index
      %swap3A_211 = tpu.vector_load %arg11[%swap3A_209, %swap3A_210] {strides = array<i32>} : memref<80x128xi32, #tpu.memory_space<vmem>>, vector<16xi32>,
      tpu.vector_store %arg11[%swap3A_209, %swap3A_210], %broadcast_in_dim3A_5 {strides = array<i32>} : memref<80x128xi32, #tpu.memory_space<vmem>>, vector<16xi32>,
      %swap3A_212 = arith.index_cast %add3A_65 : i32 to index
      %swap3A_213 = arith.constant 80 : index
      %swap3A_214 = tpu.vector_load %arg12[%swap3A_212, %swap3A_213] {strides = array<i32>} : memref<80x128xi32, #tpu.memory_space<vmem>>, vector<16xi32>,
      tpu.vector_store %arg12[%swap3A_212, %swap3A_213], %add3A_202 {strides = array<i32>} : memref<80x128xi32, #tpu.memory_space<vmem>>, vector<16xi32>,
      %mul3A_215 = arith.constant 128 : i32
      %mul3A_216 = arith.muli %add3A_65, %mul3A_215 : i32
      %add3A_217 = vector.broadcast %mul3A_216 : i32 to vector<16xi32>
      %add3A_218 = arith.addi %iota3A, %add3A_217 : vector<16xi32>
      %add3A_219 = arith.constant 96 : i32
      %add3A_220 = vector.broadcast %add3A_219 : i32 to vector<16xi32>
      %add3A_221 = arith.addi %add3A_218, %add3A_220 : vector<16xi32>
      %and3A_222 = arith.constant 63 : i32
      %and3A_223 = vector.broadcast %and3A_222 : i32 to vector<16xi32>
      %and3A_224 = arith.andi %add3A_221, %and3A_223 : vector<16xi32>
      %add3A_225 = arith.constant 5056 : i32
      %add3A_226 = vector.broadcast %add3A_225 : i32 to vector<16xi32>
      %add3A_227 = arith.addi %add3A_226, %and3A_224 : vector<16xi32>
      %swap3A_228 = arith.index_cast %add3A_65 : i32 to index
      %swap3A_229 = arith.constant 96 : index
      %swap3A_230 = tpu.vector_load %arg9[%swap3A_228, %swap3A_229] {strides = array<i32>} : memref<80x128xi32, #tpu.memory_space<vmem>>, vector<16xi32>,
      tpu.vector_store %arg9[%swap3A_228, %swap3A_229], %broadcast_in_dim3A_5 {strides = array<i32>} : memref<80x128xi32, #tpu.memory_space<vmem>>, vector<16xi32>,
      %swap3A_231 = arith.index_cast %add3A_65 : i32 to index
      %swap3A_232 = arith.constant 96 : index
      %swap3A_233 = tpu.vector_load %arg10[%swap3A_231, %swap3A_232] {strides = array<i32>} : memref<80x128xi32, #tpu.memory_space<vmem>>, vector<16xi32>,
      tpu.vector_store %arg10[%swap3A_231, %swap3A_232], %add3A_227 {strides = array<i32>} : memref<80x128xi32, #tpu.memory_space<vmem>>, vector<16xi32>,
      %swap3A_234 = arith.index_cast %add3A_65 : i32 to index
      %swap3A_235 = arith.constant 96 : index
      %swap3A_236 = tpu.vector_load %arg11[%swap3A_234, %swap3A_235] {strides = array<i32>} : memref<80x128xi32, #tpu.memory_space<vmem>>, vector<16xi32>,
      tpu.vector_store %arg11[%swap3A_234, %swap3A_235], %broadcast_in_dim3A_5 {strides = array<i32>} : memref<80x128xi32, #tpu.memory_space<vmem>>, vector<16xi32>,
      %swap3A_237 = arith.index_cast %add3A_65 : i32 to index
      %swap3A_238 = arith.constant 96 : index
      %swap3A_239 = tpu.vector_load %arg12[%swap3A_237, %swap3A_238] {strides = array<i32>} : memref<80x128xi32, #tpu.memory_space<vmem>>, vector<16xi32>,
      tpu.vector_store %arg12[%swap3A_237, %swap3A_238], %add3A_227 {strides = array<i32>} : memref<80x128xi32, #tpu.memory_space<vmem>>, vector<16xi32>,
      %mul3A_240 = arith.constant 128 : i32
      %mul3A_241 = arith.muli %add3A_65, %mul3A_240 : i32
      %add3A_242 = vector.broadcast %mul3A_241 : i32 to vector<16xi32>
      %add3A_243 = arith.addi %iota3A, %add3A_242 : vector<16xi32>
      %add3A_244 = arith.constant 112 : i32
      %add3A_245 = vector.broadcast %add3A_244 : i32 to vector<16xi32>
      %add3A_246 = arith.addi %add3A_243, %add3A_245 : vector<16xi32>
      %and3A_247 = arith.constant 63 : i32
      %and3A_248 = vector.broadcast %and3A_247 : i32 to vector<16xi32>
      %and3A_249 = arith.andi %add3A_246, %and3A_248 : vector<16xi32>
      %add3A_250 = arith.constant 5056 : i32
      %add3A_251 = vector.broadcast %add3A_250 : i32 to vector<16xi32>
      %add3A_252 = arith.addi %add3A_251, %and3A_249 : vector<16xi32>
      %swap3A_253 = arith.index_cast %add3A_65 : i32 to index
      %swap3A_254 = arith.constant 112 : index
      %swap3A_255 = tpu.vector_load %arg9[%swap3A_253, %swap3A_254] {strides = array<i32>} : memref<80x128xi32, #tpu.memory_space<vmem>>, vector<16xi32>,
      tpu.vector_store %arg9[%swap3A_253, %swap3A_254], %broadcast_in_dim3A_5 {strides = array<i32>} : memref<80x128xi32, #tpu.memory_space<vmem>>, vector<16xi32>,
      %swap3A_256 = arith.index_cast %add3A_65 : i32 to index
      %swap3A_257 = arith.constant 112 : index
      %swap3A_258 = tpu.vector_load %arg10[%swap3A_256, %swap3A_257] {strides = array<i32>} : memref<80x128xi32, #tpu.memory_space<vmem>>, vector<16xi32>,
      tpu.vector_store %arg10[%swap3A_256, %swap3A_257], %add3A_252 {strides = array<i32>} : memref<80x128xi32, #tpu.memory_space<vmem>>, vector<16xi32>,
      %swap3A_259 = arith.index_cast %add3A_65 : i32 to index
      %swap3A_260 = arith.constant 112 : index
      %swap3A_261 = tpu.vector_load %arg11[%swap3A_259, %swap3A_260] {strides = array<i32>} : memref<80x128xi32, #tpu.memory_space<vmem>>, vector<16xi32>,
      tpu.vector_store %arg11[%swap3A_259, %swap3A_260], %broadcast_in_dim3A_5 {strides = array<i32>} : memref<80x128xi32, #tpu.memory_space<vmem>>, vector<16xi32>,
      %swap3A_262 = arith.index_cast %add3A_65 : i32 to index
      %swap3A_263 = arith.constant 112 : index
      %swap3A_264 = tpu.vector_load %arg12[%swap3A_262, %swap3A_263] {strides = array<i32>} : memref<80x128xi32, #tpu.memory_space<vmem>>, vector<16xi32>,
      tpu.vector_store %arg12[%swap3A_262, %swap3A_263], %add3A_252 {strides = array<i32>} : memref<80x128xi32, #tpu.memory_space<vmem>>, vector<16xi32>,
    }
    %scan3A_9 = arith.constant 80 : i32
    %scan3A_10 = arith.constant 0 : i32
    %scan3A_11 = arith.constant 80 : i32
    %scan3A_12 = arith.addi %scan3A_10, %scan3A_11 : i32
    %scan3A_13 = arith.constant 1 : i32
    %scan3A_14:2 = scf.for %scan3A_61 = %scan3A_10 to %scan3A_12 step %scan3A_13 iter_args(%scan3A_62 = %broadcast_in_dim3A_5, %scan3A_63 = %broadcast_in_dim3A_5) -> (vector<16xi32>, vector<16xi32>)  : i32 {
      %mul3A_64 = arith.constant 1 : i32
      %mul3A_65 = arith.muli %scan3A_61, %mul3A_64 : i32
      %add3A_66 = arith.constant 0 : i32
      %add3A_67 = arith.addi %add3A_66, %mul3A_65 : i32
      %get3A = arith.index_cast %add3A_67 : i32 to index
      %get3A_68 = arith.constant 0 : index
      %get3A_69 = tpu.vector_load %arg7[%get3A, %get3A_68] {strides = array<i32>} : memref<80x128xi32, #tpu.memory_space<vmem>>, vector<16xi32>,
      %get3A_70 = arith.index_cast %add3A_67 : i32 to index
      %get3A_71 = arith.constant 0 : index
      %get3A_72 = tpu.vector_load %arg8[%get3A_70, %get3A_71] {strides = array<i32>} : memref<80x128xi32, #tpu.memory_space<vmem>>, vector<16xi32>,
      %lt3A = arith.constant 5000 : i32
      %lt3A_73 = vector.broadcast %lt3A : i32 to vector<16xi32>
      %lt3A_74 = arith.cmpi slt, %get3A_72, %lt3A_73 : vector<16xi32>
      %ge3A = arith.constant 5000 : i32
      %ge3A_75 = vector.broadcast %ge3A : i32 to vector<16xi32>
      %ge3A_76 = arith.cmpi sge, %get3A_72, %ge3A_75 : vector<16xi32>
      %lt3A_77 = arith.constant 10000 : i32
      %lt3A_78 = vector.broadcast %lt3A_77 : i32 to vector<16xi32>
      %lt3A_79 = arith.cmpi slt, %get3A_72, %lt3A_78 : vector<16xi32>
      %and3A = arith.andi %ge3A_76, %lt3A_79 : vector<16xi1>
      %convert_element_type3A = arith.extui %lt3A_74 : vector<16xi1> to vector<16xi32>
      %broadcast_in_dim3A_80 = arith.constant true
      %broadcast_in_dim3A_81 = vector.broadcast %broadcast_in_dim3A_80 : i1 to vector<16xi1>
      %masked_cumsum3A = tpu.scan <sum>, %convert_element_type3A masked %broadcast_in_dim3A_81 : vector<16xi32>, vector<16xi1> -> vector<16xi32>
      %add3A_82 = arith.addi %scan3A_62, %masked_cumsum3A : vector<16xi32>
      %sub3A = arith.constant 1 : i32
      %sub3A_83 = vector.broadcast %sub3A : i32 to vector<16xi32>
      %sub3A_84 = arith.subi %add3A_82, %sub3A_83 : vector<16xi32>
      %shift_right_arithmetic3A = arith.constant 7 : i32
      %shift_right_arithmetic3A_85 = vector.broadcast %shift_right_arithmetic3A : i32 to vector<16xi32>
      %shift_right_arithmetic3A_86 = arith.shrsi %sub3A_84, %shift_right_arithmetic3A_85 : vector<16xi32>
      %and3A_87 = arith.constant 127 : i32
      %and3A_88 = vector.broadcast %and3A_87 : i32 to vector<16xi32>
      %and3A_89 = arith.andi %sub3A_84, %and3A_88 : vector<16xi32>
      tpu.vector_store_idx %arg9[%shift_right_arithmetic3A_86, %and3A_89], %get3A_69 masked %lt3A_74 : memref<80x128xi32, #tpu.memory_space<vmem>>[vector<16xi32>, vector<16xi32>], vector<16xi32>, vector<16xi1>
      %shift_right_arithmetic3A_90 = arith.constant 7 : i32
      %shift_right_arithmetic3A_91 = vector.broadcast %shift_right_arithmetic3A_90 : i32 to vector<16xi32>
      %shift_right_arithmetic3A_92 = arith.shrsi %sub3A_84, %shift_right_arithmetic3A_91 : vector<16xi32>
      %and3A_93 = arith.constant 127 : i32
      %and3A_94 = vector.broadcast %and3A_93 : i32 to vector<16xi32>
      %and3A_95 = arith.andi %sub3A_84, %and3A_94 : vector<16xi32>
      tpu.vector_store_idx %arg10[%shift_right_arithmetic3A_92, %and3A_95], %get3A_72 masked %lt3A_74 : memref<80x128xi32, #tpu.memory_space<vmem>>[vector<16xi32>, vector<16xi32>], vector<16xi32>, vector<16xi1>
      %all_reduce_population_count3A = tpu.all_reduce %lt3A_74 {dim = 0 : i64, kind = #tpu.reduction_kind<sum>} : vector<16xi1> -> vector<16xi32>
      %add3A_96 = arith.addi %scan3A_62, %all_reduce_population_count3A : vector<16xi32>
      %convert_element_type3A_97 = arith.extui %and3A : vector<16xi1> to vector<16xi32>
      %broadcast_in_dim3A_98 = arith.constant true
      %broadcast_in_dim3A_99 = vector.broadcast %broadcast_in_dim3A_98 : i1 to vector<16xi1>
      %masked_cumsum3A_100 = tpu.scan <sum>, %convert_element_type3A_97 masked %broadcast_in_dim3A_99 : vector<16xi32>, vector<16xi1> -> vector<16xi32>
      %add3A_101 = arith.addi %scan3A_63, %masked_cumsum3A_100 : vector<16xi32>
      %sub3A_102 = arith.constant 1 : i32
      %sub3A_103 = vector.broadcast %sub3A_102 : i32 to vector<16xi32>
      %sub3A_104 = arith.subi %add3A_101, %sub3A_103 : vector<16xi32>
      %shift_right_arithmetic3A_105 = arith.constant 7 : i32
      %shift_right_arithmetic3A_106 = vector.broadcast %shift_right_arithmetic3A_105 : i32 to vector<16xi32>
      %shift_right_arithmetic3A_107 = arith.shrsi %sub3A_104, %shift_right_arithmetic3A_106 : vector<16xi32>
      %and3A_108 = arith.constant 127 : i32
      %and3A_109 = vector.broadcast %and3A_108 : i32 to vector<16xi32>
      %and3A_110 = arith.andi %sub3A_104, %and3A_109 : vector<16xi32>
      tpu.vector_store_idx %arg11[%shift_right_arithmetic3A_107, %and3A_110], %get3A_69 masked %and3A : memref<80x128xi32, #tpu.memory_space<vmem>>[vector<16xi32>, vector<16xi32>], vector<16xi32>, vector<16xi1>
      %shift_right_arithmetic3A_111 = arith.constant 7 : i32
      %shift_right_arithmetic3A_112 = vector.broadcast %shift_right_arithmetic3A_111 : i32 to vector<16xi32>
      %shift_right_arithmetic3A_113 = arith.shrsi %sub3A_104, %shift_right_arithmetic3A_112 : vector<16xi32>
      %and3A_114 = arith.constant 127 : i32
      %and3A_115 = vector.broadcast %and3A_114 : i32 to vector<16xi32>
      %and3A_116 = arith.andi %sub3A_104, %and3A_115 : vector<16xi32>
      %sub3A_117 = arith.constant 5000 : i32
      %sub3A_118 = vector.broadcast %sub3A_117 : i32 to vector<16xi32>
      %sub3A_119 = arith.subi %get3A_72, %sub3A_118 : vector<16xi32>
      tpu.vector_store_idx %arg12[%shift_right_arithmetic3A_113, %and3A_116], %sub3A_119 masked %and3A : memref<80x128xi32, #tpu.memory_space<vmem>>[vector<16xi32>, vector<16xi32>], vector<16xi32>, vector<16xi1>
      %all_reduce_population_count3A_120 = tpu.all_reduce %and3A {dim = 0 : i64, kind = #tpu.reduction_kind<sum>} : vector<16xi1> -> vector<16xi32>
      %add3A_121 = arith.addi %scan3A_63, %all_reduce_population_count3A_120 : vector<16xi32>
      %get3A_122 = arith.index_cast %add3A_67 : i32 to index
      %get3A_123 = arith.constant 16 : index
      %get3A_124 = tpu.vector_load %arg7[%get3A_122, %get3A_123] {strides = array<i32>} : memref<80x128xi32, #tpu.memory_space<vmem>>, vector<16xi32>,
      %get3A_125 = arith.index_cast %add3A_67 : i32 to index
      %get3A_126 = arith.constant 16 : index
      %get3A_127 = tpu.vector_load %arg8[%get3A_125, %get3A_126] {strides = array<i32>} : memref<80x128xi32, #tpu.memory_space<vmem>>, vector<16xi32>,
      %lt3A_128 = arith.constant 5000 : i32
      %lt3A_129 = vector.broadcast %lt3A_128 : i32 to vector<16xi32>
      %lt3A_130 = arith.cmpi slt, %get3A_127, %lt3A_129 : vector<16xi32>
      %ge3A_131 = arith.constant 5000 : i32
      %ge3A_132 = vector.broadcast %ge3A_131 : i32 to vector<16xi32>
      %ge3A_133 = arith.cmpi sge, %get3A_127, %ge3A_132 : vector<16xi32>
      %lt3A_134 = arith.constant 10000 : i32
      %lt3A_135 = vector.broadcast %lt3A_134 : i32 to vector<16xi32>
      %lt3A_136 = arith.cmpi slt, %get3A_127, %lt3A_135 : vector<16xi32>
      %and3A_137 = arith.andi %ge3A_133, %lt3A_136 : vector<16xi1>
      %convert_element_type3A_138 = arith.extui %lt3A_130 : vector<16xi1> to vector<16xi32>
      %broadcast_in_dim3A_139 = arith.constant true
      %broadcast_in_dim3A_140 = vector.broadcast %broadcast_in_dim3A_139 : i1 to vector<16xi1>
      %masked_cumsum3A_141 = tpu.scan <sum>, %convert_element_type3A_138 masked %broadcast_in_dim3A_140 : vector<16xi32>, vector<16xi1> -> vector<16xi32>
      %add3A_142 = arith.addi %add3A_96, %masked_cumsum3A_141 : vector<16xi32>
      %sub3A_143 = arith.constant 1 : i32
      %sub3A_144 = vector.broadcast %sub3A_143 : i32 to vector<16xi32>
      %sub3A_145 = arith.subi %add3A_142, %sub3A_144 : vector<16xi32>
      %shift_right_arithmetic3A_146 = arith.constant 7 : i32
      %shift_right_arithmetic3A_147 = vector.broadcast %shift_right_arithmetic3A_146 : i32 to vector<16xi32>
      %shift_right_arithmetic3A_148 = arith.shrsi %sub3A_145, %shift_right_arithmetic3A_147 : vector<16xi32>
      %and3A_149 = arith.constant 127 : i32
      %and3A_150 = vector.broadcast %and3A_149 : i32 to vector<16xi32>
      %and3A_151 = arith.andi %sub3A_145, %and3A_150 : vector<16xi32>
      tpu.vector_store_idx %arg9[%shift_right_arithmetic3A_148, %and3A_151], %get3A_124 masked %lt3A_130 : memref<80x128xi32, #tpu.memory_space<vmem>>[vector<16xi32>, vector<16xi32>], vector<16xi32>, vector<16xi1>
      %shift_right_arithmetic3A_152 = arith.constant 7 : i32
      %shift_right_arithmetic3A_153 = vector.broadcast %shift_right_arithmetic3A_152 : i32 to vector<16xi32>
      %shift_right_arithmetic3A_154 = arith.shrsi %sub3A_145, %shift_right_arithmetic3A_153 : vector<16xi32>
      %and3A_155 = arith.constant 127 : i32
      %and3A_156 = vector.broadcast %and3A_155 : i32 to vector<16xi32>
      %and3A_157 = arith.andi %sub3A_145, %and3A_156 : vector<16xi32>
      tpu.vector_store_idx %arg10[%shift_right_arithmetic3A_154, %and3A_157], %get3A_127 masked %lt3A_130 : memref<80x128xi32, #tpu.memory_space<vmem>>[vector<16xi32>, vector<16xi32>], vector<16xi32>, vector<16xi1>
      %all_reduce_population_count3A_158 = tpu.all_reduce %lt3A_130 {dim = 0 : i64, kind = #tpu.reduction_kind<sum>} : vector<16xi1> -> vector<16xi32>
      %add3A_159 = arith.addi %add3A_96, %all_reduce_population_count3A_158 : vector<16xi32>
      %convert_element_type3A_160 = arith.extui %and3A_137 : vector<16xi1> to vector<16xi32>
      %broadcast_in_dim3A_161 = arith.constant true
      %broadcast_in_dim3A_162 = vector.broadcast %broadcast_in_dim3A_161 : i1 to vector<16xi1>
      %masked_cumsum3A_163 = tpu.scan <sum>, %convert_element_type3A_160 masked %broadcast_in_dim3A_162 : vector<16xi32>, vector<16xi1> -> vector<16xi32>
      %add3A_164 = arith.addi %add3A_121, %masked_cumsum3A_163 : vector<16xi32>
      %sub3A_165 = arith.constant 1 : i32
      %sub3A_166 = vector.broadcast %sub3A_165 : i32 to vector<16xi32>
      %sub3A_167 = arith.subi %add3A_164, %sub3A_166 : vector<16xi32>
      %shift_right_arithmetic3A_168 = arith.constant 7 : i32
      %shift_right_arithmetic3A_169 = vector.broadcast %shift_right_arithmetic3A_168 : i32 to vector<16xi32>
      %shift_right_arithmetic3A_170 = arith.shrsi %sub3A_167, %shift_right_arithmetic3A_169 : vector<16xi32>
      %and3A_171 = arith.constant 127 : i32
      %and3A_172 = vector.broadcast %and3A_171 : i32 to vector<16xi32>
      %and3A_173 = arith.andi %sub3A_167, %and3A_172 : vector<16xi32>
      tpu.vector_store_idx %arg11[%shift_right_arithmetic3A_170, %and3A_173], %get3A_124 masked %and3A_137 : memref<80x128xi32, #tpu.memory_space<vmem>>[vector<16xi32>, vector<16xi32>], vector<16xi32>, vector<16xi1>
      %shift_right_arithmetic3A_174 = arith.constant 7 : i32
      %shift_right_arithmetic3A_175 = vector.broadcast %shift_right_arithmetic3A_174 : i32 to vector<16xi32>
      %shift_right_arithmetic3A_176 = arith.shrsi %sub3A_167, %shift_right_arithmetic3A_175 : vector<16xi32>
      %and3A_177 = arith.constant 127 : i32
      %and3A_178 = vector.broadcast %and3A_177 : i32 to vector<16xi32>
      %and3A_179 = arith.andi %sub3A_167, %and3A_178 : vector<16xi32>
      %sub3A_180 = arith.constant 5000 : i32
      %sub3A_181 = vector.broadcast %sub3A_180 : i32 to vector<16xi32>
      %sub3A_182 = arith.subi %get3A_127, %sub3A_181 : vector<16xi32>
      tpu.vector_store_idx %arg12[%shift_right_arithmetic3A_176, %and3A_179], %sub3A_182 masked %and3A_137 : memref<80x128xi32, #tpu.memory_space<vmem>>[vector<16xi32>, vector<16xi32>], vector<16xi32>, vector<16xi1>
      %all_reduce_population_count3A_183 = tpu.all_reduce %and3A_137 {dim = 0 : i64, kind = #tpu.reduction_kind<sum>} : vector<16xi1> -> vector<16xi32>
      %add3A_184 = arith.addi %add3A_121, %all_reduce_population_count3A_183 : vector<16xi32>
      %get3A_185 = arith.index_cast %add3A_67 : i32 to index
      %get3A_186 = arith.constant 32 : index
      %get3A_187 = tpu.vector_load %arg7[%get3A_185, %get3A_186] {strides = array<i32>} : memref<80x128xi32, #tpu.memory_space<vmem>>, vector<16xi32>,
      %get3A_188 = arith.index_cast %add3A_67 : i32 to index
      %get3A_189 = arith.constant 32 : index
      %get3A_190 = tpu.vector_load %arg8[%get3A_188, %get3A_189] {strides = array<i32>} : memref<80x128xi32, #tpu.memory_space<vmem>>, vector<16xi32>,
      %lt3A_191 = arith.constant 5000 : i32
      %lt3A_192 = vector.broadcast %lt3A_191 : i32 to vector<16xi32>
      %lt3A_193 = arith.cmpi slt, %get3A_190, %lt3A_192 : vector<16xi32>
      %ge3A_194 = arith.constant 5000 : i32
      %ge3A_195 = vector.broadcast %ge3A_194 : i32 to vector<16xi32>
      %ge3A_196 = arith.cmpi sge, %get3A_190, %ge3A_195 : vector<16xi32>
      %lt3A_197 = arith.constant 10000 : i32
      %lt3A_198 = vector.broadcast %lt3A_197 : i32 to vector<16xi32>
      %lt3A_199 = arith.cmpi slt, %get3A_190, %lt3A_198 : vector<16xi32>
      %and3A_200 = arith.andi %ge3A_196, %lt3A_199 : vector<16xi1>
      %convert_element_type3A_201 = arith.extui %lt3A_193 : vector<16xi1> to vector<16xi32>
      %broadcast_in_dim3A_202 = arith.constant true
      %broadcast_in_dim3A_203 = vector.broadcast %broadcast_in_dim3A_202 : i1 to vector<16xi1>
      %masked_cumsum3A_204 = tpu.scan <sum>, %convert_element_type3A_201 masked %broadcast_in_dim3A_203 : vector<16xi32>, vector<16xi1> -> vector<16xi32>
      %add3A_205 = arith.addi %add3A_159, %masked_cumsum3A_204 : vector<16xi32>
      %sub3A_206 = arith.constant 1 : i32
      %sub3A_207 = vector.broadcast %sub3A_206 : i32 to vector<16xi32>
      %sub3A_208 = arith.subi %add3A_205, %sub3A_207 : vector<16xi32>
      %shift_right_arithmetic3A_209 = arith.constant 7 : i32
      %shift_right_arithmetic3A_210 = vector.broadcast %shift_right_arithmetic3A_209 : i32 to vector<16xi32>
      %shift_right_arithmetic3A_211 = arith.shrsi %sub3A_208, %shift_right_arithmetic3A_210 : vector<16xi32>
      %and3A_212 = arith.constant 127 : i32
      %and3A_213 = vector.broadcast %and3A_212 : i32 to vector<16xi32>
      %and3A_214 = arith.andi %sub3A_208, %and3A_213 : vector<16xi32>
      tpu.vector_store_idx %arg9[%shift_right_arithmetic3A_211, %and3A_214], %get3A_187 masked %lt3A_193 : memref<80x128xi32, #tpu.memory_space<vmem>>[vector<16xi32>, vector<16xi32>], vector<16xi32>, vector<16xi1>
      %shift_right_arithmetic3A_215 = arith.constant 7 : i32
      %shift_right_arithmetic3A_216 = vector.broadcast %shift_right_arithmetic3A_215 : i32 to vector<16xi32>
      %shift_right_arithmetic3A_217 = arith.shrsi %sub3A_208, %shift_right_arithmetic3A_216 : vector<16xi32>
      %and3A_218 = arith.constant 127 : i32
      %and3A_219 = vector.broadcast %and3A_218 : i32 to vector<16xi32>
      %and3A_220 = arith.andi %sub3A_208, %and3A_219 : vector<16xi32>
      tpu.vector_store_idx %arg10[%shift_right_arithmetic3A_217, %and3A_220], %get3A_190 masked %lt3A_193 : memref<80x128xi32, #tpu.memory_space<vmem>>[vector<16xi32>, vector<16xi32>], vector<16xi32>, vector<16xi1>
      %all_reduce_population_count3A_221 = tpu.all_reduce %lt3A_193 {dim = 0 : i64, kind = #tpu.reduction_kind<sum>} : vector<16xi1> -> vector<16xi32>
      %add3A_222 = arith.addi %add3A_159, %all_reduce_population_count3A_221 : vector<16xi32>
      %convert_element_type3A_223 = arith.extui %and3A_200 : vector<16xi1> to vector<16xi32>
      %broadcast_in_dim3A_224 = arith.constant true
      %broadcast_in_dim3A_225 = vector.broadcast %broadcast_in_dim3A_224 : i1 to vector<16xi1>
      %masked_cumsum3A_226 = tpu.scan <sum>, %convert_element_type3A_223 masked %broadcast_in_dim3A_225 : vector<16xi32>, vector<16xi1> -> vector<16xi32>
      %add3A_227 = arith.addi %add3A_184, %masked_cumsum3A_226 : vector<16xi32>
      %sub3A_228 = arith.constant 1 : i32
      %sub3A_229 = vector.broadcast %sub3A_228 : i32 to vector<16xi32>
      %sub3A_230 = arith.subi %add3A_227, %sub3A_229 : vector<16xi32>
      %shift_right_arithmetic3A_231 = arith.constant 7 : i32
      %shift_right_arithmetic3A_232 = vector.broadcast %shift_right_arithmetic3A_231 : i32 to vector<16xi32>
      %shift_right_arithmetic3A_233 = arith.shrsi %sub3A_230, %shift_right_arithmetic3A_232 : vector<16xi32>
      %and3A_234 = arith.constant 127 : i32
      %and3A_235 = vector.broadcast %and3A_234 : i32 to vector<16xi32>
      %and3A_236 = arith.andi %sub3A_230, %and3A_235 : vector<16xi32>
      tpu.vector_store_idx %arg11[%shift_right_arithmetic3A_233, %and3A_236], %get3A_187 masked %and3A_200 : memref<80x128xi32, #tpu.memory_space<vmem>>[vector<16xi32>, vector<16xi32>], vector<16xi32>, vector<16xi1>
      %shift_right_arithmetic3A_237 = arith.constant 7 : i32
      %shift_right_arithmetic3A_238 = vector.broadcast %shift_right_arithmetic3A_237 : i32 to vector<16xi32>
      %shift_right_arithmetic3A_239 = arith.shrsi %sub3A_230, %shift_right_arithmetic3A_238 : vector<16xi32>
      %and3A_240 = arith.constant 127 : i32
      %and3A_241 = vector.broadcast %and3A_240 : i32 to vector<16xi32>
      %and3A_242 = arith.andi %sub3A_230, %and3A_241 : vector<16xi32>
      %sub3A_243 = arith.constant 5000 : i32
      %sub3A_244 = vector.broadcast %sub3A_243 : i32 to vector<16xi32>
      %sub3A_245 = arith.subi %get3A_190, %sub3A_244 : vector<16xi32>
      tpu.vector_store_idx %arg12[%shift_right_arithmetic3A_239, %and3A_242], %sub3A_245 masked %and3A_200 : memref<80x128xi32, #tpu.memory_space<vmem>>[vector<16xi32>, vector<16xi32>], vector<16xi32>, vector<16xi1>
      %all_reduce_population_count3A_246 = tpu.all_reduce %and3A_200 {dim = 0 : i64, kind = #tpu.reduction_kind<sum>} : vector<16xi1> -> vector<16xi32>
      %add3A_247 = arith.addi %add3A_184, %all_reduce_population_count3A_246 : vector<16xi32>
      %get3A_248 = arith.index_cast %add3A_67 : i32 to index
      %get3A_249 = arith.constant 48 : index
      %get3A_250 = tpu.vector_load %arg7[%get3A_248, %get3A_249] {strides = array<i32>} : memref<80x128xi32, #tpu.memory_space<vmem>>, vector<16xi32>,
      %get3A_251 = arith.index_cast %add3A_67 : i32 to index
      %get3A_252 = arith.constant 48 : index
      %get3A_253 = tpu.vector_load %arg8[%get3A_251, %get3A_252] {strides = array<i32>} : memref<80x128xi32, #tpu.memory_space<vmem>>, vector<16xi32>,
      %lt3A_254 = arith.constant 5000 : i32
      %lt3A_255 = vector.broadcast %lt3A_254 : i32 to vector<16xi32>
      %lt3A_256 = arith.cmpi slt, %get3A_253, %lt3A_255 : vector<16xi32>
      %ge3A_257 = arith.constant 5000 : i32
      %ge3A_258 = vector.broadcast %ge3A_257 : i32 to vector<16xi32>
      %ge3A_259 = arith.cmpi sge, %get3A_253, %ge3A_258 : vector<16xi32>
      %lt3A_260 = arith.constant 10000 : i32
      %lt3A_261 = vector.broadcast %lt3A_260 : i32 to vector<16xi32>
      %lt3A_262 = arith.cmpi slt, %get3A_253, %lt3A_261 : vector<16xi32>
      %and3A_263 = arith.andi %ge3A_259, %lt3A_262 : vector<16xi1>
      %convert_element_type3A_264 = arith.extui %lt3A_256 : vector<16xi1> to vector<16xi32>
      %broadcast_in_dim3A_265 = arith.constant true
      %broadcast_in_dim3A_266 = vector.broadcast %broadcast_in_dim3A_265 : i1 to vector<16xi1>
      %masked_cumsum3A_267 = tpu.scan <sum>, %convert_element_type3A_264 masked %broadcast_in_dim3A_266 : vector<16xi32>, vector<16xi1> -> vector<16xi32>
      %add3A_268 = arith.addi %add3A_222, %masked_cumsum3A_267 : vector<16xi32>
      %sub3A_269 = arith.constant 1 : i32
      %sub3A_270 = vector.broadcast %sub3A_269 : i32 to vector<16xi32>
      %sub3A_271 = arith.subi %add3A_268, %sub3A_270 : vector<16xi32>
      %shift_right_arithmetic3A_272 = arith.constant 7 : i32
      %shift_right_arithmetic3A_273 = vector.broadcast %shift_right_arithmetic3A_272 : i32 to vector<16xi32>
      %shift_right_arithmetic3A_274 = arith.shrsi %sub3A_271, %shift_right_arithmetic3A_273 : vector<16xi32>
      %and3A_275 = arith.constant 127 : i32
      %and3A_276 = vector.broadcast %and3A_275 : i32 to vector<16xi32>
      %and3A_277 = arith.andi %sub3A_271, %and3A_276 : vector<16xi32>
      tpu.vector_store_idx %arg9[%shift_right_arithmetic3A_274, %and3A_277], %get3A_250 masked %lt3A_256 : memref<80x128xi32, #tpu.memory_space<vmem>>[vector<16xi32>, vector<16xi32>], vector<16xi32>, vector<16xi1>
      %shift_right_arithmetic3A_278 = arith.constant 7 : i32
      %shift_right_arithmetic3A_279 = vector.broadcast %shift_right_arithmetic3A_278 : i32 to vector<16xi32>
      %shift_right_arithmetic3A_280 = arith.shrsi %sub3A_271, %shift_right_arithmetic3A_279 : vector<16xi32>
      %and3A_281 = arith.constant 127 : i32
      %and3A_282 = vector.broadcast %and3A_281 : i32 to vector<16xi32>
      %and3A_283 = arith.andi %sub3A_271, %and3A_282 : vector<16xi32>
      tpu.vector_store_idx %arg10[%shift_right_arithmetic3A_280, %and3A_283], %get3A_253 masked %lt3A_256 : memref<80x128xi32, #tpu.memory_space<vmem>>[vector<16xi32>, vector<16xi32>], vector<16xi32>, vector<16xi1>
      %all_reduce_population_count3A_284 = tpu.all_reduce %lt3A_256 {dim = 0 : i64, kind = #tpu.reduction_kind<sum>} : vector<16xi1> -> vector<16xi32>
      %add3A_285 = arith.addi %add3A_222, %all_reduce_population_count3A_284 : vector<16xi32>
      %convert_element_type3A_286 = arith.extui %and3A_263 : vector<16xi1> to vector<16xi32>
      %broadcast_in_dim3A_287 = arith.constant true
      %broadcast_in_dim3A_288 = vector.broadcast %broadcast_in_dim3A_287 : i1 to vector<16xi1>
      %masked_cumsum3A_289 = tpu.scan <sum>, %convert_element_type3A_286 masked %broadcast_in_dim3A_288 : vector<16xi32>, vector<16xi1> -> vector<16xi32>
      %add3A_290 = arith.addi %add3A_247, %masked_cumsum3A_289 : vector<16xi32>
      %sub3A_291 = arith.constant 1 : i32
      %sub3A_292 = vector.broadcast %sub3A_291 : i32 to vector<16xi32>
      %sub3A_293 = arith.subi %add3A_290, %sub3A_292 : vector<16xi32>
      %shift_right_arithmetic3A_294 = arith.constant 7 : i32
      %shift_right_arithmetic3A_295 = vector.broadcast %shift_right_arithmetic3A_294 : i32 to vector<16xi32>
      %shift_right_arithmetic3A_296 = arith.shrsi %sub3A_293, %shift_right_arithmetic3A_295 : vector<16xi32>
      %and3A_297 = arith.constant 127 : i32
      %and3A_298 = vector.broadcast %and3A_297 : i32 to vector<16xi32>
      %and3A_299 = arith.andi %sub3A_293, %and3A_298 : vector<16xi32>
      tpu.vector_store_idx %arg11[%shift_right_arithmetic3A_296, %and3A_299], %get3A_250 masked %and3A_263 : memref<80x128xi32, #tpu.memory_space<vmem>>[vector<16xi32>, vector<16xi32>], vector<16xi32>, vector<16xi1>
      %shift_right_arithmetic3A_300 = arith.constant 7 : i32
      %shift_right_arithmetic3A_301 = vector.broadcast %shift_right_arithmetic3A_300 : i32 to vector<16xi32>
      %shift_right_arithmetic3A_302 = arith.shrsi %sub3A_293, %shift_right_arithmetic3A_301 : vector<16xi32>
      %and3A_303 = arith.constant 127 : i32
      %and3A_304 = vector.broadcast %and3A_303 : i32 to vector<16xi32>
      %and3A_305 = arith.andi %sub3A_293, %and3A_304 : vector<16xi32>
      %sub3A_306 = arith.constant 5000 : i32
      %sub3A_307 = vector.broadcast %sub3A_306 : i32 to vector<16xi32>
      %sub3A_308 = arith.subi %get3A_253, %sub3A_307 : vector<16xi32>
      tpu.vector_store_idx %arg12[%shift_right_arithmetic3A_302, %and3A_305], %sub3A_308 masked %and3A_263 : memref<80x128xi32, #tpu.memory_space<vmem>>[vector<16xi32>, vector<16xi32>], vector<16xi32>, vector<16xi1>
      %all_reduce_population_count3A_309 = tpu.all_reduce %and3A_263 {dim = 0 : i64, kind = #tpu.reduction_kind<sum>} : vector<16xi1> -> vector<16xi32>
      %add3A_310 = arith.addi %add3A_247, %all_reduce_population_count3A_309 : vector<16xi32>
      %get3A_311 = arith.index_cast %add3A_67 : i32 to index
      %get3A_312 = arith.constant 64 : index
      %get3A_313 = tpu.vector_load %arg7[%get3A_311, %get3A_312] {strides = array<i32>} : memref<80x128xi32, #tpu.memory_space<vmem>>, vector<16xi32>,
      %get3A_314 = arith.index_cast %add3A_67 : i32 to index
      %get3A_315 = arith.constant 64 : index
      %get3A_316 = tpu.vector_load %arg8[%get3A_314, %get3A_315] {strides = array<i32>} : memref<80x128xi32, #tpu.memory_space<vmem>>, vector<16xi32>,
      %lt3A_317 = arith.constant 5000 : i32
      %lt3A_318 = vector.broadcast %lt3A_317 : i32 to vector<16xi32>
      %lt3A_319 = arith.cmpi slt, %get3A_316, %lt3A_318 : vector<16xi32>
      %ge3A_320 = arith.constant 5000 : i32
      %ge3A_321 = vector.broadcast %ge3A_320 : i32 to vector<16xi32>
      %ge3A_322 = arith.cmpi sge, %get3A_316, %ge3A_321 : vector<16xi32>
      %lt3A_323 = arith.constant 10000 : i32
      %lt3A_324 = vector.broadcast %lt3A_323 : i32 to vector<16xi32>
      %lt3A_325 = arith.cmpi slt, %get3A_316, %lt3A_324 : vector<16xi32>
      %and3A_326 = arith.andi %ge3A_322, %lt3A_325 : vector<16xi1>
      %convert_element_type3A_327 = arith.extui %lt3A_319 : vector<16xi1> to vector<16xi32>
      %broadcast_in_dim3A_328 = arith.constant true
      %broadcast_in_dim3A_329 = vector.broadcast %broadcast_in_dim3A_328 : i1 to vector<16xi1>
      %masked_cumsum3A_330 = tpu.scan <sum>, %convert_element_type3A_327 masked %broadcast_in_dim3A_329 : vector<16xi32>, vector<16xi1> -> vector<16xi32>
      %add3A_331 = arith.addi %add3A_285, %masked_cumsum3A_330 : vector<16xi32>
      %sub3A_332 = arith.constant 1 : i32
      %sub3A_333 = vector.broadcast %sub3A_332 : i32 to vector<16xi32>
      %sub3A_334 = arith.subi %add3A_331, %sub3A_333 : vector<16xi32>
      %shift_right_arithmetic3A_335 = arith.constant 7 : i32
      %shift_right_arithmetic3A_336 = vector.broadcast %shift_right_arithmetic3A_335 : i32 to vector<16xi32>
      %shift_right_arithmetic3A_337 = arith.shrsi %sub3A_334, %shift_right_arithmetic3A_336 : vector<16xi32>
      %and3A_338 = arith.constant 127 : i32
      %and3A_339 = vector.broadcast %and3A_338 : i32 to vector<16xi32>
      %and3A_340 = arith.andi %sub3A_334, %and3A_339 : vector<16xi32>
      tpu.vector_store_idx %arg9[%shift_right_arithmetic3A_337, %and3A_340], %get3A_313 masked %lt3A_319 : memref<80x128xi32, #tpu.memory_space<vmem>>[vector<16xi32>, vector<16xi32>], vector<16xi32>, vector<16xi1>
      %shift_right_arithmetic3A_341 = arith.constant 7 : i32
      %shift_right_arithmetic3A_342 = vector.broadcast %shift_right_arithmetic3A_341 : i32 to vector<16xi32>
      %shift_right_arithmetic3A_343 = arith.shrsi %sub3A_334, %shift_right_arithmetic3A_342 : vector<16xi32>
      %and3A_344 = arith.constant 127 : i32
      %and3A_345 = vector.broadcast %and3A_344 : i32 to vector<16xi32>
      %and3A_346 = arith.andi %sub3A_334, %and3A_345 : vector<16xi32>
      tpu.vector_store_idx %arg10[%shift_right_arithmetic3A_343, %and3A_346], %get3A_316 masked %lt3A_319 : memref<80x128xi32, #tpu.memory_space<vmem>>[vector<16xi32>, vector<16xi32>], vector<16xi32>, vector<16xi1>
      %all_reduce_population_count3A_347 = tpu.all_reduce %lt3A_319 {dim = 0 : i64, kind = #tpu.reduction_kind<sum>} : vector<16xi1> -> vector<16xi32>
      %add3A_348 = arith.addi %add3A_285, %all_reduce_population_count3A_347 : vector<16xi32>
      %convert_element_type3A_349 = arith.extui %and3A_326 : vector<16xi1> to vector<16xi32>
      %broadcast_in_dim3A_350 = arith.constant true
      %broadcast_in_dim3A_351 = vector.broadcast %broadcast_in_dim3A_350 : i1 to vector<16xi1>
      %masked_cumsum3A_352 = tpu.scan <sum>, %convert_element_type3A_349 masked %broadcast_in_dim3A_351 : vector<16xi32>, vector<16xi1> -> vector<16xi32>
      %add3A_353 = arith.addi %add3A_310, %masked_cumsum3A_352 : vector<16xi32>
      %sub3A_354 = arith.constant 1 : i32
      %sub3A_355 = vector.broadcast %sub3A_354 : i32 to vector<16xi32>
      %sub3A_356 = arith.subi %add3A_353, %sub3A_355 : vector<16xi32>
      %shift_right_arithmetic3A_357 = arith.constant 7 : i32
      %shift_right_arithmetic3A_358 = vector.broadcast %shift_right_arithmetic3A_357 : i32 to vector<16xi32>
      %shift_right_arithmetic3A_359 = arith.shrsi %sub3A_356, %shift_right_arithmetic3A_358 : vector<16xi32>
      %and3A_360 = arith.constant 127 : i32
      %and3A_361 = vector.broadcast %and3A_360 : i32 to vector<16xi32>
      %and3A_362 = arith.andi %sub3A_356, %and3A_361 : vector<16xi32>
      tpu.vector_store_idx %arg11[%shift_right_arithmetic3A_359, %and3A_362], %get3A_313 masked %and3A_326 : memref<80x128xi32, #tpu.memory_space<vmem>>[vector<16xi32>, vector<16xi32>], vector<16xi32>, vector<16xi1>
      %shift_right_arithmetic3A_363 = arith.constant 7 : i32
      %shift_right_arithmetic3A_364 = vector.broadcast %shift_right_arithmetic3A_363 : i32 to vector<16xi32>
      %shift_right_arithmetic3A_365 = arith.shrsi %sub3A_356, %shift_right_arithmetic3A_364 : vector<16xi32>
      %and3A_366 = arith.constant 127 : i32
      %and3A_367 = vector.broadcast %and3A_366 : i32 to vector<16xi32>
      %and3A_368 = arith.andi %sub3A_356, %and3A_367 : vector<16xi32>
      %sub3A_369 = arith.constant 5000 : i32
      %sub3A_370 = vector.broadcast %sub3A_369 : i32 to vector<16xi32>
      %sub3A_371 = arith.subi %get3A_316, %sub3A_370 : vector<16xi32>
      tpu.vector_store_idx %arg12[%shift_right_arithmetic3A_365, %and3A_368], %sub3A_371 masked %and3A_326 : memref<80x128xi32, #tpu.memory_space<vmem>>[vector<16xi32>, vector<16xi32>], vector<16xi32>, vector<16xi1>
      %all_reduce_population_count3A_372 = tpu.all_reduce %and3A_326 {dim = 0 : i64, kind = #tpu.reduction_kind<sum>} : vector<16xi1> -> vector<16xi32>
      %add3A_373 = arith.addi %add3A_310, %all_reduce_population_count3A_372 : vector<16xi32>
      %get3A_374 = arith.index_cast %add3A_67 : i32 to index
      %get3A_375 = arith.constant 80 : index
      %get3A_376 = tpu.vector_load %arg7[%get3A_374, %get3A_375] {strides = array<i32>} : memref<80x128xi32, #tpu.memory_space<vmem>>, vector<16xi32>,
      %get3A_377 = arith.index_cast %add3A_67 : i32 to index
      %get3A_378 = arith.constant 80 : index
      %get3A_379 = tpu.vector_load %arg8[%get3A_377, %get3A_378] {strides = array<i32>} : memref<80x128xi32, #tpu.memory_space<vmem>>, vector<16xi32>,
      %lt3A_380 = arith.constant 5000 : i32
      %lt3A_381 = vector.broadcast %lt3A_380 : i32 to vector<16xi32>
      %lt3A_382 = arith.cmpi slt, %get3A_379, %lt3A_381 : vector<16xi32>
      %ge3A_383 = arith.constant 5000 : i32
      %ge3A_384 = vector.broadcast %ge3A_383 : i32 to vector<16xi32>
      %ge3A_385 = arith.cmpi sge, %get3A_379, %ge3A_384 : vector<16xi32>
      %lt3A_386 = arith.constant 10000 : i32
      %lt3A_387 = vector.broadcast %lt3A_386 : i32 to vector<16xi32>
      %lt3A_388 = arith.cmpi slt, %get3A_379, %lt3A_387 : vector<16xi32>
      %and3A_389 = arith.andi %ge3A_385, %lt3A_388 : vector<16xi1>
      %convert_element_type3A_390 = arith.extui %lt3A_382 : vector<16xi1> to vector<16xi32>
      %broadcast_in_dim3A_391 = arith.constant true
      %broadcast_in_dim3A_392 = vector.broadcast %broadcast_in_dim3A_391 : i1 to vector<16xi1>
      %masked_cumsum3A_393 = tpu.scan <sum>, %convert_element_type3A_390 masked %broadcast_in_dim3A_392 : vector<16xi32>, vector<16xi1> -> vector<16xi32>
      %add3A_394 = arith.addi %add3A_348, %masked_cumsum3A_393 : vector<16xi32>
      %sub3A_395 = arith.constant 1 : i32
      %sub3A_396 = vector.broadcast %sub3A_395 : i32 to vector<16xi32>
      %sub3A_397 = arith.subi %add3A_394, %sub3A_396 : vector<16xi32>
      %shift_right_arithmetic3A_398 = arith.constant 7 : i32
      %shift_right_arithmetic3A_399 = vector.broadcast %shift_right_arithmetic3A_398 : i32 to vector<16xi32>
      %shift_right_arithmetic3A_400 = arith.shrsi %sub3A_397, %shift_right_arithmetic3A_399 : vector<16xi32>
      %and3A_401 = arith.constant 127 : i32
      %and3A_402 = vector.broadcast %and3A_401 : i32 to vector<16xi32>
      %and3A_403 = arith.andi %sub3A_397, %and3A_402 : vector<16xi32>
      tpu.vector_store_idx %arg9[%shift_right_arithmetic3A_400, %and3A_403], %get3A_376 masked %lt3A_382 : memref<80x128xi32, #tpu.memory_space<vmem>>[vector<16xi32>, vector<16xi32>], vector<16xi32>, vector<16xi1>
      %shift_right_arithmetic3A_404 = arith.constant 7 : i32
      %shift_right_arithmetic3A_405 = vector.broadcast %shift_right_arithmetic3A_404 : i32 to vector<16xi32>
      %shift_right_arithmetic3A_406 = arith.shrsi %sub3A_397, %shift_right_arithmetic3A_405 : vector<16xi32>
      %and3A_407 = arith.constant 127 : i32
      %and3A_408 = vector.broadcast %and3A_407 : i32 to vector<16xi32>
      %and3A_409 = arith.andi %sub3A_397, %and3A_408 : vector<16xi32>
      tpu.vector_store_idx %arg10[%shift_right_arithmetic3A_406, %and3A_409], %get3A_379 masked %lt3A_382 : memref<80x128xi32, #tpu.memory_space<vmem>>[vector<16xi32>, vector<16xi32>], vector<16xi32>, vector<16xi1>
      %all_reduce_population_count3A_410 = tpu.all_reduce %lt3A_382 {dim = 0 : i64, kind = #tpu.reduction_kind<sum>} : vector<16xi1> -> vector<16xi32>
      %add3A_411 = arith.addi %add3A_348, %all_reduce_population_count3A_410 : vector<16xi32>
      %convert_element_type3A_412 = arith.extui %and3A_389 : vector<16xi1> to vector<16xi32>
      %broadcast_in_dim3A_413 = arith.constant true
      %broadcast_in_dim3A_414 = vector.broadcast %broadcast_in_dim3A_413 : i1 to vector<16xi1>
      %masked_cumsum3A_415 = tpu.scan <sum>, %convert_element_type3A_412 masked %broadcast_in_dim3A_414 : vector<16xi32>, vector<16xi1> -> vector<16xi32>
      %add3A_416 = arith.addi %add3A_373, %masked_cumsum3A_415 : vector<16xi32>
      %sub3A_417 = arith.constant 1 : i32
      %sub3A_418 = vector.broadcast %sub3A_417 : i32 to vector<16xi32>
      %sub3A_419 = arith.subi %add3A_416, %sub3A_418 : vector<16xi32>
      %shift_right_arithmetic3A_420 = arith.constant 7 : i32
      %shift_right_arithmetic3A_421 = vector.broadcast %shift_right_arithmetic3A_420 : i32 to vector<16xi32>
      %shift_right_arithmetic3A_422 = arith.shrsi %sub3A_419, %shift_right_arithmetic3A_421 : vector<16xi32>
      %and3A_423 = arith.constant 127 : i32
      %and3A_424 = vector.broadcast %and3A_423 : i32 to vector<16xi32>
      %and3A_425 = arith.andi %sub3A_419, %and3A_424 : vector<16xi32>
      tpu.vector_store_idx %arg11[%shift_right_arithmetic3A_422, %and3A_425], %get3A_376 masked %and3A_389 : memref<80x128xi32, #tpu.memory_space<vmem>>[vector<16xi32>, vector<16xi32>], vector<16xi32>, vector<16xi1>
      %shift_right_arithmetic3A_426 = arith.constant 7 : i32
      %shift_right_arithmetic3A_427 = vector.broadcast %shift_right_arithmetic3A_426 : i32 to vector<16xi32>
      %shift_right_arithmetic3A_428 = arith.shrsi %sub3A_419, %shift_right_arithmetic3A_427 : vector<16xi32>
      %and3A_429 = arith.constant 127 : i32
      %and3A_430 = vector.broadcast %and3A_429 : i32 to vector<16xi32>
      %and3A_431 = arith.andi %sub3A_419, %and3A_430 : vector<16xi32>
      %sub3A_432 = arith.constant 5000 : i32
      %sub3A_433 = vector.broadcast %sub3A_432 : i32 to vector<16xi32>
      %sub3A_434 = arith.subi %get3A_379, %sub3A_433 : vector<16xi32>
      tpu.vector_store_idx %arg12[%shift_right_arithmetic3A_428, %and3A_431], %sub3A_434 masked %and3A_389 : memref<80x128xi32, #tpu.memory_space<vmem>>[vector<16xi32>, vector<16xi32>], vector<16xi32>, vector<16xi1>
      %all_reduce_population_count3A_435 = tpu.all_reduce %and3A_389 {dim = 0 : i64, kind = #tpu.reduction_kind<sum>} : vector<16xi1> -> vector<16xi32>
      %add3A_436 = arith.addi %add3A_373, %all_reduce_population_count3A_435 : vector<16xi32>
      %get3A_437 = arith.index_cast %add3A_67 : i32 to index
      %get3A_438 = arith.constant 96 : index
      %get3A_439 = tpu.vector_load %arg7[%get3A_437, %get3A_438] {strides = array<i32>} : memref<80x128xi32, #tpu.memory_space<vmem>>, vector<16xi32>,
      %get3A_440 = arith.index_cast %add3A_67 : i32 to index
      %get3A_441 = arith.constant 96 : index
      %get3A_442 = tpu.vector_load %arg8[%get3A_440, %get3A_441] {strides = array<i32>} : memref<80x128xi32, #tpu.memory_space<vmem>>, vector<16xi32>,
      %lt3A_443 = arith.constant 5000 : i32
      %lt3A_444 = vector.broadcast %lt3A_443 : i32 to vector<16xi32>
      %lt3A_445 = arith.cmpi slt, %get3A_442, %lt3A_444 : vector<16xi32>
      %ge3A_446 = arith.constant 5000 : i32
      %ge3A_447 = vector.broadcast %ge3A_446 : i32 to vector<16xi32>
      %ge3A_448 = arith.cmpi sge, %get3A_442, %ge3A_447 : vector<16xi32>
      %lt3A_449 = arith.constant 10000 : i32
      %lt3A_450 = vector.broadcast %lt3A_449 : i32 to vector<16xi32>
      %lt3A_451 = arith.cmpi slt, %get3A_442, %lt3A_450 : vector<16xi32>
      %and3A_452 = arith.andi %ge3A_448, %lt3A_451 : vector<16xi1>
      %convert_element_type3A_453 = arith.extui %lt3A_445 : vector<16xi1> to vector<16xi32>
      %broadcast_in_dim3A_454 = arith.constant true
      %broadcast_in_dim3A_455 = vector.broadcast %broadcast_in_dim3A_454 : i1 to vector<16xi1>
      %masked_cumsum3A_456 = tpu.scan <sum>, %convert_element_type3A_453 masked %broadcast_in_dim3A_455 : vector<16xi32>, vector<16xi1> -> vector<16xi32>
      %add3A_457 = arith.addi %add3A_411, %masked_cumsum3A_456 : vector<16xi32>
      %sub3A_458 = arith.constant 1 : i32
      %sub3A_459 = vector.broadcast %sub3A_458 : i32 to vector<16xi32>
      %sub3A_460 = arith.subi %add3A_457, %sub3A_459 : vector<16xi32>
      %shift_right_arithmetic3A_461 = arith.constant 7 : i32
      %shift_right_arithmetic3A_462 = vector.broadcast %shift_right_arithmetic3A_461 : i32 to vector<16xi32>
      %shift_right_arithmetic3A_463 = arith.shrsi %sub3A_460, %shift_right_arithmetic3A_462 : vector<16xi32>
      %and3A_464 = arith.constant 127 : i32
      %and3A_465 = vector.broadcast %and3A_464 : i32 to vector<16xi32>
      %and3A_466 = arith.andi %sub3A_460, %and3A_465 : vector<16xi32>
      tpu.vector_store_idx %arg9[%shift_right_arithmetic3A_463, %and3A_466], %get3A_439 masked %lt3A_445 : memref<80x128xi32, #tpu.memory_space<vmem>>[vector<16xi32>, vector<16xi32>], vector<16xi32>, vector<16xi1>
      %shift_right_arithmetic3A_467 = arith.constant 7 : i32
      %shift_right_arithmetic3A_468 = vector.broadcast %shift_right_arithmetic3A_467 : i32 to vector<16xi32>
      %shift_right_arithmetic3A_469 = arith.shrsi %sub3A_460, %shift_right_arithmetic3A_468 : vector<16xi32>
      %and3A_470 = arith.constant 127 : i32
      %and3A_471 = vector.broadcast %and3A_470 : i32 to vector<16xi32>
      %and3A_472 = arith.andi %sub3A_460, %and3A_471 : vector<16xi32>
      tpu.vector_store_idx %arg10[%shift_right_arithmetic3A_469, %and3A_472], %get3A_442 masked %lt3A_445 : memref<80x128xi32, #tpu.memory_space<vmem>>[vector<16xi32>, vector<16xi32>], vector<16xi32>, vector<16xi1>
      %all_reduce_population_count3A_473 = tpu.all_reduce %lt3A_445 {dim = 0 : i64, kind = #tpu.reduction_kind<sum>} : vector<16xi1> -> vector<16xi32>
      %add3A_474 = arith.addi %add3A_411, %all_reduce_population_count3A_473 : vector<16xi32>
      %convert_element_type3A_475 = arith.extui %and3A_452 : vector<16xi1> to vector<16xi32>
      %broadcast_in_dim3A_476 = arith.constant true
      %broadcast_in_dim3A_477 = vector.broadcast %broadcast_in_dim3A_476 : i1 to vector<16xi1>
      %masked_cumsum3A_478 = tpu.scan <sum>, %convert_element_type3A_475 masked %broadcast_in_dim3A_477 : vector<16xi32>, vector<16xi1> -> vector<16xi32>
      %add3A_479 = arith.addi %add3A_436, %masked_cumsum3A_478 : vector<16xi32>
      %sub3A_480 = arith.constant 1 : i32
      %sub3A_481 = vector.broadcast %sub3A_480 : i32 to vector<16xi32>
      %sub3A_482 = arith.subi %add3A_479, %sub3A_481 : vector<16xi32>
      %shift_right_arithmetic3A_483 = arith.constant 7 : i32
      %shift_right_arithmetic3A_484 = vector.broadcast %shift_right_arithmetic3A_483 : i32 to vector<16xi32>
      %shift_right_arithmetic3A_485 = arith.shrsi %sub3A_482, %shift_right_arithmetic3A_484 : vector<16xi32>
      %and3A_486 = arith.constant 127 : i32
      %and3A_487 = vector.broadcast %and3A_486 : i32 to vector<16xi32>
      %and3A_488 = arith.andi %sub3A_482, %and3A_487 : vector<16xi32>
      tpu.vector_store_idx %arg11[%shift_right_arithmetic3A_485, %and3A_488], %get3A_439 masked %and3A_452 : memref<80x128xi32, #tpu.memory_space<vmem>>[vector<16xi32>, vector<16xi32>], vector<16xi32>, vector<16xi1>
      %shift_right_arithmetic3A_489 = arith.constant 7 : i32
      %shift_right_arithmetic3A_490 = vector.broadcast %shift_right_arithmetic3A_489 : i32 to vector<16xi32>
      %shift_right_arithmetic3A_491 = arith.shrsi %sub3A_482, %shift_right_arithmetic3A_490 : vector<16xi32>
      %and3A_492 = arith.constant 127 : i32
      %and3A_493 = vector.broadcast %and3A_492 : i32 to vector<16xi32>
      %and3A_494 = arith.andi %sub3A_482, %and3A_493 : vector<16xi32>
      %sub3A_495 = arith.constant 5000 : i32
      %sub3A_496 = vector.broadcast %sub3A_495 : i32 to vector<16xi32>
      %sub3A_497 = arith.subi %get3A_442, %sub3A_496 : vector<16xi32>
      tpu.vector_store_idx %arg12[%shift_right_arithmetic3A_491, %and3A_494], %sub3A_497 masked %and3A_452 : memref<80x128xi32, #tpu.memory_space<vmem>>[vector<16xi32>, vector<16xi32>], vector<16xi32>, vector<16xi1>
      %all_reduce_population_count3A_498 = tpu.all_reduce %and3A_452 {dim = 0 : i64, kind = #tpu.reduction_kind<sum>} : vector<16xi1> -> vector<16xi32>
      %add3A_499 = arith.addi %add3A_436, %all_reduce_population_count3A_498 : vector<16xi32>
      %get3A_500 = arith.index_cast %add3A_67 : i32 to index
      %get3A_501 = arith.constant 112 : index
      %get3A_502 = tpu.vector_load %arg7[%get3A_500, %get3A_501] {strides = array<i32>} : memref<80x128xi32, #tpu.memory_space<vmem>>, vector<16xi32>,
      %get3A_503 = arith.index_cast %add3A_67 : i32 to index
      %get3A_504 = arith.constant 112 : index
      %get3A_505 = tpu.vector_load %arg8[%get3A_503, %get3A_504] {strides = array<i32>} : memref<80x128xi32, #tpu.memory_space<vmem>>, vector<16xi32>,
      %lt3A_506 = arith.constant 5000 : i32
      %lt3A_507 = vector.broadcast %lt3A_506 : i32 to vector<16xi32>
      %lt3A_508 = arith.cmpi slt, %get3A_505, %lt3A_507 : vector<16xi32>
      %ge3A_509 = arith.constant 5000 : i32
      %ge3A_510 = vector.broadcast %ge3A_509 : i32 to vector<16xi32>
      %ge3A_511 = arith.cmpi sge, %get3A_505, %ge3A_510 : vector<16xi32>
      %lt3A_512 = arith.constant 10000 : i32
      %lt3A_513 = vector.broadcast %lt3A_512 : i32 to vector<16xi32>
      %lt3A_514 = arith.cmpi slt, %get3A_505, %lt3A_513 : vector<16xi32>
      %and3A_515 = arith.andi %ge3A_511, %lt3A_514 : vector<16xi1>
      %convert_element_type3A_516 = arith.extui %lt3A_508 : vector<16xi1> to vector<16xi32>
      %broadcast_in_dim3A_517 = arith.constant true
      %broadcast_in_dim3A_518 = vector.broadcast %broadcast_in_dim3A_517 : i1 to vector<16xi1>
      %masked_cumsum3A_519 = tpu.scan <sum>, %convert_element_type3A_516 masked %broadcast_in_dim3A_518 : vector<16xi32>, vector<16xi1> -> vector<16xi32>
      %add3A_520 = arith.addi %add3A_474, %masked_cumsum3A_519 : vector<16xi32>
      %sub3A_521 = arith.constant 1 : i32
      %sub3A_522 = vector.broadcast %sub3A_521 : i32 to vector<16xi32>
      %sub3A_523 = arith.subi %add3A_520, %sub3A_522 : vector<16xi32>
      %shift_right_arithmetic3A_524 = arith.constant 7 : i32
      %shift_right_arithmetic3A_525 = vector.broadcast %shift_right_arithmetic3A_524 : i32 to vector<16xi32>
      %shift_right_arithmetic3A_526 = arith.shrsi %sub3A_523, %shift_right_arithmetic3A_525 : vector<16xi32>
      %and3A_527 = arith.constant 127 : i32
      %and3A_528 = vector.broadcast %and3A_527 : i32 to vector<16xi32>
      %and3A_529 = arith.andi %sub3A_523, %and3A_528 : vector<16xi32>
      tpu.vector_store_idx %arg9[%shift_right_arithmetic3A_526, %and3A_529], %get3A_502 masked %lt3A_508 : memref<80x128xi32, #tpu.memory_space<vmem>>[vector<16xi32>, vector<16xi32>], vector<16xi32>, vector<16xi1>
      %shift_right_arithmetic3A_530 = arith.constant 7 : i32
      %shift_right_arithmetic3A_531 = vector.broadcast %shift_right_arithmetic3A_530 : i32 to vector<16xi32>
      %shift_right_arithmetic3A_532 = arith.shrsi %sub3A_523, %shift_right_arithmetic3A_531 : vector<16xi32>
      %and3A_533 = arith.constant 127 : i32
      %and3A_534 = vector.broadcast %and3A_533 : i32 to vector<16xi32>
      %and3A_535 = arith.andi %sub3A_523, %and3A_534 : vector<16xi32>
      tpu.vector_store_idx %arg10[%shift_right_arithmetic3A_532, %and3A_535], %get3A_505 masked %lt3A_508 : memref<80x128xi32, #tpu.memory_space<vmem>>[vector<16xi32>, vector<16xi32>], vector<16xi32>, vector<16xi1>
      %all_reduce_population_count3A_536 = tpu.all_reduce %lt3A_508 {dim = 0 : i64, kind = #tpu.reduction_kind<sum>} : vector<16xi1> -> vector<16xi32>
      %add3A_537 = arith.addi %add3A_474, %all_reduce_population_count3A_536 : vector<16xi32>
      %convert_element_type3A_538 = arith.extui %and3A_515 : vector<16xi1> to vector<16xi32>
      %broadcast_in_dim3A_539 = arith.constant true
      %broadcast_in_dim3A_540 = vector.broadcast %broadcast_in_dim3A_539 : i1 to vector<16xi1>
      %masked_cumsum3A_541 = tpu.scan <sum>, %convert_element_type3A_538 masked %broadcast_in_dim3A_540 : vector<16xi32>, vector<16xi1> -> vector<16xi32>
      %add3A_542 = arith.addi %add3A_499, %masked_cumsum3A_541 : vector<16xi32>
      %sub3A_543 = arith.constant 1 : i32
      %sub3A_544 = vector.broadcast %sub3A_543 : i32 to vector<16xi32>
      %sub3A_545 = arith.subi %add3A_542, %sub3A_544 : vector<16xi32>
      %shift_right_arithmetic3A_546 = arith.constant 7 : i32
      %shift_right_arithmetic3A_547 = vector.broadcast %shift_right_arithmetic3A_546 : i32 to vector<16xi32>
      %shift_right_arithmetic3A_548 = arith.shrsi %sub3A_545, %shift_right_arithmetic3A_547 : vector<16xi32>
      %and3A_549 = arith.constant 127 : i32
      %and3A_550 = vector.broadcast %and3A_549 : i32 to vector<16xi32>
      %and3A_551 = arith.andi %sub3A_545, %and3A_550 : vector<16xi32>
      tpu.vector_store_idx %arg11[%shift_right_arithmetic3A_548, %and3A_551], %get3A_502 masked %and3A_515 : memref<80x128xi32, #tpu.memory_space<vmem>>[vector<16xi32>, vector<16xi32>], vector<16xi32>, vector<16xi1>
      %shift_right_arithmetic3A_552 = arith.constant 7 : i32
      %shift_right_arithmetic3A_553 = vector.broadcast %shift_right_arithmetic3A_552 : i32 to vector<16xi32>
      %shift_right_arithmetic3A_554 = arith.shrsi %sub3A_545, %shift_right_arithmetic3A_553 : vector<16xi32>
      %and3A_555 = arith.constant 127 : i32
      %and3A_556 = vector.broadcast %and3A_555 : i32 to vector<16xi32>
      %and3A_557 = arith.andi %sub3A_545, %and3A_556 : vector<16xi32>
      %sub3A_558 = arith.constant 5000 : i32
      %sub3A_559 = vector.broadcast %sub3A_558 : i32 to vector<16xi32>
      %sub3A_560 = arith.subi %get3A_505, %sub3A_559 : vector<16xi32>
      tpu.vector_store_idx %arg12[%shift_right_arithmetic3A_554, %and3A_557], %sub3A_560 masked %and3A_515 : memref<80x128xi32, #tpu.memory_space<vmem>>[vector<16xi32>, vector<16xi32>], vector<16xi32>, vector<16xi1>
      %all_reduce_population_count3A_561 = tpu.all_reduce %and3A_515 {dim = 0 : i64, kind = #tpu.reduction_kind<sum>} : vector<16xi1> -> vector<16xi32>
      %add3A_562 = arith.addi %add3A_499, %all_reduce_population_count3A_561 : vector<16xi32>
      scf.yield %add3A_537, %add3A_562 : vector<16xi32>, vector<16xi32>
    }
    %scan3A_15 = arith.constant 80 : i32
    %swap3A = arith.constant 0 : index
    %swap3A_16 = tpu.vector_load %arg13[%swap3A] {strides = array<i32>} : memref<256xi32, #tpu.memory_space<vmem>>, vector<16xi32>,
    tpu.vector_store %arg13[%swap3A], %scan3A_14#0 {strides = array<i32>} : memref<256xi32, #tpu.memory_space<vmem>>, vector<16xi32>,
    %swap3A_17 = arith.constant 128 : index
    %swap3A_18 = tpu.vector_load %arg13[%swap3A_17] {strides = array<i32>} : memref<256xi32, #tpu.memory_space<vmem>>, vector<16xi32>,
    tpu.vector_store %arg13[%swap3A_17], %scan3A_14#1 {strides = array<i32>} : memref<256xi32, #tpu.memory_space<vmem>>, vector<16xi32>,
    %swap3A_19 = arith.constant 16 : index
    %swap3A_20 = tpu.vector_load %arg13[%swap3A_19] {strides = array<i32>} : memref<256xi32, #tpu.memory_space<vmem>>, vector<16xi32>,
    tpu.vector_store %arg13[%swap3A_19], %scan3A_14#0 {strides = array<i32>} : memref<256xi32, #tpu.memory_space<vmem>>, vector<16xi32>,
    %swap3A_21 = arith.constant 144 : index
    %swap3A_22 = tpu.vector_load %arg13[%swap3A_21] {strides = array<i32>} : memref<256xi32, #tpu.memory_space<vmem>>, vector<16xi32>,
    tpu.vector_store %arg13[%swap3A_21], %scan3A_14#1 {strides = array<i32>} : memref<256xi32, #tpu.memory_space<vmem>>, vector<16xi32>,
    %swap3A_23 = arith.constant 32 : index
    %swap3A_24 = tpu.vector_load %arg13[%swap3A_23] {strides = array<i32>} : memref<256xi32, #tpu.memory_space<vmem>>, vector<16xi32>,
    tpu.vector_store %arg13[%swap3A_23], %scan3A_14#0 {strides = array<i32>} : memref<256xi32, #tpu.memory_space<vmem>>, vector<16xi32>,
    %swap3A_25 = arith.constant 160 : index
    %swap3A_26 = tpu.vector_load %arg13[%swap3A_25] {strides = array<i32>} : memref<256xi32, #tpu.memory_space<vmem>>, vector<16xi32>,
    tpu.vector_store %arg13[%swap3A_25], %scan3A_14#1 {strides = array<i32>} : memref<256xi32, #tpu.memory_space<vmem>>, vector<16xi32>,
    %swap3A_27 = arith.constant 48 : index
    %swap3A_28 = tpu.vector_load %arg13[%swap3A_27] {strides = array<i32>} : memref<256xi32, #tpu.memory_space<vmem>>, vector<16xi32>,
    tpu.vector_store %arg13[%swap3A_27], %scan3A_14#0 {strides = array<i32>} : memref<256xi32, #tpu.memory_space<vmem>>, vector<16xi32>,
    %swap3A_29 = arith.constant 176 : index
    %swap3A_30 = tpu.vector_load %arg13[%swap3A_29] {strides = array<i32>} : memref<256xi32, #tpu.memory_space<vmem>>, vector<16xi32>,
    tpu.vector_store %arg13[%swap3A_29], %scan3A_14#1 {strides = array<i32>} : memref<256xi32, #tpu.memory_space<vmem>>, vector<16xi32>,
    %swap3A_31 = arith.constant 64 : index
    %swap3A_32 = tpu.vector_load %arg13[%swap3A_31] {strides = array<i32>} : memref<256xi32, #tpu.memory_space<vmem>>, vector<16xi32>,
    tpu.vector_store %arg13[%swap3A_31], %scan3A_14#0 {strides = array<i32>} : memref<256xi32, #tpu.memory_space<vmem>>, vector<16xi32>,
    %swap3A_33 = arith.constant 192 : index
    %swap3A_34 = tpu.vector_load %arg13[%swap3A_33] {strides = array<i32>} : memref<256xi32, #tpu.memory_space<vmem>>, vector<16xi32>,
    tpu.vector_store %arg13[%swap3A_33], %scan3A_14#1 {strides = array<i32>} : memref<256xi32, #tpu.memory_space<vmem>>, vector<16xi32>,
    %swap3A_35 = arith.constant 80 : index
    %swap3A_36 = tpu.vector_load %arg13[%swap3A_35] {strides = array<i32>} : memref<256xi32, #tpu.memory_space<vmem>>, vector<16xi32>,
    tpu.vector_store %arg13[%swap3A_35], %scan3A_14#0 {strides = array<i32>} : memref<256xi32, #tpu.memory_space<vmem>>, vector<16xi32>,
    %swap3A_37 = arith.constant 208 : index
    %swap3A_38 = tpu.vector_load %arg13[%swap3A_37] {strides = array<i32>} : memref<256xi32, #tpu.memory_space<vmem>>, vector<16xi32>,
    tpu.vector_store %arg13[%swap3A_37], %scan3A_14#1 {strides = array<i32>} : memref<256xi32, #tpu.memory_space<vmem>>, vector<16xi32>,
    %swap3A_39 = arith.constant 96 : index
    %swap3A_40 = tpu.vector_load %arg13[%swap3A_39] {strides = array<i32>} : memref<256xi32, #tpu.memory_space<vmem>>, vector<16xi32>,
    tpu.vector_store %arg13[%swap3A_39], %scan3A_14#0 {strides = array<i32>} : memref<256xi32, #tpu.memory_space<vmem>>, vector<16xi32>,
    %swap3A_41 = arith.constant 224 : index
    %swap3A_42 = tpu.vector_load %arg13[%swap3A_41] {strides = array<i32>} : memref<256xi32, #tpu.memory_space<vmem>>, vector<16xi32>,
    tpu.vector_store %arg13[%swap3A_41], %scan3A_14#1 {strides = array<i32>} : memref<256xi32, #tpu.memory_space<vmem>>, vector<16xi32>,
    %swap3A_43 = arith.constant 112 : index
    %swap3A_44 = tpu.vector_load %arg13[%swap3A_43] {strides = array<i32>} : memref<256xi32, #tpu.memory_space<vmem>>, vector<16xi32>,
    tpu.vector_store %arg13[%swap3A_43], %scan3A_14#0 {strides = array<i32>} : memref<256xi32, #tpu.memory_space<vmem>>, vector<16xi32>,
    %swap3A_45 = arith.constant 240 : index
    %swap3A_46 = tpu.vector_load %arg13[%swap3A_45] {strides = array<i32>} : memref<256xi32, #tpu.memory_space<vmem>>, vector<16xi32>,
    tpu.vector_store %arg13[%swap3A_45], %scan3A_14#1 {strides = array<i32>} : memref<256xi32, #tpu.memory_space<vmem>>, vector<16xi32>,
    %mul3A_47 = arith.constant 80 : i32
    %mul3A_48 = arith.muli %add3A, %mul3A_47 : i32
    "tpu.region"() ({
      %run_scoped3A = tpu.sem_alloc : memref<!tpu.dma_semaphore, #tpu.memory_space<semaphore_mem>>
      %dma_start3A = arith.constant 0 : i32
      %dma_start3A_61 = tpu.memref_slice %arg4[%mul3A_48, %dma_start3A] : memref<5120x128xi32, #tpu.memory_space<hbm>> -> memref<80x128xi32, #tpu.memory_space<hbm>>
      %dma_start3A_62 = arith.constant 0 : i32
      %dma_start3A_63 = tpu.memref_slice %arg4[%mul3A_48, %dma_start3A_62] : memref<5120x128xi32, #tpu.memory_space<hbm>> -> memref<80x128xi32, #tpu.memory_space<hbm>>
      tpu.enqueue_dma source(%arg9 : memref<80x128xi32, #tpu.memory_space<vmem>>) target(%dma_start3A_63 : memref<80x128xi32, #tpu.memory_space<hbm>>) target_semaphore(%run_scoped3A : memref<!tpu.dma_semaphore, #tpu.memory_space<semaphore_mem>>)
      %dma_wait3A = arith.constant 0 : i32
      %dma_wait3A_64 = tpu.memref_slice %arg4[%mul3A_48, %dma_wait3A] : memref<5120x128xi32, #tpu.memory_space<hbm>> -> memref<80x128xi32, #tpu.memory_space<hbm>>
      %dma_wait3A_65 = arith.constant 0 : i32
      %dma_wait3A_66 = tpu.memref_slice %arg4[%mul3A_48, %dma_wait3A_65] : memref<5120x128xi32, #tpu.memory_space<hbm>> -> memref<80x128xi32, #tpu.memory_space<hbm>>
      tpu.wait_dma2 semaphore(%run_scoped3A : memref<!tpu.dma_semaphore, #tpu.memory_space<semaphore_mem>>) src(%arg9 : memref<80x128xi32, #tpu.memory_space<vmem>>) dst(%dma_wait3A_66 : memref<80x128xi32, #tpu.memory_space<hbm>>)
      tpu.yield
    }) : () -> ()
    %mul3A_49 = arith.constant 80 : i32
    %mul3A_50 = arith.muli %add3A, %mul3A_49 : i32
    %add3A_51 = arith.constant 2560 : i32
    %add3A_52 = arith.addi %add3A_51, %mul3A_50 : i32
    "tpu.region"() ({
      %run_scoped3A = tpu.sem_alloc : memref<!tpu.dma_semaphore, #tpu.memory_space<semaphore_mem>>
      %dma_start3A = arith.constant 0 : i32
      %dma_start3A_61 = tpu.memref_slice %arg4[%add3A_52, %dma_start3A] : memref<5120x128xi32, #tpu.memory_space<hbm>> -> memref<80x128xi32, #tpu.memory_space<hbm>>
      %dma_start3A_62 = arith.constant 0 : i32
      %dma_start3A_63 = tpu.memref_slice %arg4[%add3A_52, %dma_start3A_62] : memref<5120x128xi32, #tpu.memory_space<hbm>> -> memref<80x128xi32, #tpu.memory_space<hbm>>
      tpu.enqueue_dma source(%arg11 : memref<80x128xi32, #tpu.memory_space<vmem>>) target(%dma_start3A_63 : memref<80x128xi32, #tpu.memory_space<hbm>>) target_semaphore(%run_scoped3A : memref<!tpu.dma_semaphore, #tpu.memory_space<semaphore_mem>>)
      %dma_wait3A = arith.constant 0 : i32
      %dma_wait3A_64 = tpu.memref_slice %arg4[%add3A_52, %dma_wait3A] : memref<5120x128xi32, #tpu.memory_space<hbm>> -> memref<80x128xi32, #tpu.memory_space<hbm>>
      %dma_wait3A_65 = arith.constant 0 : i32
      %dma_wait3A_66 = tpu.memref_slice %arg4[%add3A_52, %dma_wait3A_65] : memref<5120x128xi32, #tpu.memory_space<hbm>> -> memref<80x128xi32, #tpu.memory_space<hbm>>
      tpu.wait_dma2 semaphore(%run_scoped3A : memref<!tpu.dma_semaphore, #tpu.memory_space<semaphore_mem>>) src(%arg11 : memref<80x128xi32, #tpu.memory_space<vmem>>) dst(%dma_wait3A_66 : memref<80x128xi32, #tpu.memory_space<hbm>>)
      tpu.yield
    }) : () -> ()
    %mul3A_53 = arith.constant 80 : i32
    %mul3A_54 = arith.muli %add3A, %mul3A_53 : i32
    "tpu.region"() ({
      %run_scoped3A = tpu.sem_alloc : memref<!tpu.dma_semaphore, #tpu.memory_space<semaphore_mem>>
      %dma_start3A = arith.constant 0 : i32
      %dma_start3A_61 = tpu.memref_slice %arg5[%mul3A_54, %dma_start3A] : memref<5120x128xi32, #tpu.memory_space<hbm>> -> memref<80x128xi32, #tpu.memory_space<hbm>>
      %dma_start3A_62 = arith.constant 0 : i32
      %dma_start3A_63 = tpu.memref_slice %arg5[%mul3A_54, %dma_start3A_62] : memref<5120x128xi32, #tpu.memory_space<hbm>> -> memref<80x128xi32, #tpu.memory_space<hbm>>
      tpu.enqueue_dma source(%arg10 : memref<80x128xi32, #tpu.memory_space<vmem>>) target(%dma_start3A_63 : memref<80x128xi32, #tpu.memory_space<hbm>>) target_semaphore(%run_scoped3A : memref<!tpu.dma_semaphore, #tpu.memory_space<semaphore_mem>>)
      %dma_wait3A = arith.constant 0 : i32
      %dma_wait3A_64 = tpu.memref_slice %arg5[%mul3A_54, %dma_wait3A] : memref<5120x128xi32, #tpu.memory_space<hbm>> -> memref<80x128xi32, #tpu.memory_space<hbm>>
      %dma_wait3A_65 = arith.constant 0 : i32
      %dma_wait3A_66 = tpu.memref_slice %arg5[%mul3A_54, %dma_wait3A_65] : memref<5120x128xi32, #tpu.memory_space<hbm>> -> memref<80x128xi32, #tpu.memory_space<hbm>>
      tpu.wait_dma2 semaphore(%run_scoped3A : memref<!tpu.dma_semaphore, #tpu.memory_space<semaphore_mem>>) src(%arg10 : memref<80x128xi32, #tpu.memory_space<vmem>>) dst(%dma_wait3A_66 : memref<80x128xi32, #tpu.memory_space<hbm>>)
      tpu.yield
    }) : () -> ()
    %mul3A_55 = arith.constant 80 : i32
    %mul3A_56 = arith.muli %add3A, %mul3A_55 : i32
    %add3A_57 = arith.constant 2560 : i32
    %add3A_58 = arith.addi %add3A_57, %mul3A_56 : i32
    "tpu.region"() ({
      %run_scoped3A = tpu.sem_alloc : memref<!tpu.dma_semaphore, #tpu.memory_space<semaphore_mem>>
      %dma_start3A = arith.constant 0 : i32
      %dma_start3A_61 = tpu.memref_slice %arg5[%add3A_58, %dma_start3A] : memref<5120x128xi32, #tpu.memory_space<hbm>> -> memref<80x128xi32, #tpu.memory_space<hbm>>
      %dma_start3A_62 = arith.constant 0 : i32
      %dma_start3A_63 = tpu.memref_slice %arg5[%add3A_58, %dma_start3A_62] : memref<5120x128xi32, #tpu.memory_space<hbm>> -> memref<80x128xi32, #tpu.memory_space<hbm>>
      tpu.enqueue_dma source(%arg12 : memref<80x128xi32, #tpu.memory_space<vmem>>) target(%dma_start3A_63 : memref<80x128xi32, #tpu.memory_space<hbm>>) target_semaphore(%run_scoped3A : memref<!tpu.dma_semaphore, #tpu.memory_space<semaphore_mem>>)
      %dma_wait3A = arith.constant 0 : i32
      %dma_wait3A_64 = tpu.memref_slice %arg5[%add3A_58, %dma_wait3A] : memref<5120x128xi32, #tpu.memory_space<hbm>> -> memref<80x128xi32, #tpu.memory_space<hbm>>
      %dma_wait3A_65 = arith.constant 0 : i32
      %dma_wait3A_66 = tpu.memref_slice %arg5[%add3A_58, %dma_wait3A_65] : memref<5120x128xi32, #tpu.memory_space<hbm>> -> memref<80x128xi32, #tpu.memory_space<hbm>>
      tpu.wait_dma2 semaphore(%run_scoped3A : memref<!tpu.dma_semaphore, #tpu.memory_space<semaphore_mem>>) src(%arg12 : memref<80x128xi32, #tpu.memory_space<vmem>>) dst(%dma_wait3A_66 : memref<80x128xi32, #tpu.memory_space<hbm>>)
      tpu.yield
    }) : () -> ()
    %mul3A_59 = arith.constant 256 : i32
    %mul3A_60 = arith.muli %add3A, %mul3A_59 : i32
    "tpu.region"() ({
      %run_scoped3A = tpu.sem_alloc : memref<!tpu.dma_semaphore, #tpu.memory_space<semaphore_mem>>
      %dma_start3A = tpu.memref_slice %arg6[%mul3A_60] : memref<8192xi32, #tpu.memory_space<hbm>> -> memref<256xi32, #tpu.memory_space<hbm>>
      %dma_start3A_61 = tpu.memref_slice %arg6[%mul3A_60] : memref<8192xi32, #tpu.memory_space<hbm>> -> memref<256xi32, #tpu.memory_space<hbm>>
      tpu.enqueue_dma source(%arg13 : memref<256xi32, #tpu.memory_space<vmem>>) target(%dma_start3A_61 : memref<256xi32, #tpu.memory_space<hbm>>) target_semaphore(%run_scoped3A : memref<!tpu.dma_semaphore, #tpu.memory_space<semaphore_mem>>)
      %dma_wait3A = tpu.memref_slice %arg6[%mul3A_60] : memref<8192xi32, #tpu.memory_space<hbm>> -> memref<256xi32, #tpu.memory_space<hbm>>
      %dma_wait3A_62 = tpu.memref_slice %arg6[%mul3A_60] : memref<8192xi32, #tpu.memory_space<hbm>> -> memref<256xi32, #tpu.memory_space<hbm>>
      tpu.wait_dma2 semaphore(%run_scoped3A : memref<!tpu.dma_semaphore, #tpu.memory_space<semaphore_mem>>) src(%arg13 : memref<256xi32, #tpu.memory_space<vmem>>) dst(%dma_wait3A_62 : memref<256xi32, #tpu.memory_space<hbm>>)
      tpu.yield
    }) : () -> ()
    return
  }
}

#map = affine_map<(d0, d1) -> (0, 0)>
#map1 = affine_map<(d0, d1) -> (0)>
module attributes {stable_mosaic.version = 14 : i64} {
  func.func @_scatter_body(%arg0: i32, %arg1: i32, %arg2: memref<10000x128xf32, #tpu.memory_space<hbm>>, %arg3: memref<5120x128xi32, #tpu.memory_space<hbm>>, %arg4: memref<5120x128xi32, #tpu.memory_space<hbm>>, %arg5: memref<8192xi32, #tpu.memory_space<hbm>>, %arg6: memref<5120x128xf32, #tpu.memory_space<hbm>>, %arg7: memref<10240x128xf32, #tpu.memory_space<hbm>>, %arg8: memref<160x128xi32, #tpu.memory_space<vmem>>, %arg9: memref<160x128xi32, #tpu.memory_space<vmem>>, %arg10: memref<256xi32, #tpu.memory_space<vmem>>, %arg11: memref<128x128xf32, #tpu.memory_space<vmem>>, %arg12: memref<128x128xf32, #tpu.memory_space<vmem>>, %arg13: memref<5120x128xf32, #tpu.memory_space<vmem_shared>>, %arg14: memref<!tpu.dma_semaphore, #tpu.memory_space<semaphore_mem>>, %arg15: memref<!tpu.dma_semaphore, #tpu.memory_space<semaphore_mem>>) attributes {dimension_semantics = [#tpu.dimension_semantics<core_parallel>, #tpu.dimension_semantics<subcore_parallel>], iteration_bounds = array<i64: 2, 16>, scalar_prefetch = 0 : i64, scratch_operands = 8 : i64, tpu.core_type = #tpu.core_type<sc_vector_subcore>, window_params = [{transform_indices = #map}, {transform_indices = #map}, {transform_indices = #map}, {transform_indices = #map1}, {transform_indices = #map}, {transform_indices = #map}]} {
    %mul3A = arith.constant 320 : i32
    %mul3A_0 = arith.muli %arg1, %mul3A : i32
    %mul3A_1 = arith.constant 320 : i32
    %mul3A_2 = arith.muli %arg1, %mul3A_1 : i32
    "tpu.region"() ({
      %run_scoped3A = tpu.sem_alloc : memref<!tpu.dma_semaphore, #tpu.memory_space<semaphore_mem>>
      %dma_start3A = arith.constant 0 : i32
      %dma_start3A_100 = tpu.memref_slice %arg13[%mul3A_2, %dma_start3A] : memref<5120x128xf32, #tpu.memory_space<vmem_shared>> -> memref<320x128xf32, #tpu.memory_space<vmem_shared>>
      %dma_start3A_101 = arith.constant 0 : i32
      %dma_start3A_102 = tpu.memref_slice %arg6[%mul3A_0, %dma_start3A_101] : memref<5120x128xf32, #tpu.memory_space<hbm>> -> memref<320x128xf32, #tpu.memory_space<hbm>>
      tpu.enqueue_dma source(%dma_start3A_102 : memref<320x128xf32, #tpu.memory_space<hbm>>) target(%dma_start3A_100 : memref<320x128xf32, #tpu.memory_space<vmem_shared>>) target_semaphore(%run_scoped3A : memref<!tpu.dma_semaphore, #tpu.memory_space<semaphore_mem>>)
      %dma_wait3A = arith.constant 0 : i32
      %dma_wait3A_103 = tpu.memref_slice %arg13[%mul3A_2, %dma_wait3A] : memref<5120x128xf32, #tpu.memory_space<vmem_shared>> -> memref<320x128xf32, #tpu.memory_space<vmem_shared>>
      %dma_wait3A_104 = arith.constant 0 : i32
      %dma_wait3A_105 = tpu.memref_slice %arg6[%mul3A_0, %dma_wait3A_104] : memref<5120x128xf32, #tpu.memory_space<hbm>> -> memref<320x128xf32, #tpu.memory_space<hbm>>
      tpu.wait_dma2 semaphore(%run_scoped3A : memref<!tpu.dma_semaphore, #tpu.memory_space<semaphore_mem>>) src(%dma_wait3A_105 : memref<320x128xf32, #tpu.memory_space<hbm>>) dst(%dma_wait3A_103 : memref<320x128xf32, #tpu.memory_space<vmem_shared>>)
      tpu.yield
    }) : () -> ()
    %mul3A_3 = arith.constant 2560 : i32
    %mul3A_4 = arith.muli %arg0, %mul3A_3 : i32
    %mul3A_5 = arith.constant 2 : i32
    %mul3A_6 = arith.muli %arg1, %mul3A_5 : i32
    %mul3A_7 = arith.constant 80 : i32
    %mul3A_8 = arith.muli %mul3A_6, %mul3A_7 : i32
    %add3A = arith.addi %mul3A_4, %mul3A_8 : i32
    "tpu.region"() ({
      %run_scoped3A = tpu.sem_alloc : memref<!tpu.dma_semaphore, #tpu.memory_space<semaphore_mem>>
      %dma_start3A = arith.constant 0 : i32
      %dma_start3A_100 = tpu.memref_slice %arg3[%add3A, %dma_start3A] : memref<5120x128xi32, #tpu.memory_space<hbm>> -> memref<160x128xi32, #tpu.memory_space<hbm>>
      %dma_start3A_101 = arith.constant 0 : i32
      %dma_start3A_102 = tpu.memref_slice %arg3[%add3A, %dma_start3A_101] : memref<5120x128xi32, #tpu.memory_space<hbm>> -> memref<160x128xi32, #tpu.memory_space<hbm>>
      tpu.enqueue_dma source(%dma_start3A_102 : memref<160x128xi32, #tpu.memory_space<hbm>>) target(%arg8 : memref<160x128xi32, #tpu.memory_space<vmem>>) target_semaphore(%run_scoped3A : memref<!tpu.dma_semaphore, #tpu.memory_space<semaphore_mem>>)
      %dma_wait3A = arith.constant 0 : i32
      %dma_wait3A_103 = tpu.memref_slice %arg3[%add3A, %dma_wait3A] : memref<5120x128xi32, #tpu.memory_space<hbm>> -> memref<160x128xi32, #tpu.memory_space<hbm>>
      %dma_wait3A_104 = arith.constant 0 : i32
      %dma_wait3A_105 = tpu.memref_slice %arg3[%add3A, %dma_wait3A_104] : memref<5120x128xi32, #tpu.memory_space<hbm>> -> memref<160x128xi32, #tpu.memory_space<hbm>>
      tpu.wait_dma2 semaphore(%run_scoped3A : memref<!tpu.dma_semaphore, #tpu.memory_space<semaphore_mem>>) src(%dma_wait3A_105 : memref<160x128xi32, #tpu.memory_space<hbm>>) dst(%arg8 : memref<160x128xi32, #tpu.memory_space<vmem>>)
      tpu.yield
    }) : () -> ()
    %mul3A_9 = arith.constant 2560 : i32
    %mul3A_10 = arith.muli %arg0, %mul3A_9 : i32
    %mul3A_11 = arith.constant 2 : i32
    %mul3A_12 = arith.muli %arg1, %mul3A_11 : i32
    %mul3A_13 = arith.constant 80 : i32
    %mul3A_14 = arith.muli %mul3A_12, %mul3A_13 : i32
    %add3A_15 = arith.addi %mul3A_10, %mul3A_14 : i32
    "tpu.region"() ({
      %run_scoped3A = tpu.sem_alloc : memref<!tpu.dma_semaphore, #tpu.memory_space<semaphore_mem>>
      %dma_start3A = arith.constant 0 : i32
      %dma_start3A_100 = tpu.memref_slice %arg4[%add3A_15, %dma_start3A] : memref<5120x128xi32, #tpu.memory_space<hbm>> -> memref<160x128xi32, #tpu.memory_space<hbm>>
      %dma_start3A_101 = arith.constant 0 : i32
      %dma_start3A_102 = tpu.memref_slice %arg4[%add3A_15, %dma_start3A_101] : memref<5120x128xi32, #tpu.memory_space<hbm>> -> memref<160x128xi32, #tpu.memory_space<hbm>>
      tpu.enqueue_dma source(%dma_start3A_102 : memref<160x128xi32, #tpu.memory_space<hbm>>) target(%arg9 : memref<160x128xi32, #tpu.memory_space<vmem>>) target_semaphore(%run_scoped3A : memref<!tpu.dma_semaphore, #tpu.memory_space<semaphore_mem>>)
      %dma_wait3A = arith.constant 0 : i32
      %dma_wait3A_103 = tpu.memref_slice %arg4[%add3A_15, %dma_wait3A] : memref<5120x128xi32, #tpu.memory_space<hbm>> -> memref<160x128xi32, #tpu.memory_space<hbm>>
      %dma_wait3A_104 = arith.constant 0 : i32
      %dma_wait3A_105 = tpu.memref_slice %arg4[%add3A_15, %dma_wait3A_104] : memref<5120x128xi32, #tpu.memory_space<hbm>> -> memref<160x128xi32, #tpu.memory_space<hbm>>
      tpu.wait_dma2 semaphore(%run_scoped3A : memref<!tpu.dma_semaphore, #tpu.memory_space<semaphore_mem>>) src(%dma_wait3A_105 : memref<160x128xi32, #tpu.memory_space<hbm>>) dst(%arg9 : memref<160x128xi32, #tpu.memory_space<vmem>>)
      tpu.yield
    }) : () -> ()
    %mul3A_16 = arith.constant 2 : i32
    %mul3A_17 = arith.muli %mul3A_16, %arg1 : i32
    %mul3A_18 = arith.constant 256 : i32
    %mul3A_19 = arith.muli %mul3A_17, %mul3A_18 : i32
    %mul3A_20 = arith.constant 128 : i32
    %mul3A_21 = arith.muli %arg0, %mul3A_20 : i32
    %add3A_22 = arith.addi %mul3A_19, %mul3A_21 : i32
    "tpu.region"() ({
      %run_scoped3A = tpu.sem_alloc : memref<!tpu.dma_semaphore, #tpu.memory_space<semaphore_mem>>
      %dma_start3A = arith.constant 0 : i32
      %dma_start3A_100 = tpu.memref_slice %arg10[%dma_start3A] : memref<256xi32, #tpu.memory_space<vmem>> -> memref<128xi32, #tpu.memory_space<vmem>>
      %dma_start3A_101 = tpu.memref_slice %arg5[%add3A_22] : memref<8192xi32, #tpu.memory_space<hbm>> -> memref<128xi32, #tpu.memory_space<hbm>>
      %dma_start3A_102 = arith.constant 0 : i32
      %dma_start3A_103 = tpu.memref_slice %arg10[%dma_start3A_102] : memref<256xi32, #tpu.memory_space<vmem>> -> memref<128xi32, #tpu.memory_space<vmem>>
      %dma_start3A_104 = tpu.memref_slice %arg5[%add3A_22] : memref<8192xi32, #tpu.memory_space<hbm>> -> memref<128xi32, #tpu.memory_space<hbm>>
      tpu.enqueue_dma source(%dma_start3A_104 : memref<128xi32, #tpu.memory_space<hbm>>) target(%dma_start3A_103 : memref<128xi32, #tpu.memory_space<vmem>>) target_semaphore(%run_scoped3A : memref<!tpu.dma_semaphore, #tpu.memory_space<semaphore_mem>>)
      %dma_wait3A = arith.constant 0 : i32
      %dma_wait3A_105 = tpu.memref_slice %arg10[%dma_wait3A] : memref<256xi32, #tpu.memory_space<vmem>> -> memref<128xi32, #tpu.memory_space<vmem>>
      %dma_wait3A_106 = tpu.memref_slice %arg5[%add3A_22] : memref<8192xi32, #tpu.memory_space<hbm>> -> memref<128xi32, #tpu.memory_space<hbm>>
      %dma_wait3A_107 = arith.constant 0 : i32
      %dma_wait3A_108 = tpu.memref_slice %arg10[%dma_wait3A_107] : memref<256xi32, #tpu.memory_space<vmem>> -> memref<128xi32, #tpu.memory_space<vmem>>
      %dma_wait3A_109 = tpu.memref_slice %arg5[%add3A_22] : memref<8192xi32, #tpu.memory_space<hbm>> -> memref<128xi32, #tpu.memory_space<hbm>>
      tpu.wait_dma2 semaphore(%run_scoped3A : memref<!tpu.dma_semaphore, #tpu.memory_space<semaphore_mem>>) src(%dma_wait3A_109 : memref<128xi32, #tpu.memory_space<hbm>>) dst(%dma_wait3A_108 : memref<128xi32, #tpu.memory_space<vmem>>)
      tpu.yield
    }) : () -> ()
    %mul3A_23 = arith.constant 2 : i32
    %mul3A_24 = arith.muli %mul3A_23, %arg1 : i32
    %add3A_25 = arith.constant 1 : i32
    %add3A_26 = arith.addi %mul3A_24, %add3A_25 : i32
    %mul3A_27 = arith.constant 256 : i32
    %mul3A_28 = arith.muli %add3A_26, %mul3A_27 : i32
    %mul3A_29 = arith.constant 128 : i32
    %mul3A_30 = arith.muli %arg0, %mul3A_29 : i32
    %add3A_31 = arith.addi %mul3A_28, %mul3A_30 : i32
    "tpu.region"() ({
      %run_scoped3A = tpu.sem_alloc : memref<!tpu.dma_semaphore, #tpu.memory_space<semaphore_mem>>
      %dma_start3A = arith.constant 128 : i32
      %dma_start3A_100 = tpu.memref_slice %arg10[%dma_start3A] : memref<256xi32, #tpu.memory_space<vmem>> -> memref<128xi32, #tpu.memory_space<vmem>>
      %dma_start3A_101 = tpu.memref_slice %arg5[%add3A_31] : memref<8192xi32, #tpu.memory_space<hbm>> -> memref<128xi32, #tpu.memory_space<hbm>>
      %dma_start3A_102 = arith.constant 128 : i32
      %dma_start3A_103 = tpu.memref_slice %arg10[%dma_start3A_102] : memref<256xi32, #tpu.memory_space<vmem>> -> memref<128xi32, #tpu.memory_space<vmem>>
      %dma_start3A_104 = tpu.memref_slice %arg5[%add3A_31] : memref<8192xi32, #tpu.memory_space<hbm>> -> memref<128xi32, #tpu.memory_space<hbm>>
      tpu.enqueue_dma source(%dma_start3A_104 : memref<128xi32, #tpu.memory_space<hbm>>) target(%dma_start3A_103 : memref<128xi32, #tpu.memory_space<vmem>>) target_semaphore(%run_scoped3A : memref<!tpu.dma_semaphore, #tpu.memory_space<semaphore_mem>>)
      %dma_wait3A = arith.constant 128 : i32
      %dma_wait3A_105 = tpu.memref_slice %arg10[%dma_wait3A] : memref<256xi32, #tpu.memory_space<vmem>> -> memref<128xi32, #tpu.memory_space<vmem>>
      %dma_wait3A_106 = tpu.memref_slice %arg5[%add3A_31] : memref<8192xi32, #tpu.memory_space<hbm>> -> memref<128xi32, #tpu.memory_space<hbm>>
      %dma_wait3A_107 = arith.constant 128 : i32
      %dma_wait3A_108 = tpu.memref_slice %arg10[%dma_wait3A_107] : memref<256xi32, #tpu.memory_space<vmem>> -> memref<128xi32, #tpu.memory_space<vmem>>
      %dma_wait3A_109 = tpu.memref_slice %arg5[%add3A_31] : memref<8192xi32, #tpu.memory_space<hbm>> -> memref<128xi32, #tpu.memory_space<hbm>>
      tpu.wait_dma2 semaphore(%run_scoped3A : memref<!tpu.dma_semaphore, #tpu.memory_space<semaphore_mem>>) src(%dma_wait3A_109 : memref<128xi32, #tpu.memory_space<hbm>>) dst(%dma_wait3A_108 : memref<128xi32, #tpu.memory_space<vmem>>)
      tpu.yield
    }) : () -> ()
    %barrier3A = arith.constant 0 : index
    tpu.barrier barrier_id(%barrier3A)
    %get3A = arith.constant 0 : index
    %get3A_32 = tpu.vector_load %arg10[%get3A] {strides = array<i32>} : memref<256xi32, #tpu.memory_space<vmem>>, vector<16xi32>,
    %reduce_max3A = arith.constant true
    %reduce_max3A_33 = vector.broadcast %reduce_max3A : i1 to vector<16xi1>
    %reduce_max3A_34 = arith.constant -2147483648 : i32
    %reduce_max3A_35 = vector.broadcast %reduce_max3A_34 : i32 to vector<16xi32>
    %reduce_max3A_36 = arith.xori %get3A_32, %reduce_max3A_35 : vector<16xi32>
    %reduce_max3A_37 = tpu.scan <max>, %reduce_max3A_36 masked %reduce_max3A_33 : vector<16xi32>, vector<16xi1> -> vector<16xi32>
    %reduce_max3A_38 = arith.xori %reduce_max3A_37, %reduce_max3A_35 : vector<16xi32>
    %reduce_max3A_39 = vector.extract %reduce_max3A_38[15] : i32 from vector<16xi32>
    %get3A_40 = arith.constant 128 : index
    %get3A_41 = tpu.vector_load %arg10[%get3A_40] {strides = array<i32>} : memref<256xi32, #tpu.memory_space<vmem>>, vector<16xi32>,
    %reduce_max3A_42 = arith.constant true
    %reduce_max3A_43 = vector.broadcast %reduce_max3A_42 : i1 to vector<16xi1>
    %reduce_max3A_44 = arith.constant -2147483648 : i32
    %reduce_max3A_45 = vector.broadcast %reduce_max3A_44 : i32 to vector<16xi32>
    %reduce_max3A_46 = arith.xori %get3A_41, %reduce_max3A_45 : vector<16xi32>
    %reduce_max3A_47 = tpu.scan <max>, %reduce_max3A_46 masked %reduce_max3A_43 : vector<16xi32>, vector<16xi1> -> vector<16xi32>
    %reduce_max3A_48 = arith.xori %reduce_max3A_47, %reduce_max3A_45 : vector<16xi32>
    %reduce_max3A_49 = vector.extract %reduce_max3A_48[15] : i32 from vector<16xi32>
    %add3A_50 = arith.constant 127 : i32
    %add3A_51 = arith.addi %reduce_max3A_39, %add3A_50 : i32
    %shift_right_arithmetic3A = arith.constant 7 : i32
    %shift_right_arithmetic3A_52 = arith.shrsi %add3A_51, %shift_right_arithmetic3A : i32
    %add3A_53 = arith.constant 127 : i32
    %add3A_54 = arith.addi %reduce_max3A_49, %add3A_53 : i32
    %shift_right_arithmetic3A_55 = arith.constant 7 : i32
    %shift_right_arithmetic3A_56 = arith.shrsi %add3A_54, %shift_right_arithmetic3A_55 : i32
    %sub3A = arith.constant 0 : i32
    %sub3A_57 = arith.subi %shift_right_arithmetic3A_52, %sub3A : i32
    %sub3A_58 = arith.constant 1 : i32
    %sub3A_59 = arith.constant 1 : i32
    %sub3A_60 = arith.subi %sub3A_58, %sub3A_59 : i32
    %add3A_61 = arith.addi %sub3A_57, %sub3A_60 : i32
    %div3A = arith.constant 1 : i32
    %div3A_62 = arith.divsi %add3A_61, %div3A : i32
    %while3A = arith.constant 1 : i32
    %while3A_63 = arith.constant 0 : i32
    %while3A_64 = arith.constant 0 : i32
    %while3A_65 = arith.subi %div3A_62, %while3A_64 : i32
    %while3A_66 = arith.addi %while3A_64, %while3A_65 : i32
    %while3A_67 = arith.constant 1 : i32
    %while3A_68 = arith.divsi %while3A_65, %while3A_67 : i32
    %while3A_69 = arith.muli %while3A_68, %while3A_67 : i32
    %while3A_70 = arith.addi %while3A_64, %while3A_69 : i32
    %while3A_71 = arith.constant 1 : i32
    scf.for %while3A_100 = %while3A_64 to %while3A_70 step %while3A_71  : i32 {
      %mul3A_101 = arith.muli %while3A_100, %while3A : i32
      %add3A_102 = arith.addi %while3A_63, %mul3A_101 : i32
      %dma_start3A = arith.constant 0 : i32
      %dma_start3A_103 = tpu.memref_slice %arg8[%add3A_102, %dma_start3A] : memref<160x128xi32, #tpu.memory_space<vmem>> -> memref<1x128xi32, #tpu.memory_space<vmem>>
      %dma_start3A_104 = tpu.memref_squeeze %dma_start3A_103 : memref<1x128xi32, #tpu.memory_space<vmem>> -> memref<128xi32, #tpu.memory_space<vmem>>
      %dma_start3A_105 = arith.constant 0 : i32
      %dma_start3A_106 = arith.constant 0 : i32
      %dma_start3A_107 = tpu.memref_slice %arg2[%dma_start3A_105, %dma_start3A_106] : memref<10000x128xf32, #tpu.memory_space<hbm>> -> memref<10000x128xf32, #tpu.memory_space<hbm>>
      tpu.enqueue_indirect_dma source(%dma_start3A_107 : memref<10000x128xf32, #tpu.memory_space<hbm>>) target(%arg11 : memref<128x128xf32, #tpu.memory_space<vmem>>) offsets(%dma_start3A_104 : memref<128xi32, #tpu.memory_space<vmem>>) semaphore(%arg14 : memref<!tpu.dma_semaphore, #tpu.memory_space<semaphore_mem>>)
      %dma_wait3A = arith.constant 0 : i32
      %dma_wait3A_108 = tpu.memref_slice %arg8[%add3A_102, %dma_wait3A] : memref<160x128xi32, #tpu.memory_space<vmem>> -> memref<1x128xi32, #tpu.memory_space<vmem>>
      %dma_wait3A_109 = tpu.memref_squeeze %dma_wait3A_108 : memref<1x128xi32, #tpu.memory_space<vmem>> -> memref<128xi32, #tpu.memory_space<vmem>>
      %dma_wait3A_110 = arith.constant 0 : i32
      %dma_wait3A_111 = arith.constant 0 : i32
      %dma_wait3A_112 = tpu.memref_slice %arg2[%dma_wait3A_110, %dma_wait3A_111] : memref<10000x128xf32, #tpu.memory_space<hbm>> -> memref<10000x128xf32, #tpu.memory_space<hbm>>
      tpu.wait_indirect_dma semaphore(%arg14 : memref<!tpu.dma_semaphore, #tpu.memory_space<semaphore_mem>>) src(%dma_wait3A_112 : memref<10000x128xf32, #tpu.memory_space<hbm>>) dst(%arg11 : memref<128x128xf32, #tpu.memory_space<vmem>>)
      "tpu.region"() ({
        %run_scoped3A = tpu.sem_alloc : memref<!tpu.dma_semaphore, #tpu.memory_space<semaphore_mem>>
        %dma_start3A_113 = arith.constant 0 : i32
        %dma_start3A_114 = tpu.memref_slice %arg9[%add3A_102, %dma_start3A_113] : memref<160x128xi32, #tpu.memory_space<vmem>> -> memref<1x128xi32, #tpu.memory_space<vmem>>
        %dma_start3A_115 = tpu.memref_squeeze %dma_start3A_114 : memref<1x128xi32, #tpu.memory_space<vmem>> -> memref<128xi32, #tpu.memory_space<vmem>>
        %dma_start3A_116 = arith.constant 0 : i32
        %dma_start3A_117 = arith.constant 0 : i32
        %dma_start3A_118 = tpu.memref_slice %arg13[%dma_start3A_116, %dma_start3A_117] : memref<5120x128xf32, #tpu.memory_space<vmem_shared>> -> memref<5120x128xf32, #tpu.memory_space<vmem_shared>>
        tpu.enqueue_indirect_dma source(%arg11 : memref<128x128xf32, #tpu.memory_space<vmem>>) target(%dma_start3A_118 : memref<5120x128xf32, #tpu.memory_space<vmem_shared>>) offsets(%dma_start3A_115 : memref<128xi32, #tpu.memory_space<vmem>>) semaphore(%run_scoped3A : memref<!tpu.dma_semaphore, #tpu.memory_space<semaphore_mem>>) {add = true}
        %dma_wait3A_119 = arith.constant 0 : i32
        %dma_wait3A_120 = tpu.memref_slice %arg9[%add3A_102, %dma_wait3A_119] : memref<160x128xi32, #tpu.memory_space<vmem>> -> memref<1x128xi32, #tpu.memory_space<vmem>>
        %dma_wait3A_121 = tpu.memref_squeeze %dma_wait3A_120 : memref<1x128xi32, #tpu.memory_space<vmem>> -> memref<128xi32, #tpu.memory_space<vmem>>
        %dma_wait3A_122 = arith.constant 0 : i32
        %dma_wait3A_123 = arith.constant 0 : i32
        %dma_wait3A_124 = tpu.memref_slice %arg13[%dma_wait3A_122, %dma_wait3A_123] : memref<5120x128xf32, #tpu.memory_space<vmem_shared>> -> memref<5120x128xf32, #tpu.memory_space<vmem_shared>>
        tpu.wait_indirect_dma semaphore(%run_scoped3A : memref<!tpu.dma_semaphore, #tpu.memory_space<semaphore_mem>>) src(%arg11 : memref<128x128xf32, #tpu.memory_space<vmem>>) dst(%dma_wait3A_124 : memref<5120x128xf32, #tpu.memory_space<vmem_shared>>)
        tpu.yield
      }) : () -> ()
    }
    %while3A_72 = arith.constant 1 : i32
    scf.for %while3A_100 = %while3A_70 to %while3A_66 step %while3A_72  : i32 {
      %mul3A_101 = arith.muli %while3A_100, %while3A : i32
      %add3A_102 = arith.addi %while3A_63, %mul3A_101 : i32
      %dma_start3A = arith.constant 0 : i32
      %dma_start3A_103 = tpu.memref_slice %arg8[%add3A_102, %dma_start3A] : memref<160x128xi32, #tpu.memory_space<vmem>> -> memref<1x128xi32, #tpu.memory_space<vmem>>
      %dma_start3A_104 = tpu.memref_squeeze %dma_start3A_103 : memref<1x128xi32, #tpu.memory_space<vmem>> -> memref<128xi32, #tpu.memory_space<vmem>>
      %dma_start3A_105 = arith.constant 0 : i32
      %dma_start3A_106 = arith.constant 0 : i32
      %dma_start3A_107 = tpu.memref_slice %arg2[%dma_start3A_105, %dma_start3A_106] : memref<10000x128xf32, #tpu.memory_space<hbm>> -> memref<10000x128xf32, #tpu.memory_space<hbm>>
      tpu.enqueue_indirect_dma source(%dma_start3A_107 : memref<10000x128xf32, #tpu.memory_space<hbm>>) target(%arg11 : memref<128x128xf32, #tpu.memory_space<vmem>>) offsets(%dma_start3A_104 : memref<128xi32, #tpu.memory_space<vmem>>) semaphore(%arg14 : memref<!tpu.dma_semaphore, #tpu.memory_space<semaphore_mem>>)
      %dma_wait3A = arith.constant 0 : i32
      %dma_wait3A_108 = tpu.memref_slice %arg8[%add3A_102, %dma_wait3A] : memref<160x128xi32, #tpu.memory_space<vmem>> -> memref<1x128xi32, #tpu.memory_space<vmem>>
      %dma_wait3A_109 = tpu.memref_squeeze %dma_wait3A_108 : memref<1x128xi32, #tpu.memory_space<vmem>> -> memref<128xi32, #tpu.memory_space<vmem>>
      %dma_wait3A_110 = arith.constant 0 : i32
      %dma_wait3A_111 = arith.constant 0 : i32
      %dma_wait3A_112 = tpu.memref_slice %arg2[%dma_wait3A_110, %dma_wait3A_111] : memref<10000x128xf32, #tpu.memory_space<hbm>> -> memref<10000x128xf32, #tpu.memory_space<hbm>>
      tpu.wait_indirect_dma semaphore(%arg14 : memref<!tpu.dma_semaphore, #tpu.memory_space<semaphore_mem>>) src(%dma_wait3A_112 : memref<10000x128xf32, #tpu.memory_space<hbm>>) dst(%arg11 : memref<128x128xf32, #tpu.memory_space<vmem>>)
      "tpu.region"() ({
        %run_scoped3A = tpu.sem_alloc : memref<!tpu.dma_semaphore, #tpu.memory_space<semaphore_mem>>
        %dma_start3A_113 = arith.constant 0 : i32
        %dma_start3A_114 = tpu.memref_slice %arg9[%add3A_102, %dma_start3A_113] : memref<160x128xi32, #tpu.memory_space<vmem>> -> memref<1x128xi32, #tpu.memory_space<vmem>>
        %dma_start3A_115 = tpu.memref_squeeze %dma_start3A_114 : memref<1x128xi32, #tpu.memory_space<vmem>> -> memref<128xi32, #tpu.memory_space<vmem>>
        %dma_start3A_116 = arith.constant 0 : i32
        %dma_start3A_117 = arith.constant 0 : i32
        %dma_start3A_118 = tpu.memref_slice %arg13[%dma_start3A_116, %dma_start3A_117] : memref<5120x128xf32, #tpu.memory_space<vmem_shared>> -> memref<5120x128xf32, #tpu.memory_space<vmem_shared>>
        tpu.enqueue_indirect_dma source(%arg11 : memref<128x128xf32, #tpu.memory_space<vmem>>) target(%dma_start3A_118 : memref<5120x128xf32, #tpu.memory_space<vmem_shared>>) offsets(%dma_start3A_115 : memref<128xi32, #tpu.memory_space<vmem>>) semaphore(%run_scoped3A : memref<!tpu.dma_semaphore, #tpu.memory_space<semaphore_mem>>) {add = true}
        %dma_wait3A_119 = arith.constant 0 : i32
        %dma_wait3A_120 = tpu.memref_slice %arg9[%add3A_102, %dma_wait3A_119] : memref<160x128xi32, #tpu.memory_space<vmem>> -> memref<1x128xi32, #tpu.memory_space<vmem>>
        %dma_wait3A_121 = tpu.memref_squeeze %dma_wait3A_120 : memref<1x128xi32, #tpu.memory_space<vmem>> -> memref<128xi32, #tpu.memory_space<vmem>>
        %dma_wait3A_122 = arith.constant 0 : i32
        %dma_wait3A_123 = arith.constant 0 : i32
        %dma_wait3A_124 = tpu.memref_slice %arg13[%dma_wait3A_122, %dma_wait3A_123] : memref<5120x128xf32, #tpu.memory_space<vmem_shared>> -> memref<5120x128xf32, #tpu.memory_space<vmem_shared>>
        tpu.wait_indirect_dma semaphore(%run_scoped3A : memref<!tpu.dma_semaphore, #tpu.memory_space<semaphore_mem>>) src(%arg11 : memref<128x128xf32, #tpu.memory_space<vmem>>) dst(%dma_wait3A_124 : memref<5120x128xf32, #tpu.memory_space<vmem_shared>>)
        tpu.yield
      }) : () -> ()
    }
    %sub3A_73 = arith.constant 0 : i32
    %sub3A_74 = arith.subi %shift_right_arithmetic3A_56, %sub3A_73 : i32
    %sub3A_75 = arith.constant 1 : i32
    %sub3A_76 = arith.constant 1 : i32
    %sub3A_77 = arith.subi %sub3A_75, %sub3A_76 : i32
    %add3A_78 = arith.addi %sub3A_74, %sub3A_77 : i32
    %div3A_79 = arith.constant 1 : i32
    %div3A_80 = arith.divsi %add3A_78, %div3A_79 : i32
    %while3A_81 = arith.constant 1 : i32
    %while3A_82 = arith.constant 0 : i32
    %while3A_83 = arith.constant 0 : i32
    %while3A_84 = arith.subi %div3A_80, %while3A_83 : i32
    %while3A_85 = arith.addi %while3A_83, %while3A_84 : i32
    %while3A_86 = arith.constant 1 : i32
    %while3A_87 = arith.divsi %while3A_84, %while3A_86 : i32
    %while3A_88 = arith.muli %while3A_87, %while3A_86 : i32
    %while3A_89 = arith.addi %while3A_83, %while3A_88 : i32
    %while3A_90 = arith.constant 1 : i32
    scf.for %while3A_100 = %while3A_83 to %while3A_89 step %while3A_90  : i32 {
      %mul3A_101 = arith.muli %while3A_100, %while3A_81 : i32
      %add3A_102 = arith.addi %while3A_82, %mul3A_101 : i32
      %add3A_103 = arith.constant 80 : i32
      %add3A_104 = arith.addi %add3A_103, %add3A_102 : i32
      %dma_start3A = arith.constant 0 : i32
      %dma_start3A_105 = tpu.memref_slice %arg8[%add3A_104, %dma_start3A] : memref<160x128xi32, #tpu.memory_space<vmem>> -> memref<1x128xi32, #tpu.memory_space<vmem>>
      %dma_start3A_106 = tpu.memref_squeeze %dma_start3A_105 : memref<1x128xi32, #tpu.memory_space<vmem>> -> memref<128xi32, #tpu.memory_space<vmem>>
      %dma_start3A_107 = arith.constant 0 : i32
      %dma_start3A_108 = arith.constant 0 : i32
      %dma_start3A_109 = tpu.memref_slice %arg2[%dma_start3A_107, %dma_start3A_108] : memref<10000x128xf32, #tpu.memory_space<hbm>> -> memref<10000x128xf32, #tpu.memory_space<hbm>>
      tpu.enqueue_indirect_dma source(%dma_start3A_109 : memref<10000x128xf32, #tpu.memory_space<hbm>>) target(%arg12 : memref<128x128xf32, #tpu.memory_space<vmem>>) offsets(%dma_start3A_106 : memref<128xi32, #tpu.memory_space<vmem>>) semaphore(%arg15 : memref<!tpu.dma_semaphore, #tpu.memory_space<semaphore_mem>>)
      %dma_wait3A = arith.constant 0 : i32
      %dma_wait3A_110 = tpu.memref_slice %arg8[%add3A_104, %dma_wait3A] : memref<160x128xi32, #tpu.memory_space<vmem>> -> memref<1x128xi32, #tpu.memory_space<vmem>>
      %dma_wait3A_111 = tpu.memref_squeeze %dma_wait3A_110 : memref<1x128xi32, #tpu.memory_space<vmem>> -> memref<128xi32, #tpu.memory_space<vmem>>
      %dma_wait3A_112 = arith.constant 0 : i32
      %dma_wait3A_113 = arith.constant 0 : i32
      %dma_wait3A_114 = tpu.memref_slice %arg2[%dma_wait3A_112, %dma_wait3A_113] : memref<10000x128xf32, #tpu.memory_space<hbm>> -> memref<10000x128xf32, #tpu.memory_space<hbm>>
      tpu.wait_indirect_dma semaphore(%arg15 : memref<!tpu.dma_semaphore, #tpu.memory_space<semaphore_mem>>) src(%dma_wait3A_114 : memref<10000x128xf32, #tpu.memory_space<hbm>>) dst(%arg12 : memref<128x128xf32, #tpu.memory_space<vmem>>)
      %add3A_115 = arith.constant 80 : i32
      %add3A_116 = arith.addi %add3A_115, %add3A_102 : i32
      "tpu.region"() ({
        %run_scoped3A = tpu.sem_alloc : memref<!tpu.dma_semaphore, #tpu.memory_space<semaphore_mem>>
        %dma_start3A_117 = arith.constant 0 : i32
        %dma_start3A_118 = tpu.memref_slice %arg9[%add3A_116, %dma_start3A_117] : memref<160x128xi32, #tpu.memory_space<vmem>> -> memref<1x128xi32, #tpu.memory_space<vmem>>
        %dma_start3A_119 = tpu.memref_squeeze %dma_start3A_118 : memref<1x128xi32, #tpu.memory_space<vmem>> -> memref<128xi32, #tpu.memory_space<vmem>>
        %dma_start3A_120 = arith.constant 0 : i32
        %dma_start3A_121 = arith.constant 0 : i32
        %dma_start3A_122 = tpu.memref_slice %arg13[%dma_start3A_120, %dma_start3A_121] : memref<5120x128xf32, #tpu.memory_space<vmem_shared>> -> memref<5120x128xf32, #tpu.memory_space<vmem_shared>>
        tpu.enqueue_indirect_dma source(%arg12 : memref<128x128xf32, #tpu.memory_space<vmem>>) target(%dma_start3A_122 : memref<5120x128xf32, #tpu.memory_space<vmem_shared>>) offsets(%dma_start3A_119 : memref<128xi32, #tpu.memory_space<vmem>>) semaphore(%run_scoped3A : memref<!tpu.dma_semaphore, #tpu.memory_space<semaphore_mem>>) {add = true}
        %dma_wait3A_123 = arith.constant 0 : i32
        %dma_wait3A_124 = tpu.memref_slice %arg9[%add3A_116, %dma_wait3A_123] : memref<160x128xi32, #tpu.memory_space<vmem>> -> memref<1x128xi32, #tpu.memory_space<vmem>>
        %dma_wait3A_125 = tpu.memref_squeeze %dma_wait3A_124 : memref<1x128xi32, #tpu.memory_space<vmem>> -> memref<128xi32, #tpu.memory_space<vmem>>
        %dma_wait3A_126 = arith.constant 0 : i32
        %dma_wait3A_127 = arith.constant 0 : i32
        %dma_wait3A_128 = tpu.memref_slice %arg13[%dma_wait3A_126, %dma_wait3A_127] : memref<5120x128xf32, #tpu.memory_space<vmem_shared>> -> memref<5120x128xf32, #tpu.memory_space<vmem_shared>>
        tpu.wait_indirect_dma semaphore(%run_scoped3A : memref<!tpu.dma_semaphore, #tpu.memory_space<semaphore_mem>>) src(%arg12 : memref<128x128xf32, #tpu.memory_space<vmem>>) dst(%dma_wait3A_128 : memref<5120x128xf32, #tpu.memory_space<vmem_shared>>)
        tpu.yield
      }) : () -> ()
    }
    %while3A_91 = arith.constant 1 : i32
    scf.for %while3A_100 = %while3A_89 to %while3A_85 step %while3A_91  : i32 {
      %mul3A_101 = arith.muli %while3A_100, %while3A_81 : i32
      %add3A_102 = arith.addi %while3A_82, %mul3A_101 : i32
      %add3A_103 = arith.constant 80 : i32
      %add3A_104 = arith.addi %add3A_103, %add3A_102 : i32
      %dma_start3A = arith.constant 0 : i32
      %dma_start3A_105 = tpu.memref_slice %arg8[%add3A_104, %dma_start3A] : memref<160x128xi32, #tpu.memory_space<vmem>> -> memref<1x128xi32, #tpu.memory_space<vmem>>
      %dma_start3A_106 = tpu.memref_squeeze %dma_start3A_105 : memref<1x128xi32, #tpu.memory_space<vmem>> -> memref<128xi32, #tpu.memory_space<vmem>>
      %dma_start3A_107 = arith.constant 0 : i32
      %dma_start3A_108 = arith.constant 0 : i32
      %dma_start3A_109 = tpu.memref_slice %arg2[%dma_start3A_107, %dma_start3A_108] : memref<10000x128xf32, #tpu.memory_space<hbm>> -> memref<10000x128xf32, #tpu.memory_space<hbm>>
      tpu.enqueue_indirect_dma source(%dma_start3A_109 : memref<10000x128xf32, #tpu.memory_space<hbm>>) target(%arg12 : memref<128x128xf32, #tpu.memory_space<vmem>>) offsets(%dma_start3A_106 : memref<128xi32, #tpu.memory_space<vmem>>) semaphore(%arg15 : memref<!tpu.dma_semaphore, #tpu.memory_space<semaphore_mem>>)
      %dma_wait3A = arith.constant 0 : i32
      %dma_wait3A_110 = tpu.memref_slice %arg8[%add3A_104, %dma_wait3A] : memref<160x128xi32, #tpu.memory_space<vmem>> -> memref<1x128xi32, #tpu.memory_space<vmem>>
      %dma_wait3A_111 = tpu.memref_squeeze %dma_wait3A_110 : memref<1x128xi32, #tpu.memory_space<vmem>> -> memref<128xi32, #tpu.memory_space<vmem>>
      %dma_wait3A_112 = arith.constant 0 : i32
      %dma_wait3A_113 = arith.constant 0 : i32
      %dma_wait3A_114 = tpu.memref_slice %arg2[%dma_wait3A_112, %dma_wait3A_113] : memref<10000x128xf32, #tpu.memory_space<hbm>> -> memref<10000x128xf32, #tpu.memory_space<hbm>>
      tpu.wait_indirect_dma semaphore(%arg15 : memref<!tpu.dma_semaphore, #tpu.memory_space<semaphore_mem>>) src(%dma_wait3A_114 : memref<10000x128xf32, #tpu.memory_space<hbm>>) dst(%arg12 : memref<128x128xf32, #tpu.memory_space<vmem>>)
      %add3A_115 = arith.constant 80 : i32
      %add3A_116 = arith.addi %add3A_115, %add3A_102 : i32
      "tpu.region"() ({
        %run_scoped3A = tpu.sem_alloc : memref<!tpu.dma_semaphore, #tpu.memory_space<semaphore_mem>>
        %dma_start3A_117 = arith.constant 0 : i32
        %dma_start3A_118 = tpu.memref_slice %arg9[%add3A_116, %dma_start3A_117] : memref<160x128xi32, #tpu.memory_space<vmem>> -> memref<1x128xi32, #tpu.memory_space<vmem>>
        %dma_start3A_119 = tpu.memref_squeeze %dma_start3A_118 : memref<1x128xi32, #tpu.memory_space<vmem>> -> memref<128xi32, #tpu.memory_space<vmem>>
        %dma_start3A_120 = arith.constant 0 : i32
        %dma_start3A_121 = arith.constant 0 : i32
        %dma_start3A_122 = tpu.memref_slice %arg13[%dma_start3A_120, %dma_start3A_121] : memref<5120x128xf32, #tpu.memory_space<vmem_shared>> -> memref<5120x128xf32, #tpu.memory_space<vmem_shared>>
        tpu.enqueue_indirect_dma source(%arg12 : memref<128x128xf32, #tpu.memory_space<vmem>>) target(%dma_start3A_122 : memref<5120x128xf32, #tpu.memory_space<vmem_shared>>) offsets(%dma_start3A_119 : memref<128xi32, #tpu.memory_space<vmem>>) semaphore(%run_scoped3A : memref<!tpu.dma_semaphore, #tpu.memory_space<semaphore_mem>>) {add = true}
        %dma_wait3A_123 = arith.constant 0 : i32
        %dma_wait3A_124 = tpu.memref_slice %arg9[%add3A_116, %dma_wait3A_123] : memref<160x128xi32, #tpu.memory_space<vmem>> -> memref<1x128xi32, #tpu.memory_space<vmem>>
        %dma_wait3A_125 = tpu.memref_squeeze %dma_wait3A_124 : memref<1x128xi32, #tpu.memory_space<vmem>> -> memref<128xi32, #tpu.memory_space<vmem>>
        %dma_wait3A_126 = arith.constant 0 : i32
        %dma_wait3A_127 = arith.constant 0 : i32
        %dma_wait3A_128 = tpu.memref_slice %arg13[%dma_wait3A_126, %dma_wait3A_127] : memref<5120x128xf32, #tpu.memory_space<vmem_shared>> -> memref<5120x128xf32, #tpu.memory_space<vmem_shared>>
        tpu.wait_indirect_dma semaphore(%run_scoped3A : memref<!tpu.dma_semaphore, #tpu.memory_space<semaphore_mem>>) src(%arg12 : memref<128x128xf32, #tpu.memory_space<vmem>>) dst(%dma_wait3A_128 : memref<5120x128xf32, #tpu.memory_space<vmem_shared>>)
        tpu.yield
      }) : () -> ()
    }
    %barrier3A_92 = arith.constant 0 : index
    tpu.barrier barrier_id(%barrier3A_92)
    %mul3A_93 = arith.constant 320 : i32
    %mul3A_94 = arith.muli %arg1, %mul3A_93 : i32
    %mul3A_95 = arith.constant 5120 : i32
    %mul3A_96 = arith.muli %arg0, %mul3A_95 : i32
    %mul3A_97 = arith.constant 320 : i32
    %mul3A_98 = arith.muli %arg1, %mul3A_97 : i32
    %add3A_99 = arith.addi %mul3A_96, %mul3A_98 : i32
    "tpu.region"() ({
      %run_scoped3A = tpu.sem_alloc : memref<!tpu.dma_semaphore, #tpu.memory_space<semaphore_mem>>
      %dma_start3A = arith.constant 0 : i32
      %dma_start3A_100 = tpu.memref_slice %arg7[%add3A_99, %dma_start3A] : memref<10240x128xf32, #tpu.memory_space<hbm>> -> memref<320x128xf32, #tpu.memory_space<hbm>>
      %dma_start3A_101 = arith.constant 0 : i32
      %dma_start3A_102 = tpu.memref_slice %arg13[%mul3A_94, %dma_start3A_101] : memref<5120x128xf32, #tpu.memory_space<vmem_shared>> -> memref<320x128xf32, #tpu.memory_space<vmem_shared>>
      tpu.enqueue_dma source(%dma_start3A_102 : memref<320x128xf32, #tpu.memory_space<vmem_shared>>) target(%dma_start3A_100 : memref<320x128xf32, #tpu.memory_space<hbm>>) target_semaphore(%run_scoped3A : memref<!tpu.dma_semaphore, #tpu.memory_space<semaphore_mem>>)
      %dma_wait3A = arith.constant 0 : i32
      %dma_wait3A_103 = tpu.memref_slice %arg7[%add3A_99, %dma_wait3A] : memref<10240x128xf32, #tpu.memory_space<hbm>> -> memref<320x128xf32, #tpu.memory_space<hbm>>
      %dma_wait3A_104 = arith.constant 0 : i32
      %dma_wait3A_105 = tpu.memref_slice %arg13[%mul3A_94, %dma_wait3A_104] : memref<5120x128xf32, #tpu.memory_space<vmem_shared>> -> memref<320x128xf32, #tpu.memory_space<vmem_shared>>
      tpu.wait_dma2 semaphore(%run_scoped3A : memref<!tpu.dma_semaphore, #tpu.memory_space<semaphore_mem>>) src(%dma_wait3A_105 : memref<320x128xf32, #tpu.memory_space<vmem_shared>>) dst(%dma_wait3A_103 : memref<320x128xf32, #tpu.memory_space<hbm>>)
      tpu.yield
    }) : () -> ()
    return
  }
}

#map = affine_map<(d0, d1) -> (0, 0)>
#map1 = affine_map<(d0, d1) -> (0)>
module attributes {stable_mosaic.version = 14 : i64} {
  func.func @_scatter_body(%arg0: i32, %arg1: i32, %arg2: memref<10000x128xf32, #tpu.memory_space<hbm>>, %arg3: memref<5120x128xi32, #tpu.memory_space<hbm>>, %arg4: memref<5120x128xi32, #tpu.memory_space<hbm>>, %arg5: memref<8192xi32, #tpu.memory_space<hbm>>, %arg6: memref<5120x128xf32, #tpu.memory_space<hbm>>, %arg7: memref<10240x128xf32, #tpu.memory_space<hbm>>, %arg8: memref<160x128xi32, #tpu.memory_space<vmem>>, %arg9: memref<160x128xi32, #tpu.memory_space<vmem>>, %arg10: memref<256xi32, #tpu.memory_space<vmem>>, %arg11: memref<128x128xf32, #tpu.memory_space<vmem>>, %arg12: memref<128x128xf32, #tpu.memory_space<vmem>>, %arg13: memref<5120x128xf32, #tpu.memory_space<vmem_shared>>, %arg14: memref<!tpu.dma_semaphore, #tpu.memory_space<semaphore_mem>>, %arg15: memref<!tpu.dma_semaphore, #tpu.memory_space<semaphore_mem>>) attributes {dimension_semantics = [#tpu.dimension_semantics<core_parallel>, #tpu.dimension_semantics<subcore_parallel>], iteration_bounds = array<i64: 2, 16>, scalar_prefetch = 0 : i64, scratch_operands = 8 : i64, tpu.core_type = #tpu.core_type<sc_vector_subcore>, window_params = [{transform_indices = #map}, {transform_indices = #map}, {transform_indices = #map}, {transform_indices = #map1}, {transform_indices = #map}, {transform_indices = #map}]} {
    %mul3A = arith.constant 320 : i32
    %mul3A_0 = arith.muli %arg1, %mul3A : i32
    %mul3A_1 = arith.constant 320 : i32
    %mul3A_2 = arith.muli %arg1, %mul3A_1 : i32
    "tpu.region"() ({
      %run_scoped3A = tpu.sem_alloc : memref<!tpu.dma_semaphore, #tpu.memory_space<semaphore_mem>>
      %dma_start3A = arith.constant 0 : i32
      %dma_start3A_100 = tpu.memref_slice %arg13[%mul3A_2, %dma_start3A] : memref<5120x128xf32, #tpu.memory_space<vmem_shared>> -> memref<320x128xf32, #tpu.memory_space<vmem_shared>>
      %dma_start3A_101 = arith.constant 0 : i32
      %dma_start3A_102 = tpu.memref_slice %arg6[%mul3A_0, %dma_start3A_101] : memref<5120x128xf32, #tpu.memory_space<hbm>> -> memref<320x128xf32, #tpu.memory_space<hbm>>
      tpu.enqueue_dma source(%dma_start3A_102 : memref<320x128xf32, #tpu.memory_space<hbm>>) target(%dma_start3A_100 : memref<320x128xf32, #tpu.memory_space<vmem_shared>>) target_semaphore(%run_scoped3A : memref<!tpu.dma_semaphore, #tpu.memory_space<semaphore_mem>>)
      %dma_wait3A = arith.constant 0 : i32
      %dma_wait3A_103 = tpu.memref_slice %arg13[%mul3A_2, %dma_wait3A] : memref<5120x128xf32, #tpu.memory_space<vmem_shared>> -> memref<320x128xf32, #tpu.memory_space<vmem_shared>>
      %dma_wait3A_104 = arith.constant 0 : i32
      %dma_wait3A_105 = tpu.memref_slice %arg6[%mul3A_0, %dma_wait3A_104] : memref<5120x128xf32, #tpu.memory_space<hbm>> -> memref<320x128xf32, #tpu.memory_space<hbm>>
      tpu.wait_dma2 semaphore(%run_scoped3A : memref<!tpu.dma_semaphore, #tpu.memory_space<semaphore_mem>>) src(%dma_wait3A_105 : memref<320x128xf32, #tpu.memory_space<hbm>>) dst(%dma_wait3A_103 : memref<320x128xf32, #tpu.memory_space<vmem_shared>>)
      tpu.yield
    }) : () -> ()
    %mul3A_3 = arith.constant 2560 : i32
    %mul3A_4 = arith.muli %arg0, %mul3A_3 : i32
    %mul3A_5 = arith.constant 2 : i32
    %mul3A_6 = arith.muli %arg1, %mul3A_5 : i32
    %mul3A_7 = arith.constant 80 : i32
    %mul3A_8 = arith.muli %mul3A_6, %mul3A_7 : i32
    %add3A = arith.addi %mul3A_4, %mul3A_8 : i32
    "tpu.region"() ({
      %run_scoped3A = tpu.sem_alloc : memref<!tpu.dma_semaphore, #tpu.memory_space<semaphore_mem>>
      %dma_start3A = arith.constant 0 : i32
      %dma_start3A_100 = tpu.memref_slice %arg3[%add3A, %dma_start3A] : memref<5120x128xi32, #tpu.memory_space<hbm>> -> memref<160x128xi32, #tpu.memory_space<hbm>>
      %dma_start3A_101 = arith.constant 0 : i32
      %dma_start3A_102 = tpu.memref_slice %arg3[%add3A, %dma_start3A_101] : memref<5120x128xi32, #tpu.memory_space<hbm>> -> memref<160x128xi32, #tpu.memory_space<hbm>>
      tpu.enqueue_dma source(%dma_start3A_102 : memref<160x128xi32, #tpu.memory_space<hbm>>) target(%arg8 : memref<160x128xi32, #tpu.memory_space<vmem>>) target_semaphore(%run_scoped3A : memref<!tpu.dma_semaphore, #tpu.memory_space<semaphore_mem>>)
      %dma_wait3A = arith.constant 0 : i32
      %dma_wait3A_103 = tpu.memref_slice %arg3[%add3A, %dma_wait3A] : memref<5120x128xi32, #tpu.memory_space<hbm>> -> memref<160x128xi32, #tpu.memory_space<hbm>>
      %dma_wait3A_104 = arith.constant 0 : i32
      %dma_wait3A_105 = tpu.memref_slice %arg3[%add3A, %dma_wait3A_104] : memref<5120x128xi32, #tpu.memory_space<hbm>> -> memref<160x128xi32, #tpu.memory_space<hbm>>
      tpu.wait_dma2 semaphore(%run_scoped3A : memref<!tpu.dma_semaphore, #tpu.memory_space<semaphore_mem>>) src(%dma_wait3A_105 : memref<160x128xi32, #tpu.memory_space<hbm>>) dst(%arg8 : memref<160x128xi32, #tpu.memory_space<vmem>>)
      tpu.yield
    }) : () -> ()
    %mul3A_9 = arith.constant 2560 : i32
    %mul3A_10 = arith.muli %arg0, %mul3A_9 : i32
    %mul3A_11 = arith.constant 2 : i32
    %mul3A_12 = arith.muli %arg1, %mul3A_11 : i32
    %mul3A_13 = arith.constant 80 : i32
    %mul3A_14 = arith.muli %mul3A_12, %mul3A_13 : i32
    %add3A_15 = arith.addi %mul3A_10, %mul3A_14 : i32
    "tpu.region"() ({
      %run_scoped3A = tpu.sem_alloc : memref<!tpu.dma_semaphore, #tpu.memory_space<semaphore_mem>>
      %dma_start3A = arith.constant 0 : i32
      %dma_start3A_100 = tpu.memref_slice %arg4[%add3A_15, %dma_start3A] : memref<5120x128xi32, #tpu.memory_space<hbm>> -> memref<160x128xi32, #tpu.memory_space<hbm>>
      %dma_start3A_101 = arith.constant 0 : i32
      %dma_start3A_102 = tpu.memref_slice %arg4[%add3A_15, %dma_start3A_101] : memref<5120x128xi32, #tpu.memory_space<hbm>> -> memref<160x128xi32, #tpu.memory_space<hbm>>
      tpu.enqueue_dma source(%dma_start3A_102 : memref<160x128xi32, #tpu.memory_space<hbm>>) target(%arg9 : memref<160x128xi32, #tpu.memory_space<vmem>>) target_semaphore(%run_scoped3A : memref<!tpu.dma_semaphore, #tpu.memory_space<semaphore_mem>>)
      %dma_wait3A = arith.constant 0 : i32
      %dma_wait3A_103 = tpu.memref_slice %arg4[%add3A_15, %dma_wait3A] : memref<5120x128xi32, #tpu.memory_space<hbm>> -> memref<160x128xi32, #tpu.memory_space<hbm>>
      %dma_wait3A_104 = arith.constant 0 : i32
      %dma_wait3A_105 = tpu.memref_slice %arg4[%add3A_15, %dma_wait3A_104] : memref<5120x128xi32, #tpu.memory_space<hbm>> -> memref<160x128xi32, #tpu.memory_space<hbm>>
      tpu.wait_dma2 semaphore(%run_scoped3A : memref<!tpu.dma_semaphore, #tpu.memory_space<semaphore_mem>>) src(%dma_wait3A_105 : memref<160x128xi32, #tpu.memory_space<hbm>>) dst(%arg9 : memref<160x128xi32, #tpu.memory_space<vmem>>)
      tpu.yield
    }) : () -> ()
    %mul3A_16 = arith.constant 2 : i32
    %mul3A_17 = arith.muli %mul3A_16, %arg1 : i32
    %mul3A_18 = arith.constant 256 : i32
    %mul3A_19 = arith.muli %mul3A_17, %mul3A_18 : i32
    %mul3A_20 = arith.constant 128 : i32
    %mul3A_21 = arith.muli %arg0, %mul3A_20 : i32
    %add3A_22 = arith.addi %mul3A_19, %mul3A_21 : i32
    "tpu.region"() ({
      %run_scoped3A = tpu.sem_alloc : memref<!tpu.dma_semaphore, #tpu.memory_space<semaphore_mem>>
      %dma_start3A = arith.constant 0 : i32
      %dma_start3A_100 = tpu.memref_slice %arg10[%dma_start3A] : memref<256xi32, #tpu.memory_space<vmem>> -> memref<128xi32, #tpu.memory_space<vmem>>
      %dma_start3A_101 = tpu.memref_slice %arg5[%add3A_22] : memref<8192xi32, #tpu.memory_space<hbm>> -> memref<128xi32, #tpu.memory_space<hbm>>
      %dma_start3A_102 = arith.constant 0 : i32
      %dma_start3A_103 = tpu.memref_slice %arg10[%dma_start3A_102] : memref<256xi32, #tpu.memory_space<vmem>> -> memref<128xi32, #tpu.memory_space<vmem>>
      %dma_start3A_104 = tpu.memref_slice %arg5[%add3A_22] : memref<8192xi32, #tpu.memory_space<hbm>> -> memref<128xi32, #tpu.memory_space<hbm>>
      tpu.enqueue_dma source(%dma_start3A_104 : memref<128xi32, #tpu.memory_space<hbm>>) target(%dma_start3A_103 : memref<128xi32, #tpu.memory_space<vmem>>) target_semaphore(%run_scoped3A : memref<!tpu.dma_semaphore, #tpu.memory_space<semaphore_mem>>)
      %dma_wait3A = arith.constant 0 : i32
      %dma_wait3A_105 = tpu.memref_slice %arg10[%dma_wait3A] : memref<256xi32, #tpu.memory_space<vmem>> -> memref<128xi32, #tpu.memory_space<vmem>>
      %dma_wait3A_106 = tpu.memref_slice %arg5[%add3A_22] : memref<8192xi32, #tpu.memory_space<hbm>> -> memref<128xi32, #tpu.memory_space<hbm>>
      %dma_wait3A_107 = arith.constant 0 : i32
      %dma_wait3A_108 = tpu.memref_slice %arg10[%dma_wait3A_107] : memref<256xi32, #tpu.memory_space<vmem>> -> memref<128xi32, #tpu.memory_space<vmem>>
      %dma_wait3A_109 = tpu.memref_slice %arg5[%add3A_22] : memref<8192xi32, #tpu.memory_space<hbm>> -> memref<128xi32, #tpu.memory_space<hbm>>
      tpu.wait_dma2 semaphore(%run_scoped3A : memref<!tpu.dma_semaphore, #tpu.memory_space<semaphore_mem>>) src(%dma_wait3A_109 : memref<128xi32, #tpu.memory_space<hbm>>) dst(%dma_wait3A_108 : memref<128xi32, #tpu.memory_space<vmem>>)
      tpu.yield
    }) : () -> ()
    %mul3A_23 = arith.constant 2 : i32
    %mul3A_24 = arith.muli %mul3A_23, %arg1 : i32
    %add3A_25 = arith.constant 1 : i32
    %add3A_26 = arith.addi %mul3A_24, %add3A_25 : i32
    %mul3A_27 = arith.constant 256 : i32
    %mul3A_28 = arith.muli %add3A_26, %mul3A_27 : i32
    %mul3A_29 = arith.constant 128 : i32
    %mul3A_30 = arith.muli %arg0, %mul3A_29 : i32
    %add3A_31 = arith.addi %mul3A_28, %mul3A_30 : i32
    "tpu.region"() ({
      %run_scoped3A = tpu.sem_alloc : memref<!tpu.dma_semaphore, #tpu.memory_space<semaphore_mem>>
      %dma_start3A = arith.constant 128 : i32
      %dma_start3A_100 = tpu.memref_slice %arg10[%dma_start3A] : memref<256xi32, #tpu.memory_space<vmem>> -> memref<128xi32, #tpu.memory_space<vmem>>
      %dma_start3A_101 = tpu.memref_slice %arg5[%add3A_31] : memref<8192xi32, #tpu.memory_space<hbm>> -> memref<128xi32, #tpu.memory_space<hbm>>
      %dma_start3A_102 = arith.constant 128 : i32
      %dma_start3A_103 = tpu.memref_slice %arg10[%dma_start3A_102] : memref<256xi32, #tpu.memory_space<vmem>> -> memref<128xi32, #tpu.memory_space<vmem>>
      %dma_start3A_104 = tpu.memref_slice %arg5[%add3A_31] : memref<8192xi32, #tpu.memory_space<hbm>> -> memref<128xi32, #tpu.memory_space<hbm>>
      tpu.enqueue_dma source(%dma_start3A_104 : memref<128xi32, #tpu.memory_space<hbm>>) target(%dma_start3A_103 : memref<128xi32, #tpu.memory_space<vmem>>) target_semaphore(%run_scoped3A : memref<!tpu.dma_semaphore, #tpu.memory_space<semaphore_mem>>)
      %dma_wait3A = arith.constant 128 : i32
      %dma_wait3A_105 = tpu.memref_slice %arg10[%dma_wait3A] : memref<256xi32, #tpu.memory_space<vmem>> -> memref<128xi32, #tpu.memory_space<vmem>>
      %dma_wait3A_106 = tpu.memref_slice %arg5[%add3A_31] : memref<8192xi32, #tpu.memory_space<hbm>> -> memref<128xi32, #tpu.memory_space<hbm>>
      %dma_wait3A_107 = arith.constant 128 : i32
      %dma_wait3A_108 = tpu.memref_slice %arg10[%dma_wait3A_107] : memref<256xi32, #tpu.memory_space<vmem>> -> memref<128xi32, #tpu.memory_space<vmem>>
      %dma_wait3A_109 = tpu.memref_slice %arg5[%add3A_31] : memref<8192xi32, #tpu.memory_space<hbm>> -> memref<128xi32, #tpu.memory_space<hbm>>
      tpu.wait_dma2 semaphore(%run_scoped3A : memref<!tpu.dma_semaphore, #tpu.memory_space<semaphore_mem>>) src(%dma_wait3A_109 : memref<128xi32, #tpu.memory_space<hbm>>) dst(%dma_wait3A_108 : memref<128xi32, #tpu.memory_space<vmem>>)
      tpu.yield
    }) : () -> ()
    %barrier3A = arith.constant 0 : index
    tpu.barrier barrier_id(%barrier3A)
    %get3A = arith.constant 0 : index
    %get3A_32 = tpu.vector_load %arg10[%get3A] {strides = array<i32>} : memref<256xi32, #tpu.memory_space<vmem>>, vector<16xi32>,
    %reduce_max3A = arith.constant true
    %reduce_max3A_33 = vector.broadcast %reduce_max3A : i1 to vector<16xi1>
    %reduce_max3A_34 = arith.constant -2147483648 : i32
    %reduce_max3A_35 = vector.broadcast %reduce_max3A_34 : i32 to vector<16xi32>
    %reduce_max3A_36 = arith.xori %get3A_32, %reduce_max3A_35 : vector<16xi32>
    %reduce_max3A_37 = tpu.scan <max>, %reduce_max3A_36 masked %reduce_max3A_33 : vector<16xi32>, vector<16xi1> -> vector<16xi32>
    %reduce_max3A_38 = arith.xori %reduce_max3A_37, %reduce_max3A_35 : vector<16xi32>
    %reduce_max3A_39 = vector.extract %reduce_max3A_38[15] : i32 from vector<16xi32>
    %get3A_40 = arith.constant 128 : index
    %get3A_41 = tpu.vector_load %arg10[%get3A_40] {strides = array<i32>} : memref<256xi32, #tpu.memory_space<vmem>>, vector<16xi32>,
    %reduce_max3A_42 = arith.constant true
    %reduce_max3A_43 = vector.broadcast %reduce_max3A_42 : i1 to vector<16xi1>
    %reduce_max3A_44 = arith.constant -2147483648 : i32
    %reduce_max3A_45 = vector.broadcast %reduce_max3A_44 : i32 to vector<16xi32>
    %reduce_max3A_46 = arith.xori %get3A_41, %reduce_max3A_45 : vector<16xi32>
    %reduce_max3A_47 = tpu.scan <max>, %reduce_max3A_46 masked %reduce_max3A_43 : vector<16xi32>, vector<16xi1> -> vector<16xi32>
    %reduce_max3A_48 = arith.xori %reduce_max3A_47, %reduce_max3A_45 : vector<16xi32>
    %reduce_max3A_49 = vector.extract %reduce_max3A_48[15] : i32 from vector<16xi32>
    %add3A_50 = arith.constant 127 : i32
    %add3A_51 = arith.addi %reduce_max3A_39, %add3A_50 : i32
    %shift_right_arithmetic3A = arith.constant 7 : i32
    %shift_right_arithmetic3A_52 = arith.shrsi %add3A_51, %shift_right_arithmetic3A : i32
    %add3A_53 = arith.constant 127 : i32
    %add3A_54 = arith.addi %reduce_max3A_49, %add3A_53 : i32
    %shift_right_arithmetic3A_55 = arith.constant 7 : i32
    %shift_right_arithmetic3A_56 = arith.shrsi %add3A_54, %shift_right_arithmetic3A_55 : i32
    %sub3A = arith.constant 0 : i32
    %sub3A_57 = arith.subi %shift_right_arithmetic3A_52, %sub3A : i32
    %sub3A_58 = arith.constant 1 : i32
    %sub3A_59 = arith.constant 1 : i32
    %sub3A_60 = arith.subi %sub3A_58, %sub3A_59 : i32
    %add3A_61 = arith.addi %sub3A_57, %sub3A_60 : i32
    %div3A = arith.constant 1 : i32
    %div3A_62 = arith.divsi %add3A_61, %div3A : i32
    %while3A = arith.constant 1 : i32
    %while3A_63 = arith.constant 0 : i32
    %while3A_64 = arith.constant 0 : i32
    %while3A_65 = arith.subi %div3A_62, %while3A_64 : i32
    %while3A_66 = arith.addi %while3A_64, %while3A_65 : i32
    %while3A_67 = arith.constant 1 : i32
    %while3A_68 = arith.divsi %while3A_65, %while3A_67 : i32
    %while3A_69 = arith.muli %while3A_68, %while3A_67 : i32
    %while3A_70 = arith.addi %while3A_64, %while3A_69 : i32
    %while3A_71 = arith.constant 1 : i32
    scf.for %while3A_100 = %while3A_64 to %while3A_70 step %while3A_71  : i32 {
      %mul3A_101 = arith.muli %while3A_100, %while3A : i32
      %add3A_102 = arith.addi %while3A_63, %mul3A_101 : i32
      %dma_start3A = arith.constant 0 : i32
      %dma_start3A_103 = tpu.memref_slice %arg8[%add3A_102, %dma_start3A] : memref<160x128xi32, #tpu.memory_space<vmem>> -> memref<1x128xi32, #tpu.memory_space<vmem>>
      %dma_start3A_104 = tpu.memref_squeeze %dma_start3A_103 : memref<1x128xi32, #tpu.memory_space<vmem>> -> memref<128xi32, #tpu.memory_space<vmem>>
      %dma_start3A_105 = arith.constant 0 : i32
      %dma_start3A_106 = arith.constant 0 : i32
      %dma_start3A_107 = tpu.memref_slice %arg2[%dma_start3A_105, %dma_start3A_106] : memref<10000x128xf32, #tpu.memory_space<hbm>> -> memref<10000x128xf32, #tpu.memory_space<hbm>>
      tpu.enqueue_indirect_dma source(%dma_start3A_107 : memref<10000x128xf32, #tpu.memory_space<hbm>>) target(%arg11 : memref<128x128xf32, #tpu.memory_space<vmem>>) offsets(%dma_start3A_104 : memref<128xi32, #tpu.memory_space<vmem>>) semaphore(%arg14 : memref<!tpu.dma_semaphore, #tpu.memory_space<semaphore_mem>>)
      %dma_wait3A = arith.constant 0 : i32
      %dma_wait3A_108 = tpu.memref_slice %arg8[%add3A_102, %dma_wait3A] : memref<160x128xi32, #tpu.memory_space<vmem>> -> memref<1x128xi32, #tpu.memory_space<vmem>>
      %dma_wait3A_109 = tpu.memref_squeeze %dma_wait3A_108 : memref<1x128xi32, #tpu.memory_space<vmem>> -> memref<128xi32, #tpu.memory_space<vmem>>
      %dma_wait3A_110 = arith.constant 0 : i32
      %dma_wait3A_111 = arith.constant 0 : i32
      %dma_wait3A_112 = tpu.memref_slice %arg2[%dma_wait3A_110, %dma_wait3A_111] : memref<10000x128xf32, #tpu.memory_space<hbm>> -> memref<10000x128xf32, #tpu.memory_space<hbm>>
      tpu.wait_indirect_dma semaphore(%arg14 : memref<!tpu.dma_semaphore, #tpu.memory_space<semaphore_mem>>) src(%dma_wait3A_112 : memref<10000x128xf32, #tpu.memory_space<hbm>>) dst(%arg11 : memref<128x128xf32, #tpu.memory_space<vmem>>)
      "tpu.region"() ({
        %run_scoped3A = tpu.sem_alloc : memref<!tpu.dma_semaphore, #tpu.memory_space<semaphore_mem>>
        %dma_start3A_113 = arith.constant 0 : i32
        %dma_start3A_114 = tpu.memref_slice %arg9[%add3A_102, %dma_start3A_113] : memref<160x128xi32, #tpu.memory_space<vmem>> -> memref<1x128xi32, #tpu.memory_space<vmem>>
        %dma_start3A_115 = tpu.memref_squeeze %dma_start3A_114 : memref<1x128xi32, #tpu.memory_space<vmem>> -> memref<128xi32, #tpu.memory_space<vmem>>
        %dma_start3A_116 = arith.constant 0 : i32
        %dma_start3A_117 = arith.constant 0 : i32
        %dma_start3A_118 = tpu.memref_slice %arg13[%dma_start3A_116, %dma_start3A_117] : memref<5120x128xf32, #tpu.memory_space<vmem_shared>> -> memref<5120x128xf32, #tpu.memory_space<vmem_shared>>
        tpu.enqueue_indirect_dma source(%arg11 : memref<128x128xf32, #tpu.memory_space<vmem>>) target(%dma_start3A_118 : memref<5120x128xf32, #tpu.memory_space<vmem_shared>>) offsets(%dma_start3A_115 : memref<128xi32, #tpu.memory_space<vmem>>) semaphore(%run_scoped3A : memref<!tpu.dma_semaphore, #tpu.memory_space<semaphore_mem>>) {add = true}
        %dma_wait3A_119 = arith.constant 0 : i32
        %dma_wait3A_120 = tpu.memref_slice %arg9[%add3A_102, %dma_wait3A_119] : memref<160x128xi32, #tpu.memory_space<vmem>> -> memref<1x128xi32, #tpu.memory_space<vmem>>
        %dma_wait3A_121 = tpu.memref_squeeze %dma_wait3A_120 : memref<1x128xi32, #tpu.memory_space<vmem>> -> memref<128xi32, #tpu.memory_space<vmem>>
        %dma_wait3A_122 = arith.constant 0 : i32
        %dma_wait3A_123 = arith.constant 0 : i32
        %dma_wait3A_124 = tpu.memref_slice %arg13[%dma_wait3A_122, %dma_wait3A_123] : memref<5120x128xf32, #tpu.memory_space<vmem_shared>> -> memref<5120x128xf32, #tpu.memory_space<vmem_shared>>
        tpu.wait_indirect_dma semaphore(%run_scoped3A : memref<!tpu.dma_semaphore, #tpu.memory_space<semaphore_mem>>) src(%arg11 : memref<128x128xf32, #tpu.memory_space<vmem>>) dst(%dma_wait3A_124 : memref<5120x128xf32, #tpu.memory_space<vmem_shared>>)
        tpu.yield
      }) : () -> ()
    }
    %while3A_72 = arith.constant 1 : i32
    scf.for %while3A_100 = %while3A_70 to %while3A_66 step %while3A_72  : i32 {
      %mul3A_101 = arith.muli %while3A_100, %while3A : i32
      %add3A_102 = arith.addi %while3A_63, %mul3A_101 : i32
      %dma_start3A = arith.constant 0 : i32
      %dma_start3A_103 = tpu.memref_slice %arg8[%add3A_102, %dma_start3A] : memref<160x128xi32, #tpu.memory_space<vmem>> -> memref<1x128xi32, #tpu.memory_space<vmem>>
      %dma_start3A_104 = tpu.memref_squeeze %dma_start3A_103 : memref<1x128xi32, #tpu.memory_space<vmem>> -> memref<128xi32, #tpu.memory_space<vmem>>
      %dma_start3A_105 = arith.constant 0 : i32
      %dma_start3A_106 = arith.constant 0 : i32
      %dma_start3A_107 = tpu.memref_slice %arg2[%dma_start3A_105, %dma_start3A_106] : memref<10000x128xf32, #tpu.memory_space<hbm>> -> memref<10000x128xf32, #tpu.memory_space<hbm>>
      tpu.enqueue_indirect_dma source(%dma_start3A_107 : memref<10000x128xf32, #tpu.memory_space<hbm>>) target(%arg11 : memref<128x128xf32, #tpu.memory_space<vmem>>) offsets(%dma_start3A_104 : memref<128xi32, #tpu.memory_space<vmem>>) semaphore(%arg14 : memref<!tpu.dma_semaphore, #tpu.memory_space<semaphore_mem>>)
      %dma_wait3A = arith.constant 0 : i32
      %dma_wait3A_108 = tpu.memref_slice %arg8[%add3A_102, %dma_wait3A] : memref<160x128xi32, #tpu.memory_space<vmem>> -> memref<1x128xi32, #tpu.memory_space<vmem>>
      %dma_wait3A_109 = tpu.memref_squeeze %dma_wait3A_108 : memref<1x128xi32, #tpu.memory_space<vmem>> -> memref<128xi32, #tpu.memory_space<vmem>>
      %dma_wait3A_110 = arith.constant 0 : i32
      %dma_wait3A_111 = arith.constant 0 : i32
      %dma_wait3A_112 = tpu.memref_slice %arg2[%dma_wait3A_110, %dma_wait3A_111] : memref<10000x128xf32, #tpu.memory_space<hbm>> -> memref<10000x128xf32, #tpu.memory_space<hbm>>
      tpu.wait_indirect_dma semaphore(%arg14 : memref<!tpu.dma_semaphore, #tpu.memory_space<semaphore_mem>>) src(%dma_wait3A_112 : memref<10000x128xf32, #tpu.memory_space<hbm>>) dst(%arg11 : memref<128x128xf32, #tpu.memory_space<vmem>>)
      "tpu.region"() ({
        %run_scoped3A = tpu.sem_alloc : memref<!tpu.dma_semaphore, #tpu.memory_space<semaphore_mem>>
        %dma_start3A_113 = arith.constant 0 : i32
        %dma_start3A_114 = tpu.memref_slice %arg9[%add3A_102, %dma_start3A_113] : memref<160x128xi32, #tpu.memory_space<vmem>> -> memref<1x128xi32, #tpu.memory_space<vmem>>
        %dma_start3A_115 = tpu.memref_squeeze %dma_start3A_114 : memref<1x128xi32, #tpu.memory_space<vmem>> -> memref<128xi32, #tpu.memory_space<vmem>>
        %dma_start3A_116 = arith.constant 0 : i32
        %dma_start3A_117 = arith.constant 0 : i32
        %dma_start3A_118 = tpu.memref_slice %arg13[%dma_start3A_116, %dma_start3A_117] : memref<5120x128xf32, #tpu.memory_space<vmem_shared>> -> memref<5120x128xf32, #tpu.memory_space<vmem_shared>>
        tpu.enqueue_indirect_dma source(%arg11 : memref<128x128xf32, #tpu.memory_space<vmem>>) target(%dma_start3A_118 : memref<5120x128xf32, #tpu.memory_space<vmem_shared>>) offsets(%dma_start3A_115 : memref<128xi32, #tpu.memory_space<vmem>>) semaphore(%run_scoped3A : memref<!tpu.dma_semaphore, #tpu.memory_space<semaphore_mem>>) {add = true}
        %dma_wait3A_119 = arith.constant 0 : i32
        %dma_wait3A_120 = tpu.memref_slice %arg9[%add3A_102, %dma_wait3A_119] : memref<160x128xi32, #tpu.memory_space<vmem>> -> memref<1x128xi32, #tpu.memory_space<vmem>>
        %dma_wait3A_121 = tpu.memref_squeeze %dma_wait3A_120 : memref<1x128xi32, #tpu.memory_space<vmem>> -> memref<128xi32, #tpu.memory_space<vmem>>
        %dma_wait3A_122 = arith.constant 0 : i32
        %dma_wait3A_123 = arith.constant 0 : i32
        %dma_wait3A_124 = tpu.memref_slice %arg13[%dma_wait3A_122, %dma_wait3A_123] : memref<5120x128xf32, #tpu.memory_space<vmem_shared>> -> memref<5120x128xf32, #tpu.memory_space<vmem_shared>>
        tpu.wait_indirect_dma semaphore(%run_scoped3A : memref<!tpu.dma_semaphore, #tpu.memory_space<semaphore_mem>>) src(%arg11 : memref<128x128xf32, #tpu.memory_space<vmem>>) dst(%dma_wait3A_124 : memref<5120x128xf32, #tpu.memory_space<vmem_shared>>)
        tpu.yield
      }) : () -> ()
    }
    %sub3A_73 = arith.constant 0 : i32
    %sub3A_74 = arith.subi %shift_right_arithmetic3A_56, %sub3A_73 : i32
    %sub3A_75 = arith.constant 1 : i32
    %sub3A_76 = arith.constant 1 : i32
    %sub3A_77 = arith.subi %sub3A_75, %sub3A_76 : i32
    %add3A_78 = arith.addi %sub3A_74, %sub3A_77 : i32
    %div3A_79 = arith.constant 1 : i32
    %div3A_80 = arith.divsi %add3A_78, %div3A_79 : i32
    %while3A_81 = arith.constant 1 : i32
    %while3A_82 = arith.constant 0 : i32
    %while3A_83 = arith.constant 0 : i32
    %while3A_84 = arith.subi %div3A_80, %while3A_83 : i32
    %while3A_85 = arith.addi %while3A_83, %while3A_84 : i32
    %while3A_86 = arith.constant 1 : i32
    %while3A_87 = arith.divsi %while3A_84, %while3A_86 : i32
    %while3A_88 = arith.muli %while3A_87, %while3A_86 : i32
    %while3A_89 = arith.addi %while3A_83, %while3A_88 : i32
    %while3A_90 = arith.constant 1 : i32
    scf.for %while3A_100 = %while3A_83 to %while3A_89 step %while3A_90  : i32 {
      %mul3A_101 = arith.muli %while3A_100, %while3A_81 : i32
      %add3A_102 = arith.addi %while3A_82, %mul3A_101 : i32
      %add3A_103 = arith.constant 80 : i32
      %add3A_104 = arith.addi %add3A_103, %add3A_102 : i32
      %dma_start3A = arith.constant 0 : i32
      %dma_start3A_105 = tpu.memref_slice %arg8[%add3A_104, %dma_start3A] : memref<160x128xi32, #tpu.memory_space<vmem>> -> memref<1x128xi32, #tpu.memory_space<vmem>>
      %dma_start3A_106 = tpu.memref_squeeze %dma_start3A_105 : memref<1x128xi32, #tpu.memory_space<vmem>> -> memref<128xi32, #tpu.memory_space<vmem>>
      %dma_start3A_107 = arith.constant 0 : i32
      %dma_start3A_108 = arith.constant 0 : i32
      %dma_start3A_109 = tpu.memref_slice %arg2[%dma_start3A_107, %dma_start3A_108] : memref<10000x128xf32, #tpu.memory_space<hbm>> -> memref<10000x128xf32, #tpu.memory_space<hbm>>
      tpu.enqueue_indirect_dma source(%dma_start3A_109 : memref<10000x128xf32, #tpu.memory_space<hbm>>) target(%arg12 : memref<128x128xf32, #tpu.memory_space<vmem>>) offsets(%dma_start3A_106 : memref<128xi32, #tpu.memory_space<vmem>>) semaphore(%arg15 : memref<!tpu.dma_semaphore, #tpu.memory_space<semaphore_mem>>)
      %dma_wait3A = arith.constant 0 : i32
      %dma_wait3A_110 = tpu.memref_slice %arg8[%add3A_104, %dma_wait3A] : memref<160x128xi32, #tpu.memory_space<vmem>> -> memref<1x128xi32, #tpu.memory_space<vmem>>
      %dma_wait3A_111 = tpu.memref_squeeze %dma_wait3A_110 : memref<1x128xi32, #tpu.memory_space<vmem>> -> memref<128xi32, #tpu.memory_space<vmem>>
      %dma_wait3A_112 = arith.constant 0 : i32
      %dma_wait3A_113 = arith.constant 0 : i32
      %dma_wait3A_114 = tpu.memref_slice %arg2[%dma_wait3A_112, %dma_wait3A_113] : memref<10000x128xf32, #tpu.memory_space<hbm>> -> memref<10000x128xf32, #tpu.memory_space<hbm>>
      tpu.wait_indirect_dma semaphore(%arg15 : memref<!tpu.dma_semaphore, #tpu.memory_space<semaphore_mem>>) src(%dma_wait3A_114 : memref<10000x128xf32, #tpu.memory_space<hbm>>) dst(%arg12 : memref<128x128xf32, #tpu.memory_space<vmem>>)
      %add3A_115 = arith.constant 80 : i32
      %add3A_116 = arith.addi %add3A_115, %add3A_102 : i32
      "tpu.region"() ({
        %run_scoped3A = tpu.sem_alloc : memref<!tpu.dma_semaphore, #tpu.memory_space<semaphore_mem>>
        %dma_start3A_117 = arith.constant 0 : i32
        %dma_start3A_118 = tpu.memref_slice %arg9[%add3A_116, %dma_start3A_117] : memref<160x128xi32, #tpu.memory_space<vmem>> -> memref<1x128xi32, #tpu.memory_space<vmem>>
        %dma_start3A_119 = tpu.memref_squeeze %dma_start3A_118 : memref<1x128xi32, #tpu.memory_space<vmem>> -> memref<128xi32, #tpu.memory_space<vmem>>
        %dma_start3A_120 = arith.constant 0 : i32
        %dma_start3A_121 = arith.constant 0 : i32
        %dma_start3A_122 = tpu.memref_slice %arg13[%dma_start3A_120, %dma_start3A_121] : memref<5120x128xf32, #tpu.memory_space<vmem_shared>> -> memref<5120x128xf32, #tpu.memory_space<vmem_shared>>
        tpu.enqueue_indirect_dma source(%arg12 : memref<128x128xf32, #tpu.memory_space<vmem>>) target(%dma_start3A_122 : memref<5120x128xf32, #tpu.memory_space<vmem_shared>>) offsets(%dma_start3A_119 : memref<128xi32, #tpu.memory_space<vmem>>) semaphore(%run_scoped3A : memref<!tpu.dma_semaphore, #tpu.memory_space<semaphore_mem>>) {add = true}
        %dma_wait3A_123 = arith.constant 0 : i32
        %dma_wait3A_124 = tpu.memref_slice %arg9[%add3A_116, %dma_wait3A_123] : memref<160x128xi32, #tpu.memory_space<vmem>> -> memref<1x128xi32, #tpu.memory_space<vmem>>
        %dma_wait3A_125 = tpu.memref_squeeze %dma_wait3A_124 : memref<1x128xi32, #tpu.memory_space<vmem>> -> memref<128xi32, #tpu.memory_space<vmem>>
        %dma_wait3A_126 = arith.constant 0 : i32
        %dma_wait3A_127 = arith.constant 0 : i32
        %dma_wait3A_128 = tpu.memref_slice %arg13[%dma_wait3A_126, %dma_wait3A_127] : memref<5120x128xf32, #tpu.memory_space<vmem_shared>> -> memref<5120x128xf32, #tpu.memory_space<vmem_shared>>
        tpu.wait_indirect_dma semaphore(%run_scoped3A : memref<!tpu.dma_semaphore, #tpu.memory_space<semaphore_mem>>) src(%arg12 : memref<128x128xf32, #tpu.memory_space<vmem>>) dst(%dma_wait3A_128 : memref<5120x128xf32, #tpu.memory_space<vmem_shared>>)
        tpu.yield
      }) : () -> ()
    }
    %while3A_91 = arith.constant 1 : i32
    scf.for %while3A_100 = %while3A_89 to %while3A_85 step %while3A_91  : i32 {
      %mul3A_101 = arith.muli %while3A_100, %while3A_81 : i32
      %add3A_102 = arith.addi %while3A_82, %mul3A_101 : i32
      %add3A_103 = arith.constant 80 : i32
      %add3A_104 = arith.addi %add3A_103, %add3A_102 : i32
      %dma_start3A = arith.constant 0 : i32
      %dma_start3A_105 = tpu.memref_slice %arg8[%add3A_104, %dma_start3A] : memref<160x128xi32, #tpu.memory_space<vmem>> -> memref<1x128xi32, #tpu.memory_space<vmem>>
      %dma_start3A_106 = tpu.memref_squeeze %dma_start3A_105 : memref<1x128xi32, #tpu.memory_space<vmem>> -> memref<128xi32, #tpu.memory_space<vmem>>
      %dma_start3A_107 = arith.constant 0 : i32
      %dma_start3A_108 = arith.constant 0 : i32
      %dma_start3A_109 = tpu.memref_slice %arg2[%dma_start3A_107, %dma_start3A_108] : memref<10000x128xf32, #tpu.memory_space<hbm>> -> memref<10000x128xf32, #tpu.memory_space<hbm>>
      tpu.enqueue_indirect_dma source(%dma_start3A_109 : memref<10000x128xf32, #tpu.memory_space<hbm>>) target(%arg12 : memref<128x128xf32, #tpu.memory_space<vmem>>) offsets(%dma_start3A_106 : memref<128xi32, #tpu.memory_space<vmem>>) semaphore(%arg15 : memref<!tpu.dma_semaphore, #tpu.memory_space<semaphore_mem>>)
      %dma_wait3A = arith.constant 0 : i32
      %dma_wait3A_110 = tpu.memref_slice %arg8[%add3A_104, %dma_wait3A] : memref<160x128xi32, #tpu.memory_space<vmem>> -> memref<1x128xi32, #tpu.memory_space<vmem>>
      %dma_wait3A_111 = tpu.memref_squeeze %dma_wait3A_110 : memref<1x128xi32, #tpu.memory_space<vmem>> -> memref<128xi32, #tpu.memory_space<vmem>>
      %dma_wait3A_112 = arith.constant 0 : i32
      %dma_wait3A_113 = arith.constant 0 : i32
      %dma_wait3A_114 = tpu.memref_slice %arg2[%dma_wait3A_112, %dma_wait3A_113] : memref<10000x128xf32, #tpu.memory_space<hbm>> -> memref<10000x128xf32, #tpu.memory_space<hbm>>
      tpu.wait_indirect_dma semaphore(%arg15 : memref<!tpu.dma_semaphore, #tpu.memory_space<semaphore_mem>>) src(%dma_wait3A_114 : memref<10000x128xf32, #tpu.memory_space<hbm>>) dst(%arg12 : memref<128x128xf32, #tpu.memory_space<vmem>>)
      %add3A_115 = arith.constant 80 : i32
      %add3A_116 = arith.addi %add3A_115, %add3A_102 : i32
      "tpu.region"() ({
        %run_scoped3A = tpu.sem_alloc : memref<!tpu.dma_semaphore, #tpu.memory_space<semaphore_mem>>
        %dma_start3A_117 = arith.constant 0 : i32
        %dma_start3A_118 = tpu.memref_slice %arg9[%add3A_116, %dma_start3A_117] : memref<160x128xi32, #tpu.memory_space<vmem>> -> memref<1x128xi32, #tpu.memory_space<vmem>>
        %dma_start3A_119 = tpu.memref_squeeze %dma_start3A_118 : memref<1x128xi32, #tpu.memory_space<vmem>> -> memref<128xi32, #tpu.memory_space<vmem>>
        %dma_start3A_120 = arith.constant 0 : i32
        %dma_start3A_121 = arith.constant 0 : i32
        %dma_start3A_122 = tpu.memref_slice %arg13[%dma_start3A_120, %dma_start3A_121] : memref<5120x128xf32, #tpu.memory_space<vmem_shared>> -> memref<5120x128xf32, #tpu.memory_space<vmem_shared>>
        tpu.enqueue_indirect_dma source(%arg12 : memref<128x128xf32, #tpu.memory_space<vmem>>) target(%dma_start3A_122 : memref<5120x128xf32, #tpu.memory_space<vmem_shared>>) offsets(%dma_start3A_119 : memref<128xi32, #tpu.memory_space<vmem>>) semaphore(%run_scoped3A : memref<!tpu.dma_semaphore, #tpu.memory_space<semaphore_mem>>) {add = true}
        %dma_wait3A_123 = arith.constant 0 : i32
        %dma_wait3A_124 = tpu.memref_slice %arg9[%add3A_116, %dma_wait3A_123] : memref<160x128xi32, #tpu.memory_space<vmem>> -> memref<1x128xi32, #tpu.memory_space<vmem>>
        %dma_wait3A_125 = tpu.memref_squeeze %dma_wait3A_124 : memref<1x128xi32, #tpu.memory_space<vmem>> -> memref<128xi32, #tpu.memory_space<vmem>>
        %dma_wait3A_126 = arith.constant 0 : i32
        %dma_wait3A_127 = arith.constant 0 : i32
        %dma_wait3A_128 = tpu.memref_slice %arg13[%dma_wait3A_126, %dma_wait3A_127] : memref<5120x128xf32, #tpu.memory_space<vmem_shared>> -> memref<5120x128xf32, #tpu.memory_space<vmem_shared>>
        tpu.wait_indirect_dma semaphore(%run_scoped3A : memref<!tpu.dma_semaphore, #tpu.memory_space<semaphore_mem>>) src(%arg12 : memref<128x128xf32, #tpu.memory_space<vmem>>) dst(%dma_wait3A_128 : memref<5120x128xf32, #tpu.memory_space<vmem_shared>>)
        tpu.yield
      }) : () -> ()
    }
    %barrier3A_92 = arith.constant 0 : index
    tpu.barrier barrier_id(%barrier3A_92)
    %mul3A_93 = arith.constant 320 : i32
    %mul3A_94 = arith.muli %arg1, %mul3A_93 : i32
    %mul3A_95 = arith.constant 5120 : i32
    %mul3A_96 = arith.muli %arg0, %mul3A_95 : i32
    %mul3A_97 = arith.constant 320 : i32
    %mul3A_98 = arith.muli %arg1, %mul3A_97 : i32
    %add3A_99 = arith.addi %mul3A_96, %mul3A_98 : i32
    "tpu.region"() ({
      %run_scoped3A = tpu.sem_alloc : memref<!tpu.dma_semaphore, #tpu.memory_space<semaphore_mem>>
      %dma_start3A = arith.constant 0 : i32
      %dma_start3A_100 = tpu.memref_slice %arg7[%add3A_99, %dma_start3A] : memref<10240x128xf32, #tpu.memory_space<hbm>> -> memref<320x128xf32, #tpu.memory_space<hbm>>
      %dma_start3A_101 = arith.constant 0 : i32
      %dma_start3A_102 = tpu.memref_slice %arg13[%mul3A_94, %dma_start3A_101] : memref<5120x128xf32, #tpu.memory_space<vmem_shared>> -> memref<320x128xf32, #tpu.memory_space<vmem_shared>>
      tpu.enqueue_dma source(%dma_start3A_102 : memref<320x128xf32, #tpu.memory_space<vmem_shared>>) target(%dma_start3A_100 : memref<320x128xf32, #tpu.memory_space<hbm>>) target_semaphore(%run_scoped3A : memref<!tpu.dma_semaphore, #tpu.memory_space<semaphore_mem>>)
      %dma_wait3A = arith.constant 0 : i32
      %dma_wait3A_103 = tpu.memref_slice %arg7[%add3A_99, %dma_wait3A] : memref<10240x128xf32, #tpu.memory_space<hbm>> -> memref<320x128xf32, #tpu.memory_space<hbm>>
      %dma_wait3A_104 = arith.constant 0 : i32
      %dma_wait3A_105 = tpu.memref_slice %arg13[%mul3A_94, %dma_wait3A_104] : memref<5120x128xf32, #tpu.memory_space<vmem_shared>> -> memref<320x128xf32, #tpu.memory_space<vmem_shared>>
      tpu.wait_dma2 semaphore(%run_scoped3A : memref<!tpu.dma_semaphore, #tpu.memory_space<semaphore_mem>>) src(%dma_wait3A_105 : memref<320x128xf32, #tpu.memory_space<vmem_shared>>) dst(%dma_wait3A_103 : memref<320x128xf32, #tpu.memory_space<hbm>>)
      tpu.yield
    }) : () -> ()
    return
  }
}

#map = affine_map<(d0, d1) -> (0, 0)>
#map1 = affine_map<(d0, d1) -> (0)>
module attributes {stable_mosaic.version = 14 : i64} {
  func.func @_scatter_body(%arg0: i32, %arg1: i32, %arg2: memref<10000x128xf32, #tpu.memory_space<hbm>>, %arg3: memref<5120x128xi32, #tpu.memory_space<hbm>>, %arg4: memref<5120x128xi32, #tpu.memory_space<hbm>>, %arg5: memref<8192xi32, #tpu.memory_space<hbm>>, %arg6: memref<5120x128xf32, #tpu.memory_space<hbm>>, %arg7: memref<10240x128xf32, #tpu.memory_space<hbm>>, %arg8: memref<160x128xi32, #tpu.memory_space<vmem>>, %arg9: memref<160x128xi32, #tpu.memory_space<vmem>>, %arg10: memref<256xi32, #tpu.memory_space<vmem>>, %arg11: memref<128x128xf32, #tpu.memory_space<vmem>>, %arg12: memref<128x128xf32, #tpu.memory_space<vmem>>, %arg13: memref<5120x128xf32, #tpu.memory_space<vmem_shared>>, %arg14: memref<!tpu.dma_semaphore, #tpu.memory_space<semaphore_mem>>, %arg15: memref<!tpu.dma_semaphore, #tpu.memory_space<semaphore_mem>>) attributes {dimension_semantics = [#tpu.dimension_semantics<core_parallel>, #tpu.dimension_semantics<subcore_parallel>], iteration_bounds = array<i64: 2, 16>, scalar_prefetch = 0 : i64, scratch_operands = 8 : i64, tpu.core_type = #tpu.core_type<sc_vector_subcore>, window_params = [{transform_indices = #map}, {transform_indices = #map}, {transform_indices = #map}, {transform_indices = #map1}, {transform_indices = #map}, {transform_indices = #map}]} {
    %mul3A = arith.constant 320 : i32
    %mul3A_0 = arith.muli %arg1, %mul3A : i32
    %mul3A_1 = arith.constant 320 : i32
    %mul3A_2 = arith.muli %arg1, %mul3A_1 : i32
    "tpu.region"() ({
      %run_scoped3A = tpu.sem_alloc : memref<!tpu.dma_semaphore, #tpu.memory_space<semaphore_mem>>
      %dma_start3A = arith.constant 0 : i32
      %dma_start3A_100 = tpu.memref_slice %arg13[%mul3A_2, %dma_start3A] : memref<5120x128xf32, #tpu.memory_space<vmem_shared>> -> memref<320x128xf32, #tpu.memory_space<vmem_shared>>
      %dma_start3A_101 = arith.constant 0 : i32
      %dma_start3A_102 = tpu.memref_slice %arg6[%mul3A_0, %dma_start3A_101] : memref<5120x128xf32, #tpu.memory_space<hbm>> -> memref<320x128xf32, #tpu.memory_space<hbm>>
      tpu.enqueue_dma source(%dma_start3A_102 : memref<320x128xf32, #tpu.memory_space<hbm>>) target(%dma_start3A_100 : memref<320x128xf32, #tpu.memory_space<vmem_shared>>) target_semaphore(%run_scoped3A : memref<!tpu.dma_semaphore, #tpu.memory_space<semaphore_mem>>)
      %dma_wait3A = arith.constant 0 : i32
      %dma_wait3A_103 = tpu.memref_slice %arg13[%mul3A_2, %dma_wait3A] : memref<5120x128xf32, #tpu.memory_space<vmem_shared>> -> memref<320x128xf32, #tpu.memory_space<vmem_shared>>
      %dma_wait3A_104 = arith.constant 0 : i32
      %dma_wait3A_105 = tpu.memref_slice %arg6[%mul3A_0, %dma_wait3A_104] : memref<5120x128xf32, #tpu.memory_space<hbm>> -> memref<320x128xf32, #tpu.memory_space<hbm>>
      tpu.wait_dma2 semaphore(%run_scoped3A : memref<!tpu.dma_semaphore, #tpu.memory_space<semaphore_mem>>) src(%dma_wait3A_105 : memref<320x128xf32, #tpu.memory_space<hbm>>) dst(%dma_wait3A_103 : memref<320x128xf32, #tpu.memory_space<vmem_shared>>)
      tpu.yield
    }) : () -> ()
    %mul3A_3 = arith.constant 2560 : i32
    %mul3A_4 = arith.muli %arg0, %mul3A_3 : i32
    %mul3A_5 = arith.constant 2 : i32
    %mul3A_6 = arith.muli %arg1, %mul3A_5 : i32
    %mul3A_7 = arith.constant 80 : i32
    %mul3A_8 = arith.muli %mul3A_6, %mul3A_7 : i32
    %add3A = arith.addi %mul3A_4, %mul3A_8 : i32
    "tpu.region"() ({
      %run_scoped3A = tpu.sem_alloc : memref<!tpu.dma_semaphore, #tpu.memory_space<semaphore_mem>>
      %dma_start3A = arith.constant 0 : i32
      %dma_start3A_100 = tpu.memref_slice %arg3[%add3A, %dma_start3A] : memref<5120x128xi32, #tpu.memory_space<hbm>> -> memref<160x128xi32, #tpu.memory_space<hbm>>
      %dma_start3A_101 = arith.constant 0 : i32
      %dma_start3A_102 = tpu.memref_slice %arg3[%add3A, %dma_start3A_101] : memref<5120x128xi32, #tpu.memory_space<hbm>> -> memref<160x128xi32, #tpu.memory_space<hbm>>
      tpu.enqueue_dma source(%dma_start3A_102 : memref<160x128xi32, #tpu.memory_space<hbm>>) target(%arg8 : memref<160x128xi32, #tpu.memory_space<vmem>>) target_semaphore(%run_scoped3A : memref<!tpu.dma_semaphore, #tpu.memory_space<semaphore_mem>>)
      %dma_wait3A = arith.constant 0 : i32
      %dma_wait3A_103 = tpu.memref_slice %arg3[%add3A, %dma_wait3A] : memref<5120x128xi32, #tpu.memory_space<hbm>> -> memref<160x128xi32, #tpu.memory_space<hbm>>
      %dma_wait3A_104 = arith.constant 0 : i32
      %dma_wait3A_105 = tpu.memref_slice %arg3[%add3A, %dma_wait3A_104] : memref<5120x128xi32, #tpu.memory_space<hbm>> -> memref<160x128xi32, #tpu.memory_space<hbm>>
      tpu.wait_dma2 semaphore(%run_scoped3A : memref<!tpu.dma_semaphore, #tpu.memory_space<semaphore_mem>>) src(%dma_wait3A_105 : memref<160x128xi32, #tpu.memory_space<hbm>>) dst(%arg8 : memref<160x128xi32, #tpu.memory_space<vmem>>)
      tpu.yield
    }) : () -> ()
    %mul3A_9 = arith.constant 2560 : i32
    %mul3A_10 = arith.muli %arg0, %mul3A_9 : i32
    %mul3A_11 = arith.constant 2 : i32
    %mul3A_12 = arith.muli %arg1, %mul3A_11 : i32
    %mul3A_13 = arith.constant 80 : i32
    %mul3A_14 = arith.muli %mul3A_12, %mul3A_13 : i32
    %add3A_15 = arith.addi %mul3A_10, %mul3A_14 : i32
    "tpu.region"() ({
      %run_scoped3A = tpu.sem_alloc : memref<!tpu.dma_semaphore, #tpu.memory_space<semaphore_mem>>
      %dma_start3A = arith.constant 0 : i32
      %dma_start3A_100 = tpu.memref_slice %arg4[%add3A_15, %dma_start3A] : memref<5120x128xi32, #tpu.memory_space<hbm>> -> memref<160x128xi32, #tpu.memory_space<hbm>>
      %dma_start3A_101 = arith.constant 0 : i32
      %dma_start3A_102 = tpu.memref_slice %arg4[%add3A_15, %dma_start3A_101] : memref<5120x128xi32, #tpu.memory_space<hbm>> -> memref<160x128xi32, #tpu.memory_space<hbm>>
      tpu.enqueue_dma source(%dma_start3A_102 : memref<160x128xi32, #tpu.memory_space<hbm>>) target(%arg9 : memref<160x128xi32, #tpu.memory_space<vmem>>) target_semaphore(%run_scoped3A : memref<!tpu.dma_semaphore, #tpu.memory_space<semaphore_mem>>)
      %dma_wait3A = arith.constant 0 : i32
      %dma_wait3A_103 = tpu.memref_slice %arg4[%add3A_15, %dma_wait3A] : memref<5120x128xi32, #tpu.memory_space<hbm>> -> memref<160x128xi32, #tpu.memory_space<hbm>>
      %dma_wait3A_104 = arith.constant 0 : i32
      %dma_wait3A_105 = tpu.memref_slice %arg4[%add3A_15, %dma_wait3A_104] : memref<5120x128xi32, #tpu.memory_space<hbm>> -> memref<160x128xi32, #tpu.memory_space<hbm>>
      tpu.wait_dma2 semaphore(%run_scoped3A : memref<!tpu.dma_semaphore, #tpu.memory_space<semaphore_mem>>) src(%dma_wait3A_105 : memref<160x128xi32, #tpu.memory_space<hbm>>) dst(%arg9 : memref<160x128xi32, #tpu.memory_space<vmem>>)
      tpu.yield
    }) : () -> ()
    %mul3A_16 = arith.constant 2 : i32
    %mul3A_17 = arith.muli %mul3A_16, %arg1 : i32
    %mul3A_18 = arith.constant 256 : i32
    %mul3A_19 = arith.muli %mul3A_17, %mul3A_18 : i32
    %mul3A_20 = arith.constant 128 : i32
    %mul3A_21 = arith.muli %arg0, %mul3A_20 : i32
    %add3A_22 = arith.addi %mul3A_19, %mul3A_21 : i32
    "tpu.region"() ({
      %run_scoped3A = tpu.sem_alloc : memref<!tpu.dma_semaphore, #tpu.memory_space<semaphore_mem>>
      %dma_start3A = arith.constant 0 : i32
      %dma_start3A_100 = tpu.memref_slice %arg10[%dma_start3A] : memref<256xi32, #tpu.memory_space<vmem>> -> memref<128xi32, #tpu.memory_space<vmem>>
      %dma_start3A_101 = tpu.memref_slice %arg5[%add3A_22] : memref<8192xi32, #tpu.memory_space<hbm>> -> memref<128xi32, #tpu.memory_space<hbm>>
      %dma_start3A_102 = arith.constant 0 : i32
      %dma_start3A_103 = tpu.memref_slice %arg10[%dma_start3A_102] : memref<256xi32, #tpu.memory_space<vmem>> -> memref<128xi32, #tpu.memory_space<vmem>>
      %dma_start3A_104 = tpu.memref_slice %arg5[%add3A_22] : memref<8192xi32, #tpu.memory_space<hbm>> -> memref<128xi32, #tpu.memory_space<hbm>>
      tpu.enqueue_dma source(%dma_start3A_104 : memref<128xi32, #tpu.memory_space<hbm>>) target(%dma_start3A_103 : memref<128xi32, #tpu.memory_space<vmem>>) target_semaphore(%run_scoped3A : memref<!tpu.dma_semaphore, #tpu.memory_space<semaphore_mem>>)
      %dma_wait3A = arith.constant 0 : i32
      %dma_wait3A_105 = tpu.memref_slice %arg10[%dma_wait3A] : memref<256xi32, #tpu.memory_space<vmem>> -> memref<128xi32, #tpu.memory_space<vmem>>
      %dma_wait3A_106 = tpu.memref_slice %arg5[%add3A_22] : memref<8192xi32, #tpu.memory_space<hbm>> -> memref<128xi32, #tpu.memory_space<hbm>>
      %dma_wait3A_107 = arith.constant 0 : i32
      %dma_wait3A_108 = tpu.memref_slice %arg10[%dma_wait3A_107] : memref<256xi32, #tpu.memory_space<vmem>> -> memref<128xi32, #tpu.memory_space<vmem>>
      %dma_wait3A_109 = tpu.memref_slice %arg5[%add3A_22] : memref<8192xi32, #tpu.memory_space<hbm>> -> memref<128xi32, #tpu.memory_space<hbm>>
      tpu.wait_dma2 semaphore(%run_scoped3A : memref<!tpu.dma_semaphore, #tpu.memory_space<semaphore_mem>>) src(%dma_wait3A_109 : memref<128xi32, #tpu.memory_space<hbm>>) dst(%dma_wait3A_108 : memref<128xi32, #tpu.memory_space<vmem>>)
      tpu.yield
    }) : () -> ()
    %mul3A_23 = arith.constant 2 : i32
    %mul3A_24 = arith.muli %mul3A_23, %arg1 : i32
    %add3A_25 = arith.constant 1 : i32
    %add3A_26 = arith.addi %mul3A_24, %add3A_25 : i32
    %mul3A_27 = arith.constant 256 : i32
    %mul3A_28 = arith.muli %add3A_26, %mul3A_27 : i32
    %mul3A_29 = arith.constant 128 : i32
    %mul3A_30 = arith.muli %arg0, %mul3A_29 : i32
    %add3A_31 = arith.addi %mul3A_28, %mul3A_30 : i32
    "tpu.region"() ({
      %run_scoped3A = tpu.sem_alloc : memref<!tpu.dma_semaphore, #tpu.memory_space<semaphore_mem>>
      %dma_start3A = arith.constant 128 : i32
      %dma_start3A_100 = tpu.memref_slice %arg10[%dma_start3A] : memref<256xi32, #tpu.memory_space<vmem>> -> memref<128xi32, #tpu.memory_space<vmem>>
      %dma_start3A_101 = tpu.memref_slice %arg5[%add3A_31] : memref<8192xi32, #tpu.memory_space<hbm>> -> memref<128xi32, #tpu.memory_space<hbm>>
      %dma_start3A_102 = arith.constant 128 : i32
      %dma_start3A_103 = tpu.memref_slice %arg10[%dma_start3A_102] : memref<256xi32, #tpu.memory_space<vmem>> -> memref<128xi32, #tpu.memory_space<vmem>>
      %dma_start3A_104 = tpu.memref_slice %arg5[%add3A_31] : memref<8192xi32, #tpu.memory_space<hbm>> -> memref<128xi32, #tpu.memory_space<hbm>>
      tpu.enqueue_dma source(%dma_start3A_104 : memref<128xi32, #tpu.memory_space<hbm>>) target(%dma_start3A_103 : memref<128xi32, #tpu.memory_space<vmem>>) target_semaphore(%run_scoped3A : memref<!tpu.dma_semaphore, #tpu.memory_space<semaphore_mem>>)
      %dma_wait3A = arith.constant 128 : i32
      %dma_wait3A_105 = tpu.memref_slice %arg10[%dma_wait3A] : memref<256xi32, #tpu.memory_space<vmem>> -> memref<128xi32, #tpu.memory_space<vmem>>
      %dma_wait3A_106 = tpu.memref_slice %arg5[%add3A_31] : memref<8192xi32, #tpu.memory_space<hbm>> -> memref<128xi32, #tpu.memory_space<hbm>>
      %dma_wait3A_107 = arith.constant 128 : i32
      %dma_wait3A_108 = tpu.memref_slice %arg10[%dma_wait3A_107] : memref<256xi32, #tpu.memory_space<vmem>> -> memref<128xi32, #tpu.memory_space<vmem>>
      %dma_wait3A_109 = tpu.memref_slice %arg5[%add3A_31] : memref<8192xi32, #tpu.memory_space<hbm>> -> memref<128xi32, #tpu.memory_space<hbm>>
      tpu.wait_dma2 semaphore(%run_scoped3A : memref<!tpu.dma_semaphore, #tpu.memory_space<semaphore_mem>>) src(%dma_wait3A_109 : memref<128xi32, #tpu.memory_space<hbm>>) dst(%dma_wait3A_108 : memref<128xi32, #tpu.memory_space<vmem>>)
      tpu.yield
    }) : () -> ()
    %barrier3A = arith.constant 0 : index
    tpu.barrier barrier_id(%barrier3A)
    %get3A = arith.constant 0 : index
    %get3A_32 = tpu.vector_load %arg10[%get3A] {strides = array<i32>} : memref<256xi32, #tpu.memory_space<vmem>>, vector<16xi32>,
    %reduce_max3A = arith.constant true
    %reduce_max3A_33 = vector.broadcast %reduce_max3A : i1 to vector<16xi1>
    %reduce_max3A_34 = arith.constant -2147483648 : i32
    %reduce_max3A_35 = vector.broadcast %reduce_max3A_34 : i32 to vector<16xi32>
    %reduce_max3A_36 = arith.xori %get3A_32, %reduce_max3A_35 : vector<16xi32>
    %reduce_max3A_37 = tpu.scan <max>, %reduce_max3A_36 masked %reduce_max3A_33 : vector<16xi32>, vector<16xi1> -> vector<16xi32>
    %reduce_max3A_38 = arith.xori %reduce_max3A_37, %reduce_max3A_35 : vector<16xi32>
    %reduce_max3A_39 = vector.extract %reduce_max3A_38[15] : i32 from vector<16xi32>
    %get3A_40 = arith.constant 128 : index
    %get3A_41 = tpu.vector_load %arg10[%get3A_40] {strides = array<i32>} : memref<256xi32, #tpu.memory_space<vmem>>, vector<16xi32>,
    %reduce_max3A_42 = arith.constant true
    %reduce_max3A_43 = vector.broadcast %reduce_max3A_42 : i1 to vector<16xi1>
    %reduce_max3A_44 = arith.constant -2147483648 : i32
    %reduce_max3A_45 = vector.broadcast %reduce_max3A_44 : i32 to vector<16xi32>
    %reduce_max3A_46 = arith.xori %get3A_41, %reduce_max3A_45 : vector<16xi32>
    %reduce_max3A_47 = tpu.scan <max>, %reduce_max3A_46 masked %reduce_max3A_43 : vector<16xi32>, vector<16xi1> -> vector<16xi32>
    %reduce_max3A_48 = arith.xori %reduce_max3A_47, %reduce_max3A_45 : vector<16xi32>
    %reduce_max3A_49 = vector.extract %reduce_max3A_48[15] : i32 from vector<16xi32>
    %add3A_50 = arith.constant 127 : i32
    %add3A_51 = arith.addi %reduce_max3A_39, %add3A_50 : i32
    %shift_right_arithmetic3A = arith.constant 7 : i32
    %shift_right_arithmetic3A_52 = arith.shrsi %add3A_51, %shift_right_arithmetic3A : i32
    %add3A_53 = arith.constant 127 : i32
    %add3A_54 = arith.addi %reduce_max3A_49, %add3A_53 : i32
    %shift_right_arithmetic3A_55 = arith.constant 7 : i32
    %shift_right_arithmetic3A_56 = arith.shrsi %add3A_54, %shift_right_arithmetic3A_55 : i32
    %sub3A = arith.constant 0 : i32
    %sub3A_57 = arith.subi %shift_right_arithmetic3A_52, %sub3A : i32
    %sub3A_58 = arith.constant 1 : i32
    %sub3A_59 = arith.constant 1 : i32
    %sub3A_60 = arith.subi %sub3A_58, %sub3A_59 : i32
    %add3A_61 = arith.addi %sub3A_57, %sub3A_60 : i32
    %div3A = arith.constant 1 : i32
    %div3A_62 = arith.divsi %add3A_61, %div3A : i32
    %while3A = arith.constant 1 : i32
    %while3A_63 = arith.constant 0 : i32
    %while3A_64 = arith.constant 0 : i32
    %while3A_65 = arith.subi %div3A_62, %while3A_64 : i32
    %while3A_66 = arith.addi %while3A_64, %while3A_65 : i32
    %while3A_67 = arith.constant 1 : i32
    %while3A_68 = arith.divsi %while3A_65, %while3A_67 : i32
    %while3A_69 = arith.muli %while3A_68, %while3A_67 : i32
    %while3A_70 = arith.addi %while3A_64, %while3A_69 : i32
    %while3A_71 = arith.constant 1 : i32
    scf.for %while3A_100 = %while3A_64 to %while3A_70 step %while3A_71  : i32 {
      %mul3A_101 = arith.muli %while3A_100, %while3A : i32
      %add3A_102 = arith.addi %while3A_63, %mul3A_101 : i32
      %dma_start3A = arith.constant 0 : i32
      %dma_start3A_103 = tpu.memref_slice %arg8[%add3A_102, %dma_start3A] : memref<160x128xi32, #tpu.memory_space<vmem>> -> memref<1x128xi32, #tpu.memory_space<vmem>>
      %dma_start3A_104 = tpu.memref_squeeze %dma_start3A_103 : memref<1x128xi32, #tpu.memory_space<vmem>> -> memref<128xi32, #tpu.memory_space<vmem>>
      %dma_start3A_105 = arith.constant 0 : i32
      %dma_start3A_106 = arith.constant 0 : i32
      %dma_start3A_107 = tpu.memref_slice %arg2[%dma_start3A_105, %dma_start3A_106] : memref<10000x128xf32, #tpu.memory_space<hbm>> -> memref<10000x128xf32, #tpu.memory_space<hbm>>
      tpu.enqueue_indirect_dma source(%dma_start3A_107 : memref<10000x128xf32, #tpu.memory_space<hbm>>) target(%arg11 : memref<128x128xf32, #tpu.memory_space<vmem>>) offsets(%dma_start3A_104 : memref<128xi32, #tpu.memory_space<vmem>>) semaphore(%arg14 : memref<!tpu.dma_semaphore, #tpu.memory_space<semaphore_mem>>)
      %dma_wait3A = arith.constant 0 : i32
      %dma_wait3A_108 = tpu.memref_slice %arg8[%add3A_102, %dma_wait3A] : memref<160x128xi32, #tpu.memory_space<vmem>> -> memref<1x128xi32, #tpu.memory_space<vmem>>
      %dma_wait3A_109 = tpu.memref_squeeze %dma_wait3A_108 : memref<1x128xi32, #tpu.memory_space<vmem>> -> memref<128xi32, #tpu.memory_space<vmem>>
      %dma_wait3A_110 = arith.constant 0 : i32
      %dma_wait3A_111 = arith.constant 0 : i32
      %dma_wait3A_112 = tpu.memref_slice %arg2[%dma_wait3A_110, %dma_wait3A_111] : memref<10000x128xf32, #tpu.memory_space<hbm>> -> memref<10000x128xf32, #tpu.memory_space<hbm>>
      tpu.wait_indirect_dma semaphore(%arg14 : memref<!tpu.dma_semaphore, #tpu.memory_space<semaphore_mem>>) src(%dma_wait3A_112 : memref<10000x128xf32, #tpu.memory_space<hbm>>) dst(%arg11 : memref<128x128xf32, #tpu.memory_space<vmem>>)
      "tpu.region"() ({
        %run_scoped3A = tpu.sem_alloc : memref<!tpu.dma_semaphore, #tpu.memory_space<semaphore_mem>>
        %dma_start3A_113 = arith.constant 0 : i32
        %dma_start3A_114 = tpu.memref_slice %arg9[%add3A_102, %dma_start3A_113] : memref<160x128xi32, #tpu.memory_space<vmem>> -> memref<1x128xi32, #tpu.memory_space<vmem>>
        %dma_start3A_115 = tpu.memref_squeeze %dma_start3A_114 : memref<1x128xi32, #tpu.memory_space<vmem>> -> memref<128xi32, #tpu.memory_space<vmem>>
        %dma_start3A_116 = arith.constant 0 : i32
        %dma_start3A_117 = arith.constant 0 : i32
        %dma_start3A_118 = tpu.memref_slice %arg13[%dma_start3A_116, %dma_start3A_117] : memref<5120x128xf32, #tpu.memory_space<vmem_shared>> -> memref<5120x128xf32, #tpu.memory_space<vmem_shared>>
        tpu.enqueue_indirect_dma source(%arg11 : memref<128x128xf32, #tpu.memory_space<vmem>>) target(%dma_start3A_118 : memref<5120x128xf32, #tpu.memory_space<vmem_shared>>) offsets(%dma_start3A_115 : memref<128xi32, #tpu.memory_space<vmem>>) semaphore(%run_scoped3A : memref<!tpu.dma_semaphore, #tpu.memory_space<semaphore_mem>>) {add = true}
        %dma_wait3A_119 = arith.constant 0 : i32
        %dma_wait3A_120 = tpu.memref_slice %arg9[%add3A_102, %dma_wait3A_119] : memref<160x128xi32, #tpu.memory_space<vmem>> -> memref<1x128xi32, #tpu.memory_space<vmem>>
        %dma_wait3A_121 = tpu.memref_squeeze %dma_wait3A_120 : memref<1x128xi32, #tpu.memory_space<vmem>> -> memref<128xi32, #tpu.memory_space<vmem>>
        %dma_wait3A_122 = arith.constant 0 : i32
        %dma_wait3A_123 = arith.constant 0 : i32
        %dma_wait3A_124 = tpu.memref_slice %arg13[%dma_wait3A_122, %dma_wait3A_123] : memref<5120x128xf32, #tpu.memory_space<vmem_shared>> -> memref<5120x128xf32, #tpu.memory_space<vmem_shared>>
        tpu.wait_indirect_dma semaphore(%run_scoped3A : memref<!tpu.dma_semaphore, #tpu.memory_space<semaphore_mem>>) src(%arg11 : memref<128x128xf32, #tpu.memory_space<vmem>>) dst(%dma_wait3A_124 : memref<5120x128xf32, #tpu.memory_space<vmem_shared>>)
        tpu.yield
      }) : () -> ()
    }
    %while3A_72 = arith.constant 1 : i32
    scf.for %while3A_100 = %while3A_70 to %while3A_66 step %while3A_72  : i32 {
      %mul3A_101 = arith.muli %while3A_100, %while3A : i32
      %add3A_102 = arith.addi %while3A_63, %mul3A_101 : i32
      %dma_start3A = arith.constant 0 : i32
      %dma_start3A_103 = tpu.memref_slice %arg8[%add3A_102, %dma_start3A] : memref<160x128xi32, #tpu.memory_space<vmem>> -> memref<1x128xi32, #tpu.memory_space<vmem>>
      %dma_start3A_104 = tpu.memref_squeeze %dma_start3A_103 : memref<1x128xi32, #tpu.memory_space<vmem>> -> memref<128xi32, #tpu.memory_space<vmem>>
      %dma_start3A_105 = arith.constant 0 : i32
      %dma_start3A_106 = arith.constant 0 : i32
      %dma_start3A_107 = tpu.memref_slice %arg2[%dma_start3A_105, %dma_start3A_106] : memref<10000x128xf32, #tpu.memory_space<hbm>> -> memref<10000x128xf32, #tpu.memory_space<hbm>>
      tpu.enqueue_indirect_dma source(%dma_start3A_107 : memref<10000x128xf32, #tpu.memory_space<hbm>>) target(%arg11 : memref<128x128xf32, #tpu.memory_space<vmem>>) offsets(%dma_start3A_104 : memref<128xi32, #tpu.memory_space<vmem>>) semaphore(%arg14 : memref<!tpu.dma_semaphore, #tpu.memory_space<semaphore_mem>>)
      %dma_wait3A = arith.constant 0 : i32
      %dma_wait3A_108 = tpu.memref_slice %arg8[%add3A_102, %dma_wait3A] : memref<160x128xi32, #tpu.memory_space<vmem>> -> memref<1x128xi32, #tpu.memory_space<vmem>>
      %dma_wait3A_109 = tpu.memref_squeeze %dma_wait3A_108 : memref<1x128xi32, #tpu.memory_space<vmem>> -> memref<128xi32, #tpu.memory_space<vmem>>
      %dma_wait3A_110 = arith.constant 0 : i32
      %dma_wait3A_111 = arith.constant 0 : i32
      %dma_wait3A_112 = tpu.memref_slice %arg2[%dma_wait3A_110, %dma_wait3A_111] : memref<10000x128xf32, #tpu.memory_space<hbm>> -> memref<10000x128xf32, #tpu.memory_space<hbm>>
      tpu.wait_indirect_dma semaphore(%arg14 : memref<!tpu.dma_semaphore, #tpu.memory_space<semaphore_mem>>) src(%dma_wait3A_112 : memref<10000x128xf32, #tpu.memory_space<hbm>>) dst(%arg11 : memref<128x128xf32, #tpu.memory_space<vmem>>)
      "tpu.region"() ({
        %run_scoped3A = tpu.sem_alloc : memref<!tpu.dma_semaphore, #tpu.memory_space<semaphore_mem>>
        %dma_start3A_113 = arith.constant 0 : i32
        %dma_start3A_114 = tpu.memref_slice %arg9[%add3A_102, %dma_start3A_113] : memref<160x128xi32, #tpu.memory_space<vmem>> -> memref<1x128xi32, #tpu.memory_space<vmem>>
        %dma_start3A_115 = tpu.memref_squeeze %dma_start3A_114 : memref<1x128xi32, #tpu.memory_space<vmem>> -> memref<128xi32, #tpu.memory_space<vmem>>
        %dma_start3A_116 = arith.constant 0 : i32
        %dma_start3A_117 = arith.constant 0 : i32
        %dma_start3A_118 = tpu.memref_slice %arg13[%dma_start3A_116, %dma_start3A_117] : memref<5120x128xf32, #tpu.memory_space<vmem_shared>> -> memref<5120x128xf32, #tpu.memory_space<vmem_shared>>
        tpu.enqueue_indirect_dma source(%arg11 : memref<128x128xf32, #tpu.memory_space<vmem>>) target(%dma_start3A_118 : memref<5120x128xf32, #tpu.memory_space<vmem_shared>>) offsets(%dma_start3A_115 : memref<128xi32, #tpu.memory_space<vmem>>) semaphore(%run_scoped3A : memref<!tpu.dma_semaphore, #tpu.memory_space<semaphore_mem>>) {add = true}
        %dma_wait3A_119 = arith.constant 0 : i32
        %dma_wait3A_120 = tpu.memref_slice %arg9[%add3A_102, %dma_wait3A_119] : memref<160x128xi32, #tpu.memory_space<vmem>> -> memref<1x128xi32, #tpu.memory_space<vmem>>
        %dma_wait3A_121 = tpu.memref_squeeze %dma_wait3A_120 : memref<1x128xi32, #tpu.memory_space<vmem>> -> memref<128xi32, #tpu.memory_space<vmem>>
        %dma_wait3A_122 = arith.constant 0 : i32
        %dma_wait3A_123 = arith.constant 0 : i32
        %dma_wait3A_124 = tpu.memref_slice %arg13[%dma_wait3A_122, %dma_wait3A_123] : memref<5120x128xf32, #tpu.memory_space<vmem_shared>> -> memref<5120x128xf32, #tpu.memory_space<vmem_shared>>
        tpu.wait_indirect_dma semaphore(%run_scoped3A : memref<!tpu.dma_semaphore, #tpu.memory_space<semaphore_mem>>) src(%arg11 : memref<128x128xf32, #tpu.memory_space<vmem>>) dst(%dma_wait3A_124 : memref<5120x128xf32, #tpu.memory_space<vmem_shared>>)
        tpu.yield
      }) : () -> ()
    }
    %sub3A_73 = arith.constant 0 : i32
    %sub3A_74 = arith.subi %shift_right_arithmetic3A_56, %sub3A_73 : i32
    %sub3A_75 = arith.constant 1 : i32
    %sub3A_76 = arith.constant 1 : i32
    %sub3A_77 = arith.subi %sub3A_75, %sub3A_76 : i32
    %add3A_78 = arith.addi %sub3A_74, %sub3A_77 : i32
    %div3A_79 = arith.constant 1 : i32
    %div3A_80 = arith.divsi %add3A_78, %div3A_79 : i32
    %while3A_81 = arith.constant 1 : i32
    %while3A_82 = arith.constant 0 : i32
    %while3A_83 = arith.constant 0 : i32
    %while3A_84 = arith.subi %div3A_80, %while3A_83 : i32
    %while3A_85 = arith.addi %while3A_83, %while3A_84 : i32
    %while3A_86 = arith.constant 1 : i32
    %while3A_87 = arith.divsi %while3A_84, %while3A_86 : i32
    %while3A_88 = arith.muli %while3A_87, %while3A_86 : i32
    %while3A_89 = arith.addi %while3A_83, %while3A_88 : i32
    %while3A_90 = arith.constant 1 : i32
    scf.for %while3A_100 = %while3A_83 to %while3A_89 step %while3A_90  : i32 {
      %mul3A_101 = arith.muli %while3A_100, %while3A_81 : i32
      %add3A_102 = arith.addi %while3A_82, %mul3A_101 : i32
      %add3A_103 = arith.constant 80 : i32
      %add3A_104 = arith.addi %add3A_103, %add3A_102 : i32
      %dma_start3A = arith.constant 0 : i32
      %dma_start3A_105 = tpu.memref_slice %arg8[%add3A_104, %dma_start3A] : memref<160x128xi32, #tpu.memory_space<vmem>> -> memref<1x128xi32, #tpu.memory_space<vmem>>
      %dma_start3A_106 = tpu.memref_squeeze %dma_start3A_105 : memref<1x128xi32, #tpu.memory_space<vmem>> -> memref<128xi32, #tpu.memory_space<vmem>>
      %dma_start3A_107 = arith.constant 0 : i32
      %dma_start3A_108 = arith.constant 0 : i32
      %dma_start3A_109 = tpu.memref_slice %arg2[%dma_start3A_107, %dma_start3A_108] : memref<10000x128xf32, #tpu.memory_space<hbm>> -> memref<10000x128xf32, #tpu.memory_space<hbm>>
      tpu.enqueue_indirect_dma source(%dma_start3A_109 : memref<10000x128xf32, #tpu.memory_space<hbm>>) target(%arg12 : memref<128x128xf32, #tpu.memory_space<vmem>>) offsets(%dma_start3A_106 : memref<128xi32, #tpu.memory_space<vmem>>) semaphore(%arg15 : memref<!tpu.dma_semaphore, #tpu.memory_space<semaphore_mem>>)
      %dma_wait3A = arith.constant 0 : i32
      %dma_wait3A_110 = tpu.memref_slice %arg8[%add3A_104, %dma_wait3A] : memref<160x128xi32, #tpu.memory_space<vmem>> -> memref<1x128xi32, #tpu.memory_space<vmem>>
      %dma_wait3A_111 = tpu.memref_squeeze %dma_wait3A_110 : memref<1x128xi32, #tpu.memory_space<vmem>> -> memref<128xi32, #tpu.memory_space<vmem>>
      %dma_wait3A_112 = arith.constant 0 : i32
      %dma_wait3A_113 = arith.constant 0 : i32
      %dma_wait3A_114 = tpu.memref_slice %arg2[%dma_wait3A_112, %dma_wait3A_113] : memref<10000x128xf32, #tpu.memory_space<hbm>> -> memref<10000x128xf32, #tpu.memory_space<hbm>>
      tpu.wait_indirect_dma semaphore(%arg15 : memref<!tpu.dma_semaphore, #tpu.memory_space<semaphore_mem>>) src(%dma_wait3A_114 : memref<10000x128xf32, #tpu.memory_space<hbm>>) dst(%arg12 : memref<128x128xf32, #tpu.memory_space<vmem>>)
      %add3A_115 = arith.constant 80 : i32
      %add3A_116 = arith.addi %add3A_115, %add3A_102 : i32
      "tpu.region"() ({
        %run_scoped3A = tpu.sem_alloc : memref<!tpu.dma_semaphore, #tpu.memory_space<semaphore_mem>>
        %dma_start3A_117 = arith.constant 0 : i32
        %dma_start3A_118 = tpu.memref_slice %arg9[%add3A_116, %dma_start3A_117] : memref<160x128xi32, #tpu.memory_space<vmem>> -> memref<1x128xi32, #tpu.memory_space<vmem>>
        %dma_start3A_119 = tpu.memref_squeeze %dma_start3A_118 : memref<1x128xi32, #tpu.memory_space<vmem>> -> memref<128xi32, #tpu.memory_space<vmem>>
        %dma_start3A_120 = arith.constant 0 : i32
        %dma_start3A_121 = arith.constant 0 : i32
        %dma_start3A_122 = tpu.memref_slice %arg13[%dma_start3A_120, %dma_start3A_121] : memref<5120x128xf32, #tpu.memory_space<vmem_shared>> -> memref<5120x128xf32, #tpu.memory_space<vmem_shared>>
        tpu.enqueue_indirect_dma source(%arg12 : memref<128x128xf32, #tpu.memory_space<vmem>>) target(%dma_start3A_122 : memref<5120x128xf32, #tpu.memory_space<vmem_shared>>) offsets(%dma_start3A_119 : memref<128xi32, #tpu.memory_space<vmem>>) semaphore(%run_scoped3A : memref<!tpu.dma_semaphore, #tpu.memory_space<semaphore_mem>>) {add = true}
        %dma_wait3A_123 = arith.constant 0 : i32
        %dma_wait3A_124 = tpu.memref_slice %arg9[%add3A_116, %dma_wait3A_123] : memref<160x128xi32, #tpu.memory_space<vmem>> -> memref<1x128xi32, #tpu.memory_space<vmem>>
        %dma_wait3A_125 = tpu.memref_squeeze %dma_wait3A_124 : memref<1x128xi32, #tpu.memory_space<vmem>> -> memref<128xi32, #tpu.memory_space<vmem>>
        %dma_wait3A_126 = arith.constant 0 : i32
        %dma_wait3A_127 = arith.constant 0 : i32
        %dma_wait3A_128 = tpu.memref_slice %arg13[%dma_wait3A_126, %dma_wait3A_127] : memref<5120x128xf32, #tpu.memory_space<vmem_shared>> -> memref<5120x128xf32, #tpu.memory_space<vmem_shared>>
        tpu.wait_indirect_dma semaphore(%run_scoped3A : memref<!tpu.dma_semaphore, #tpu.memory_space<semaphore_mem>>) src(%arg12 : memref<128x128xf32, #tpu.memory_space<vmem>>) dst(%dma_wait3A_128 : memref<5120x128xf32, #tpu.memory_space<vmem_shared>>)
        tpu.yield
      }) : () -> ()
    }
    %while3A_91 = arith.constant 1 : i32
    scf.for %while3A_100 = %while3A_89 to %while3A_85 step %while3A_91  : i32 {
      %mul3A_101 = arith.muli %while3A_100, %while3A_81 : i32
      %add3A_102 = arith.addi %while3A_82, %mul3A_101 : i32
      %add3A_103 = arith.constant 80 : i32
      %add3A_104 = arith.addi %add3A_103, %add3A_102 : i32
      %dma_start3A = arith.constant 0 : i32
      %dma_start3A_105 = tpu.memref_slice %arg8[%add3A_104, %dma_start3A] : memref<160x128xi32, #tpu.memory_space<vmem>> -> memref<1x128xi32, #tpu.memory_space<vmem>>
      %dma_start3A_106 = tpu.memref_squeeze %dma_start3A_105 : memref<1x128xi32, #tpu.memory_space<vmem>> -> memref<128xi32, #tpu.memory_space<vmem>>
      %dma_start3A_107 = arith.constant 0 : i32
      %dma_start3A_108 = arith.constant 0 : i32
      %dma_start3A_109 = tpu.memref_slice %arg2[%dma_start3A_107, %dma_start3A_108] : memref<10000x128xf32, #tpu.memory_space<hbm>> -> memref<10000x128xf32, #tpu.memory_space<hbm>>
      tpu.enqueue_indirect_dma source(%dma_start3A_109 : memref<10000x128xf32, #tpu.memory_space<hbm>>) target(%arg12 : memref<128x128xf32, #tpu.memory_space<vmem>>) offsets(%dma_start3A_106 : memref<128xi32, #tpu.memory_space<vmem>>) semaphore(%arg15 : memref<!tpu.dma_semaphore, #tpu.memory_space<semaphore_mem>>)
      %dma_wait3A = arith.constant 0 : i32
      %dma_wait3A_110 = tpu.memref_slice %arg8[%add3A_104, %dma_wait3A] : memref<160x128xi32, #tpu.memory_space<vmem>> -> memref<1x128xi32, #tpu.memory_space<vmem>>
      %dma_wait3A_111 = tpu.memref_squeeze %dma_wait3A_110 : memref<1x128xi32, #tpu.memory_space<vmem>> -> memref<128xi32, #tpu.memory_space<vmem>>
      %dma_wait3A_112 = arith.constant 0 : i32
      %dma_wait3A_113 = arith.constant 0 : i32
      %dma_wait3A_114 = tpu.memref_slice %arg2[%dma_wait3A_112, %dma_wait3A_113] : memref<10000x128xf32, #tpu.memory_space<hbm>> -> memref<10000x128xf32, #tpu.memory_space<hbm>>
      tpu.wait_indirect_dma semaphore(%arg15 : memref<!tpu.dma_semaphore, #tpu.memory_space<semaphore_mem>>) src(%dma_wait3A_114 : memref<10000x128xf32, #tpu.memory_space<hbm>>) dst(%arg12 : memref<128x128xf32, #tpu.memory_space<vmem>>)
      %add3A_115 = arith.constant 80 : i32
      %add3A_116 = arith.addi %add3A_115, %add3A_102 : i32
      "tpu.region"() ({
        %run_scoped3A = tpu.sem_alloc : memref<!tpu.dma_semaphore, #tpu.memory_space<semaphore_mem>>
        %dma_start3A_117 = arith.constant 0 : i32
        %dma_start3A_118 = tpu.memref_slice %arg9[%add3A_116, %dma_start3A_117] : memref<160x128xi32, #tpu.memory_space<vmem>> -> memref<1x128xi32, #tpu.memory_space<vmem>>
        %dma_start3A_119 = tpu.memref_squeeze %dma_start3A_118 : memref<1x128xi32, #tpu.memory_space<vmem>> -> memref<128xi32, #tpu.memory_space<vmem>>
        %dma_start3A_120 = arith.constant 0 : i32
        %dma_start3A_121 = arith.constant 0 : i32
        %dma_start3A_122 = tpu.memref_slice %arg13[%dma_start3A_120, %dma_start3A_121] : memref<5120x128xf32, #tpu.memory_space<vmem_shared>> -> memref<5120x128xf32, #tpu.memory_space<vmem_shared>>
        tpu.enqueue_indirect_dma source(%arg12 : memref<128x128xf32, #tpu.memory_space<vmem>>) target(%dma_start3A_122 : memref<5120x128xf32, #tpu.memory_space<vmem_shared>>) offsets(%dma_start3A_119 : memref<128xi32, #tpu.memory_space<vmem>>) semaphore(%run_scoped3A : memref<!tpu.dma_semaphore, #tpu.memory_space<semaphore_mem>>) {add = true}
        %dma_wait3A_123 = arith.constant 0 : i32
        %dma_wait3A_124 = tpu.memref_slice %arg9[%add3A_116, %dma_wait3A_123] : memref<160x128xi32, #tpu.memory_space<vmem>> -> memref<1x128xi32, #tpu.memory_space<vmem>>
        %dma_wait3A_125 = tpu.memref_squeeze %dma_wait3A_124 : memref<1x128xi32, #tpu.memory_space<vmem>> -> memref<128xi32, #tpu.memory_space<vmem>>
        %dma_wait3A_126 = arith.constant 0 : i32
        %dma_wait3A_127 = arith.constant 0 : i32
        %dma_wait3A_128 = tpu.memref_slice %arg13[%dma_wait3A_126, %dma_wait3A_127] : memref<5120x128xf32, #tpu.memory_space<vmem_shared>> -> memref<5120x128xf32, #tpu.memory_space<vmem_shared>>
        tpu.wait_indirect_dma semaphore(%run_scoped3A : memref<!tpu.dma_semaphore, #tpu.memory_space<semaphore_mem>>) src(%arg12 : memref<128x128xf32, #tpu.memory_space<vmem>>) dst(%dma_wait3A_128 : memref<5120x128xf32, #tpu.memory_space<vmem_shared>>)
        tpu.yield
      }) : () -> ()
    }
    %barrier3A_92 = arith.constant 0 : index
    tpu.barrier barrier_id(%barrier3A_92)
    %mul3A_93 = arith.constant 320 : i32
    %mul3A_94 = arith.muli %arg1, %mul3A_93 : i32
    %mul3A_95 = arith.constant 5120 : i32
    %mul3A_96 = arith.muli %arg0, %mul3A_95 : i32
    %mul3A_97 = arith.constant 320 : i32
    %mul3A_98 = arith.muli %arg1, %mul3A_97 : i32
    %add3A_99 = arith.addi %mul3A_96, %mul3A_98 : i32
    "tpu.region"() ({
      %run_scoped3A = tpu.sem_alloc : memref<!tpu.dma_semaphore, #tpu.memory_space<semaphore_mem>>
      %dma_start3A = arith.constant 0 : i32
      %dma_start3A_100 = tpu.memref_slice %arg7[%add3A_99, %dma_start3A] : memref<10240x128xf32, #tpu.memory_space<hbm>> -> memref<320x128xf32, #tpu.memory_space<hbm>>
      %dma_start3A_101 = arith.constant 0 : i32
      %dma_start3A_102 = tpu.memref_slice %arg13[%mul3A_94, %dma_start3A_101] : memref<5120x128xf32, #tpu.memory_space<vmem_shared>> -> memref<320x128xf32, #tpu.memory_space<vmem_shared>>
      tpu.enqueue_dma source(%dma_start3A_102 : memref<320x128xf32, #tpu.memory_space<vmem_shared>>) target(%dma_start3A_100 : memref<320x128xf32, #tpu.memory_space<hbm>>) target_semaphore(%run_scoped3A : memref<!tpu.dma_semaphore, #tpu.memory_space<semaphore_mem>>)
      %dma_wait3A = arith.constant 0 : i32
      %dma_wait3A_103 = tpu.memref_slice %arg7[%add3A_99, %dma_wait3A] : memref<10240x128xf32, #tpu.memory_space<hbm>> -> memref<320x128xf32, #tpu.memory_space<hbm>>
      %dma_wait3A_104 = arith.constant 0 : i32
      %dma_wait3A_105 = tpu.memref_slice %arg13[%mul3A_94, %dma_wait3A_104] : memref<5120x128xf32, #tpu.memory_space<vmem_shared>> -> memref<320x128xf32, #tpu.memory_space<vmem_shared>>
      tpu.wait_dma2 semaphore(%run_scoped3A : memref<!tpu.dma_semaphore, #tpu.memory_space<semaphore_mem>>) src(%dma_wait3A_105 : memref<320x128xf32, #tpu.memory_space<vmem_shared>>) dst(%dma_wait3A_103 : memref<320x128xf32, #tpu.memory_space<hbm>>)
      tpu.yield
    }) : () -> ()
    return
  }
}

#map = affine_map<(d0, d1) -> (0, 0)>
#map1 = affine_map<(d0, d1) -> (0)>
module attributes {stable_mosaic.version = 14 : i64} {
  func.func @_scatter_body(%arg0: i32, %arg1: i32, %arg2: memref<10000x128xf32, #tpu.memory_space<hbm>>, %arg3: memref<5120x128xi32, #tpu.memory_space<hbm>>, %arg4: memref<5120x128xi32, #tpu.memory_space<hbm>>, %arg5: memref<8192xi32, #tpu.memory_space<hbm>>, %arg6: memref<5120x128xf32, #tpu.memory_space<hbm>>, %arg7: memref<10240x128xf32, #tpu.memory_space<hbm>>, %arg8: memref<160x128xi32, #tpu.memory_space<vmem>>, %arg9: memref<160x128xi32, #tpu.memory_space<vmem>>, %arg10: memref<256xi32, #tpu.memory_space<vmem>>, %arg11: memref<128x128xf32, #tpu.memory_space<vmem>>, %arg12: memref<128x128xf32, #tpu.memory_space<vmem>>, %arg13: memref<5120x128xf32, #tpu.memory_space<vmem_shared>>, %arg14: memref<!tpu.dma_semaphore, #tpu.memory_space<semaphore_mem>>, %arg15: memref<!tpu.dma_semaphore, #tpu.memory_space<semaphore_mem>>) attributes {dimension_semantics = [#tpu.dimension_semantics<core_parallel>, #tpu.dimension_semantics<subcore_parallel>], iteration_bounds = array<i64: 2, 16>, scalar_prefetch = 0 : i64, scratch_operands = 8 : i64, tpu.core_type = #tpu.core_type<sc_vector_subcore>, window_params = [{transform_indices = #map}, {transform_indices = #map}, {transform_indices = #map}, {transform_indices = #map1}, {transform_indices = #map}, {transform_indices = #map}]} {
    %mul3A = arith.constant 320 : i32
    %mul3A_0 = arith.muli %arg1, %mul3A : i32
    %mul3A_1 = arith.constant 320 : i32
    %mul3A_2 = arith.muli %arg1, %mul3A_1 : i32
    "tpu.region"() ({
      %run_scoped3A = tpu.sem_alloc : memref<!tpu.dma_semaphore, #tpu.memory_space<semaphore_mem>>
      %dma_start3A = arith.constant 0 : i32
      %dma_start3A_100 = tpu.memref_slice %arg13[%mul3A_2, %dma_start3A] : memref<5120x128xf32, #tpu.memory_space<vmem_shared>> -> memref<320x128xf32, #tpu.memory_space<vmem_shared>>
      %dma_start3A_101 = arith.constant 0 : i32
      %dma_start3A_102 = tpu.memref_slice %arg6[%mul3A_0, %dma_start3A_101] : memref<5120x128xf32, #tpu.memory_space<hbm>> -> memref<320x128xf32, #tpu.memory_space<hbm>>
      tpu.enqueue_dma source(%dma_start3A_102 : memref<320x128xf32, #tpu.memory_space<hbm>>) target(%dma_start3A_100 : memref<320x128xf32, #tpu.memory_space<vmem_shared>>) target_semaphore(%run_scoped3A : memref<!tpu.dma_semaphore, #tpu.memory_space<semaphore_mem>>)
      %dma_wait3A = arith.constant 0 : i32
      %dma_wait3A_103 = tpu.memref_slice %arg13[%mul3A_2, %dma_wait3A] : memref<5120x128xf32, #tpu.memory_space<vmem_shared>> -> memref<320x128xf32, #tpu.memory_space<vmem_shared>>
      %dma_wait3A_104 = arith.constant 0 : i32
      %dma_wait3A_105 = tpu.memref_slice %arg6[%mul3A_0, %dma_wait3A_104] : memref<5120x128xf32, #tpu.memory_space<hbm>> -> memref<320x128xf32, #tpu.memory_space<hbm>>
      tpu.wait_dma2 semaphore(%run_scoped3A : memref<!tpu.dma_semaphore, #tpu.memory_space<semaphore_mem>>) src(%dma_wait3A_105 : memref<320x128xf32, #tpu.memory_space<hbm>>) dst(%dma_wait3A_103 : memref<320x128xf32, #tpu.memory_space<vmem_shared>>)
      tpu.yield
    }) : () -> ()
    %mul3A_3 = arith.constant 2560 : i32
    %mul3A_4 = arith.muli %arg0, %mul3A_3 : i32
    %mul3A_5 = arith.constant 2 : i32
    %mul3A_6 = arith.muli %arg1, %mul3A_5 : i32
    %mul3A_7 = arith.constant 80 : i32
    %mul3A_8 = arith.muli %mul3A_6, %mul3A_7 : i32
    %add3A = arith.addi %mul3A_4, %mul3A_8 : i32
    "tpu.region"() ({
      %run_scoped3A = tpu.sem_alloc : memref<!tpu.dma_semaphore, #tpu.memory_space<semaphore_mem>>
      %dma_start3A = arith.constant 0 : i32
      %dma_start3A_100 = tpu.memref_slice %arg3[%add3A, %dma_start3A] : memref<5120x128xi32, #tpu.memory_space<hbm>> -> memref<160x128xi32, #tpu.memory_space<hbm>>
      %dma_start3A_101 = arith.constant 0 : i32
      %dma_start3A_102 = tpu.memref_slice %arg3[%add3A, %dma_start3A_101] : memref<5120x128xi32, #tpu.memory_space<hbm>> -> memref<160x128xi32, #tpu.memory_space<hbm>>
      tpu.enqueue_dma source(%dma_start3A_102 : memref<160x128xi32, #tpu.memory_space<hbm>>) target(%arg8 : memref<160x128xi32, #tpu.memory_space<vmem>>) target_semaphore(%run_scoped3A : memref<!tpu.dma_semaphore, #tpu.memory_space<semaphore_mem>>)
      %dma_wait3A = arith.constant 0 : i32
      %dma_wait3A_103 = tpu.memref_slice %arg3[%add3A, %dma_wait3A] : memref<5120x128xi32, #tpu.memory_space<hbm>> -> memref<160x128xi32, #tpu.memory_space<hbm>>
      %dma_wait3A_104 = arith.constant 0 : i32
      %dma_wait3A_105 = tpu.memref_slice %arg3[%add3A, %dma_wait3A_104] : memref<5120x128xi32, #tpu.memory_space<hbm>> -> memref<160x128xi32, #tpu.memory_space<hbm>>
      tpu.wait_dma2 semaphore(%run_scoped3A : memref<!tpu.dma_semaphore, #tpu.memory_space<semaphore_mem>>) src(%dma_wait3A_105 : memref<160x128xi32, #tpu.memory_space<hbm>>) dst(%arg8 : memref<160x128xi32, #tpu.memory_space<vmem>>)
      tpu.yield
    }) : () -> ()
    %mul3A_9 = arith.constant 2560 : i32
    %mul3A_10 = arith.muli %arg0, %mul3A_9 : i32
    %mul3A_11 = arith.constant 2 : i32
    %mul3A_12 = arith.muli %arg1, %mul3A_11 : i32
    %mul3A_13 = arith.constant 80 : i32
    %mul3A_14 = arith.muli %mul3A_12, %mul3A_13 : i32
    %add3A_15 = arith.addi %mul3A_10, %mul3A_14 : i32
    "tpu.region"() ({
      %run_scoped3A = tpu.sem_alloc : memref<!tpu.dma_semaphore, #tpu.memory_space<semaphore_mem>>
      %dma_start3A = arith.constant 0 : i32
      %dma_start3A_100 = tpu.memref_slice %arg4[%add3A_15, %dma_start3A] : memref<5120x128xi32, #tpu.memory_space<hbm>> -> memref<160x128xi32, #tpu.memory_space<hbm>>
      %dma_start3A_101 = arith.constant 0 : i32
      %dma_start3A_102 = tpu.memref_slice %arg4[%add3A_15, %dma_start3A_101] : memref<5120x128xi32, #tpu.memory_space<hbm>> -> memref<160x128xi32, #tpu.memory_space<hbm>>
      tpu.enqueue_dma source(%dma_start3A_102 : memref<160x128xi32, #tpu.memory_space<hbm>>) target(%arg9 : memref<160x128xi32, #tpu.memory_space<vmem>>) target_semaphore(%run_scoped3A : memref<!tpu.dma_semaphore, #tpu.memory_space<semaphore_mem>>)
      %dma_wait3A = arith.constant 0 : i32
      %dma_wait3A_103 = tpu.memref_slice %arg4[%add3A_15, %dma_wait3A] : memref<5120x128xi32, #tpu.memory_space<hbm>> -> memref<160x128xi32, #tpu.memory_space<hbm>>
      %dma_wait3A_104 = arith.constant 0 : i32
      %dma_wait3A_105 = tpu.memref_slice %arg4[%add3A_15, %dma_wait3A_104] : memref<5120x128xi32, #tpu.memory_space<hbm>> -> memref<160x128xi32, #tpu.memory_space<hbm>>
      tpu.wait_dma2 semaphore(%run_scoped3A : memref<!tpu.dma_semaphore, #tpu.memory_space<semaphore_mem>>) src(%dma_wait3A_105 : memref<160x128xi32, #tpu.memory_space<hbm>>) dst(%arg9 : memref<160x128xi32, #tpu.memory_space<vmem>>)
      tpu.yield
    }) : () -> ()
    %mul3A_16 = arith.constant 2 : i32
    %mul3A_17 = arith.muli %mul3A_16, %arg1 : i32
    %mul3A_18 = arith.constant 256 : i32
    %mul3A_19 = arith.muli %mul3A_17, %mul3A_18 : i32
    %mul3A_20 = arith.constant 128 : i32
    %mul3A_21 = arith.muli %arg0, %mul3A_20 : i32
    %add3A_22 = arith.addi %mul3A_19, %mul3A_21 : i32
    "tpu.region"() ({
      %run_scoped3A = tpu.sem_alloc : memref<!tpu.dma_semaphore, #tpu.memory_space<semaphore_mem>>
      %dma_start3A = arith.constant 0 : i32
      %dma_start3A_100 = tpu.memref_slice %arg10[%dma_start3A] : memref<256xi32, #tpu.memory_space<vmem>> -> memref<128xi32, #tpu.memory_space<vmem>>
      %dma_start3A_101 = tpu.memref_slice %arg5[%add3A_22] : memref<8192xi32, #tpu.memory_space<hbm>> -> memref<128xi32, #tpu.memory_space<hbm>>
      %dma_start3A_102 = arith.constant 0 : i32
      %dma_start3A_103 = tpu.memref_slice %arg10[%dma_start3A_102] : memref<256xi32, #tpu.memory_space<vmem>> -> memref<128xi32, #tpu.memory_space<vmem>>
      %dma_start3A_104 = tpu.memref_slice %arg5[%add3A_22] : memref<8192xi32, #tpu.memory_space<hbm>> -> memref<128xi32, #tpu.memory_space<hbm>>
      tpu.enqueue_dma source(%dma_start3A_104 : memref<128xi32, #tpu.memory_space<hbm>>) target(%dma_start3A_103 : memref<128xi32, #tpu.memory_space<vmem>>) target_semaphore(%run_scoped3A : memref<!tpu.dma_semaphore, #tpu.memory_space<semaphore_mem>>)
      %dma_wait3A = arith.constant 0 : i32
      %dma_wait3A_105 = tpu.memref_slice %arg10[%dma_wait3A] : memref<256xi32, #tpu.memory_space<vmem>> -> memref<128xi32, #tpu.memory_space<vmem>>
      %dma_wait3A_106 = tpu.memref_slice %arg5[%add3A_22] : memref<8192xi32, #tpu.memory_space<hbm>> -> memref<128xi32, #tpu.memory_space<hbm>>
      %dma_wait3A_107 = arith.constant 0 : i32
      %dma_wait3A_108 = tpu.memref_slice %arg10[%dma_wait3A_107] : memref<256xi32, #tpu.memory_space<vmem>> -> memref<128xi32, #tpu.memory_space<vmem>>
      %dma_wait3A_109 = tpu.memref_slice %arg5[%add3A_22] : memref<8192xi32, #tpu.memory_space<hbm>> -> memref<128xi32, #tpu.memory_space<hbm>>
      tpu.wait_dma2 semaphore(%run_scoped3A : memref<!tpu.dma_semaphore, #tpu.memory_space<semaphore_mem>>) src(%dma_wait3A_109 : memref<128xi32, #tpu.memory_space<hbm>>) dst(%dma_wait3A_108 : memref<128xi32, #tpu.memory_space<vmem>>)
      tpu.yield
    }) : () -> ()
    %mul3A_23 = arith.constant 2 : i32
    %mul3A_24 = arith.muli %mul3A_23, %arg1 : i32
    %add3A_25 = arith.constant 1 : i32
    %add3A_26 = arith.addi %mul3A_24, %add3A_25 : i32
    %mul3A_27 = arith.constant 256 : i32
    %mul3A_28 = arith.muli %add3A_26, %mul3A_27 : i32
    %mul3A_29 = arith.constant 128 : i32
    %mul3A_30 = arith.muli %arg0, %mul3A_29 : i32
    %add3A_31 = arith.addi %mul3A_28, %mul3A_30 : i32
    "tpu.region"() ({
      %run_scoped3A = tpu.sem_alloc : memref<!tpu.dma_semaphore, #tpu.memory_space<semaphore_mem>>
      %dma_start3A = arith.constant 128 : i32
      %dma_start3A_100 = tpu.memref_slice %arg10[%dma_start3A] : memref<256xi32, #tpu.memory_space<vmem>> -> memref<128xi32, #tpu.memory_space<vmem>>
      %dma_start3A_101 = tpu.memref_slice %arg5[%add3A_31] : memref<8192xi32, #tpu.memory_space<hbm>> -> memref<128xi32, #tpu.memory_space<hbm>>
      %dma_start3A_102 = arith.constant 128 : i32
      %dma_start3A_103 = tpu.memref_slice %arg10[%dma_start3A_102] : memref<256xi32, #tpu.memory_space<vmem>> -> memref<128xi32, #tpu.memory_space<vmem>>
      %dma_start3A_104 = tpu.memref_slice %arg5[%add3A_31] : memref<8192xi32, #tpu.memory_space<hbm>> -> memref<128xi32, #tpu.memory_space<hbm>>
      tpu.enqueue_dma source(%dma_start3A_104 : memref<128xi32, #tpu.memory_space<hbm>>) target(%dma_start3A_103 : memref<128xi32, #tpu.memory_space<vmem>>) target_semaphore(%run_scoped3A : memref<!tpu.dma_semaphore, #tpu.memory_space<semaphore_mem>>)
      %dma_wait3A = arith.constant 128 : i32
      %dma_wait3A_105 = tpu.memref_slice %arg10[%dma_wait3A] : memref<256xi32, #tpu.memory_space<vmem>> -> memref<128xi32, #tpu.memory_space<vmem>>
      %dma_wait3A_106 = tpu.memref_slice %arg5[%add3A_31] : memref<8192xi32, #tpu.memory_space<hbm>> -> memref<128xi32, #tpu.memory_space<hbm>>
      %dma_wait3A_107 = arith.constant 128 : i32
      %dma_wait3A_108 = tpu.memref_slice %arg10[%dma_wait3A_107] : memref<256xi32, #tpu.memory_space<vmem>> -> memref<128xi32, #tpu.memory_space<vmem>>
      %dma_wait3A_109 = tpu.memref_slice %arg5[%add3A_31] : memref<8192xi32, #tpu.memory_space<hbm>> -> memref<128xi32, #tpu.memory_space<hbm>>
      tpu.wait_dma2 semaphore(%run_scoped3A : memref<!tpu.dma_semaphore, #tpu.memory_space<semaphore_mem>>) src(%dma_wait3A_109 : memref<128xi32, #tpu.memory_space<hbm>>) dst(%dma_wait3A_108 : memref<128xi32, #tpu.memory_space<vmem>>)
      tpu.yield
    }) : () -> ()
    %barrier3A = arith.constant 0 : index
    tpu.barrier barrier_id(%barrier3A)
    %get3A = arith.constant 0 : index
    %get3A_32 = tpu.vector_load %arg10[%get3A] {strides = array<i32>} : memref<256xi32, #tpu.memory_space<vmem>>, vector<16xi32>,
    %reduce_max3A = arith.constant true
    %reduce_max3A_33 = vector.broadcast %reduce_max3A : i1 to vector<16xi1>
    %reduce_max3A_34 = arith.constant -2147483648 : i32
    %reduce_max3A_35 = vector.broadcast %reduce_max3A_34 : i32 to vector<16xi32>
    %reduce_max3A_36 = arith.xori %get3A_32, %reduce_max3A_35 : vector<16xi32>
    %reduce_max3A_37 = tpu.scan <max>, %reduce_max3A_36 masked %reduce_max3A_33 : vector<16xi32>, vector<16xi1> -> vector<16xi32>
    %reduce_max3A_38 = arith.xori %reduce_max3A_37, %reduce_max3A_35 : vector<16xi32>
    %reduce_max3A_39 = vector.extract %reduce_max3A_38[15] : i32 from vector<16xi32>
    %get3A_40 = arith.constant 128 : index
    %get3A_41 = tpu.vector_load %arg10[%get3A_40] {strides = array<i32>} : memref<256xi32, #tpu.memory_space<vmem>>, vector<16xi32>,
    %reduce_max3A_42 = arith.constant true
    %reduce_max3A_43 = vector.broadcast %reduce_max3A_42 : i1 to vector<16xi1>
    %reduce_max3A_44 = arith.constant -2147483648 : i32
    %reduce_max3A_45 = vector.broadcast %reduce_max3A_44 : i32 to vector<16xi32>
    %reduce_max3A_46 = arith.xori %get3A_41, %reduce_max3A_45 : vector<16xi32>
    %reduce_max3A_47 = tpu.scan <max>, %reduce_max3A_46 masked %reduce_max3A_43 : vector<16xi32>, vector<16xi1> -> vector<16xi32>
    %reduce_max3A_48 = arith.xori %reduce_max3A_47, %reduce_max3A_45 : vector<16xi32>
    %reduce_max3A_49 = vector.extract %reduce_max3A_48[15] : i32 from vector<16xi32>
    %add3A_50 = arith.constant 127 : i32
    %add3A_51 = arith.addi %reduce_max3A_39, %add3A_50 : i32
    %shift_right_arithmetic3A = arith.constant 7 : i32
    %shift_right_arithmetic3A_52 = arith.shrsi %add3A_51, %shift_right_arithmetic3A : i32
    %add3A_53 = arith.constant 127 : i32
    %add3A_54 = arith.addi %reduce_max3A_49, %add3A_53 : i32
    %shift_right_arithmetic3A_55 = arith.constant 7 : i32
    %shift_right_arithmetic3A_56 = arith.shrsi %add3A_54, %shift_right_arithmetic3A_55 : i32
    %sub3A = arith.constant 0 : i32
    %sub3A_57 = arith.subi %shift_right_arithmetic3A_52, %sub3A : i32
    %sub3A_58 = arith.constant 1 : i32
    %sub3A_59 = arith.constant 1 : i32
    %sub3A_60 = arith.subi %sub3A_58, %sub3A_59 : i32
    %add3A_61 = arith.addi %sub3A_57, %sub3A_60 : i32
    %div3A = arith.constant 1 : i32
    %div3A_62 = arith.divsi %add3A_61, %div3A : i32
    %while3A = arith.constant 1 : i32
    %while3A_63 = arith.constant 0 : i32
    %while3A_64 = arith.constant 0 : i32
    %while3A_65 = arith.subi %div3A_62, %while3A_64 : i32
    %while3A_66 = arith.addi %while3A_64, %while3A_65 : i32
    %while3A_67 = arith.constant 1 : i32
    %while3A_68 = arith.divsi %while3A_65, %while3A_67 : i32
    %while3A_69 = arith.muli %while3A_68, %while3A_67 : i32
    %while3A_70 = arith.addi %while3A_64, %while3A_69 : i32
    %while3A_71 = arith.constant 1 : i32
    scf.for %while3A_100 = %while3A_64 to %while3A_70 step %while3A_71  : i32 {
      %mul3A_101 = arith.muli %while3A_100, %while3A : i32
      %add3A_102 = arith.addi %while3A_63, %mul3A_101 : i32
      %dma_start3A = arith.constant 0 : i32
      %dma_start3A_103 = tpu.memref_slice %arg8[%add3A_102, %dma_start3A] : memref<160x128xi32, #tpu.memory_space<vmem>> -> memref<1x128xi32, #tpu.memory_space<vmem>>
      %dma_start3A_104 = tpu.memref_squeeze %dma_start3A_103 : memref<1x128xi32, #tpu.memory_space<vmem>> -> memref<128xi32, #tpu.memory_space<vmem>>
      %dma_start3A_105 = arith.constant 0 : i32
      %dma_start3A_106 = arith.constant 0 : i32
      %dma_start3A_107 = tpu.memref_slice %arg2[%dma_start3A_105, %dma_start3A_106] : memref<10000x128xf32, #tpu.memory_space<hbm>> -> memref<10000x128xf32, #tpu.memory_space<hbm>>
      tpu.enqueue_indirect_dma source(%dma_start3A_107 : memref<10000x128xf32, #tpu.memory_space<hbm>>) target(%arg11 : memref<128x128xf32, #tpu.memory_space<vmem>>) offsets(%dma_start3A_104 : memref<128xi32, #tpu.memory_space<vmem>>) semaphore(%arg14 : memref<!tpu.dma_semaphore, #tpu.memory_space<semaphore_mem>>)
      %dma_wait3A = arith.constant 0 : i32
      %dma_wait3A_108 = tpu.memref_slice %arg8[%add3A_102, %dma_wait3A] : memref<160x128xi32, #tpu.memory_space<vmem>> -> memref<1x128xi32, #tpu.memory_space<vmem>>
      %dma_wait3A_109 = tpu.memref_squeeze %dma_wait3A_108 : memref<1x128xi32, #tpu.memory_space<vmem>> -> memref<128xi32, #tpu.memory_space<vmem>>
      %dma_wait3A_110 = arith.constant 0 : i32
      %dma_wait3A_111 = arith.constant 0 : i32
      %dma_wait3A_112 = tpu.memref_slice %arg2[%dma_wait3A_110, %dma_wait3A_111] : memref<10000x128xf32, #tpu.memory_space<hbm>> -> memref<10000x128xf32, #tpu.memory_space<hbm>>
      tpu.wait_indirect_dma semaphore(%arg14 : memref<!tpu.dma_semaphore, #tpu.memory_space<semaphore_mem>>) src(%dma_wait3A_112 : memref<10000x128xf32, #tpu.memory_space<hbm>>) dst(%arg11 : memref<128x128xf32, #tpu.memory_space<vmem>>)
      "tpu.region"() ({
        %run_scoped3A = tpu.sem_alloc : memref<!tpu.dma_semaphore, #tpu.memory_space<semaphore_mem>>
        %dma_start3A_113 = arith.constant 0 : i32
        %dma_start3A_114 = tpu.memref_slice %arg9[%add3A_102, %dma_start3A_113] : memref<160x128xi32, #tpu.memory_space<vmem>> -> memref<1x128xi32, #tpu.memory_space<vmem>>
        %dma_start3A_115 = tpu.memref_squeeze %dma_start3A_114 : memref<1x128xi32, #tpu.memory_space<vmem>> -> memref<128xi32, #tpu.memory_space<vmem>>
        %dma_start3A_116 = arith.constant 0 : i32
        %dma_start3A_117 = arith.constant 0 : i32
        %dma_start3A_118 = tpu.memref_slice %arg13[%dma_start3A_116, %dma_start3A_117] : memref<5120x128xf32, #tpu.memory_space<vmem_shared>> -> memref<5120x128xf32, #tpu.memory_space<vmem_shared>>
        tpu.enqueue_indirect_dma source(%arg11 : memref<128x128xf32, #tpu.memory_space<vmem>>) target(%dma_start3A_118 : memref<5120x128xf32, #tpu.memory_space<vmem_shared>>) offsets(%dma_start3A_115 : memref<128xi32, #tpu.memory_space<vmem>>) semaphore(%run_scoped3A : memref<!tpu.dma_semaphore, #tpu.memory_space<semaphore_mem>>) {add = true}
        %dma_wait3A_119 = arith.constant 0 : i32
        %dma_wait3A_120 = tpu.memref_slice %arg9[%add3A_102, %dma_wait3A_119] : memref<160x128xi32, #tpu.memory_space<vmem>> -> memref<1x128xi32, #tpu.memory_space<vmem>>
        %dma_wait3A_121 = tpu.memref_squeeze %dma_wait3A_120 : memref<1x128xi32, #tpu.memory_space<vmem>> -> memref<128xi32, #tpu.memory_space<vmem>>
        %dma_wait3A_122 = arith.constant 0 : i32
        %dma_wait3A_123 = arith.constant 0 : i32
        %dma_wait3A_124 = tpu.memref_slice %arg13[%dma_wait3A_122, %dma_wait3A_123] : memref<5120x128xf32, #tpu.memory_space<vmem_shared>> -> memref<5120x128xf32, #tpu.memory_space<vmem_shared>>
        tpu.wait_indirect_dma semaphore(%run_scoped3A : memref<!tpu.dma_semaphore, #tpu.memory_space<semaphore_mem>>) src(%arg11 : memref<128x128xf32, #tpu.memory_space<vmem>>) dst(%dma_wait3A_124 : memref<5120x128xf32, #tpu.memory_space<vmem_shared>>)
        tpu.yield
      }) : () -> ()
    }
    %while3A_72 = arith.constant 1 : i32
    scf.for %while3A_100 = %while3A_70 to %while3A_66 step %while3A_72  : i32 {
      %mul3A_101 = arith.muli %while3A_100, %while3A : i32
      %add3A_102 = arith.addi %while3A_63, %mul3A_101 : i32
      %dma_start3A = arith.constant 0 : i32
      %dma_start3A_103 = tpu.memref_slice %arg8[%add3A_102, %dma_start3A] : memref<160x128xi32, #tpu.memory_space<vmem>> -> memref<1x128xi32, #tpu.memory_space<vmem>>
      %dma_start3A_104 = tpu.memref_squeeze %dma_start3A_103 : memref<1x128xi32, #tpu.memory_space<vmem>> -> memref<128xi32, #tpu.memory_space<vmem>>
      %dma_start3A_105 = arith.constant 0 : i32
      %dma_start3A_106 = arith.constant 0 : i32
      %dma_start3A_107 = tpu.memref_slice %arg2[%dma_start3A_105, %dma_start3A_106] : memref<10000x128xf32, #tpu.memory_space<hbm>> -> memref<10000x128xf32, #tpu.memory_space<hbm>>
      tpu.enqueue_indirect_dma source(%dma_start3A_107 : memref<10000x128xf32, #tpu.memory_space<hbm>>) target(%arg11 : memref<128x128xf32, #tpu.memory_space<vmem>>) offsets(%dma_start3A_104 : memref<128xi32, #tpu.memory_space<vmem>>) semaphore(%arg14 : memref<!tpu.dma_semaphore, #tpu.memory_space<semaphore_mem>>)
      %dma_wait3A = arith.constant 0 : i32
      %dma_wait3A_108 = tpu.memref_slice %arg8[%add3A_102, %dma_wait3A] : memref<160x128xi32, #tpu.memory_space<vmem>> -> memref<1x128xi32, #tpu.memory_space<vmem>>
      %dma_wait3A_109 = tpu.memref_squeeze %dma_wait3A_108 : memref<1x128xi32, #tpu.memory_space<vmem>> -> memref<128xi32, #tpu.memory_space<vmem>>
      %dma_wait3A_110 = arith.constant 0 : i32
      %dma_wait3A_111 = arith.constant 0 : i32
      %dma_wait3A_112 = tpu.memref_slice %arg2[%dma_wait3A_110, %dma_wait3A_111] : memref<10000x128xf32, #tpu.memory_space<hbm>> -> memref<10000x128xf32, #tpu.memory_space<hbm>>
      tpu.wait_indirect_dma semaphore(%arg14 : memref<!tpu.dma_semaphore, #tpu.memory_space<semaphore_mem>>) src(%dma_wait3A_112 : memref<10000x128xf32, #tpu.memory_space<hbm>>) dst(%arg11 : memref<128x128xf32, #tpu.memory_space<vmem>>)
      "tpu.region"() ({
        %run_scoped3A = tpu.sem_alloc : memref<!tpu.dma_semaphore, #tpu.memory_space<semaphore_mem>>
        %dma_start3A_113 = arith.constant 0 : i32
        %dma_start3A_114 = tpu.memref_slice %arg9[%add3A_102, %dma_start3A_113] : memref<160x128xi32, #tpu.memory_space<vmem>> -> memref<1x128xi32, #tpu.memory_space<vmem>>
        %dma_start3A_115 = tpu.memref_squeeze %dma_start3A_114 : memref<1x128xi32, #tpu.memory_space<vmem>> -> memref<128xi32, #tpu.memory_space<vmem>>
        %dma_start3A_116 = arith.constant 0 : i32
        %dma_start3A_117 = arith.constant 0 : i32
        %dma_start3A_118 = tpu.memref_slice %arg13[%dma_start3A_116, %dma_start3A_117] : memref<5120x128xf32, #tpu.memory_space<vmem_shared>> -> memref<5120x128xf32, #tpu.memory_space<vmem_shared>>
        tpu.enqueue_indirect_dma source(%arg11 : memref<128x128xf32, #tpu.memory_space<vmem>>) target(%dma_start3A_118 : memref<5120x128xf32, #tpu.memory_space<vmem_shared>>) offsets(%dma_start3A_115 : memref<128xi32, #tpu.memory_space<vmem>>) semaphore(%run_scoped3A : memref<!tpu.dma_semaphore, #tpu.memory_space<semaphore_mem>>) {add = true}
        %dma_wait3A_119 = arith.constant 0 : i32
        %dma_wait3A_120 = tpu.memref_slice %arg9[%add3A_102, %dma_wait3A_119] : memref<160x128xi32, #tpu.memory_space<vmem>> -> memref<1x128xi32, #tpu.memory_space<vmem>>
        %dma_wait3A_121 = tpu.memref_squeeze %dma_wait3A_120 : memref<1x128xi32, #tpu.memory_space<vmem>> -> memref<128xi32, #tpu.memory_space<vmem>>
        %dma_wait3A_122 = arith.constant 0 : i32
        %dma_wait3A_123 = arith.constant 0 : i32
        %dma_wait3A_124 = tpu.memref_slice %arg13[%dma_wait3A_122, %dma_wait3A_123] : memref<5120x128xf32, #tpu.memory_space<vmem_shared>> -> memref<5120x128xf32, #tpu.memory_space<vmem_shared>>
        tpu.wait_indirect_dma semaphore(%run_scoped3A : memref<!tpu.dma_semaphore, #tpu.memory_space<semaphore_mem>>) src(%arg11 : memref<128x128xf32, #tpu.memory_space<vmem>>) dst(%dma_wait3A_124 : memref<5120x128xf32, #tpu.memory_space<vmem_shared>>)
        tpu.yield
      }) : () -> ()
    }
    %sub3A_73 = arith.constant 0 : i32
    %sub3A_74 = arith.subi %shift_right_arithmetic3A_56, %sub3A_73 : i32
    %sub3A_75 = arith.constant 1 : i32
    %sub3A_76 = arith.constant 1 : i32
    %sub3A_77 = arith.subi %sub3A_75, %sub3A_76 : i32
    %add3A_78 = arith.addi %sub3A_74, %sub3A_77 : i32
    %div3A_79 = arith.constant 1 : i32
    %div3A_80 = arith.divsi %add3A_78, %div3A_79 : i32
    %while3A_81 = arith.constant 1 : i32
    %while3A_82 = arith.constant 0 : i32
    %while3A_83 = arith.constant 0 : i32
    %while3A_84 = arith.subi %div3A_80, %while3A_83 : i32
    %while3A_85 = arith.addi %while3A_83, %while3A_84 : i32
    %while3A_86 = arith.constant 1 : i32
    %while3A_87 = arith.divsi %while3A_84, %while3A_86 : i32
    %while3A_88 = arith.muli %while3A_87, %while3A_86 : i32
    %while3A_89 = arith.addi %while3A_83, %while3A_88 : i32
    %while3A_90 = arith.constant 1 : i32
    scf.for %while3A_100 = %while3A_83 to %while3A_89 step %while3A_90  : i32 {
      %mul3A_101 = arith.muli %while3A_100, %while3A_81 : i32
      %add3A_102 = arith.addi %while3A_82, %mul3A_101 : i32
      %add3A_103 = arith.constant 80 : i32
      %add3A_104 = arith.addi %add3A_103, %add3A_102 : i32
      %dma_start3A = arith.constant 0 : i32
      %dma_start3A_105 = tpu.memref_slice %arg8[%add3A_104, %dma_start3A] : memref<160x128xi32, #tpu.memory_space<vmem>> -> memref<1x128xi32, #tpu.memory_space<vmem>>
      %dma_start3A_106 = tpu.memref_squeeze %dma_start3A_105 : memref<1x128xi32, #tpu.memory_space<vmem>> -> memref<128xi32, #tpu.memory_space<vmem>>
      %dma_start3A_107 = arith.constant 0 : i32
      %dma_start3A_108 = arith.constant 0 : i32
      %dma_start3A_109 = tpu.memref_slice %arg2[%dma_start3A_107, %dma_start3A_108] : memref<10000x128xf32, #tpu.memory_space<hbm>> -> memref<10000x128xf32, #tpu.memory_space<hbm>>
      tpu.enqueue_indirect_dma source(%dma_start3A_109 : memref<10000x128xf32, #tpu.memory_space<hbm>>) target(%arg12 : memref<128x128xf32, #tpu.memory_space<vmem>>) offsets(%dma_start3A_106 : memref<128xi32, #tpu.memory_space<vmem>>) semaphore(%arg15 : memref<!tpu.dma_semaphore, #tpu.memory_space<semaphore_mem>>)
      %dma_wait3A = arith.constant 0 : i32
      %dma_wait3A_110 = tpu.memref_slice %arg8[%add3A_104, %dma_wait3A] : memref<160x128xi32, #tpu.memory_space<vmem>> -> memref<1x128xi32, #tpu.memory_space<vmem>>
      %dma_wait3A_111 = tpu.memref_squeeze %dma_wait3A_110 : memref<1x128xi32, #tpu.memory_space<vmem>> -> memref<128xi32, #tpu.memory_space<vmem>>
      %dma_wait3A_112 = arith.constant 0 : i32
      %dma_wait3A_113 = arith.constant 0 : i32
      %dma_wait3A_114 = tpu.memref_slice %arg2[%dma_wait3A_112, %dma_wait3A_113] : memref<10000x128xf32, #tpu.memory_space<hbm>> -> memref<10000x128xf32, #tpu.memory_space<hbm>>
      tpu.wait_indirect_dma semaphore(%arg15 : memref<!tpu.dma_semaphore, #tpu.memory_space<semaphore_mem>>) src(%dma_wait3A_114 : memref<10000x128xf32, #tpu.memory_space<hbm>>) dst(%arg12 : memref<128x128xf32, #tpu.memory_space<vmem>>)
      %add3A_115 = arith.constant 80 : i32
      %add3A_116 = arith.addi %add3A_115, %add3A_102 : i32
      "tpu.region"() ({
        %run_scoped3A = tpu.sem_alloc : memref<!tpu.dma_semaphore, #tpu.memory_space<semaphore_mem>>
        %dma_start3A_117 = arith.constant 0 : i32
        %dma_start3A_118 = tpu.memref_slice %arg9[%add3A_116, %dma_start3A_117] : memref<160x128xi32, #tpu.memory_space<vmem>> -> memref<1x128xi32, #tpu.memory_space<vmem>>
        %dma_start3A_119 = tpu.memref_squeeze %dma_start3A_118 : memref<1x128xi32, #tpu.memory_space<vmem>> -> memref<128xi32, #tpu.memory_space<vmem>>
        %dma_start3A_120 = arith.constant 0 : i32
        %dma_start3A_121 = arith.constant 0 : i32
        %dma_start3A_122 = tpu.memref_slice %arg13[%dma_start3A_120, %dma_start3A_121] : memref<5120x128xf32, #tpu.memory_space<vmem_shared>> -> memref<5120x128xf32, #tpu.memory_space<vmem_shared>>
        tpu.enqueue_indirect_dma source(%arg12 : memref<128x128xf32, #tpu.memory_space<vmem>>) target(%dma_start3A_122 : memref<5120x128xf32, #tpu.memory_space<vmem_shared>>) offsets(%dma_start3A_119 : memref<128xi32, #tpu.memory_space<vmem>>) semaphore(%run_scoped3A : memref<!tpu.dma_semaphore, #tpu.memory_space<semaphore_mem>>) {add = true}
        %dma_wait3A_123 = arith.constant 0 : i32
        %dma_wait3A_124 = tpu.memref_slice %arg9[%add3A_116, %dma_wait3A_123] : memref<160x128xi32, #tpu.memory_space<vmem>> -> memref<1x128xi32, #tpu.memory_space<vmem>>
        %dma_wait3A_125 = tpu.memref_squeeze %dma_wait3A_124 : memref<1x128xi32, #tpu.memory_space<vmem>> -> memref<128xi32, #tpu.memory_space<vmem>>
        %dma_wait3A_126 = arith.constant 0 : i32
        %dma_wait3A_127 = arith.constant 0 : i32
        %dma_wait3A_128 = tpu.memref_slice %arg13[%dma_wait3A_126, %dma_wait3A_127] : memref<5120x128xf32, #tpu.memory_space<vmem_shared>> -> memref<5120x128xf32, #tpu.memory_space<vmem_shared>>
        tpu.wait_indirect_dma semaphore(%run_scoped3A : memref<!tpu.dma_semaphore, #tpu.memory_space<semaphore_mem>>) src(%arg12 : memref<128x128xf32, #tpu.memory_space<vmem>>) dst(%dma_wait3A_128 : memref<5120x128xf32, #tpu.memory_space<vmem_shared>>)
        tpu.yield
      }) : () -> ()
    }
    %while3A_91 = arith.constant 1 : i32
    scf.for %while3A_100 = %while3A_89 to %while3A_85 step %while3A_91  : i32 {
      %mul3A_101 = arith.muli %while3A_100, %while3A_81 : i32
      %add3A_102 = arith.addi %while3A_82, %mul3A_101 : i32
      %add3A_103 = arith.constant 80 : i32
      %add3A_104 = arith.addi %add3A_103, %add3A_102 : i32
      %dma_start3A = arith.constant 0 : i32
      %dma_start3A_105 = tpu.memref_slice %arg8[%add3A_104, %dma_start3A] : memref<160x128xi32, #tpu.memory_space<vmem>> -> memref<1x128xi32, #tpu.memory_space<vmem>>
      %dma_start3A_106 = tpu.memref_squeeze %dma_start3A_105 : memref<1x128xi32, #tpu.memory_space<vmem>> -> memref<128xi32, #tpu.memory_space<vmem>>
      %dma_start3A_107 = arith.constant 0 : i32
      %dma_start3A_108 = arith.constant 0 : i32
      %dma_start3A_109 = tpu.memref_slice %arg2[%dma_start3A_107, %dma_start3A_108] : memref<10000x128xf32, #tpu.memory_space<hbm>> -> memref<10000x128xf32, #tpu.memory_space<hbm>>
      tpu.enqueue_indirect_dma source(%dma_start3A_109 : memref<10000x128xf32, #tpu.memory_space<hbm>>) target(%arg12 : memref<128x128xf32, #tpu.memory_space<vmem>>) offsets(%dma_start3A_106 : memref<128xi32, #tpu.memory_space<vmem>>) semaphore(%arg15 : memref<!tpu.dma_semaphore, #tpu.memory_space<semaphore_mem>>)
      %dma_wait3A = arith.constant 0 : i32
      %dma_wait3A_110 = tpu.memref_slice %arg8[%add3A_104, %dma_wait3A] : memref<160x128xi32, #tpu.memory_space<vmem>> -> memref<1x128xi32, #tpu.memory_space<vmem>>
      %dma_wait3A_111 = tpu.memref_squeeze %dma_wait3A_110 : memref<1x128xi32, #tpu.memory_space<vmem>> -> memref<128xi32, #tpu.memory_space<vmem>>
      %dma_wait3A_112 = arith.constant 0 : i32
      %dma_wait3A_113 = arith.constant 0 : i32
      %dma_wait3A_114 = tpu.memref_slice %arg2[%dma_wait3A_112, %dma_wait3A_113] : memref<10000x128xf32, #tpu.memory_space<hbm>> -> memref<10000x128xf32, #tpu.memory_space<hbm>>
      tpu.wait_indirect_dma semaphore(%arg15 : memref<!tpu.dma_semaphore, #tpu.memory_space<semaphore_mem>>) src(%dma_wait3A_114 : memref<10000x128xf32, #tpu.memory_space<hbm>>) dst(%arg12 : memref<128x128xf32, #tpu.memory_space<vmem>>)
      %add3A_115 = arith.constant 80 : i32
      %add3A_116 = arith.addi %add3A_115, %add3A_102 : i32
      "tpu.region"() ({
        %run_scoped3A = tpu.sem_alloc : memref<!tpu.dma_semaphore, #tpu.memory_space<semaphore_mem>>
        %dma_start3A_117 = arith.constant 0 : i32
        %dma_start3A_118 = tpu.memref_slice %arg9[%add3A_116, %dma_start3A_117] : memref<160x128xi32, #tpu.memory_space<vmem>> -> memref<1x128xi32, #tpu.memory_space<vmem>>
        %dma_start3A_119 = tpu.memref_squeeze %dma_start3A_118 : memref<1x128xi32, #tpu.memory_space<vmem>> -> memref<128xi32, #tpu.memory_space<vmem>>
        %dma_start3A_120 = arith.constant 0 : i32
        %dma_start3A_121 = arith.constant 0 : i32
        %dma_start3A_122 = tpu.memref_slice %arg13[%dma_start3A_120, %dma_start3A_121] : memref<5120x128xf32, #tpu.memory_space<vmem_shared>> -> memref<5120x128xf32, #tpu.memory_space<vmem_shared>>
        tpu.enqueue_indirect_dma source(%arg12 : memref<128x128xf32, #tpu.memory_space<vmem>>) target(%dma_start3A_122 : memref<5120x128xf32, #tpu.memory_space<vmem_shared>>) offsets(%dma_start3A_119 : memref<128xi32, #tpu.memory_space<vmem>>) semaphore(%run_scoped3A : memref<!tpu.dma_semaphore, #tpu.memory_space<semaphore_mem>>) {add = true}
        %dma_wait3A_123 = arith.constant 0 : i32
        %dma_wait3A_124 = tpu.memref_slice %arg9[%add3A_116, %dma_wait3A_123] : memref<160x128xi32, #tpu.memory_space<vmem>> -> memref<1x128xi32, #tpu.memory_space<vmem>>
        %dma_wait3A_125 = tpu.memref_squeeze %dma_wait3A_124 : memref<1x128xi32, #tpu.memory_space<vmem>> -> memref<128xi32, #tpu.memory_space<vmem>>
        %dma_wait3A_126 = arith.constant 0 : i32
        %dma_wait3A_127 = arith.constant 0 : i32
        %dma_wait3A_128 = tpu.memref_slice %arg13[%dma_wait3A_126, %dma_wait3A_127] : memref<5120x128xf32, #tpu.memory_space<vmem_shared>> -> memref<5120x128xf32, #tpu.memory_space<vmem_shared>>
        tpu.wait_indirect_dma semaphore(%run_scoped3A : memref<!tpu.dma_semaphore, #tpu.memory_space<semaphore_mem>>) src(%arg12 : memref<128x128xf32, #tpu.memory_space<vmem>>) dst(%dma_wait3A_128 : memref<5120x128xf32, #tpu.memory_space<vmem_shared>>)
        tpu.yield
      }) : () -> ()
    }
    %barrier3A_92 = arith.constant 0 : index
    tpu.barrier barrier_id(%barrier3A_92)
    %mul3A_93 = arith.constant 320 : i32
    %mul3A_94 = arith.muli %arg1, %mul3A_93 : i32
    %mul3A_95 = arith.constant 5120 : i32
    %mul3A_96 = arith.muli %arg0, %mul3A_95 : i32
    %mul3A_97 = arith.constant 320 : i32
    %mul3A_98 = arith.muli %arg1, %mul3A_97 : i32
    %add3A_99 = arith.addi %mul3A_96, %mul3A_98 : i32
    "tpu.region"() ({
      %run_scoped3A = tpu.sem_alloc : memref<!tpu.dma_semaphore, #tpu.memory_space<semaphore_mem>>
      %dma_start3A = arith.constant 0 : i32
      %dma_start3A_100 = tpu.memref_slice %arg7[%add3A_99, %dma_start3A] : memref<10240x128xf32, #tpu.memory_space<hbm>> -> memref<320x128xf32, #tpu.memory_space<hbm>>
      %dma_start3A_101 = arith.constant 0 : i32
      %dma_start3A_102 = tpu.memref_slice %arg13[%mul3A_94, %dma_start3A_101] : memref<5120x128xf32, #tpu.memory_space<vmem_shared>> -> memref<320x128xf32, #tpu.memory_space<vmem_shared>>
      tpu.enqueue_dma source(%dma_start3A_102 : memref<320x128xf32, #tpu.memory_space<vmem_shared>>) target(%dma_start3A_100 : memref<320x128xf32, #tpu.memory_space<hbm>>) target_semaphore(%run_scoped3A : memref<!tpu.dma_semaphore, #tpu.memory_space<semaphore_mem>>)
      %dma_wait3A = arith.constant 0 : i32
      %dma_wait3A_103 = tpu.memref_slice %arg7[%add3A_99, %dma_wait3A] : memref<10240x128xf32, #tpu.memory_space<hbm>> -> memref<320x128xf32, #tpu.memory_space<hbm>>
      %dma_wait3A_104 = arith.constant 0 : i32
      %dma_wait3A_105 = tpu.memref_slice %arg13[%mul3A_94, %dma_wait3A_104] : memref<5120x128xf32, #tpu.memory_space<vmem_shared>> -> memref<320x128xf32, #tpu.memory_space<vmem_shared>>
      tpu.wait_dma2 semaphore(%run_scoped3A : memref<!tpu.dma_semaphore, #tpu.memory_space<semaphore_mem>>) src(%dma_wait3A_105 : memref<320x128xf32, #tpu.memory_space<vmem_shared>>) dst(%dma_wait3A_103 : memref<320x128xf32, #tpu.memory_space<hbm>>)
      tpu.yield
    }) : () -> ()
    return
  }
}

module attributes {stable_mosaic.version = 14 : i64} {
  func.func @_l1_body(%arg0: i32, %arg1: memref<1000x128xf32, #tpu.memory_space<vmem>>, %arg2: memref<1000x32xf32, #tpu.memory_space<vmem>>, %arg3: memref<256x128xf32, #tpu.memory_space<vmem>>, %arg4: memref<1x256xf32, #tpu.memory_space<vmem>>, %arg5: memref<1000x256xf32, #tpu.memory_space<vmem>>, %arg6: memref<2x1000x128xf32, #tpu.memory_space<vmem>>, %arg7: memref<1000x1xf32, #tpu.memory_space<vmem>>) attributes {dimension_semantics = [#tpu.dimension_semantics<arbitrary>], iteration_bounds = array<i64: 10>, scalar_prefetch = 0 : i64, scratch_operands = 0 : i64, tpu.core_type = #tpu.core_type<tc>, window_params = [{transform_indices = @transform_0, window_bounds = array<i64: 1000, 128>}, {transform_indices = @transform_1, window_bounds = array<i64: 1000, 32>}, {pipeline_mode = #tpu.pipeline_mode<synchronous>, transform_indices = @transform_2, window_bounds = array<i64: 256, 128>}, {pipeline_mode = #tpu.pipeline_mode<synchronous>, transform_indices = @transform_3, window_bounds = array<i64: 1, 256>}, {transform_indices = @transform_4, window_bounds = array<i64: 1000, 256>}, {transform_indices = @transform_5, window_bounds = array<i64: 2, 1000, 128>}, {transform_indices = @transform_6, window_bounds = array<i64: 1000, 1>}]} {
    %get3A = arith.constant 0 : index
    %get3A_0 = arith.constant 0 : index
    %get3A_1 = vector.load %arg2[%get3A, %get3A_0] : memref<1000x32xf32, #tpu.memory_space<vmem>>, vector<1000x32xf32>
    %reduce_sum3A = arith.constant dense<0.000000e+00> : vector<1000xf32>
    %reduce_sum3A_2 = vector.multi_reduction <add>, %get3A_1, %reduce_sum3A [1] : vector<1000x32xf32> to vector<1000xf32>
    %add3A = arith.constant 1.000000e+00 : f32
    %add3A_3 = vector.broadcast %add3A : f32 to vector<1000xf32>
    %add3A_4 = arith.addf %reduce_sum3A_2, %add3A_3 : vector<1000xf32>
    %rsqrt3A = math.rsqrt %add3A_4 : vector<1000xf32>
    %broadcast_in_dim3A = vector.shape_cast %rsqrt3A : vector<1000xf32> to vector<1000x1xf32>
    %get3A_5 = arith.constant 0 : index
    %get3A_6 = arith.constant 0 : index
    %get3A_7 = vector.load %arg1[%get3A_5, %get3A_6] : memref<1000x128xf32, #tpu.memory_space<vmem>>, vector<1000x128xf32>
    %get3A_8 = arith.constant 0 : index
    %get3A_9 = arith.constant 0 : index
    %get3A_10 = vector.load %arg3[%get3A_8, %get3A_9] : memref<256x128xf32, #tpu.memory_space<vmem>>, vector<256x128xf32>
    %dot_general3A = arith.constant dense<0.000000e+00> : vector<1000x256xf32>
    %dot_general3A_11 = tpu.matmul %get3A_7, %get3A_10, %dot_general3A {dimension_numbers = #tpu.dot_dimension_numbers<[1], [1], [0], [0], [0, 0, 1, 0], [], []>, transpose_lhs_hint = false} : vector<1000x128xf32>, vector<256x128xf32>, vector<1000x256xf32> -> vector<1000x256xf32>
    %get3A_12 = arith.constant 0 : index
    %get3A_13 = arith.constant 0 : index
    %get3A_14 = vector.load %arg4[%get3A_12, %get3A_13] : memref<1x256xf32, #tpu.memory_space<vmem>>, vector<1x256xf32>
    %add3A_15 = vector.broadcast %get3A_14 : vector<1x256xf32> to vector<1000x256xf32>
    %add3A_16 = arith.addf %dot_general3A_11, %add3A_15 : vector<1000x256xf32>
    %swap3A = arith.constant 0 : index
    %swap3A_17 = arith.constant 0 : index
    %swap3A_18 = vector.load %arg5[%swap3A, %swap3A_17] : memref<1000x256xf32, #tpu.memory_space<vmem>>, vector<1000x256xf32>
    tpu.vector_store %arg5[%swap3A, %swap3A_17], %add3A_16 {strides = array<i32>} : memref<1000x256xf32, #tpu.memory_space<vmem>>, vector<1000x256xf32>,
    %swap3A_19 = arith.constant 0 : index
    %swap3A_20 = arith.constant 0 : index
    %swap3A_21 = vector.load %arg7[%swap3A_19, %swap3A_20] : memref<1000x1xf32, #tpu.memory_space<vmem>>, vector<1000x1xf32>
    tpu.vector_store %arg7[%swap3A_19, %swap3A_20], %broadcast_in_dim3A {strides = array<i32>} : memref<1000x1xf32, #tpu.memory_space<vmem>>, vector<1000x1xf32>,
    %mul3A = vector.broadcast %broadcast_in_dim3A : vector<1000x1xf32> to vector<1000x256xf32>
    %mul3A_22 = arith.mulf %mul3A, %add3A_16 : vector<1000x256xf32>
    %slice3A = vector.extract_strided_slice %mul3A_22 {offsets = [0, 0], sizes = [1000, 128], strides = [1, 1]} : vector<1000x256xf32> to vector<1000x128xf32>
    %swap3A_23 = arith.constant 0 : index
    %swap3A_24 = arith.constant 0 : index
    %swap3A_25 = arith.constant 0 : index
    %swap3A_26 = vector.load %arg6[%swap3A_23, %swap3A_24, %swap3A_25] : memref<2x1000x128xf32, #tpu.memory_space<vmem>>, vector<1x1000x128xf32>
    %swap3A_27 = vector.shape_cast %swap3A_26 : vector<1x1000x128xf32> to vector<1000x128xf32>
    %swap3A_28 = vector.shape_cast %slice3A : vector<1000x128xf32> to vector<1x1000x128xf32>
    tpu.vector_store %arg6[%swap3A_23, %swap3A_24, %swap3A_25], %swap3A_28 {strides = array<i32>} : memref<2x1000x128xf32, #tpu.memory_space<vmem>>, vector<1x1000x128xf32>,
    %slice3A_29 = vector.extract_strided_slice %mul3A_22 {offsets = [0, 128], sizes = [1000, 128], strides = [1, 1]} : vector<1000x256xf32> to vector<1000x128xf32>
    %swap3A_30 = arith.constant 1 : index
    %swap3A_31 = arith.constant 0 : index
    %swap3A_32 = arith.constant 0 : index
    %swap3A_33 = vector.load %arg6[%swap3A_30, %swap3A_31, %swap3A_32] : memref<2x1000x128xf32, #tpu.memory_space<vmem>>, vector<1x1000x128xf32>
    %swap3A_34 = vector.shape_cast %swap3A_33 : vector<1x1000x128xf32> to vector<1000x128xf32>
    %swap3A_35 = vector.shape_cast %slice3A_29 : vector<1000x128xf32> to vector<1x1000x128xf32>
    tpu.vector_store %arg6[%swap3A_30, %swap3A_31, %swap3A_32], %swap3A_35 {strides = array<i32>} : memref<2x1000x128xf32, #tpu.memory_space<vmem>>, vector<1x1000x128xf32>,
    return
  }
  func.func @transform_0(%arg0: i32) -> (i32, i32) {
    %c0_i32 = arith.constant 0 : i32
    %c0_i32_0 = arith.constant 0 : i32
    return %arg0, %c0_i32 : i32, i32
  }
  func.func @transform_1(%arg0: i32) -> (i32, i32) {
    %c0_i32 = arith.constant 0 : i32
    %c0_i32_0 = arith.constant 0 : i32
    return %arg0, %c0_i32 : i32, i32
  }
  func.func @transform_2(%arg0: i32) -> (i32, i32) {
    %c0_i32 = arith.constant 0 : i32
    %c0_i32_0 = arith.constant 0 : i32
    %c0_i32_1 = arith.constant 0 : i32
    return %c0_i32, %c0_i32_0 : i32, i32
  }
  func.func @transform_3(%arg0: i32) -> (i32, i32) {
    %c0_i32 = arith.constant 0 : i32
    %c0_i32_0 = arith.constant 0 : i32
    %c0_i32_1 = arith.constant 0 : i32
    return %c0_i32, %c0_i32_0 : i32, i32
  }
  func.func @transform_4(%arg0: i32) -> (i32, i32) {
    %c0_i32 = arith.constant 0 : i32
    %c0_i32_0 = arith.constant 0 : i32
    return %arg0, %c0_i32 : i32, i32
  }
  func.func @transform_5(%arg0: i32) -> (i32, i32, i32) {
    %c0_i32 = arith.constant 0 : i32
    %c0_i32_0 = arith.constant 0 : i32
    %c0_i32_1 = arith.constant 0 : i32
    return %c0_i32, %arg0, %c0_i32_0 : i32, i32, i32
  }
  func.func @transform_6(%arg0: i32) -> (i32, i32) {
    %c0_i32 = arith.constant 0 : i32
    %c0_i32_0 = arith.constant 0 : i32
    return %arg0, %c0_i32 : i32, i32
  }
}

module attributes {stable_mosaic.version = 14 : i64} {
  func.func @_mid_body(%arg0: i32, %arg1: memref<1x1000x128xf32, #tpu.memory_space<vmem>>, %arg2: memref<1x1000x128xf32, #tpu.memory_space<vmem>>, %arg3: memref<1000x256xf32, #tpu.memory_space<vmem>>, %arg4: memref<1000x1xf32, #tpu.memory_space<vmem>>, %arg5: memref<256x256xf32, #tpu.memory_space<vmem>>, %arg6: memref<1x256xf32, #tpu.memory_space<vmem>>, %arg7: memref<1000x256xf32, #tpu.memory_space<vmem>>, %arg8: memref<2x1000x128xf32, #tpu.memory_space<vmem>>) attributes {dimension_semantics = [#tpu.dimension_semantics<arbitrary>], iteration_bounds = array<i64: 10>, scalar_prefetch = 0 : i64, scratch_operands = 0 : i64, tpu.core_type = #tpu.core_type<tc>, window_params = [{transform_indices = @transform_0, window_bounds = array<i64: 1, 1000, 128>}, {transform_indices = @transform_1, window_bounds = array<i64: 1, 1000, 128>}, {transform_indices = @transform_2, window_bounds = array<i64: 1000, 256>}, {transform_indices = @transform_3, window_bounds = array<i64: 1000, 1>}, {pipeline_mode = #tpu.pipeline_mode<synchronous>, transform_indices = @transform_4, window_bounds = array<i64: 256, 256>}, {pipeline_mode = #tpu.pipeline_mode<synchronous>, transform_indices = @transform_5, window_bounds = array<i64: 1, 256>}, {transform_indices = @transform_6, window_bounds = array<i64: 1000, 256>}, {transform_indices = @transform_7, window_bounds = array<i64: 2, 1000, 128>}]} {
    %get3A = arith.constant 0 : index
    %get3A_0 = arith.constant 0 : index
    %get3A_1 = vector.load %arg4[%get3A, %get3A_0] : memref<1000x1xf32, #tpu.memory_space<vmem>>, vector<1000x1xf32>
    %get3A_2 = arith.constant 0 : index
    %get3A_3 = arith.constant 0 : index
    %get3A_4 = arith.constant 0 : index
    %get3A_5 = vector.load %arg1[%get3A_2, %get3A_3, %get3A_4] : memref<1x1000x128xf32, #tpu.memory_space<vmem>>, vector<1x1000x128xf32>
    %get3A_6 = vector.shape_cast %get3A_5 : vector<1x1000x128xf32> to vector<1000x128xf32>
    %get3A_7 = arith.constant 0 : index
    %get3A_8 = arith.constant 0 : index
    %get3A_9 = arith.constant 0 : index
    %get3A_10 = vector.load %arg2[%get3A_7, %get3A_8, %get3A_9] : memref<1x1000x128xf32, #tpu.memory_space<vmem>>, vector<1x1000x128xf32>
    %get3A_11 = vector.shape_cast %get3A_10 : vector<1x1000x128xf32> to vector<1000x128xf32>
    %concatenate3A = tpu.concatenate %get3A_6, %get3A_11 in 1 : vector<1000x128xf32>, vector<1000x128xf32> -> vector<1000x256xf32>
    %mul3A = vector.broadcast %get3A_1 : vector<1000x1xf32> to vector<1000x256xf32>
    %mul3A_12 = arith.mulf %mul3A, %concatenate3A : vector<1000x256xf32>
    %mul3A_13 = arith.mulf %get3A_1, %get3A_1 : vector<1000x1xf32>
    %get3A_14 = arith.constant 0 : index
    %get3A_15 = arith.constant 0 : index
    %get3A_16 = vector.load %arg3[%get3A_14, %get3A_15] : memref<1000x256xf32, #tpu.memory_space<vmem>>, vector<1000x256xf32>
    %mul3A_17 = vector.broadcast %mul3A_13 : vector<1000x1xf32> to vector<1000x256xf32>
    %mul3A_18 = arith.mulf %mul3A_17, %get3A_16 : vector<1000x256xf32>
    %add3A = arith.addf %mul3A_12, %mul3A_18 : vector<1000x256xf32>
    %max3A = arith.constant 0.000000e+00 : f32
    %max3A_19 = vector.broadcast %max3A : f32 to vector<1000x256xf32>
    %max3A_20 = arith.maximumf %add3A, %max3A_19 : vector<1000x256xf32>
    %mul3A_21 = arith.constant 0.0883883461 : f32
    %mul3A_22 = vector.broadcast %mul3A_21 : f32 to vector<1000x256xf32>
    %mul3A_23 = arith.mulf %mul3A_22, %max3A_20 : vector<1000x256xf32>
    %get3A_24 = arith.constant 0 : index
    %get3A_25 = arith.constant 0 : index
    %get3A_26 = vector.load %arg5[%get3A_24, %get3A_25] : memref<256x256xf32, #tpu.memory_space<vmem>>, vector<256x256xf32>
    %dot_general3A = arith.constant dense<0.000000e+00> : vector<1000x256xf32>
    %dot_general3A_27 = tpu.matmul %mul3A_23, %get3A_26, %dot_general3A {dimension_numbers = #tpu.dot_dimension_numbers<[1], [1], [0], [0], [0, 0, 1, 0], [], []>, transpose_lhs_hint = false} : vector<1000x256xf32>, vector<256x256xf32>, vector<1000x256xf32> -> vector<1000x256xf32>
    %get3A_28 = arith.constant 0 : index
    %get3A_29 = arith.constant 0 : index
    %get3A_30 = vector.load %arg6[%get3A_28, %get3A_29] : memref<1x256xf32, #tpu.memory_space<vmem>>, vector<1x256xf32>
    %add3A_31 = vector.broadcast %get3A_30 : vector<1x256xf32> to vector<1000x256xf32>
    %add3A_32 = arith.addf %dot_general3A_27, %add3A_31 : vector<1000x256xf32>
    %swap3A = arith.constant 0 : index
    %swap3A_33 = arith.constant 0 : index
    %swap3A_34 = vector.load %arg7[%swap3A, %swap3A_33] : memref<1000x256xf32, #tpu.memory_space<vmem>>, vector<1000x256xf32>
    tpu.vector_store %arg7[%swap3A, %swap3A_33], %add3A_32 {strides = array<i32>} : memref<1000x256xf32, #tpu.memory_space<vmem>>, vector<1000x256xf32>,
    %mul3A_35 = vector.broadcast %get3A_1 : vector<1000x1xf32> to vector<1000x256xf32>
    %mul3A_36 = arith.mulf %mul3A_35, %add3A_32 : vector<1000x256xf32>
    %slice3A = vector.extract_strided_slice %mul3A_36 {offsets = [0, 0], sizes = [1000, 128], strides = [1, 1]} : vector<1000x256xf32> to vector<1000x128xf32>
    %swap3A_37 = arith.constant 0 : index
    %swap3A_38 = arith.constant 0 : index
    %swap3A_39 = arith.constant 0 : index
    %swap3A_40 = vector.load %arg8[%swap3A_37, %swap3A_38, %swap3A_39] : memref<2x1000x128xf32, #tpu.memory_space<vmem>>, vector<1x1000x128xf32>
    %swap3A_41 = vector.shape_cast %swap3A_40 : vector<1x1000x128xf32> to vector<1000x128xf32>
    %swap3A_42 = vector.shape_cast %slice3A : vector<1000x128xf32> to vector<1x1000x128xf32>
    tpu.vector_store %arg8[%swap3A_37, %swap3A_38, %swap3A_39], %swap3A_42 {strides = array<i32>} : memref<2x1000x128xf32, #tpu.memory_space<vmem>>, vector<1x1000x128xf32>,
    %slice3A_43 = vector.extract_strided_slice %mul3A_36 {offsets = [0, 128], sizes = [1000, 128], strides = [1, 1]} : vector<1000x256xf32> to vector<1000x128xf32>
    %swap3A_44 = arith.constant 1 : index
    %swap3A_45 = arith.constant 0 : index
    %swap3A_46 = arith.constant 0 : index
    %swap3A_47 = vector.load %arg8[%swap3A_44, %swap3A_45, %swap3A_46] : memref<2x1000x128xf32, #tpu.memory_space<vmem>>, vector<1x1000x128xf32>
    %swap3A_48 = vector.shape_cast %swap3A_47 : vector<1x1000x128xf32> to vector<1000x128xf32>
    %swap3A_49 = vector.shape_cast %slice3A_43 : vector<1000x128xf32> to vector<1x1000x128xf32>
    tpu.vector_store %arg8[%swap3A_44, %swap3A_45, %swap3A_46], %swap3A_49 {strides = array<i32>} : memref<2x1000x128xf32, #tpu.memory_space<vmem>>, vector<1x1000x128xf32>,
    return
  }
  func.func @transform_0(%arg0: i32) -> (i32, i32, i32) {
    %jit3A = arith.constant 5 : i32
    %div3A = arith.divsi %arg0, %jit3A : i32
    %sign3A = arith.constant 0 : i32
    %sign3A_0 = arith.cmpi sgt, %arg0, %sign3A : i32
    %sign3A_1 = arith.extui %sign3A_0 : i1 to i32
    %sign3A_2 = arith.constant 0 : i32
    %sign3A_3 = arith.cmpi slt, %arg0, %sign3A_2 : i32
    %sign3A_4 = arith.extui %sign3A_3 : i1 to i32
    %sign3A_5 = arith.subi %sign3A_1, %sign3A_4 : i32
    %sign3A_6 = arith.constant 0 : i32
    %sign3A_7 = arith.cmpi sgt, %jit3A, %sign3A_6 : i32
    %sign3A_8 = arith.extui %sign3A_7 : i1 to i32
    %sign3A_9 = arith.constant 0 : i32
    %sign3A_10 = arith.cmpi slt, %jit3A, %sign3A_9 : i32
    %sign3A_11 = arith.extui %sign3A_10 : i1 to i32
    %sign3A_12 = arith.subi %sign3A_8, %sign3A_11 : i32
    %ne3A = arith.cmpi ne, %sign3A_5, %sign3A_12 : i32
    %rem3A = arith.remsi %arg0, %jit3A : i32
    %ne3A_13 = arith.constant 0 : i32
    %ne3A_14 = arith.cmpi ne, %rem3A, %ne3A_13 : i32
    %and3A = arith.andi %ne3A, %ne3A_14 : i1
    %sub3A = arith.constant 1 : i32
    %sub3A_15 = arith.subi %div3A, %sub3A : i32
    %select_n3A = arith.select %and3A, %sub3A_15, %div3A : i32
    %jit3A_16 = arith.constant 5 : i32
    %eq3A = arith.constant 0 : i32
    %eq3A_17 = arith.cmpi eq, %jit3A_16, %eq3A : i32
    %jit3A_18 = arith.constant 1 : i32
    %select_n3A_19 = arith.select %eq3A_17, %jit3A_18, %jit3A_16 : i32
    %rem3A_20 = arith.remsi %arg0, %select_n3A_19 : i32
    %ne3A_21 = arith.constant 0 : i32
    %ne3A_22 = arith.cmpi ne, %rem3A_20, %ne3A_21 : i32
    %lt3A = arith.constant 0 : i32
    %lt3A_23 = arith.cmpi slt, %rem3A_20, %lt3A : i32
    %lt3A_24 = arith.constant 0 : i32
    %lt3A_25 = arith.cmpi slt, %select_n3A_19, %lt3A_24 : i32
    %ne3A_26 = arith.xori %lt3A_23, %lt3A_25 : i1
    %and3A_27 = arith.andi %ne3A_26, %ne3A_22 : i1
    %add3A = arith.addi %rem3A_20, %select_n3A_19 : i32
    %select_n3A_28 = arith.select %and3A_27, %add3A, %rem3A_20 : i32
    %c0_i32 = arith.constant 0 : i32
    %c0_i32_29 = arith.constant 0 : i32
    return %select_n3A, %select_n3A_28, %c0_i32 : i32, i32, i32
  }
  func.func @transform_1(%arg0: i32) -> (i32, i32, i32) {
    %jit3A = arith.constant 5 : i32
    %div3A = arith.divsi %arg0, %jit3A : i32
    %sign3A = arith.constant 0 : i32
    %sign3A_0 = arith.cmpi sgt, %arg0, %sign3A : i32
    %sign3A_1 = arith.extui %sign3A_0 : i1 to i32
    %sign3A_2 = arith.constant 0 : i32
    %sign3A_3 = arith.cmpi slt, %arg0, %sign3A_2 : i32
    %sign3A_4 = arith.extui %sign3A_3 : i1 to i32
    %sign3A_5 = arith.subi %sign3A_1, %sign3A_4 : i32
    %sign3A_6 = arith.constant 0 : i32
    %sign3A_7 = arith.cmpi sgt, %jit3A, %sign3A_6 : i32
    %sign3A_8 = arith.extui %sign3A_7 : i1 to i32
    %sign3A_9 = arith.constant 0 : i32
    %sign3A_10 = arith.cmpi slt, %jit3A, %sign3A_9 : i32
    %sign3A_11 = arith.extui %sign3A_10 : i1 to i32
    %sign3A_12 = arith.subi %sign3A_8, %sign3A_11 : i32
    %ne3A = arith.cmpi ne, %sign3A_5, %sign3A_12 : i32
    %rem3A = arith.remsi %arg0, %jit3A : i32
    %ne3A_13 = arith.constant 0 : i32
    %ne3A_14 = arith.cmpi ne, %rem3A, %ne3A_13 : i32
    %and3A = arith.andi %ne3A, %ne3A_14 : i1
    %sub3A = arith.constant 1 : i32
    %sub3A_15 = arith.subi %div3A, %sub3A : i32
    %select_n3A = arith.select %and3A, %sub3A_15, %div3A : i32
    %jit3A_16 = arith.constant 5 : i32
    %eq3A = arith.constant 0 : i32
    %eq3A_17 = arith.cmpi eq, %jit3A_16, %eq3A : i32
    %jit3A_18 = arith.constant 1 : i32
    %select_n3A_19 = arith.select %eq3A_17, %jit3A_18, %jit3A_16 : i32
    %rem3A_20 = arith.remsi %arg0, %select_n3A_19 : i32
    %ne3A_21 = arith.constant 0 : i32
    %ne3A_22 = arith.cmpi ne, %rem3A_20, %ne3A_21 : i32
    %lt3A = arith.constant 0 : i32
    %lt3A_23 = arith.cmpi slt, %rem3A_20, %lt3A : i32
    %lt3A_24 = arith.constant 0 : i32
    %lt3A_25 = arith.cmpi slt, %select_n3A_19, %lt3A_24 : i32
    %ne3A_26 = arith.xori %lt3A_23, %lt3A_25 : i1
    %and3A_27 = arith.andi %ne3A_26, %ne3A_22 : i1
    %add3A = arith.addi %rem3A_20, %select_n3A_19 : i32
    %select_n3A_28 = arith.select %and3A_27, %add3A, %rem3A_20 : i32
    %c0_i32 = arith.constant 0 : i32
    %c0_i32_29 = arith.constant 0 : i32
    return %select_n3A, %select_n3A_28, %c0_i32 : i32, i32, i32
  }
  func.func @transform_2(%arg0: i32) -> (i32, i32) {
    %c0_i32 = arith.constant 0 : i32
    %c0_i32_0 = arith.constant 0 : i32
    return %arg0, %c0_i32 : i32, i32
  }
  func.func @transform_3(%arg0: i32) -> (i32, i32) {
    %c0_i32 = arith.constant 0 : i32
    %c0_i32_0 = arith.constant 0 : i32
    return %arg0, %c0_i32 : i32, i32
  }
  func.func @transform_4(%arg0: i32) -> (i32, i32) {
    %c0_i32 = arith.constant 0 : i32
    %c0_i32_0 = arith.constant 0 : i32
    %c0_i32_1 = arith.constant 0 : i32
    return %c0_i32, %c0_i32_0 : i32, i32
  }
  func.func @transform_5(%arg0: i32) -> (i32, i32) {
    %c0_i32 = arith.constant 0 : i32
    %c0_i32_0 = arith.constant 0 : i32
    %c0_i32_1 = arith.constant 0 : i32
    return %c0_i32, %c0_i32_0 : i32, i32
  }
  func.func @transform_6(%arg0: i32) -> (i32, i32) {
    %c0_i32 = arith.constant 0 : i32
    %c0_i32_0 = arith.constant 0 : i32
    return %arg0, %c0_i32 : i32, i32
  }
  func.func @transform_7(%arg0: i32) -> (i32, i32, i32) {
    %c0_i32 = arith.constant 0 : i32
    %c0_i32_0 = arith.constant 0 : i32
    %c0_i32_1 = arith.constant 0 : i32
    return %c0_i32, %arg0, %c0_i32_0 : i32, i32, i32
  }
}

module attributes {stable_mosaic.version = 14 : i64} {
  func.func @_mid_body(%arg0: i32, %arg1: memref<1x1000x128xf32, #tpu.memory_space<vmem>>, %arg2: memref<1x1000x128xf32, #tpu.memory_space<vmem>>, %arg3: memref<1000x256xf32, #tpu.memory_space<vmem>>, %arg4: memref<1000x1xf32, #tpu.memory_space<vmem>>, %arg5: memref<128x256xf32, #tpu.memory_space<vmem>>, %arg6: memref<1x128xf32, #tpu.memory_space<vmem>>, %arg7: memref<1000x128xf32, #tpu.memory_space<vmem>>, %arg8: memref<1x1000x128xf32, #tpu.memory_space<vmem>>) attributes {dimension_semantics = [#tpu.dimension_semantics<arbitrary>], iteration_bounds = array<i64: 10>, scalar_prefetch = 0 : i64, scratch_operands = 0 : i64, tpu.core_type = #tpu.core_type<tc>, window_params = [{transform_indices = @transform_0, window_bounds = array<i64: 1, 1000, 128>}, {transform_indices = @transform_1, window_bounds = array<i64: 1, 1000, 128>}, {transform_indices = @transform_2, window_bounds = array<i64: 1000, 256>}, {transform_indices = @transform_3, window_bounds = array<i64: 1000, 1>}, {pipeline_mode = #tpu.pipeline_mode<synchronous>, transform_indices = @transform_4, window_bounds = array<i64: 128, 256>}, {pipeline_mode = #tpu.pipeline_mode<synchronous>, transform_indices = @transform_5, window_bounds = array<i64: 1, 128>}, {transform_indices = @transform_6, window_bounds = array<i64: 1000, 128>}, {transform_indices = @transform_7, window_bounds = array<i64: 1, 1000, 128>}]} {
    %get3A = arith.constant 0 : index
    %get3A_0 = arith.constant 0 : index
    %get3A_1 = vector.load %arg4[%get3A, %get3A_0] : memref<1000x1xf32, #tpu.memory_space<vmem>>, vector<1000x1xf32>
    %get3A_2 = arith.constant 0 : index
    %get3A_3 = arith.constant 0 : index
    %get3A_4 = arith.constant 0 : index
    %get3A_5 = vector.load %arg1[%get3A_2, %get3A_3, %get3A_4] : memref<1x1000x128xf32, #tpu.memory_space<vmem>>, vector<1x1000x128xf32>
    %get3A_6 = vector.shape_cast %get3A_5 : vector<1x1000x128xf32> to vector<1000x128xf32>
    %get3A_7 = arith.constant 0 : index
    %get3A_8 = arith.constant 0 : index
    %get3A_9 = arith.constant 0 : index
    %get3A_10 = vector.load %arg2[%get3A_7, %get3A_8, %get3A_9] : memref<1x1000x128xf32, #tpu.memory_space<vmem>>, vector<1x1000x128xf32>
    %get3A_11 = vector.shape_cast %get3A_10 : vector<1x1000x128xf32> to vector<1000x128xf32>
    %concatenate3A = tpu.concatenate %get3A_6, %get3A_11 in 1 : vector<1000x128xf32>, vector<1000x128xf32> -> vector<1000x256xf32>
    %mul3A = vector.broadcast %get3A_1 : vector<1000x1xf32> to vector<1000x256xf32>
    %mul3A_12 = arith.mulf %mul3A, %concatenate3A : vector<1000x256xf32>
    %mul3A_13 = arith.mulf %get3A_1, %get3A_1 : vector<1000x1xf32>
    %get3A_14 = arith.constant 0 : index
    %get3A_15 = arith.constant 0 : index
    %get3A_16 = vector.load %arg3[%get3A_14, %get3A_15] : memref<1000x256xf32, #tpu.memory_space<vmem>>, vector<1000x256xf32>
    %mul3A_17 = vector.broadcast %mul3A_13 : vector<1000x1xf32> to vector<1000x256xf32>
    %mul3A_18 = arith.mulf %mul3A_17, %get3A_16 : vector<1000x256xf32>
    %add3A = arith.addf %mul3A_12, %mul3A_18 : vector<1000x256xf32>
    %max3A = arith.constant 0.000000e+00 : f32
    %max3A_19 = vector.broadcast %max3A : f32 to vector<1000x256xf32>
    %max3A_20 = arith.maximumf %add3A, %max3A_19 : vector<1000x256xf32>
    %mul3A_21 = arith.constant 0.0883883461 : f32
    %mul3A_22 = vector.broadcast %mul3A_21 : f32 to vector<1000x256xf32>
    %mul3A_23 = arith.mulf %mul3A_22, %max3A_20 : vector<1000x256xf32>
    %get3A_24 = arith.constant 0 : index
    %get3A_25 = arith.constant 0 : index
    %get3A_26 = vector.load %arg5[%get3A_24, %get3A_25] : memref<128x256xf32, #tpu.memory_space<vmem>>, vector<128x256xf32>
    %dot_general3A = arith.constant dense<0.000000e+00> : vector<1000x128xf32>
    %dot_general3A_27 = tpu.matmul %mul3A_23, %get3A_26, %dot_general3A {dimension_numbers = #tpu.dot_dimension_numbers<[1], [1], [0], [0], [0, 0, 1, 0], [], []>, transpose_lhs_hint = false} : vector<1000x256xf32>, vector<128x256xf32>, vector<1000x128xf32> -> vector<1000x128xf32>
    %get3A_28 = arith.constant 0 : index
    %get3A_29 = arith.constant 0 : index
    %get3A_30 = vector.load %arg6[%get3A_28, %get3A_29] : memref<1x128xf32, #tpu.memory_space<vmem>>, vector<1x128xf32>
    %add3A_31 = vector.broadcast %get3A_30 : vector<1x128xf32> to vector<1000x128xf32>
    %add3A_32 = arith.addf %dot_general3A_27, %add3A_31 : vector<1000x128xf32>
    %swap3A = arith.constant 0 : index
    %swap3A_33 = arith.constant 0 : index
    %swap3A_34 = vector.load %arg7[%swap3A, %swap3A_33] : memref<1000x128xf32, #tpu.memory_space<vmem>>, vector<1000x128xf32>
    tpu.vector_store %arg7[%swap3A, %swap3A_33], %add3A_32 {strides = array<i32>} : memref<1000x128xf32, #tpu.memory_space<vmem>>, vector<1000x128xf32>,
    %mul3A_35 = vector.broadcast %get3A_1 : vector<1000x1xf32> to vector<1000x128xf32>
    %mul3A_36 = arith.mulf %mul3A_35, %add3A_32 : vector<1000x128xf32>
    %swap3A_37 = arith.constant 0 : index
    %swap3A_38 = arith.constant 0 : index
    %swap3A_39 = arith.constant 0 : index
    %swap3A_40 = vector.load %arg8[%swap3A_37, %swap3A_38, %swap3A_39] : memref<1x1000x128xf32, #tpu.memory_space<vmem>>, vector<1x1000x128xf32>
    %swap3A_41 = vector.shape_cast %swap3A_40 : vector<1x1000x128xf32> to vector<1000x128xf32>
    %swap3A_42 = vector.shape_cast %mul3A_36 : vector<1000x128xf32> to vector<1x1000x128xf32>
    tpu.vector_store %arg8[%swap3A_37, %swap3A_38, %swap3A_39], %swap3A_42 {strides = array<i32>} : memref<1x1000x128xf32, #tpu.memory_space<vmem>>, vector<1x1000x128xf32>,
    return
  }
  func.func @transform_0(%arg0: i32) -> (i32, i32, i32) {
    %jit3A = arith.constant 5 : i32
    %div3A = arith.divsi %arg0, %jit3A : i32
    %sign3A = arith.constant 0 : i32
    %sign3A_0 = arith.cmpi sgt, %arg0, %sign3A : i32
    %sign3A_1 = arith.extui %sign3A_0 : i1 to i32
    %sign3A_2 = arith.constant 0 : i32
    %sign3A_3 = arith.cmpi slt, %arg0, %sign3A_2 : i32
    %sign3A_4 = arith.extui %sign3A_3 : i1 to i32
    %sign3A_5 = arith.subi %sign3A_1, %sign3A_4 : i32
    %sign3A_6 = arith.constant 0 : i32
    %sign3A_7 = arith.cmpi sgt, %jit3A, %sign3A_6 : i32
    %sign3A_8 = arith.extui %sign3A_7 : i1 to i32
    %sign3A_9 = arith.constant 0 : i32
    %sign3A_10 = arith.cmpi slt, %jit3A, %sign3A_9 : i32
    %sign3A_11 = arith.extui %sign3A_10 : i1 to i32
    %sign3A_12 = arith.subi %sign3A_8, %sign3A_11 : i32
    %ne3A = arith.cmpi ne, %sign3A_5, %sign3A_12 : i32
    %rem3A = arith.remsi %arg0, %jit3A : i32
    %ne3A_13 = arith.constant 0 : i32
    %ne3A_14 = arith.cmpi ne, %rem3A, %ne3A_13 : i32
    %and3A = arith.andi %ne3A, %ne3A_14 : i1
    %sub3A = arith.constant 1 : i32
    %sub3A_15 = arith.subi %div3A, %sub3A : i32
    %select_n3A = arith.select %and3A, %sub3A_15, %div3A : i32
    %jit3A_16 = arith.constant 5 : i32
    %eq3A = arith.constant 0 : i32
    %eq3A_17 = arith.cmpi eq, %jit3A_16, %eq3A : i32
    %jit3A_18 = arith.constant 1 : i32
    %select_n3A_19 = arith.select %eq3A_17, %jit3A_18, %jit3A_16 : i32
    %rem3A_20 = arith.remsi %arg0, %select_n3A_19 : i32
    %ne3A_21 = arith.constant 0 : i32
    %ne3A_22 = arith.cmpi ne, %rem3A_20, %ne3A_21 : i32
    %lt3A = arith.constant 0 : i32
    %lt3A_23 = arith.cmpi slt, %rem3A_20, %lt3A : i32
    %lt3A_24 = arith.constant 0 : i32
    %lt3A_25 = arith.cmpi slt, %select_n3A_19, %lt3A_24 : i32
    %ne3A_26 = arith.xori %lt3A_23, %lt3A_25 : i1
    %and3A_27 = arith.andi %ne3A_26, %ne3A_22 : i1
    %add3A = arith.addi %rem3A_20, %select_n3A_19 : i32
    %select_n3A_28 = arith.select %and3A_27, %add3A, %rem3A_20 : i32
    %c0_i32 = arith.constant 0 : i32
    %c0_i32_29 = arith.constant 0 : i32
    return %select_n3A, %select_n3A_28, %c0_i32 : i32, i32, i32
  }
  func.func @transform_1(%arg0: i32) -> (i32, i32, i32) {
    %jit3A = arith.constant 5 : i32
    %div3A = arith.divsi %arg0, %jit3A : i32
    %sign3A = arith.constant 0 : i32
    %sign3A_0 = arith.cmpi sgt, %arg0, %sign3A : i32
    %sign3A_1 = arith.extui %sign3A_0 : i1 to i32
    %sign3A_2 = arith.constant 0 : i32
    %sign3A_3 = arith.cmpi slt, %arg0, %sign3A_2 : i32
    %sign3A_4 = arith.extui %sign3A_3 : i1 to i32
    %sign3A_5 = arith.subi %sign3A_1, %sign3A_4 : i32
    %sign3A_6 = arith.constant 0 : i32
    %sign3A_7 = arith.cmpi sgt, %jit3A, %sign3A_6 : i32
    %sign3A_8 = arith.extui %sign3A_7 : i1 to i32
    %sign3A_9 = arith.constant 0 : i32
    %sign3A_10 = arith.cmpi slt, %jit3A, %sign3A_9 : i32
    %sign3A_11 = arith.extui %sign3A_10 : i1 to i32
    %sign3A_12 = arith.subi %sign3A_8, %sign3A_11 : i32
    %ne3A = arith.cmpi ne, %sign3A_5, %sign3A_12 : i32
    %rem3A = arith.remsi %arg0, %jit3A : i32
    %ne3A_13 = arith.constant 0 : i32
    %ne3A_14 = arith.cmpi ne, %rem3A, %ne3A_13 : i32
    %and3A = arith.andi %ne3A, %ne3A_14 : i1
    %sub3A = arith.constant 1 : i32
    %sub3A_15 = arith.subi %div3A, %sub3A : i32
    %select_n3A = arith.select %and3A, %sub3A_15, %div3A : i32
    %jit3A_16 = arith.constant 5 : i32
    %eq3A = arith.constant 0 : i32
    %eq3A_17 = arith.cmpi eq, %jit3A_16, %eq3A : i32
    %jit3A_18 = arith.constant 1 : i32
    %select_n3A_19 = arith.select %eq3A_17, %jit3A_18, %jit3A_16 : i32
    %rem3A_20 = arith.remsi %arg0, %select_n3A_19 : i32
    %ne3A_21 = arith.constant 0 : i32
    %ne3A_22 = arith.cmpi ne, %rem3A_20, %ne3A_21 : i32
    %lt3A = arith.constant 0 : i32
    %lt3A_23 = arith.cmpi slt, %rem3A_20, %lt3A : i32
    %lt3A_24 = arith.constant 0 : i32
    %lt3A_25 = arith.cmpi slt, %select_n3A_19, %lt3A_24 : i32
    %ne3A_26 = arith.xori %lt3A_23, %lt3A_25 : i1
    %and3A_27 = arith.andi %ne3A_26, %ne3A_22 : i1
    %add3A = arith.addi %rem3A_20, %select_n3A_19 : i32
    %select_n3A_28 = arith.select %and3A_27, %add3A, %rem3A_20 : i32
    %c0_i32 = arith.constant 0 : i32
    %c0_i32_29 = arith.constant 0 : i32
    return %select_n3A, %select_n3A_28, %c0_i32 : i32, i32, i32
  }
  func.func @transform_2(%arg0: i32) -> (i32, i32) {
    %c0_i32 = arith.constant 0 : i32
    %c0_i32_0 = arith.constant 0 : i32
    return %arg0, %c0_i32 : i32, i32
  }
  func.func @transform_3(%arg0: i32) -> (i32, i32) {
    %c0_i32 = arith.constant 0 : i32
    %c0_i32_0 = arith.constant 0 : i32
    return %arg0, %c0_i32 : i32, i32
  }
  func.func @transform_4(%arg0: i32) -> (i32, i32) {
    %c0_i32 = arith.constant 0 : i32
    %c0_i32_0 = arith.constant 0 : i32
    %c0_i32_1 = arith.constant 0 : i32
    return %c0_i32, %c0_i32_0 : i32, i32
  }
  func.func @transform_5(%arg0: i32) -> (i32, i32) {
    %c0_i32 = arith.constant 0 : i32
    %c0_i32_0 = arith.constant 0 : i32
    %c0_i32_1 = arith.constant 0 : i32
    return %c0_i32, %c0_i32_0 : i32, i32
  }
  func.func @transform_6(%arg0: i32) -> (i32, i32) {
    %c0_i32 = arith.constant 0 : i32
    %c0_i32_0 = arith.constant 0 : i32
    return %arg0, %c0_i32 : i32, i32
  }
  func.func @transform_7(%arg0: i32) -> (i32, i32, i32) {
    %c0_i32 = arith.constant 0 : i32
    %c0_i32_0 = arith.constant 0 : i32
    %c0_i32_1 = arith.constant 0 : i32
    return %c0_i32, %arg0, %c0_i32_0 : i32, i32, i32
  }
}

module attributes {stable_mosaic.version = 14 : i64} {
  func.func @_final_body(%arg0: i32, %arg1: memref<1x1000x128xf32, #tpu.memory_space<vmem>>, %arg2: memref<1000x128xf32, #tpu.memory_space<vmem>>, %arg3: memref<1000x1xf32, #tpu.memory_space<vmem>>, %arg4: memref<1000x1xi32, #tpu.memory_space<vmem>>, %arg5: memref<64x128xf32, #tpu.memory_space<vmem>>) attributes {dimension_semantics = [#tpu.dimension_semantics<arbitrary>], iteration_bounds = array<i64: 10>, scalar_prefetch = 0 : i64, scratch_operands = 0 : i64, tpu.core_type = #tpu.core_type<tc>, window_params = [{transform_indices = @transform_0, window_bounds = array<i64: 1, 1000, 128>}, {transform_indices = @transform_1, window_bounds = array<i64: 1000, 128>}, {transform_indices = @transform_2, window_bounds = array<i64: 1000, 1>}, {transform_indices = @transform_3, window_bounds = array<i64: 1000, 1>}, {pipeline_mode = #tpu.pipeline_mode<synchronous>, transform_indices = @transform_4, window_bounds = array<i64: 64, 128>}]} {
    %get3A = arith.constant 0 : index
    %get3A_0 = arith.constant 0 : index
    %get3A_1 = vector.load %arg3[%get3A, %get3A_0] : memref<1000x1xf32, #tpu.memory_space<vmem>>, vector<1000x1xf32>
    %get3A_2 = arith.constant 0 : index
    %get3A_3 = arith.constant 0 : index
    %get3A_4 = arith.constant 0 : index
    %get3A_5 = vector.load %arg1[%get3A_2, %get3A_3, %get3A_4] : memref<1x1000x128xf32, #tpu.memory_space<vmem>>, vector<1x1000x128xf32>
    %get3A_6 = vector.shape_cast %get3A_5 : vector<1x1000x128xf32> to vector<1000x128xf32>
    %mul3A = vector.broadcast %get3A_1 : vector<1000x1xf32> to vector<1000x128xf32>
    %mul3A_7 = arith.mulf %mul3A, %get3A_6 : vector<1000x128xf32>
    %mul3A_8 = arith.mulf %get3A_1, %get3A_1 : vector<1000x1xf32>
    %get3A_9 = arith.constant 0 : index
    %get3A_10 = arith.constant 0 : index
    %get3A_11 = vector.load %arg2[%get3A_9, %get3A_10] : memref<1000x128xf32, #tpu.memory_space<vmem>>, vector<1000x128xf32>
    %mul3A_12 = vector.broadcast %mul3A_8 : vector<1000x1xf32> to vector<1000x128xf32>
    %mul3A_13 = arith.mulf %mul3A_12, %get3A_11 : vector<1000x128xf32>
    %add3A = arith.addf %mul3A_7, %mul3A_13 : vector<1000x128xf32>
    %max3A = arith.constant 0.000000e+00 : f32
    %max3A_14 = vector.broadcast %max3A : f32 to vector<1000x128xf32>
    %max3A_15 = arith.maximumf %add3A, %max3A_14 : vector<1000x128xf32>
    %mul3A_16 = arith.constant 1.250000e-01 : f32
    %mul3A_17 = vector.broadcast %mul3A_16 : f32 to vector<1000x128xf32>
    %mul3A_18 = arith.mulf %mul3A_17, %max3A_15 : vector<1000x128xf32>
    %get3A_19 = arith.constant 0 : index
    %get3A_20 = arith.constant 0 : index
    %get3A_21 = vector.load %arg4[%get3A_19, %get3A_20] : memref<1000x1xi32, #tpu.memory_space<vmem>>, vector<1000x1xi32>
    %iota3A = tpu.iota {dimensions = array<i32: 0>} : vector<64x1000xi32>
    %squeeze3A = vector.shape_cast %get3A_21 : vector<1000x1xi32> to vector<1000xi32>
    %broadcast_in_dim3A = vector.shape_cast %squeeze3A : vector<1000xi32> to vector<1x1000xi32>
    %eq3A = vector.broadcast %broadcast_in_dim3A : vector<1x1000xi32> to vector<64x1000xi32>
    %eq3A_22 = arith.cmpi eq, %iota3A, %eq3A : vector<64x1000xi32>
    %convert_element_type3A = arith.extui %eq3A_22 : vector<64x1000xi1> to vector<64x1000xi32>
    %convert_element_type3A_23 = arith.sitofp %convert_element_type3A : vector<64x1000xi32> to vector<64x1000xf32>
    %dot_general3A = arith.constant dense<0.000000e+00> : vector<64x128xf32>
    %dot_general3A_24 = tpu.matmul %convert_element_type3A_23, %mul3A_18, %dot_general3A {dimension_numbers = #tpu.dot_dimension_numbers<[1], [0], [0], [1], [0, 0, 1, 1], [], []>, transpose_lhs_hint = false} : vector<64x1000xf32>, vector<1000x128xf32>, vector<64x128xf32> -> vector<64x128xf32>
    %eq3A_25 = arith.constant 0 : i32
    %eq3A_26 = arith.cmpi eq, %arg0, %eq3A_25 : i32
    %convert_element_type3A_27 = arith.extui %eq3A_26 : i1 to i32
    %cond3A = arith.constant 0 : i32
    %cond3A_28 = arith.cmpi ne, %convert_element_type3A_27, %cond3A : i32
    scf.if %cond3A_28 {
      %broadcast_in_dim3A_35 = arith.constant 0.000000e+00 : f32
      %broadcast_in_dim3A_36 = vector.broadcast %broadcast_in_dim3A_35 : f32 to vector<64x128xf32>
      %swap3A_37 = arith.constant 0 : index
      %swap3A_38 = arith.constant 0 : index
      %swap3A_39 = vector.load %arg5[%swap3A_37, %swap3A_38] : memref<64x128xf32, #tpu.memory_space<vmem>>, vector<64x128xf32>
      tpu.vector_store %arg5[%swap3A_37, %swap3A_38], %broadcast_in_dim3A_36 {strides = array<i32>} : memref<64x128xf32, #tpu.memory_space<vmem>>, vector<64x128xf32>,
    } else {
    }
    %get3A_29 = arith.constant 0 : index
    %get3A_30 = arith.constant 0 : index
    %get3A_31 = vector.load %arg5[%get3A_29, %get3A_30] : memref<64x128xf32, #tpu.memory_space<vmem>>, vector<64x128xf32>
    %add3A_32 = arith.addf %get3A_31, %dot_general3A_24 : vector<64x128xf32>
    %swap3A = arith.constant 0 : index
    %swap3A_33 = arith.constant 0 : index
    %swap3A_34 = vector.load %arg5[%swap3A, %swap3A_33] : memref<64x128xf32, #tpu.memory_space<vmem>>, vector<64x128xf32>
    tpu.vector_store %arg5[%swap3A, %swap3A_33], %add3A_32 {strides = array<i32>} : memref<64x128xf32, #tpu.memory_space<vmem>>, vector<64x128xf32>,
    return
  }
  func.func @transform_0(%arg0: i32) -> (i32, i32, i32) {
    %jit3A = arith.constant 5 : i32
    %div3A = arith.divsi %arg0, %jit3A : i32
    %sign3A = arith.constant 0 : i32
    %sign3A_0 = arith.cmpi sgt, %arg0, %sign3A : i32
    %sign3A_1 = arith.extui %sign3A_0 : i1 to i32
    %sign3A_2 = arith.constant 0 : i32
    %sign3A_3 = arith.cmpi slt, %arg0, %sign3A_2 : i32
    %sign3A_4 = arith.extui %sign3A_3 : i1 to i32
    %sign3A_5 = arith.subi %sign3A_1, %sign3A_4 : i32
    %sign3A_6 = arith.constant 0 : i32
    %sign3A_7 = arith.cmpi sgt, %jit3A, %sign3A_6 : i32
    %sign3A_8 = arith.extui %sign3A_7 : i1 to i32
    %sign3A_9 = arith.constant 0 : i32
    %sign3A_10 = arith.cmpi slt, %jit3A, %sign3A_9 : i32
    %sign3A_11 = arith.extui %sign3A_10 : i1 to i32
    %sign3A_12 = arith.subi %sign3A_8, %sign3A_11 : i32
    %ne3A = arith.cmpi ne, %sign3A_5, %sign3A_12 : i32
    %rem3A = arith.remsi %arg0, %jit3A : i32
    %ne3A_13 = arith.constant 0 : i32
    %ne3A_14 = arith.cmpi ne, %rem3A, %ne3A_13 : i32
    %and3A = arith.andi %ne3A, %ne3A_14 : i1
    %sub3A = arith.constant 1 : i32
    %sub3A_15 = arith.subi %div3A, %sub3A : i32
    %select_n3A = arith.select %and3A, %sub3A_15, %div3A : i32
    %jit3A_16 = arith.constant 5 : i32
    %eq3A = arith.constant 0 : i32
    %eq3A_17 = arith.cmpi eq, %jit3A_16, %eq3A : i32
    %jit3A_18 = arith.constant 1 : i32
    %select_n3A_19 = arith.select %eq3A_17, %jit3A_18, %jit3A_16 : i32
    %rem3A_20 = arith.remsi %arg0, %select_n3A_19 : i32
    %ne3A_21 = arith.constant 0 : i32
    %ne3A_22 = arith.cmpi ne, %rem3A_20, %ne3A_21 : i32
    %lt3A = arith.constant 0 : i32
    %lt3A_23 = arith.cmpi slt, %rem3A_20, %lt3A : i32
    %lt3A_24 = arith.constant 0 : i32
    %lt3A_25 = arith.cmpi slt, %select_n3A_19, %lt3A_24 : i32
    %ne3A_26 = arith.xori %lt3A_23, %lt3A_25 : i1
    %and3A_27 = arith.andi %ne3A_26, %ne3A_22 : i1
    %add3A = arith.addi %rem3A_20, %select_n3A_19 : i32
    %select_n3A_28 = arith.select %and3A_27, %add3A, %rem3A_20 : i32
    %c0_i32 = arith.constant 0 : i32
    %c0_i32_29 = arith.constant 0 : i32
    return %select_n3A, %select_n3A_28, %c0_i32 : i32, i32, i32
  }
  func.func @transform_1(%arg0: i32) -> (i32, i32) {
    %c0_i32 = arith.constant 0 : i32
    %c0_i32_0 = arith.constant 0 : i32
    return %arg0, %c0_i32 : i32, i32
  }
  func.func @transform_2(%arg0: i32) -> (i32, i32) {
    %c0_i32 = arith.constant 0 : i32
    %c0_i32_0 = arith.constant 0 : i32
    return %arg0, %c0_i32 : i32, i32
  }
  func.func @transform_3(%arg0: i32) -> (i32, i32) {
    %c0_i32 = arith.constant 0 : i32
    %c0_i32_0 = arith.constant 0 : i32
    return %arg0, %c0_i32 : i32, i32
  }
  func.func @transform_4(%arg0: i32) -> (i32, i32) {
    %c0_i32 = arith.constant 0 : i32
    %c0_i32_0 = arith.constant 0 : i32
    %c0_i32_1 = arith.constant 0 : i32
    return %c0_i32, %c0_i32_0 : i32, i32
  }
}

</mosaic_0001>

<sc_bundles>
// kernel: kernel.13.cloned.1.call-start
scs
__scs_entry_jumppad:
0x0: {  	(pc) =	sbr.rel $0x88, $3  }
0x1: {  	(tag) =	ssettag $0x0;
	lr =	simm.s32 $0x1  }
0x2: {  	[smem:$0x3F98] =	sst lr;
	_ =	strace $0xD0000000  }
0x3: {  	_ = 	snop  }
0x4: {  	_ = 	snop  }
0x5: {  	_ = 	snop  }
0x6: {  	_ = 	snop  }
0x7: {  	_ = 	snop  }
__scs_overlays_trampoline_lowered:
0x8: {  	[smem:$0x3FA7] =	sst s0  }
0x9: {  	[smem:$0x3FA8] =	sst s1  }
0xa: {  	[smem:$0x3FA9] =	sst s2  }
0xb: {  	[smem:$0x3FAA] =	sst s3  }
0xc: {  	[smem:$0x3FAB] =	sst s4  }
0xd: {  	[smem:$0x3FAC] =	sst s5  }
0xe: {  	[smem:$0x3FAD] =	sst s6  }
0xf: {  	[smem:$0x3FAE] =	sst s7  }
0x10: {  	[smem:$0x3FAF] =	sst s8  }
0x11: {  	[smem:$0x3FB0] =	sst s9;
	s0 =	simm.s32 @!p0 $0x0  }
0x12: {  	s1 =	sld [smem:$0x3F96];
	s0 =	simm.s32 @p0 $0x1  }
0x13: {  	[smem:$0x3FB1] =	sst s0;
	s0 =	simm.s32 @!p1 $0x0  }
0x14: {  	s2 =	sld [smem:$0x3F95];
	s0 =	simm.s32 @p1 $0x1  }
0x15: {  	[smem:$0x3FB2] =	sst s0;
	s0 =	simm.s32 @!p2 $0x0  }
0x16: {  	s3 =	sld [smem:$0x3FDB];
	s0 =	simm.s32 @p2 $0x1  }
0x17: {  	s4 =	simm.s32 $0x1BF5;
	[smem:$0x3FB4] =	sst s0  }
0x18: {  	s0 =	sld [smem:$0x3F97];
	_ =	swait.ge [sflag:s4], $0x0  }
0x19: {  	s7 =	sld [smem:$0x3F98]  }
0x1a: {  	s8 =	sadd.s32 $0xFFFFE003, lr  }
0x1b: {  	s9 =	sadd.s32 $0xFFFFFEF7, lr;
	s5 =	simm.s32 $0xFFFFFFFF;
	p2 =	slt.u32 s8, $0xFFFFF086  }
0x1c: {  	p1 =	slt.u32 s9, $0xF7A;
	s5 =	simm.s32 @!p2 $0x0  }
0x1d: {  	s5 =	simm.s32 @p1 $0x1;
	p0 =	seq.s32 s7, s2  }
0x1e: {  	s7 =	smul.u32 @!p0 $0xF7A, s2;
	p2 =	seq.s32 @!p0 s5, $0x0  }
0x1f: {  	s9 =	smul.u32 $0xF7A, s1;
	s8 =	simm.s32 @!p0 $0x1BF5;
	p2 =	por !p2, p0  }
0x20: {  	[sflag:s8] =	ssyncset.s32 @!p0 $0xFFFFF086;
	s6 =	sadd.s32 @!p0 s3, s7;
	s7 =	simm.s32 @!p0 $0x108  }
0x21: {  	s3 =	sadd.s32 s3, s9;
	s6 =	sadd.s32 @!p0 $0x88, s6;
	s7 =	simm.s32 @p2 $0x1082  }
0x22: {  	[simem:s7], [sflag:s8] =	dma.local @!p0 [hbm:s6], $0xF7A  }
0x23: {  	s9 =	sor.u32 $0xD0000000, s2;
	s6 =	simm.s32 $0x108;
	_ =	swait.ge @!p0 [sflag:s8], $0x0  }
0x24: {  	s3 =	sadd.s32 $0x88, s3;
	s6 =	simm.s32 @!p1 $0x1082;
	[sflag:s4] =	ssyncset.s32 $0xFFFFF086  }
0x25: {  	[simem:s6], [sflag:s4] =	dma.local [hbm:s3], $0xF7A  }
0x26: {  	[smem:$0x3F98] =	sst s1;
	(tag) =	ssettag s2;
	_ =	strace s9  }
0x27: {  	s1 =	sld [smem:$0x3FA8]  }
0x28: {  	s2 =	sld [smem:$0x3FA9]  }
0x29: {  	s4 =	sld [smem:$0x3FAB]  }
0x2a: {  	p0 =	seq.s32 s5, $0x0;
	s5 =	sld [smem:$0x3FAC]  }
0x2b: {  	s6 =	sld [smem:$0x3FAD]  }
0x2c: {  	s7 =	sld [smem:$0x3FAE]  }
0x2d: {  	s3 =	simm.s32 $0x108;
	s8 =	sld [smem:$0x3FAF]  }
0x2e: {  	s3 =	simm.s32 @!p0 $0x1082;
	s9 =	sld [smem:$0x3FB0]  }
0x2f: {  	lr =	sadd.s32 s0, s3;
	s0 =	sld [smem:$0x3FA7]  }
0x30: {  	s3 =	sld [smem:$0x3FAA]  }
0x31: {  	[smem:$0x3FB3] =	sst s10  }
0x32: {  	s10 =	sld [smem:$0x3FB1];
	_ =	sdelay $0x3  }
0x33: {  	p0 =	seq.s32 s10, $0x1;
	s10 =	sld [smem:$0x3FB3];
	_ =	sdelay $0x3  }
0x34: {  	[smem:$0x3FB3] =	sst s10  }
0x35: {  	s10 =	sld [smem:$0x3FB2];
	_ =	sdelay $0x3  }
0x36: {  	p1 =	seq.s32 s10, $0x1;
	s10 =	sld [smem:$0x3FB3];
	_ =	sdelay $0x3  }
0x37: {  	[smem:$0x3FB3] =	sst s10  }
0x38: {  	s10 =	sld [smem:$0x3FB4]  }
0x39: {  	_ = 	snop;
	(pc) =	sbr.ind lr, $3  }
0x3a: {  	_ = 	snop  }
0x3b: {  	_ = 	snop  }
0x3c: {  	p2 =	seq.s32 s10, $0x1;
	s10 =	sld [smem:$0x3FB3]  }
0x3d: {  	_ =	shalt  }
0x3e: {  	_ =	shalt  }
0x3f: {  	_ =	shalt  }
0x40: {  	_ =	shalt  }
0x41: {  	_ =	shalt  }
0x42: {  	_ =	shalt  }
0x43: {  	_ =	shalt  }
0x44: {  	_ =	shalt  }
0x45: {  	_ =	shalt  }
0x46: {  	_ =	shalt  }
0x47: {  	_ =	shalt  }
0x48: {  	_ =	shalt  }
0x49: {  	_ =	shalt  }
0x4a: {  	_ =	shalt  }
0x4b: {  	_ =	shalt  }
0x4c: {  	_ =	shalt  }
0x4d: {  	_ =	shalt  }
0x4e: {  	_ =	shalt  }
0x4f: {  	_ =	shalt  }
0x50: {  	_ =	shalt  }
0x51: {  	_ =	shalt  }
0x52: {  	_ =	shalt  }
0x53: {  	_ =	shalt  }
0x54: {  	_ =	shalt  }
0x55: {  	_ =	shalt  }
0x56: {  	_ =	shalt  }
0x57: {  	_ =	shalt  }
0x58: {  	_ =	shalt  }
0x59: {  	_ =	shalt  }
0x5a: {  	_ =	shalt  }
0x5b: {  	_ =	shalt  }
0x5c: {  	_ =	shalt  }
0x5d: {  	_ =	shalt  }
0x5e: {  	_ =	shalt  }
0x5f: {  	_ =	shalt  }
0x60: {  	_ =	shalt  }
0x61: {  	_ =	shalt  }
0x62: {  	_ =	shalt  }
0x63: {  	_ =	shalt  }
0x64: {  	_ =	shalt  }
0x65: {  	_ =	shalt  }
0x66: {  	_ =	shalt  }
0x67: {  	_ =	shalt  }
0x68: {  	_ =	shalt  }
0x69: {  	_ =	shalt  }
0x6a: {  	_ =	shalt  }
0x6b: {  	_ =	shalt  }
0x6c: {  	_ =	shalt  }
0x6d: {  	_ =	shalt  }
0x6e: {  	_ =	shalt  }
0x6f: {  	_ =	shalt  }
0x70: {  	_ =	shalt  }
0x71: {  	_ =	shalt  }
0x72: {  	_ =	shalt  }
0x73: {  	_ =	shalt  }
0x74: {  	_ =	shalt  }
0x75: {  	_ =	shalt  }
0x76: {  	_ =	shalt  }
0x77: {  	_ =	shalt  }
0x78: {  	_ =	shalt  }
0x79: {  	_ =	shalt  }
0x7a: {  	_ =	shalt  }
0x7b: {  	_ =	shalt  }
0x7c: {  	_ =	shalt  }
0x7d: {  	_ =	shalt  }
0x7e: {  	_ =	shalt  }
0x7f: {  	_ =	shalt  }
0x80: {  	_ =	shalt  }
0x81: {  	_ =	shalt  }
0x82: {  	_ =	shalt  }
0x83: {  	_ =	shalt  }
0x84: {  	_ =	shalt  }
0x85: {  	_ =	shalt  }
0x86: {  	_ =	shalt  }
0x87: {  	_ =	shalt  }
.Lfunc_end0:
.L_simem_size_0:
called_computation_lowered:
.L_overlay_start_0:
0x88: {  	s2 =	sld [smem:$0x3FD9]  }
0x89: {  	s3 =	sld [smem:$0x3FFE];
	_ =	sdelay $0x1  }
0x8a: {  	s1 =	srdreg.scid  }
0x8b: {  	s0 =	sand.u32 $0x1, s1  }
0x8c: {  	s17 =	sshll.u32 s0, $0xA;
	s2 =	sadd.s32 s3, s2  }
0x8d: {  	s2 =	sadd.s32 s2, s17  }
0x8e: {  	[smem:$0x3FBF] =	sst s2  }
0x8f: {  	_ = 	snop  }
0x90: {  	s18 =	sld [smem:$0x3FD0];
	(tm) =	ssettm $0x1  }
0x91: {  	s19 =	sld [smem:$0x3FFB];
	_ =	sdelay $0x3  }
0x92: {  	_ =	strace s19  }
0x93: {  	s2 =	sld [smem:$0x3FFC];
	_ =	sdelay $0x3  }
0x94: {  	_ =	strace s2  }
0x95: {  	s2 =	sld [smem:$0x3FFD];
	_ =	sdelay $0x3  }
0x96: {  	_ =	strace s2  }
0x97: {  	_ =	strace $0x8FFFFFFF  }
0x98: {  	s20 =	sld [smem:$0x3FDB];
	_ =	sdelay $0x1  }
0x99: {  	s4 =	simm.s32 $_scs_section_size  }
0x9a: {  	s5 =	simm.s32 $_size__tile_overlayer_lowered;
	s6 =	simm.s32 $_tile_overlayer_lowered  }
0x9b: {  	s7 =	simm.s32 $0x1BFF;
	s21 =	sshll.u32 s6, $0x1;
	s4 =	sadd.s32 s4, s20  }
0x9c: {  	s22 =	simm.s32 $0x0;
	s5 =	sshll.u32 s5, $0x1;
	s6 =	sadd.s32 s21, s4  }
0x9d: {  	[timem:s22], [sflag:s7] =	dma.local [hbm:s6], s5  }
0x9e: {  	_ =	swait.ge [sflag:s7], s5  }
0x9f: {  	s5 =	ssub.s32 $0x0, s5;
	[sflag:s7] =	ssyncset.done $0x0  }
0xa0: {  	[sflag:s7] =	ssyncadd.s32 s5;
	_ =	sdelay $0x1  }
0xa1: {  	s23 =	simm.s32 $0x1B8B  }
0xa2: {  	_ =	swait.ge [sflag:s23], $0x1  }
0xa3: {  	[sflag:s23] =	ssyncset.done $0x0  }
0xa4: {  	[sflag:s23] =	ssyncadd.s32 $0xFFFFFFFF  }
0xa5: {  	s5 =	sld [smem:$0x0]  }
0xa6: {  	s6 =	sand.u32 $0xFFFFFFFE, s1  }
0xa7: {  	p0 =	sne.s32 s1, s6  }
0xa8: {  	s6 =	sshll.u32 @p0 s6, $0xE  }
0xa9: {  	s6 =	sadd.s32 @p0 $0x11B8D, s6;
	s7 =	sshll.u32 @p0 s5, $0x11  }
0xaa: {  	s6 =	sor.u32 @p0 s7, s6  }
0xab: {  	[sflag:s6] =	ssyncadd.remote.s32 @p0 $0x1;
	_ =	sdelay $0x1  }
0xac: {  	s6 =	simm.s32 @p0 $0x1B8D  }
0xad: {  	_ =	swait.eq @p0 [sflag:s6], $0x1  }
0xae: {  	[sflag:s6] =	ssyncadd.s32 @p0 $0xFFFFFFFF  }
0xaf: {  	s7 =	sshll.u32 @!p0 s1, $0xE  }
0xb0: {  	s7 =	sor.u32 @!p0 $0x4000, s7;
	s6 =	simm.s32 @!p0 $0x1B8D  }
0xb1: {  	s5 =	sshll.u32 @!p0 s5, $0x11;
	s7 =	sadd.s32 @!p0 $0x11B8D, s7;
	_ =	swait.eq @!p0 [sflag:s6], $0x1  }
0xb2: {  	s5 =	sor.u32 @!p0 s5, s7;
	[sflag:s6] =	ssyncadd.s32 @!p0 $0xFFFFFFFF  }
0xb3: {  	s25 =	simm.s32 $0x1B8E;
	s24 =	sld [smem:$0x3FFE];
	[sflag:s5] =	ssyncadd.remote.s32 @!p0 $0x1  }
0xb4: {  	s26 =	simm.s32 $execute0_lowered;
	[smem:$0x3FD2] =	sst s25  }
0xb5: {  	s6 =	sshll.u32 s26, $0x1;
	_ =	strace $0x80000049;
	[dreg:$0x1] =	wrdreg $0xFFFFFFFF  }
0xb6: {  	s28 =	simm.s32 $_size_execute0_lowered;
	s4 =	sadd.s32 s4, s6;
	[dreg:$0x0] =	wrdreg $0x0  }
0xb7: {  	s6 =	sshll.u32 s28, $0x1;
	[dreg:$0x2] =	wrdreg s4  }
0xb8: {  	[dreg:$0x3] =	wrdreg s6  }
0xb9: {  	[dreg:$0x4] =	wrdreg $0xC0  }
0xba: {  	_ =	task [dreg:s22], $0x5FFFF  }
0xbb: {  	[dreg:$0x1] =	wrdreg $0xFFFFFFFF  }
0xbc: {  	[dreg:$0x0] =	wrdreg $0x60  }
0xbd: {  	[dreg:$0x2] =	wrdreg s24  }
0xbe: {  	[dreg:$0x3] =	wrdreg s18  }
0xbf: {  	[dreg:$0x4] =	wrdreg $0x9  }
0xc0: {  	_ =	task.clear_ibuf [dreg:s22], $0x5FFFF;
	_ =	strace $0x90000049  }
0xc1: {  	s29 =	simm.s32 $0x9;
	_ =	strace $0x8000004B  }
0xc2: {  	_ =	swait.ge [sflag:s29], $0x1  }
0xc3: {  	[sflag:s29] =	ssyncadd.s32 $0xFFFFFFFF  }
0xc4: {  	_ =	strace $0x9000004B  }
0xc5: {  	_ =	sfence  }
0xc6: {  	s30 =	sld [smem:$0x0];
	_ =	sdelay $0x2  }
0xc7: {  	s31 =	sshll.u32 s1, $0xD;
	s1 =	sshrl.u32 s1, $0x2  }
0xc8: {  	s4 =	sand.u32 $0x4000, s31;
	s1 =	sadd.s32 s1, s30  }
0xc9: {  	s0 =	sor.u32 s4, s0;
	s1 =	sshll.u32 s1, $0x11  }
0xca: {  	s0 =	sor.u32 s1, s0  }
0xcb: {  	s0 =	sadd.s32 $0x8F2B, s0  }
0xcc: {  	[sflag:s0] =	ssyncadd.remote.s32 $0x1  }
0xcd: {  	_ =	sfence.sel $0xFFFF  }
0xce: {  	[dreg:$0x0] =	wrdreg $0xFFFFFFFF;
	(pc) =	sbr.abs _section_cstart, $3  }
0xcf: {  	[dreg:$0x1] =	wrdreg $0xFFFFFFFF  }
0xd0: {  	_ =	task.clear_ibuf [dreg:s22], $0x2FFFF;
	_ =	strace $0x9FFFFFFF  }
0xd1: {  	(tm) =	ssettm $0x7FFFFFFF  }
tec
execute0_lowered:
.L_overlay_start_1:
0x0: {  	(tag) =	ssettag $0x1  }
0x1: {  	s0 =	srdreg.scid;
	s3 =	rddreg [dreg:$0x0]  }
0x2: {  	s9 =	rddreg [dreg:$0x1];
	s1 =	stileid.u32;
	s2 =	simm.s32 $0x0  }
0x3: {  	s14 =	simm.s32 $0x7800;
	s15 =	simm.s32 $0xA000;
	s16 =	simm.s32 $0xC800  }
0x4: {  	s17 =	simm.s32 $0xF000;
	s4 =	sand.u32 $0x1, s0;
	s0 =	rddreg [dreg:$0x2]  }
0x5: {  	s18 =	simm.s32 $0x0;
	[smem:$0x7FF] =	sst s2;
	s5 =	sshll.u32 s4, $0x4  }
0x6: {  	s10 =	sadd.s32 $0x2C200, s3;
	s12 =	sadd.s32 $0x40200, s3;
	s7 =	sor.u32 s1, s5  }
0x7: {  	_ =	strace $0x8000004A;
	s4 =	ssub.s32 $0x2, s4;
	s8 =	smul.u32 $0x500, s7  }
0x8: {  	s11 =	sshrl.u32 s4, $0x1;
	s5 =	smul.u32 $0x2800, s7;
	s31 =	sshll.u32 s7, $0x5  }
0x9: {  	s11 =	ssub.s32 s4, s11;
	s9 =	sadd.s32 s9, s31;
	s6 =	sadd.s32 s8, s3  }
0xa: {  	s5 =	sshrl.u32 s5, $0x3;
	s7 =	sadd.s32 s12, s8;
	s3 =	sadd.s32 $0xE400, s6  }
0xb: {  	v3 =	vlaneseq.u32;
	s4 =	sadd.s32 $0x18400, s6;
	s13 =	sadd.s32 $0xA000, s5;
	s5 =	sadd.s32 s10, s8  }
0xc: {  	v4 =	vimm.s32 $0x0;
	v0 =	vor.u32 $0x13C0, v3;
	s6 =	sadd.s32 s10, s13;
	s8 =	sadd.s32 s12, s13;
	s10 =	smax.u32 s11, $0x1  }
0xd: {  	v1 =	vor.u32 $0x13D0, v3;
	v2 =	vor.u32 $0x13E0, v3;
	v3 =	vor.u32 $0x13F0, v3;
	s11 =	simm.s32 $0x1;
	s12 =	simm.s32 $0x2800;
	s13 =	simm.s32 $0x5000  }
.LBB2_1:
0xe: {  	[tilespmem:s2], [sflag:$0x1] =	stream.linear.gather [hbm4b:s3+s2], $0x2800, $0x38;
	[tilespmem:$0xF100] =	vst v63  }
0xf: {  	_ =	swait.ge [sflag:s11], $0x2800  }
0x10: {  	[sflag:s11] =	ssyncset.done $0x0  }
0x11: {  	[sflag:s11] =	ssyncadd.s32 $0xFFFFD800  }
0x12: {  	[tilespmem:s12], [sflag:$0x1] =	stream.linear.gather [hbm4b:s4+s2], $0x2800, $0x38;
	[tilespmem:$0xF100] =	vst v63  }
0x13: {  	_ =	swait.ge [sflag:s11], $0x2800  }
0x14: {  	[sflag:s11] =	ssyncset.done $0x0  }
0x15: {  	s19 =	simm.s32 $0x0;
	s20 =	simm.s32 $0x200;
	[sflag:s11] =	ssyncadd.s32 $0xFFFFD800  }
.LBB2_2:
0x16: {  	p0 =	sne.s32 s20, $0x9E00;
	v5 =	vimm.s32 $0x0;
	[tilespmem:s19+$0xC870] =	vst v3  }
0x17: {  	[tilespmem:s19+$0x5000] =	vst v5  }
0x18: {  	[tilespmem:s19+$0x7800] =	vst v0  }
0x19: {  	[tilespmem:s19+$0xA000] =	vst v5  }
0x1a: {  	[tilespmem:s19+$0xC800] =	vst v0  }
0x1b: {  	[tilespmem:s19+$0x5010] =	vst v5  }
0x1c: {  	[tilespmem:s19+$0x7810] =	vst v1  }
0x1d: {  	[tilespmem:s19+$0xA010] =	vst v5  }
0x1e: {  	[tilespmem:s19+$0xC810] =	vst v1  }
0x1f: {  	[tilespmem:s19+$0x5020] =	vst v5  }
0x20: {  	[tilespmem:s19+$0x7820] =	vst v2  }
0x21: {  	[tilespmem:s19+$0xA020] =	vst v5  }
0x22: {  	[tilespmem:s19+$0xC820] =	vst v2  }
0x23: {  	[tilespmem:s19+$0x5030] =	vst v5  }
0x24: {  	[tilespmem:s19+$0x7830] =	vst v3  }
0x25: {  	[tilespmem:s19+$0xA030] =	vst v5  }
0x26: {  	[tilespmem:s19+$0xC830] =	vst v3  }
0x27: {  	[tilespmem:s19+$0x5040] =	vst v5  }
0x28: {  	[tilespmem:s19+$0x7840] =	vst v0  }
0x29: {  	[tilespmem:s19+$0xA040] =	vst v5  }
0x2a: {  	[tilespmem:s19+$0xC840] =	vst v0  }
0x2b: {  	[tilespmem:s19+$0x5050] =	vst v5  }
0x2c: {  	[tilespmem:s19+$0x7850] =	vst v1  }
0x2d: {  	[tilespmem:s19+$0xA050] =	vst v5  }
0x2e: {  	[tilespmem:s19+$0xC850] =	vst v1  }
0x2f: {  	[tilespmem:s19+$0x5060] =	vst v5  }
0x30: {  	[tilespmem:s19+$0x7860] =	vst v2  }
.Ltmp0:
0x31: {  	[tilespmem:s19+$0xA060] =	vst v5;
	(pc) =	sbr.rel @p0 .LBB2_2-.Ltmp0, $4  }
0x32: {  	[tilespmem:s19+$0xC860] =	vst v2  }
0x33: {  	[tilespmem:s19+$0x5070] =	vst v5  }
0x34: {  	[tilespmem:s19+$0x7870] =	vst v3  }
0x35: {  	[tilespmem:s19+$0xA070] =	vst v5;
	s19 =	sshra.s32 s20, $0x2;
	s20 =	sadd.s32 $0x200, s20  }
0x36: {  	[tilespmem:s19+$0xC870] =	vst v3  }
0x37: {  	[tilespmem:s19+$0x5000] =	vst v5  }
0x38: {  	[tilespmem:s19+$0x7800] =	vst v0  }
0x39: {  	[tilespmem:s19+$0xA000] =	vst v5  }
0x3a: {  	[tilespmem:s19+$0xC800] =	vst v0  }
0x3b: {  	[tilespmem:s19+$0x5010] =	vst v5  }
0x3c: {  	[tilespmem:s19+$0x7810] =	vst v1  }
0x3d: {  	[tilespmem:s19+$0xA010] =	vst v5  }
0x3e: {  	[tilespmem:s19+$0xC810] =	vst v1  }
0x3f: {  	[tilespmem:s19+$0x5020] =	vst v5  }
0x40: {  	[tilespmem:s19+$0x7820] =	vst v2  }
0x41: {  	[tilespmem:s19+$0xA020] =	vst v5  }
0x42: {  	[tilespmem:s19+$0xC820] =	vst v2  }
0x43: {  	[tilespmem:s19+$0x5030] =	vst v5  }
0x44: {  	[tilespmem:s19+$0x7830] =	vst v3  }
0x45: {  	[tilespmem:s19+$0xA030] =	vst v5  }
0x46: {  	[tilespmem:s19+$0xC830] =	vst v3  }
0x47: {  	[tilespmem:s19+$0x5040] =	vst v5  }
0x48: {  	[tilespmem:s19+$0x7840] =	vst v0  }
0x49: {  	[tilespmem:s19+$0xA040] =	vst v5  }
0x4a: {  	[tilespmem:s19+$0xC840] =	vst v0  }
0x4b: {  	[tilespmem:s19+$0x5050] =	vst v5  }
0x4c: {  	[tilespmem:s19+$0x7850] =	vst v1  }
0x4d: {  	[tilespmem:s19+$0xA050] =	vst v5  }
0x4e: {  	[tilespmem:s19+$0xC850] =	vst v1  }
0x4f: {  	[tilespmem:s19+$0x5060] =	vst v5  }
0x50: {  	[tilespmem:s19+$0x7860] =	vst v2  }
0x51: {  	[tilespmem:s19+$0xA060] =	vst v5  }
0x52: {  	[tilespmem:s19+$0xC860] =	vst v2  }
0x53: {  	[tilespmem:s19+$0x5070] =	vst v5  }
0x54: {  	[tilespmem:s19+$0x7870] =	vst v3  }
0x55: {  	[tilespmem:s19+$0xA070] =	vst v5;
	s19 =	simm.s32 $0x0;
	v6 =	vimm.s32 $0x0  }
.LBB2_4:
0x56: {  	s20 =	sshra.s32 s19, $0x2  }
0x57: {  	v7 =	vld [tilespmem:s20+$0x2800];
	_ =	sdelay $0x4  }
0x58: {  	vm0 =	vlt.s32 v7, $0x1388  }
0x59: {  	v8 =	vadd.s32 $0xFFFFEC78, v7;
	v9 =	vsel vm0, $0x1, v4  }
0x5a: {  	vm1 =	vlt.u32 v8, $0x1388;
	(xrf0) =	vadd.scan.msk.s32 $0xffff, v9  }
0x5b: {  	v12 =	vsel vm1, $0x1, v4  }
0x5c: {  	(xrf0) =	vadd.scan.msk.s32 $0xffff, v12;
	_ =	sdelay $0x3  }
0x5d: {  	v13, _, _ =	vpop (xrf0)  }
0x5e: {  	v9 =	vadd.s32 v13, v6  }
0x5f: {  	v10 =	vld [tilespmem:s20+$0x0];
	v11, _, _ =	vpop (xrf0);
	v9 =	vadd.s32 $0xFFFFFFFF, v9  }
0x60: {  	v11 =	vadd.s32 v11, v5  }
0x61: {  	v11 =	vadd.s32 $0xFFFFFFFF, v11;
	_ =	sdelay $0x2  }
0x62: {  	[tilespmem:v9+s13+$0x0] =	vst.idx.msk vm0, v10  }
0x63: {  	[tilespmem:v9+s14+$0x0] =	vst.idx.msk vm0, v7  }
0x64: {  	[tilespmem:v11+s15+$0x0] =	vst.idx.msk vm1, v10  }
0x65: {  	[tilespmem:v11+s16+$0x0] =	vst.idx.msk vm1, v8  }
0x66: {  	v7 =	vld [tilespmem:s20+$0x2810];
	_ =	sdelay $0x4  }
0x67: {  	vm2 =	vlt.s32 v7, $0x1388  }
0x68: {  	v8 =	vadd.s32 $0xFFFFEC78, v7;
	v14 =	vsel vm2, $0x1, v4  }
0x69: {  	vm3 =	vlt.u32 v8, $0x1388;
	(xrf0) =	vadd.scan.msk.s32 $0xffff, v14  }
0x6a: {  	v15 =	vsel vm3, $0x1, v4  }
0x6b: {  	(xrf0) =	vadd.scan.msk.s32 $0xffff, v15;
	_ =	sdelay $0x1  }
0x6c: {  	v16 =	vmpcnt.ones.xlane vm0;
	_ =	sdelay $0x1  }
0x6d: {  	v17 =	vmpcnt.ones.xlane vm1;
	v6 =	vadd.s32 v6, v16;
	v18, _, _ =	vpop (xrf0)  }
0x6e: {  	v10 =	vadd.s32 v18, v6  }
0x6f: {  	v5 =	vadd.s32 v5, v17;
	v19 =	vld [tilespmem:s20+$0x10];
	v20, _, _ =	vpop (xrf0);
	v10 =	vadd.s32 $0xFFFFFFFF, v10  }
0x70: {  	v11 =	vadd.s32 v20, v5  }
0x71: {  	v11 =	vadd.s32 $0xFFFFFFFF, v11;
	_ =	sdelay $0x2  }
0x72: {  	[tilespmem:v10+s13+$0x0] =	vst.idx.msk vm2, v19  }
0x73: {  	[tilespmem:v10+s14+$0x0] =	vst.idx.msk vm2, v7  }
0x74: {  	[tilespmem:v11+s15+$0x0] =	vst.idx.msk vm3, v19  }
0x75: {  	[tilespmem:v11+s16+$0x0] =	vst.idx.msk vm3, v8  }
0x76: {  	v7 =	vld [tilespmem:s20+$0x2820];
	_ =	sdelay $0x4  }
0x77: {  	vm14 =	vlt.s32 v7, $0x1388  }
0x78: {  	v8 =	vadd.s32 $0xFFFFEC78, v7;
	v21 =	vsel vm14, $0x1, v4  }
0x79: {  	vm15 =	vlt.u32 v8, $0x1388;
	(xrf0) =	vadd.scan.msk.s32 $0xffff, v21  }
0x7a: {  	v22 =	vsel vm15, $0x1, v4  }
0x7b: {  	(xrf0) =	vadd.scan.msk.s32 $0xffff, v22;
	_ =	sdelay $0x1  }
0x7c: {  	v23 =	vmpcnt.ones.xlane vm2;
	_ =	sdelay $0x1  }
0x7d: {  	v24 =	vmpcnt.ones.xlane vm3;
	v6 =	vadd.s32 v6, v23;
	v25, _, _ =	vpop (xrf0)  }
0x7e: {  	v10 =	vadd.s32 v25, v6  }
0x7f: {  	v5 =	vadd.s32 v5, v24;
	v26 =	vld [tilespmem:s20+$0x20];
	v27, _, _ =	vpop (xrf0);
	v10 =	vadd.s32 $0xFFFFFFFF, v10  }
0x80: {  	v11 =	vadd.s32 v27, v5  }
0x81: {  	v11 =	vadd.s32 $0xFFFFFFFF, v11;
	_ =	sdelay $0x2  }
0x82: {  	[tilespmem:v10+s13+$0x0] =	vst.idx.msk vm14, v26  }
0x83: {  	[tilespmem:v10+s14+$0x0] =	vst.idx.msk vm14, v7  }
0x84: {  	[tilespmem:v11+s15+$0x0] =	vst.idx.msk vm15, v26  }
0x85: {  	[tilespmem:v11+s16+$0x0] =	vst.idx.msk vm15, v8  }
0x86: {  	v7 =	vld [tilespmem:s20+$0x2830];
	_ =	sdelay $0x4  }
0x87: {  	vm6 =	vlt.s32 v7, $0x1388  }
0x88: {  	v8 =	vadd.s32 $0xFFFFEC78, v7;
	v28 =	vsel vm6, $0x1, v4  }
0x89: {  	vm7 =	vlt.u32 v8, $0x1388;
	(xrf0) =	vadd.scan.msk.s32 $0xffff, v28  }
0x8a: {  	v29 =	vsel vm7, $0x1, v4  }
0x8b: {  	(xrf0) =	vadd.scan.msk.s32 $0xffff, v29;
	_ =	sdelay $0x1  }
0x8c: {  	v30 =	vmpcnt.ones.xlane vm14;
	_ =	sdelay $0x1  }
0x8d: {  	v31 =	vmpcnt.ones.xlane vm15;
	v6 =	vadd.s32 v6, v30;
	v32, _, _ =	vpop (xrf0)  }
0x8e: {  	v10 =	vadd.s32 v32, v6  }
0x8f: {  	v5 =	vadd.s32 v5, v31;
	v33 =	vld [tilespmem:s20+$0x30];
	v34, _, _ =	vpop (xrf0);
	v10 =	vadd.s32 $0xFFFFFFFF, v10  }
0x90: {  	v11 =	vadd.s32 v34, v5  }
0x91: {  	v11 =	vadd.s32 $0xFFFFFFFF, v11;
	_ =	sdelay $0x2  }
0x92: {  	[tilespmem:v10+s13+$0x0] =	vst.idx.msk vm6, v33  }
0x93: {  	[tilespmem:v10+s14+$0x0] =	vst.idx.msk vm6, v7  }
0x94: {  	[tilespmem:v11+s15+$0x0] =	vst.idx.msk vm7, v33  }
0x95: {  	[tilespmem:v11+s16+$0x0] =	vst.idx.msk vm7, v8  }
0x96: {  	v7 =	vld [tilespmem:s20+$0x2840];
	_ =	sdelay $0x4  }
0x97: {  	vm8 =	vlt.s32 v7, $0x1388  }
0x98: {  	v8 =	vadd.s32 $0xFFFFEC78, v7;
	v35 =	vsel vm8, $0x1, v4  }
0x99: {  	vm9 =	vlt.u32 v8, $0x1388;
	(xrf0) =	vadd.scan.msk.s32 $0xffff, v35  }
0x9a: {  	v36 =	vsel vm9, $0x1, v4  }
0x9b: {  	(xrf0) =	vadd.scan.msk.s32 $0xffff, v36;
	_ =	sdelay $0x1  }
0x9c: {  	v37 =	vmpcnt.ones.xlane vm6;
	_ =	sdelay $0x1  }
0x9d: {  	v38 =	vmpcnt.ones.xlane vm7;
	v6 =	vadd.s32 v6, v37;
	v39, _, _ =	vpop (xrf0)  }
0x9e: {  	v10 =	vadd.s32 v39, v6  }
0x9f: {  	v5 =	vadd.s32 v5, v38;
	v40 =	vld [tilespmem:s20+$0x40];
	v41, _, _ =	vpop (xrf0);
	v10 =	vadd.s32 $0xFFFFFFFF, v10  }
0xa0: {  	v11 =	vadd.s32 v41, v5  }
0xa1: {  	v11 =	vadd.s32 $0xFFFFFFFF, v11;
	_ =	sdelay $0x2  }
0xa2: {  	[tilespmem:v10+s13+$0x0] =	vst.idx.msk vm8, v40  }
0xa3: {  	[tilespmem:v10+s14+$0x0] =	vst.idx.msk vm8, v7  }
0xa4: {  	[tilespmem:v11+s15+$0x0] =	vst.idx.msk vm9, v40  }
0xa5: {  	[tilespmem:v11+s16+$0x0] =	vst.idx.msk vm9, v8  }
0xa6: {  	v7 =	vld [tilespmem:s20+$0x2850];
	_ =	sdelay $0x4  }
0xa7: {  	vm10 =	vlt.s32 v7, $0x1388  }
0xa8: {  	v8 =	vadd.s32 $0xFFFFEC78, v7;
	v42 =	vsel vm10, $0x1, v4  }
0xa9: {  	vm11 =	vlt.u32 v8, $0x1388;
	(xrf0) =	vadd.scan.msk.s32 $0xffff, v42  }
0xaa: {  	v43 =	vsel vm11, $0x1, v4  }
0xab: {  	(xrf0) =	vadd.scan.msk.s32 $0xffff, v43;
	_ =	sdelay $0x1  }
0xac: {  	v44 =	vmpcnt.ones.xlane vm8;
	_ =	sdelay $0x1  }
0xad: {  	v45 =	vmpcnt.ones.xlane vm9;
	v6 =	vadd.s32 v6, v44;
	v46, _, _ =	vpop (xrf0)  }
0xae: {  	v10 =	vadd.s32 v46, v6  }
0xaf: {  	v5 =	vadd.s32 v5, v45;
	v47 =	vld [tilespmem:s20+$0x50];
	v48, _, _ =	vpop (xrf0);
	v10 =	vadd.s32 $0xFFFFFFFF, v10  }
0xb0: {  	v11 =	vadd.s32 v48, v5  }
0xb1: {  	v11 =	vadd.s32 $0xFFFFFFFF, v11;
	_ =	sdelay $0x2  }
0xb2: {  	[tilespmem:v10+s13+$0x0] =	vst.idx.msk vm10, v47  }
0xb3: {  	[tilespmem:v10+s14+$0x0] =	vst.idx.msk vm10, v7  }
0xb4: {  	[tilespmem:v11+s15+$0x0] =	vst.idx.msk vm11, v47  }
0xb5: {  	[tilespmem:v11+s16+$0x0] =	vst.idx.msk vm11, v8  }
0xb6: {  	v7 =	vld [tilespmem:s20+$0x2860];
	_ =	sdelay $0x4  }
0xb7: {  	vm12 =	vlt.s32 v7, $0x1388  }
0xb8: {  	v8 =	vadd.s32 $0xFFFFEC78, v7;
	v49 =	vsel vm12, $0x1, v4  }
0xb9: {  	vm13 =	vlt.u32 v8, $0x1388;
	(xrf0) =	vadd.scan.msk.s32 $0xffff, v49  }
0xba: {  	v50 =	vsel vm13, $0x1, v4  }
0xbb: {  	(xrf0) =	vadd.scan.msk.s32 $0xffff, v50;
	_ =	sdelay $0x1  }
0xbc: {  	v51 =	vmpcnt.ones.xlane vm10;
	_ =	sdelay $0x1  }
0xbd: {  	v52 =	vmpcnt.ones.xlane vm11;
	v6 =	vadd.s32 v6, v51;
	v53, _, _ =	vpop (xrf0)  }
0xbe: {  	v10 =	vadd.s32 v53, v6  }
0xbf: {  	v5 =	vadd.s32 v5, v52;
	v54 =	vld [tilespmem:s20+$0x60];
	v55, _, _ =	vpop (xrf0);
	v10 =	vadd.s32 $0xFFFFFFFF, v10  }
0xc0: {  	v11 =	vadd.s32 v55, v5  }
0xc1: {  	v11 =	vadd.s32 $0xFFFFFFFF, v11;
	_ =	sdelay $0x2  }
0xc2: {  	[tilespmem:v10+s13+$0x0] =	vst.idx.msk vm12, v54  }
0xc3: {  	[tilespmem:v10+s14+$0x0] =	vst.idx.msk vm12, v7  }
0xc4: {  	[tilespmem:v11+s15+$0x0] =	vst.idx.msk vm13, v54  }
0xc5: {  	[tilespmem:v11+s16+$0x0] =	vst.idx.msk vm13, v8  }
0xc6: {  	v7 =	vld [tilespmem:s20+$0x2870];
	_ =	sdelay $0x4  }
0xc7: {  	vm14 =	vlt.s32 v7, $0x1388  }
0xc8: {  	v8 =	vadd.s32 $0xFFFFEC78, v7;
	v56 =	vsel vm14, $0x1, v4  }
0xc9: {  	vm15 =	vlt.u32 v8, $0x1388;
	(xrf0) =	vadd.scan.msk.s32 $0xffff, v56  }
0xca: {  	v57 =	vsel vm15, $0x1, v4  }
0xcb: {  	(xrf0) =	vadd.scan.msk.s32 $0xffff, v57;
	_ =	sdelay $0x1  }
0xcc: {  	v58 =	vmpcnt.ones.xlane vm12;
	_ =	sdelay $0x1  }
0xcd: {  	v60 =	vmpcnt.ones.xlane vm13;
	v6 =	vadd.s32 v6, v58;
	v59, _, _ =	vpop (xrf0)  }
0xce: {  	v9 =	vadd.s32 v59, v6  }
0xcf: {  	v5 =	vadd.s32 v5, v60;
	v61 =	vld [tilespmem:s20+$0x70];
	v62, _, _ =	vpop (xrf0);
	v9 =	vadd.s32 $0xFFFFFFFF, v9  }
0xd0: {  	v11 =	vadd.s32 v62, v5  }
0xd1: {  	v11 =	vadd.s32 $0xFFFFFFFF, v11  }
0xd2: {  	p0 =	sne.s32 s19, $0x9E00  }
.Ltmp1:
0xd3: {  	_ = 	snop;
	(pc) =	sbr.rel @p0 .LBB2_4-.Ltmp1, $4  }
0xd4: {  	[tilespmem:v9+s13+$0x0] =	vst.idx.msk vm14, v61  }
0xd5: {  	v63 =	vmpcnt.ones.xlane vm15;
	[tilespmem:v9+s14+$0x0] =	vst.idx.msk vm14, v7;
	v7 =	vmpcnt.ones.xlane vm14  }
0xd6: {  	[tilespmem:v11+s15+$0x0] =	vst.idx.msk vm15, v61  }
0xd7: {  	s19 =	sadd.s32 $0x200, s19;
	v5 =	vadd.s32 v5, v63;
	v6 =	vadd.s32 v6, v7;
	[tilespmem:v11+s16+$0x0] =	vst.idx.msk vm15, v8  }
0xd8: {  	[tilespmem:$0xF000] =	vst v6  }
0xd9: {  	[tilespmem:$0xF080] =	vst v5  }
0xda: {  	[tilespmem:$0xF010] =	vst v6  }
0xdb: {  	[tilespmem:$0xF090] =	vst v5  }
0xdc: {  	[tilespmem:$0xF020] =	vst v6  }
0xdd: {  	[tilespmem:$0xF0A0] =	vst v5  }
0xde: {  	[tilespmem:$0xF030] =	vst v6  }
0xdf: {  	[tilespmem:$0xF0B0] =	vst v5  }
0xe0: {  	[tilespmem:$0xF040] =	vst v6  }
0xe1: {  	[tilespmem:$0xF0C0] =	vst v5  }
0xe2: {  	[tilespmem:$0xF050] =	vst v6  }
0xe3: {  	[tilespmem:$0xF0D0] =	vst v5  }
0xe4: {  	[tilespmem:$0xF060] =	vst v6  }
0xe5: {  	[tilespmem:$0xF0E0] =	vst v5  }
0xe6: {  	[tilespmem:$0xF070] =	vst v6  }
0xe7: {  	[tilespmem:$0xF0F0] =	vst v5  }
0xe8: {  	[hbm4b:s5+s2] =	stream.linear.scatter [tilespmem:s13], [sflag:$0x1], $0x2800, $0x38;
	[tilespmem:$0xF100] =	vst v63  }
0xe9: {  	_ =	swait.ge [sflag:s11], $0x2800  }
0xea: {  	[sflag:s11] =	ssyncset.done $0x0  }
0xeb: {  	[sflag:s11] =	ssyncadd.s32 $0xFFFFD800  }
0xec: {  	[hbm4b:s6+s2] =	stream.linear.scatter [tilespmem:s15], [sflag:$0x1], $0x2800, $0x38;
	[tilespmem:$0xF100] =	vst v63  }
0xed: {  	_ =	swait.ge [sflag:s11], $0x2800  }
0xee: {  	[sflag:s11] =	ssyncset.done $0x0  }
0xef: {  	[sflag:s11] =	ssyncadd.s32 $0xFFFFD800  }
0xf0: {  	[hbm4b:s7+s2] =	stream.linear.scatter [tilespmem:s14], [sflag:$0x1], $0x2800, $0x38;
	[tilespmem:$0xF100] =	vst v63  }
0xf1: {  	_ =	swait.ge [sflag:s11], $0x2800  }
0xf2: {  	[sflag:s11] =	ssyncset.done $0x0  }
0xf3: {  	[sflag:s11] =	ssyncadd.s32 $0xFFFFD800  }
0xf4: {  	[hbm4b:s8+s2] =	stream.linear.scatter [tilespmem:s16], [sflag:$0x1], $0x2800, $0x38;
	[tilespmem:$0xF100] =	vst v63  }
0xf5: {  	s18 =	sadd.s32 $0x1, s18;
	_ =	swait.ge [sflag:s11], $0x2800  }
0xf6: {  	p0 =	sne.s32 s18, s10;
	[sflag:s11] =	ssyncset.done $0x0  }
.Ltmp2:
0xf7: {  	[sflag:s11] =	ssyncadd.s32 $0xFFFFD800;
	(pc) =	sbr.rel @p0 .LBB2_1-.Ltmp2, $4  }
0xf8: {  	[hbm4b:s9+s2] =	stream.linear.scatter [tilespmem:s17], [sflag:$0x1], $0x100, $0x38;
	[tilespmem:$0xF100] =	vst v63  }
0xf9: {  	_ =	swait.ge [sflag:s11], $0x100  }
0xfa: {  	[sflag:s11] =	ssyncset.done $0x0  }
0xfb: {  	[sflag:s11] =	ssyncadd.s32 $0xFFFFFF00  }
0xfc: {  	_ =	sfence.sel $0x180000  }
0xfd: {  	[bflag:$0x0] =	sbarrier.arrive $0xFFFF  }
0xfe: {  	p0 =	sne.s32 s1, $0x0;
	_ =	strace $0x9000004A  }
0xff: {  	s0 =	sadd.s32 @!p0 $0x100000, s0;
	[bflag:$0x2] =	sbarrier.arrive $0xFFFF  }
0x100: {  	[sflag:s0] =	ssyncadd.tile.s32 @!p0 $0x1;
	_ =	shalt  }
.Lfunc_end2:
_tile_overlayer_lowered:
.L_overlay_start_2:
0x101: {  	(tag) =	ssettag $0x2  }
0x102: {  	s0 =	rddreg [dreg:$0x0];
	s2 =	stileid.u32  }
0x103: {  	s1 =	rddreg [dreg:$0x1];
	p0 =	sne.s32 s2, $0x0  }
0x104: {  	s3 =	rddreg [dreg:$0x2];
	[bflag:$0x3] =	sbarrier.arrive $0xFFFF;
	s2 =	simm.s32 @!p0 $0x1C01  }
0x105: {  	[timem:s3], [sflag:s2] =	dma.local @!p0 [hbm:s0], s1  }
0x106: {  	s0 =	simm.s32 @!p0 $0x1  }
0x107: {  	_ =	swait.ge @!p0 [sflag:s0], s1  }
0x108: {  	s1 =	ssub.s32 @!p0 $0x0, s1;
	[sflag:s0] =	ssyncset.done @!p0 $0x0  }
0x109: {  	[sflag:s0] =	ssyncadd.s32 @!p0 s1  }
0x10a: {  	[bflag:$0x3] =	sbarrier.arrive $0xFFFF  }
0x10b: {  	_ =	shalt  }

// kernel: kernel.16.cloned.1.call-start
scs
__scs_entry_jumppad:
0x0: {  	(pc) =	sbr.rel $0x88, $3  }
0x1: {  	(tag) =	ssettag $0x0;
	lr =	simm.s32 $0x1  }
0x2: {  	[smem:$0x3F98] =	sst lr;
	_ =	strace $0xD0000000  }
0x3: {  	_ = 	snop  }
0x4: {  	_ = 	snop  }
0x5: {  	_ = 	snop  }
0x6: {  	_ = 	snop  }
0x7: {  	_ = 	snop  }
__scs_overlays_trampoline_lowered:
0x8: {  	[smem:$0x3FA7] =	sst s0  }
0x9: {  	[smem:$0x3FA8] =	sst s1  }
0xa: {  	[smem:$0x3FA9] =	sst s2  }
0xb: {  	[smem:$0x3FAA] =	sst s3  }
0xc: {  	[smem:$0x3FAB] =	sst s4  }
0xd: {  	[smem:$0x3FAC] =	sst s5  }
0xe: {  	[smem:$0x3FAD] =	sst s6  }
0xf: {  	[smem:$0x3FAE] =	sst s7  }
0x10: {  	[smem:$0x3FAF] =	sst s8  }
0x11: {  	[smem:$0x3FB0] =	sst s9;
	s0 =	simm.s32 @!p0 $0x0  }
0x12: {  	s1 =	sld [smem:$0x3F96];
	s0 =	simm.s32 @p0 $0x1  }
0x13: {  	[smem:$0x3FB1] =	sst s0;
	s0 =	simm.s32 @!p1 $0x0  }
0x14: {  	s2 =	sld [smem:$0x3F95];
	s0 =	simm.s32 @p1 $0x1  }
0x15: {  	[smem:$0x3FB2] =	sst s0;
	s0 =	simm.s32 @!p2 $0x0  }
0x16: {  	s3 =	sld [smem:$0x3FDB];
	s0 =	simm.s32 @p2 $0x1  }
0x17: {  	s4 =	simm.s32 $0x1BF5;
	[smem:$0x3FB4] =	sst s0  }
0x18: {  	s0 =	sld [smem:$0x3F97];
	_ =	swait.ge [sflag:s4], $0x0  }
0x19: {  	s7 =	sld [smem:$0x3F98]  }
0x1a: {  	s8 =	sadd.s32 $0xFFFFE003, lr  }
0x1b: {  	s9 =	sadd.s32 $0xFFFFFEF7, lr;
	s5 =	simm.s32 $0xFFFFFFFF;
	p2 =	slt.u32 s8, $0xFFFFF086  }
0x1c: {  	p1 =	slt.u32 s9, $0xF7A;
	s5 =	simm.s32 @!p2 $0x0  }
0x1d: {  	s5 =	simm.s32 @p1 $0x1;
	p0 =	seq.s32 s7, s2  }
0x1e: {  	s7 =	smul.u32 @!p0 $0xF7A, s2;
	p2 =	seq.s32 @!p0 s5, $0x0  }
0x1f: {  	s9 =	smul.u32 $0xF7A, s1;
	s8 =	simm.s32 @!p0 $0x1BF5;
	p2 =	por !p2, p0  }
0x20: {  	[sflag:s8] =	ssyncset.s32 @!p0 $0xFFFFF086;
	s6 =	sadd.s32 @!p0 s3, s7;
	s7 =	simm.s32 @!p0 $0x108  }
0x21: {  	s3 =	sadd.s32 s3, s9;
	s6 =	sadd.s32 @!p0 $0x88, s6;
	s7 =	simm.s32 @p2 $0x1082  }
0x22: {  	[simem:s7], [sflag:s8] =	dma.local @!p0 [hbm:s6], $0xF7A  }
0x23: {  	s9 =	sor.u32 $0xD0000000, s2;
	s6 =	simm.s32 $0x108;
	_ =	swait.ge @!p0 [sflag:s8], $0x0  }
0x24: {  	s3 =	sadd.s32 $0x88, s3;
	s6 =	simm.s32 @!p1 $0x1082;
	[sflag:s4] =	ssyncset.s32 $0xFFFFF086  }
0x25: {  	[simem:s6], [sflag:s4] =	dma.local [hbm:s3], $0xF7A  }
0x26: {  	[smem:$0x3F98] =	sst s1;
	(tag) =	ssettag s2;
	_ =	strace s9  }
0x27: {  	s1 =	sld [smem:$0x3FA8]  }
0x28: {  	s2 =	sld [smem:$0x3FA9]  }
0x29: {  	s4 =	sld [smem:$0x3FAB]  }
0x2a: {  	p0 =	seq.s32 s5, $0x0;
	s5 =	sld [smem:$0x3FAC]  }
0x2b: {  	s6 =	sld [smem:$0x3FAD]  }
0x2c: {  	s7 =	sld [smem:$0x3FAE]  }
0x2d: {  	s3 =	simm.s32 $0x108;
	s8 =	sld [smem:$0x3FAF]  }
0x2e: {  	s3 =	simm.s32 @!p0 $0x1082;
	s9 =	sld [smem:$0x3FB0]  }
0x2f: {  	lr =	sadd.s32 s0, s3;
	s0 =	sld [smem:$0x3FA7]  }
0x30: {  	s3 =	sld [smem:$0x3FAA]  }
0x31: {  	[smem:$0x3FB3] =	sst s10  }
0x32: {  	s10 =	sld [smem:$0x3FB1];
	_ =	sdelay $0x3  }
0x33: {  	p0 =	seq.s32 s10, $0x1;
	s10 =	sld [smem:$0x3FB3];
	_ =	sdelay $0x3  }
0x34: {  	[smem:$0x3FB3] =	sst s10  }
0x35: {  	s10 =	sld [smem:$0x3FB2];
	_ =	sdelay $0x3  }
0x36: {  	p1 =	seq.s32 s10, $0x1;
	s10 =	sld [smem:$0x3FB3];
	_ =	sdelay $0x3  }
0x37: {  	[smem:$0x3FB3] =	sst s10  }
0x38: {  	s10 =	sld [smem:$0x3FB4]  }
0x39: {  	_ = 	snop;
	(pc) =	sbr.ind lr, $3  }
0x3a: {  	_ = 	snop  }
0x3b: {  	_ = 	snop  }
0x3c: {  	p2 =	seq.s32 s10, $0x1;
	s10 =	sld [smem:$0x3FB3]  }
0x3d: {  	_ =	shalt  }
0x3e: {  	_ =	shalt  }
0x3f: {  	_ =	shalt  }
0x40: {  	_ =	shalt  }
0x41: {  	_ =	shalt  }
0x42: {  	_ =	shalt  }
0x43: {  	_ =	shalt  }
0x44: {  	_ =	shalt  }
0x45: {  	_ =	shalt  }
0x46: {  	_ =	shalt  }
0x47: {  	_ =	shalt  }
0x48: {  	_ =	shalt  }
0x49: {  	_ =	shalt  }
0x4a: {  	_ =	shalt  }
0x4b: {  	_ =	shalt  }
0x4c: {  	_ =	shalt  }
0x4d: {  	_ =	shalt  }
0x4e: {  	_ =	shalt  }
0x4f: {  	_ =	shalt  }
0x50: {  	_ =	shalt  }
0x51: {  	_ =	shalt  }
0x52: {  	_ =	shalt  }
0x53: {  	_ =	shalt  }
0x54: {  	_ =	shalt  }
0x55: {  	_ =	shalt  }
0x56: {  	_ =	shalt  }
0x57: {  	_ =	shalt  }
0x58: {  	_ =	shalt  }
0x59: {  	_ =	shalt  }
0x5a: {  	_ =	shalt  }
0x5b: {  	_ =	shalt  }
0x5c: {  	_ =	shalt  }
0x5d: {  	_ =	shalt  }
0x5e: {  	_ =	shalt  }
0x5f: {  	_ =	shalt  }
0x60: {  	_ =	shalt  }
0x61: {  	_ =	shalt  }
0x62: {  	_ =	shalt  }
0x63: {  	_ =	shalt  }
0x64: {  	_ =	shalt  }
0x65: {  	_ =	shalt  }
0x66: {  	_ =	shalt  }
0x67: {  	_ =	shalt  }
0x68: {  	_ =	shalt  }
0x69: {  	_ =	shalt  }
0x6a: {  	_ =	shalt  }
0x6b: {  	_ =	shalt  }
0x6c: {  	_ =	shalt  }
0x6d: {  	_ =	shalt  }
0x6e: {  	_ =	shalt  }
0x6f: {  	_ =	shalt  }
0x70: {  	_ =	shalt  }
0x71: {  	_ =	shalt  }
0x72: {  	_ =	shalt  }
0x73: {  	_ =	shalt  }
0x74: {  	_ =	shalt  }
0x75: {  	_ =	shalt  }
0x76: {  	_ =	shalt  }
0x77: {  	_ =	shalt  }
0x78: {  	_ =	shalt  }
0x79: {  	_ =	shalt  }
0x7a: {  	_ =	shalt  }
0x7b: {  	_ =	shalt  }
0x7c: {  	_ =	shalt  }
0x7d: {  	_ =	shalt  }
0x7e: {  	_ =	shalt  }
0x7f: {  	_ =	shalt  }
0x80: {  	_ =	shalt  }
0x81: {  	_ =	shalt  }
0x82: {  	_ =	shalt  }
0x83: {  	_ =	shalt  }
0x84: {  	_ =	shalt  }
0x85: {  	_ =	shalt  }
0x86: {  	_ =	shalt  }
0x87: {  	_ =	shalt  }
.Lfunc_end0:
.L_simem_size_0:
called_computation.1_lowered:
.L_overlay_start_0:
0x88: {  	s2 =	sld [smem:$0x3FD9]  }
0x89: {  	s3 =	sld [smem:$0x3FFE];
	_ =	sdelay $0x1  }
0x8a: {  	s1 =	srdreg.scid  }
0x8b: {  	s0 =	sand.u32 $0x1, s1  }
0x8c: {  	s16 =	sshll.u32 s0, $0xA;
	s2 =	sadd.s32 s3, s2  }
0x8d: {  	s2 =	sadd.s32 s2, s16  }
0x8e: {  	[smem:$0x3FBF] =	sst s2  }
0x8f: {  	_ = 	snop  }
0x90: {  	(tm) =	ssettm $0x1  }
0x91: {  	s17 =	sld [smem:$0x3FFB];
	_ =	sdelay $0x3  }
0x92: {  	_ =	strace s17  }
0x93: {  	s2 =	sld [smem:$0x3FFC];
	_ =	sdelay $0x3  }
0x94: {  	_ =	strace s2  }
0x95: {  	s2 =	sld [smem:$0x3FFD];
	_ =	sdelay $0x3  }
0x96: {  	_ =	strace s2  }
0x97: {  	_ =	strace $0x8FFFFFFF  }
0x98: {  	s18 =	sld [smem:$0x3FDB];
	_ =	sdelay $0x1  }
0x99: {  	s19 =	simm.s32 $_scs_section_size  }
0x9a: {  	s4 =	simm.s32 $_size__tile_overlayer_lowered;
	s5 =	simm.s32 $_tile_overlayer_lowered  }
0x9b: {  	s22 =	simm.s32 $0x1BFF;
	s21 =	sshll.u32 s5, $0x1;
	s2 =	sadd.s32 s19, s18  }
0x9c: {  	s6 =	simm.s32 $0x0;
	s20 =	sshll.u32 s4, $0x1;
	s4 =	sadd.s32 s21, s2  }
0x9d: {  	[timem:s6], [sflag:s22] =	dma.local [hbm:s4], s20  }
0x9e: {  	_ =	swait.ge [sflag:s22], s20  }
0x9f: {  	s3 =	ssub.s32 $0x0, s20;
	[sflag:s22] =	ssyncset.done $0x0  }
0xa0: {  	[sflag:s22] =	ssyncadd.s32 s3;
	_ =	sdelay $0x1  }
0xa1: {  	s23 =	simm.s32 $0x1B8B  }
0xa2: {  	_ =	swait.ge [sflag:s23], $0x1  }
0xa3: {  	[sflag:s23] =	ssyncset.done $0x0  }
0xa4: {  	s25 =	simm.s32 $0x1B8E;
	s24 =	sld [smem:$0x3FFE];
	[sflag:s23] =	ssyncadd.s32 $0xFFFFFFFF  }
0xa5: {  	s26 =	simm.s32 $execute0_lowered;
	[smem:$0x3FD2] =	sst s25  }
0xa6: {  	s4 =	sshll.u32 s26, $0x1;
	_ =	strace $0x80000046;
	[dreg:$0x1] =	wrdreg $0xFFFFFFFF  }
0xa7: {  	s28 =	simm.s32 $_size_execute0_lowered;
	s2 =	sadd.s32 s2, s4;
	[dreg:$0x0] =	wrdreg $0x0  }
0xa8: {  	s4 =	sshll.u32 s28, $0x1;
	[dreg:$0x2] =	wrdreg s2  }
0xa9: {  	[dreg:$0x3] =	wrdreg s4  }
0xaa: {  	[dreg:$0x4] =	wrdreg $0xC0  }
0xab: {  	_ =	task [dreg:s6], $0x5FFFF  }
0xac: {  	[dreg:$0x1] =	wrdreg $0xFFFFFFFF  }
0xad: {  	[dreg:$0x0] =	wrdreg $0x60  }
0xae: {  	[dreg:$0x2] =	wrdreg s24  }
0xaf: {  	[dreg:$0x3] =	wrdreg $0xA  }
0xb0: {  	_ =	task.clear_ibuf [dreg:s6], $0x4FFFF;
	_ =	strace $0x90000046  }
0xb1: {  	s29 =	simm.s32 $0xA;
	_ =	strace $0x80000048  }
0xb2: {  	_ =	swait.ge [sflag:s29], $0x1  }
0xb3: {  	[sflag:s29] =	ssyncadd.s32 $0xFFFFFFFF  }
0xb4: {  	_ =	strace $0x90000048  }
0xb5: {  	_ =	sfence  }
0xb6: {  	s30 =	sld [smem:$0x0];
	_ =	sdelay $0x2  }
0xb7: {  	s31 =	sshll.u32 s1, $0xD;
	s1 =	sshrl.u32 s1, $0x2  }
0xb8: {  	s3 =	sand.u32 $0x4000, s31;
	s1 =	sadd.s32 s1, s30  }
0xb9: {  	s0 =	sor.u32 s3, s0;
	s1 =	sshll.u32 s1, $0x11  }
0xba: {  	s0 =	sor.u32 s1, s0  }
0xbb: {  	s0 =	sadd.s32 $0x8F2B, s0  }
0xbc: {  	[sflag:s0] =	ssyncadd.remote.s32 $0x1  }
0xbd: {  	_ =	sfence.sel $0xFFFF  }
0xbe: {  	[dreg:$0x0] =	wrdreg $0xFFFFFFFF;
	(pc) =	sbr.abs _section_cstart, $3  }
0xbf: {  	[dreg:$0x1] =	wrdreg $0xFFFFFFFF  }
0xc0: {  	_ =	task.clear_ibuf [dreg:s6], $0x2FFFF;
	_ =	strace $0x9FFFFFFF  }
0xc1: {  	(tm) =	ssettm $0x7FFFFFFF  }
tec
execute0_lowered:
.L_overlay_start_1:
0x0: {  	(tag) =	ssettag $0x1  }
0x1: {  	s0 =	srdreg.scid  }
0x2: {  	s3 =	sand.u32 $0x1, s0  }
0x3: {  	s4 =	rddreg [dreg:$0x0];
	s0 =	stileid.u32;
	s1 =	sshll.u32 s3, $0x4  }
0x4: {  	s2 =	simm.s32 $0x0;
	s8 =	simm.s32 $0x0;
	s5 =	sor.u32 s0, s1  }
0x5: {  	[smem:$0x7FF] =	sst s2;
	s3 =	ssub.s32 $0x2, s3;
	s6 =	smul.u32 $0x500, s5  }
0x6: {  	s1 =	rddreg [dreg:$0x1];
	s7 =	sshrl.u32 s3, $0x1;
	s5 =	smul.u32 $0x4E4, s5  }
0x7: {  	_ =	strace $0x80000047;
	s31 =	ssub.s32 s3, s7;
	s7 =	simm.s32 $0x2800  }
0x8: {  	s6 =	sadd.s32 s6, s4;
	s4 =	sadd.s32 s5, s4;
	s5 =	smax.u32 s31, $0x1  }
0x9: {  	v0 =	vimm.f32 $0.0e+00;
	v1 =	vimm.f32 $1.000000000e+00;
	s3 =	sadd.s32 $0x4400, s6;
	s4 =	sadd.s32 $0x22400, s4;
	s6 =	simm.s32 $0x1  }
.LBB2_1:
0xa: {  	[tilespmem:s2], [sflag:$0x1] =	stream.linear.gather [hbm4b:s3+s2], $0x2800, $0x38;
	[tilespmem:$0x4F80] =	vst v63  }
0xb: {  	_ =	swait.ge [sflag:s6], $0x2800  }
0xc: {  	[sflag:s6] =	ssyncset.done $0x0  }
0xd: {  	s9 =	simm.s32 $0x0;
	[sflag:s6] =	ssyncadd.s32 $0xFFFFD800  }
.LBB2_2:
0xe: {  	p0 =	sne.s32 s9, $0x9C40  }
.Ltmp0:
0xf: {  	_ = 	snop;
	(pc) =	sbr.rel @p0 .LBB2_2-.Ltmp0, $3  }
0x10: {  	_ =	sdelay $0x1  }
0x11: {  	s10 =	sshra.s32 s9, $0x2  }
0x12: {  	s9 =	sadd.s32 $0x40, s9;
	[tilespmem:s10+$0x2800] =	vst v0  }
0x13: {  	s9 =	simm.s32 $0x0  }
.LBB2_4:
0x14: {  	s10 =	sshra.s32 s9, $0x2  }
0x15: {  	v2 =	vld [tilespmem:s10+$0x0];
	_ =	sdelay $0x7  }
0x16: {  	[tilespmem:v2+s7+$0x0] =	vst.idx.add.f32.msk $0xffff, v1  }
0x17: {  	v2 =	vld [tilespmem:s10+$0x10];
	_ =	sdelay $0x7  }
0x18: {  	[tilespmem:v2+s7+$0x0] =	vst.idx.add.f32.msk $0xffff, v1  }
0x19: {  	v2 =	vld [tilespmem:s10+$0x20];
	_ =	sdelay $0x7  }
0x1a: {  	[tilespmem:v2+s7+$0x0] =	vst.idx.add.f32.msk $0xffff, v1  }
0x1b: {  	v2 =	vld [tilespmem:s10+$0x30];
	_ =	sdelay $0x7  }
0x1c: {  	[tilespmem:v2+s7+$0x0] =	vst.idx.add.f32.msk $0xffff, v1  }
0x1d: {  	v2 =	vld [tilespmem:s10+$0x40];
	_ =	sdelay $0x7  }
0x1e: {  	[tilespmem:v2+s7+$0x0] =	vst.idx.add.f32.msk $0xffff, v1  }
0x1f: {  	v2 =	vld [tilespmem:s10+$0x50];
	_ =	sdelay $0x7  }
0x20: {  	[tilespmem:v2+s7+$0x0] =	vst.idx.add.f32.msk $0xffff, v1  }
0x21: {  	v2 =	vld [tilespmem:s10+$0x60];
	_ =	sdelay $0x7  }
0x22: {  	[tilespmem:v2+s7+$0x0] =	vst.idx.add.f32.msk $0xffff, v1  }
0x23: {  	v2 =	vld [tilespmem:s10+$0x70];
	_ =	sdelay $0x2  }
0x24: {  	p0 =	sne.s32 s9, $0x9E00  }
.Ltmp1:
0x25: {  	_ = 	snop;
	(pc) =	sbr.rel @p0 .LBB2_4-.Ltmp1, $2  }
0x26: {  	_ =	sdelay $0x2  }
0x27: {  	s9 =	sadd.s32 $0x200, s9;
	[tilespmem:v2+s7+$0x0] =	vst.idx.add.f32.msk $0xffff, v1  }
0x28: {  	s8 =	sadd.s32 $0x1, s8  }
0x29: {  	p0 =	sne.s32 s8, s5  }
.Ltmp2:
0x2a: {  	_ = 	snop;
	(pc) =	sbr.rel @p0 .LBB2_1-.Ltmp2, $4  }
0x2b: {  	[hbm4b:s4+s2] =	stream.linear.scatter [tilespmem:s7], [sflag:$0x1], $0x2720, $0x38;
	[tilespmem:$0x4F80] =	vst v63  }
0x2c: {  	_ =	swait.ge [sflag:s6], $0x2720  }
0x2d: {  	[sflag:s6] =	ssyncset.done $0x0  }
0x2e: {  	[sflag:s6] =	ssyncadd.s32 $0xFFFFD8E0  }
0x2f: {  	_ =	sfence.sel $0x180000  }
0x30: {  	[bflag:$0x0] =	sbarrier.arrive $0xFFFF  }
0x31: {  	p0 =	sne.s32 s0, $0x0;
	_ =	strace $0x90000047  }
0x32: {  	s0 =	sadd.s32 @!p0 $0x100000, s1;
	[bflag:$0x2] =	sbarrier.arrive $0xFFFF  }
0x33: {  	[sflag:s0] =	ssyncadd.tile.s32 @!p0 $0x1;
	_ =	shalt  }
.Lfunc_end2:
_tile_overlayer_lowered:
.L_overlay_start_2:
0x34: {  	(tag) =	ssettag $0x2  }
0x35: {  	s0 =	rddreg [dreg:$0x0];
	s2 =	stileid.u32  }
0x36: {  	s1 =	rddreg [dreg:$0x1];
	p0 =	sne.s32 s2, $0x0  }
0x37: {  	s3 =	rddreg [dreg:$0x2];
	[bflag:$0x3] =	sbarrier.arrive $0xFFFF;
	s2 =	simm.s32 @!p0 $0x1C01  }
0x38: {  	[timem:s3], [sflag:s2] =	dma.local @!p0 [hbm:s0], s1  }
0x39: {  	s0 =	simm.s32 @!p0 $0x1  }
0x3a: {  	_ =	swait.ge @!p0 [sflag:s0], s1  }
0x3b: {  	s1 =	ssub.s32 @!p0 $0x0, s1;
	[sflag:s0] =	ssyncset.done @!p0 $0x0  }
0x3c: {  	[sflag:s0] =	ssyncadd.s32 @!p0 s1  }
0x3d: {  	[bflag:$0x3] =	sbarrier.arrive $0xFFFF  }
0x3e: {  	_ =	shalt  }

// kernel: kernel.19.cloned.1.call-start
scs
__scs_entry_jumppad:
0x0: {  	(pc) =	sbr.rel $0x88, $3  }
0x1: {  	(tag) =	ssettag $0x0;
	lr =	simm.s32 $0x1  }
0x2: {  	[smem:$0x3F98] =	sst lr;
	_ =	strace $0xD0000000  }
0x3: {  	_ = 	snop  }
0x4: {  	_ = 	snop  }
0x5: {  	_ = 	snop  }
0x6: {  	_ = 	snop  }
0x7: {  	_ = 	snop  }
__scs_overlays_trampoline_lowered:
0x8: {  	[smem:$0x3FA7] =	sst s0  }
0x9: {  	[smem:$0x3FA8] =	sst s1  }
0xa: {  	[smem:$0x3FA9] =	sst s2  }
0xb: {  	[smem:$0x3FAA] =	sst s3  }
0xc: {  	[smem:$0x3FAB] =	sst s4  }
0xd: {  	[smem:$0x3FAC] =	sst s5  }
0xe: {  	[smem:$0x3FAD] =	sst s6  }
0xf: {  	[smem:$0x3FAE] =	sst s7  }
0x10: {  	[smem:$0x3FAF] =	sst s8  }
0x11: {  	[smem:$0x3FB0] =	sst s9;
	s0 =	simm.s32 @!p0 $0x0  }
0x12: {  	s1 =	sld [smem:$0x3F96];
	s0 =	simm.s32 @p0 $0x1  }
0x13: {  	[smem:$0x3FB1] =	sst s0;
	s0 =	simm.s32 @!p1 $0x0  }
0x14: {  	s2 =	sld [smem:$0x3F95];
	s0 =	simm.s32 @p1 $0x1  }
0x15: {  	[smem:$0x3FB2] =	sst s0;
	s0 =	simm.s32 @!p2 $0x0  }
0x16: {  	s3 =	sld [smem:$0x3FDB];
	s0 =	simm.s32 @p2 $0x1  }
0x17: {  	s4 =	simm.s32 $0x1BF5;
	[smem:$0x3FB4] =	sst s0  }
0x18: {  	s0 =	sld [smem:$0x3F97];
	_ =	swait.ge [sflag:s4], $0x0  }
0x19: {  	s7 =	sld [smem:$0x3F98]  }
0x1a: {  	s8 =	sadd.s32 $0xFFFFE003, lr  }
0x1b: {  	s9 =	sadd.s32 $0xFFFFFEF7, lr;
	s5 =	simm.s32 $0xFFFFFFFF;
	p2 =	slt.u32 s8, $0xFFFFF086  }
0x1c: {  	p1 =	slt.u32 s9, $0xF7A;
	s5 =	simm.s32 @!p2 $0x0  }
0x1d: {  	s5 =	simm.s32 @p1 $0x1;
	p0 =	seq.s32 s7, s2  }
0x1e: {  	s7 =	smul.u32 @!p0 $0xF7A, s2;
	p2 =	seq.s32 @!p0 s5, $0x0  }
0x1f: {  	s9 =	smul.u32 $0xF7A, s1;
	s8 =	simm.s32 @!p0 $0x1BF5;
	p2 =	por !p2, p0  }
0x20: {  	[sflag:s8] =	ssyncset.s32 @!p0 $0xFFFFF086;
	s6 =	sadd.s32 @!p0 s3, s7;
	s7 =	simm.s32 @!p0 $0x108  }
0x21: {  	s3 =	sadd.s32 s3, s9;
	s6 =	sadd.s32 @!p0 $0x88, s6;
	s7 =	simm.s32 @p2 $0x1082  }
0x22: {  	[simem:s7], [sflag:s8] =	dma.local @!p0 [hbm:s6], $0xF7A  }
0x23: {  	s9 =	sor.u32 $0xD0000000, s2;
	s6 =	simm.s32 $0x108;
	_ =	swait.ge @!p0 [sflag:s8], $0x0  }
0x24: {  	s3 =	sadd.s32 $0x88, s3;
	s6 =	simm.s32 @!p1 $0x1082;
	[sflag:s4] =	ssyncset.s32 $0xFFFFF086  }
0x25: {  	[simem:s6], [sflag:s4] =	dma.local [hbm:s3], $0xF7A  }
0x26: {  	[smem:$0x3F98] =	sst s1;
	(tag) =	ssettag s2;
	_ =	strace s9  }
0x27: {  	s1 =	sld [smem:$0x3FA8]  }
0x28: {  	s2 =	sld [smem:$0x3FA9]  }
0x29: {  	s4 =	sld [smem:$0x3FAB]  }
0x2a: {  	p0 =	seq.s32 s5, $0x0;
	s5 =	sld [smem:$0x3FAC]  }
0x2b: {  	s6 =	sld [smem:$0x3FAD]  }
0x2c: {  	s7 =	sld [smem:$0x3FAE]  }
0x2d: {  	s3 =	simm.s32 $0x108;
	s8 =	sld [smem:$0x3FAF]  }
0x2e: {  	s3 =	simm.s32 @!p0 $0x1082;
	s9 =	sld [smem:$0x3FB0]  }
0x2f: {  	lr =	sadd.s32 s0, s3;
	s0 =	sld [smem:$0x3FA7]  }
0x30: {  	s3 =	sld [smem:$0x3FAA]  }
0x31: {  	[smem:$0x3FB3] =	sst s10  }
0x32: {  	s10 =	sld [smem:$0x3FB1];
	_ =	sdelay $0x3  }
0x33: {  	p0 =	seq.s32 s10, $0x1;
	s10 =	sld [smem:$0x3FB3];
	_ =	sdelay $0x3  }
0x34: {  	[smem:$0x3FB3] =	sst s10  }
0x35: {  	s10 =	sld [smem:$0x3FB2];
	_ =	sdelay $0x3  }
0x36: {  	p1 =	seq.s32 s10, $0x1;
	s10 =	sld [smem:$0x3FB3];
	_ =	sdelay $0x3  }
0x37: {  	[smem:$0x3FB3] =	sst s10  }
0x38: {  	s10 =	sld [smem:$0x3FB4]  }
0x39: {  	_ = 	snop;
	(pc) =	sbr.ind lr, $3  }
0x3a: {  	_ = 	snop  }
0x3b: {  	_ = 	snop  }
0x3c: {  	p2 =	seq.s32 s10, $0x1;
	s10 =	sld [smem:$0x3FB3]  }
0x3d: {  	_ =	shalt  }
0x3e: {  	_ =	shalt  }
0x3f: {  	_ =	shalt  }
0x40: {  	_ =	shalt  }
0x41: {  	_ =	shalt  }
0x42: {  	_ =	shalt  }
0x43: {  	_ =	shalt  }
0x44: {  	_ =	shalt  }
0x45: {  	_ =	shalt  }
0x46: {  	_ =	shalt  }
0x47: {  	_ =	shalt  }
0x48: {  	_ =	shalt  }
0x49: {  	_ =	shalt  }
0x4a: {  	_ =	shalt  }
0x4b: {  	_ =	shalt  }
0x4c: {  	_ =	shalt  }
0x4d: {  	_ =	shalt  }
0x4e: {  	_ =	shalt  }
0x4f: {  	_ =	shalt  }
0x50: {  	_ =	shalt  }
0x51: {  	_ =	shalt  }
0x52: {  	_ =	shalt  }
0x53: {  	_ =	shalt  }
0x54: {  	_ =	shalt  }
0x55: {  	_ =	shalt  }
0x56: {  	_ =	shalt  }
0x57: {  	_ =	shalt  }
0x58: {  	_ =	shalt  }
0x59: {  	_ =	shalt  }
0x5a: {  	_ =	shalt  }
0x5b: {  	_ =	shalt  }
0x5c: {  	_ =	shalt  }
0x5d: {  	_ =	shalt  }
0x5e: {  	_ =	shalt  }
0x5f: {  	_ =	shalt  }
0x60: {  	_ =	shalt  }
0x61: {  	_ =	shalt  }
0x62: {  	_ =	shalt  }
0x63: {  	_ =	shalt  }
0x64: {  	_ =	shalt  }
0x65: {  	_ =	shalt  }
0x66: {  	_ =	shalt  }
0x67: {  	_ =	shalt  }
0x68: {  	_ =	shalt  }
0x69: {  	_ =	shalt  }
0x6a: {  	_ =	shalt  }
0x6b: {  	_ =	shalt  }
0x6c: {  	_ =	shalt  }
0x6d: {  	_ =	shalt  }
0x6e: {  	_ =	shalt  }
0x6f: {  	_ =	shalt  }
0x70: {  	_ =	shalt  }
0x71: {  	_ =	shalt  }
0x72: {  	_ =	shalt  }
0x73: {  	_ =	shalt  }
0x74: {  	_ =	shalt  }
0x75: {  	_ =	shalt  }
0x76: {  	_ =	shalt  }
0x77: {  	_ =	shalt  }
0x78: {  	_ =	shalt  }
0x79: {  	_ =	shalt  }
0x7a: {  	_ =	shalt  }
0x7b: {  	_ =	shalt  }
0x7c: {  	_ =	shalt  }
0x7d: {  	_ =	shalt  }
0x7e: {  	_ =	shalt  }
0x7f: {  	_ =	shalt  }
0x80: {  	_ =	shalt  }
0x81: {  	_ =	shalt  }
0x82: {  	_ =	shalt  }
0x83: {  	_ =	shalt  }
0x84: {  	_ =	shalt  }
0x85: {  	_ =	shalt  }
0x86: {  	_ =	shalt  }
0x87: {  	_ =	shalt  }
.Lfunc_end0:
.L_simem_size_0:
called_computation.2_lowered:
.L_overlay_start_0:
0x88: {  	s2 =	sld [smem:$0x3FD9]  }
0x89: {  	s3 =	sld [smem:$0x3FFE];
	_ =	sdelay $0x1  }
0x8a: {  	s1 =	srdreg.scid  }
0x8b: {  	s0 =	sand.u32 $0x1, s1  }
0x8c: {  	s17 =	sshll.u32 s0, $0xA;
	s2 =	sadd.s32 s3, s2  }
0x8d: {  	s2 =	sadd.s32 s2, s17  }
0x8e: {  	[smem:$0x3FBF] =	sst s2  }
0x8f: {  	_ = 	snop  }
0x90: {  	s18 =	sld [smem:$0x3FD0];
	(tm) =	ssettm $0x1  }
0x91: {  	s19 =	sld [smem:$0x3FFB];
	_ =	sdelay $0x3  }
0x92: {  	_ =	strace s19  }
0x93: {  	s2 =	sld [smem:$0x3FFC];
	_ =	sdelay $0x3  }
0x94: {  	_ =	strace s2  }
0x95: {  	s2 =	sld [smem:$0x3FFD];
	_ =	sdelay $0x3  }
0x96: {  	_ =	strace s2  }
0x97: {  	_ =	strace $0x8FFFFFFF  }
0x98: {  	s20 =	sld [smem:$0x3FDB];
	_ =	sdelay $0x1  }
0x99: {  	s4 =	simm.s32 $_scs_section_size  }
0x9a: {  	s5 =	simm.s32 $_size__tile_overlayer_lowered;
	s6 =	simm.s32 $_tile_overlayer_lowered  }
0x9b: {  	s7 =	simm.s32 $0x1BFF;
	s21 =	sshll.u32 s6, $0x1;
	s4 =	sadd.s32 s4, s20  }
0x9c: {  	s22 =	simm.s32 $0x0;
	s5 =	sshll.u32 s5, $0x1;
	s6 =	sadd.s32 s21, s4  }
0x9d: {  	[timem:s22], [sflag:s7] =	dma.local [hbm:s6], s5  }
0x9e: {  	_ =	swait.ge [sflag:s7], s5  }
0x9f: {  	s5 =	ssub.s32 $0x0, s5;
	[sflag:s7] =	ssyncset.done $0x0  }
0xa0: {  	[sflag:s7] =	ssyncadd.s32 s5;
	_ =	sdelay $0x1  }
0xa1: {  	s23 =	simm.s32 $0x1B8B  }
0xa2: {  	_ =	swait.ge [sflag:s23], $0x1  }
0xa3: {  	[sflag:s23] =	ssyncset.done $0x0  }
0xa4: {  	[sflag:s23] =	ssyncadd.s32 $0xFFFFFFFF  }
0xa5: {  	s5 =	sld [smem:$0x0]  }
0xa6: {  	s6 =	sand.u32 $0xFFFFFFFE, s1  }
0xa7: {  	p0 =	sne.s32 s1, s6  }
0xa8: {  	s6 =	sshll.u32 @p0 s6, $0xE  }
0xa9: {  	s6 =	sadd.s32 @p0 $0x11B8D, s6;
	s7 =	sshll.u32 @p0 s5, $0x11  }
0xaa: {  	s6 =	sor.u32 @p0 s7, s6  }
0xab: {  	[sflag:s6] =	ssyncadd.remote.s32 @p0 $0x1;
	_ =	sdelay $0x1  }
0xac: {  	s6 =	simm.s32 @p0 $0x1B8D  }
0xad: {  	_ =	swait.eq @p0 [sflag:s6], $0x1  }
0xae: {  	[sflag:s6] =	ssyncadd.s32 @p0 $0xFFFFFFFF  }
0xaf: {  	s7 =	sshll.u32 @!p0 s1, $0xE  }
0xb0: {  	s7 =	sor.u32 @!p0 $0x4000, s7;
	s6 =	simm.s32 @!p0 $0x1B8D  }
0xb1: {  	s5 =	sshll.u32 @!p0 s5, $0x11;
	s7 =	sadd.s32 @!p0 $0x11B8D, s7;
	_ =	swait.eq @!p0 [sflag:s6], $0x1  }
0xb2: {  	s5 =	sor.u32 @!p0 s5, s7;
	[sflag:s6] =	ssyncadd.s32 @!p0 $0xFFFFFFFF  }
0xb3: {  	s25 =	simm.s32 $0x1B8E;
	s24 =	sld [smem:$0x3FFE];
	[sflag:s5] =	ssyncadd.remote.s32 @!p0 $0x1  }
0xb4: {  	s26 =	simm.s32 $execute0_lowered;
	[smem:$0x3FD2] =	sst s25  }
0xb5: {  	s6 =	sshll.u32 s26, $0x1;
	_ =	strace $0x8000004F;
	[dreg:$0x1] =	wrdreg $0xFFFFFFFF  }
0xb6: {  	s28 =	simm.s32 $_size_execute0_lowered;
	s4 =	sadd.s32 s4, s6;
	[dreg:$0x0] =	wrdreg $0x0  }
0xb7: {  	s6 =	sshll.u32 s28, $0x1;
	[dreg:$0x2] =	wrdreg s4  }
0xb8: {  	[dreg:$0x3] =	wrdreg s6  }
0xb9: {  	[dreg:$0x4] =	wrdreg $0xC0  }
0xba: {  	_ =	task [dreg:s22], $0x5FFFF  }
0xbb: {  	[dreg:$0x1] =	wrdreg $0xFFFFFFFF  }
0xbc: {  	[dreg:$0x0] =	wrdreg $0x60  }
0xbd: {  	[dreg:$0x2] =	wrdreg s24  }
0xbe: {  	[dreg:$0x3] =	wrdreg s18  }
0xbf: {  	[dreg:$0x4] =	wrdreg $0x121000  }
0xc0: {  	[dreg:$0x5] =	wrdreg $0x9  }
0xc1: {  	_ =	task.clear_ibuf [dreg:s22], $0x6FFFF;
	_ =	strace $0x9000004F  }
0xc2: {  	s29 =	simm.s32 $0x9;
	_ =	strace $0x80000051  }
0xc3: {  	_ =	swait.ge [sflag:s29], $0x1  }
0xc4: {  	[sflag:s29] =	ssyncadd.s32 $0xFFFFFFFF  }
0xc5: {  	_ =	strace $0x90000051  }
0xc6: {  	_ =	sfence  }
0xc7: {  	s30 =	sld [smem:$0x0];
	_ =	sdelay $0x2  }
0xc8: {  	s31 =	sshll.u32 s1, $0xD;
	s1 =	sshrl.u32 s1, $0x2  }
0xc9: {  	s4 =	sand.u32 $0x4000, s31;
	s1 =	sadd.s32 s1, s30  }
0xca: {  	s0 =	sor.u32 s4, s0;
	s1 =	sshll.u32 s1, $0x11  }
0xcb: {  	s0 =	sor.u32 s1, s0  }
0xcc: {  	s0 =	sadd.s32 $0x8F2B, s0  }
0xcd: {  	[sflag:s0] =	ssyncadd.remote.s32 $0x1  }
0xce: {  	_ =	sfence.sel $0xFFFF  }
0xcf: {  	[dreg:$0x0] =	wrdreg $0xFFFFFFFF;
	(pc) =	sbr.abs _section_cstart, $3  }
0xd0: {  	[dreg:$0x1] =	wrdreg $0xFFFFFFFF  }
0xd1: {  	_ =	task.clear_ibuf [dreg:s22], $0x2FFFF;
	_ =	strace $0x9FFFFFFF  }
0xd2: {  	(tm) =	ssettm $0x7FFFFFFF  }
0xd3: {  	_ =	shalt  }
tec
execute0_lowered:
.L_overlay_start_1:
0x0: {  	(tag) =	ssettag $0x1  }
0x1: {  	s5 =	rddreg [dreg:$0x0]  }
0x2: {  	s7 =	rddreg [dreg:$0x1]  }
0x3: {  	s0 =	srdreg.scid;
	s2 =	rddreg [dreg:$0x2]  }
0x4: {  	s1 =	rddreg [dreg:$0x3];
	s3 =	simm.s32 $0x0;
	s16 =	simm.s32 $0xA080  }
0x5: {  	s17 =	simm.s32 $0x80;
	s18 =	simm.s32 $0xA100;
	s6 =	sand.u32 $0x1, s0  }
0x6: {  	s19 =	simm.s32 $0x1;
	s0 =	stileid.u32;
	s4 =	smul.u32 $0xA00, s6  }
0x7: {  	s20 =	simm.s32 $0xE100;
	s21 =	simm.s32 $0x2;
	s8 =	smul.u32 $0xA0, s0  }
0x8: {  	s22 =	simm.s32 $0x0;
	[smem:$0x7FF] =	sst s3;
	s26 =	smul.u32 $0x1400, s0  }
0x9: {  	s10 =	smul.u32 $0x14000, s6;
	_ =	strace $0x80000050;
	s11 =	ssub.s32 $0x2, s6  }
0xa: {  	s12 =	smul.u32 $0x28000, s0;
	s30 =	sshll.u32 s0, $0x6;
	s6 =	sshll.u32 s6, $0x4  }
0xb: {  	s28 =	sshrl.u32 s11, $0x1;
	s31 =	sor.u32 s6, s30;
	s6 =	sor.u32 $0x1C03, s30  }
0xc: {  	s4 =	sadd.s32 s8, s4;
	s10 =	sadd.s32 s26, s10;
	s8 =	sadd.s32 s26, s5  }
0xd: {  	s29 =	sshrl.u32 s12, $0x2;
	s14 =	ssub.s32 s11, s28;
	s7 =	sadd.s32 s7, s31  }
.Ltmp0:
0xe: {  	s9 =	sshll.u32 s4, $0x4;
	s4 =	sadd.s32 $0x117800, s5;
	(pc) =	sbr.rel .LBB2_1-.Ltmp0, $4  }
0xf: {  	s13 =	sadd.s32 s10, s5;
	s15 =	sadd.s32 s29, s2;
	s10 =	sadd.s32 $0x20, s7  }
0x10: {  	s12 =	smax.u32 s14, $0x1;
	s14 =	simm.s32 $0x3;
	s9 =	sadd.s32 s9, s5  }
0x11: {  	s5 =	sadd.s32 $0x4400, s8;
	s11 =	sadd.s32 $0x13EA00, s13;
	s13 =	sshrl.u32 s15, $0x3  }
0x12: {  	s15 =	simm.s32 $0xA000;
	s8 =	sadd.s32 $0x2C200, s9;
	s9 =	sadd.s32 $0x40200, s9  }
.LBB2_5:
0x13: {  	[sflag:s14] =	ssyncadd.s32 $0xFFFFC000  }
.LBB2_6:
0x14: {  	s22 =	sadd.s32 $0x1, s22  }
0x15: {  	p0 =	sne.s32 s22, s12  }
.Ltmp1:
0x16: {  	[bflag:$0x0] =	sbarrier.arrive $0xFFFF;
	(pc) =	sbr.rel @!p0 .LBB2_7-.Ltmp1, $4  }
0x17: {  	[hbm:s11], [sflag:s6] =	dma.local [spmem:s13], $0x1400  }
0x18: {  	_ =	swait.ge [sflag:s14], $0x1400  }
0x19: {  	[sflag:s14] =	ssyncset.done $0x0  }
0x1a: {  	[sflag:s14] =	ssyncadd.s32 $0xFFFFEC00  }
.LBB2_1:
0x1b: {  	[spmem:s13], [sflag:s6] =	dma.local [hbm:s5], $0x1400  }
0x1c: {  	_ =	swait.ge [sflag:s14], $0x1400  }
0x1d: {  	[sflag:s14] =	ssyncset.done $0x0  }
0x1e: {  	[sflag:s14] =	ssyncadd.s32 $0xFFFFEC00  }
0x1f: {  	[tilespmem:s3], [sflag:$0x3] =	stream.linear.gather [hbm4b:s8+s3], $0x5000, $0x38;
	[tilespmem:$0x1C100] =	vst v63  }
0x20: {  	_ =	swait.ge [sflag:s14], $0x5000  }
0x21: {  	[sflag:s14] =	ssyncset.done $0x0  }
0x22: {  	s23 =	simm.s32 $0x5000;
	[sflag:s14] =	ssyncadd.s32 $0xFFFFB000  }
0x23: {  	[tilespmem:s23], [sflag:$0x3] =	stream.linear.gather [hbm4b:s9+s3], $0x5000, $0x38;
	[tilespmem:$0x1C100] =	vst v63  }
0x24: {  	_ =	swait.ge [sflag:s14], $0x5000  }
0x25: {  	[sflag:s14] =	ssyncset.done $0x0  }
0x26: {  	[sflag:s14] =	ssyncadd.s32 $0xFFFFB000  }
0x27: {  	[tilespmem:s15], [sflag:$0x3] =	stream.linear.gather [hbm4b:s7+s3], $0x80, $0x38;
	[tilespmem:$0x1C100] =	vst v63  }
0x28: {  	_ =	swait.ge [sflag:s14], $0x80  }
0x29: {  	[sflag:s14] =	ssyncset.done $0x0  }
0x2a: {  	[sflag:s14] =	ssyncadd.s32 $0xFFFFFF80  }
0x2b: {  	[tilespmem:s16], [sflag:$0x3] =	stream.linear.gather [hbm4b:s10+s3], $0x80, $0x38;
	[tilespmem:$0x1C100] =	vst v63  }
0x2c: {  	_ =	swait.ge [sflag:s14], $0x80  }
0x2d: {  	[sflag:s14] =	ssyncset.done $0x0  }
0x2e: {  	[sflag:s14] =	ssyncadd.s32 $0xFFFFFF80  }
0x2f: {  	[bflag:$0x0] =	sbarrier.arrive $0xFFFF  }
0x30: {  	v0 =	vld [tilespmem:$0xA000];
	_ =	sdelay $0x4  }
0x31: {  	v0 =	vxor.u32 $0x80000000, v0  }
0x32: {  	(xrf0) =	vmax.scan.msk.u32 $0xffff, v0;
	_ =	sdelay $0x1  }
0x33: {  	v1 =	vld [tilespmem:$0xA080];
	_ =	sdelay $0x3  }
0x34: {  	v62, _, _ =	vpop (xrf0)  }
0x35: {  	v61 =	vxor.u32 $0x80000000, v1;
	(v2sf) =	vpush v62, $0xF  }
0x36: {  	(xrf0) =	vmax.scan.msk.u32 $0xffff, v61;
	_ =	sdelay $0x5  }
0x37: {  	v63, _, _ =	vpop (xrf0)  }
0x38: {  	(v2sf) =	vpush v63, $0xF;
	_ =	sdelay $0x6  }
0x39: {  	s24 =	spop (v2sf)  }
0x3a: {  	s24 =	sadd.s32 $0x8000007F, s24  }
0x3b: {  	s25 =	sshra.s32 s24, $0x7  }
0x3c: {  	p0 =	sgt.s32 s25, $0x0  }
.Ltmp2:
0x3d: {  	_ = 	snop;
	(pc) =	sbr.rel @!p0 .LBB2_2-.Ltmp2, $2  }
0x3e: {  	_ =	sdelay $0x2  }
0x3f: {  	s24 =	spop (v2sf)  }
0x40: {  	[tilespmem:s18], [sflag:$0x1] =	stream.indirect.gather [hbm4b:s4+s17], $0x80, s3, s17, $0xb8;
	[tilespmem:$0x1C100] =	vst v63  }
0x41: {  	p0 =	seq.s32 s25, $0x1;
	_ =	swait.ge [sflag:s19], $0x4000  }
.Ltmp3:
0x42: {  	[sflag:s19] =	ssyncset.done $0x0;
	(pc) =	sbr.rel @p0 .LBB2_10-.Ltmp3, $4  }
0x43: {  	[sflag:s19] =	ssyncadd.s32 $0xFFFFC000  }
0x44: {  	[spmem:s2] =	stream.indirect.scatter.add.f32 [tilespmem:s18], [sflag:$0x3], $0x80, s23, s17, $0xb8;
	[tilespmem:$0x1C100] =	vst v63  }
0x45: {  	_ =	swait.ge [sflag:s14], $0x4000  }
0x46: {  	s25 =	sadd.s32 $0xFFFFFFFF, s25;
	s26 =	simm.s32 $0x0;
	[sflag:s14] =	ssyncset.done $0x0  }
.LBB2_9:
0x47: {  	[sflag:s14] =	ssyncadd.s32 $0xFFFFC000;
	s26 =	sadd.s32 $0x80, s26;
	s23 =	sadd.s32 $0x80, s23  }
0x48: {  	[tilespmem:s18], [sflag:$0x1] =	stream.indirect.gather [hbm4b:s4+s17], $0x80, s26, s17, $0xb8;
	[tilespmem:$0x1C100] =	vst v63  }
0x49: {  	p0 =	seq.s32 s25, $0x1;
	s25 =	sadd.s32 $0xFFFFFFFF, s25;
	_ =	swait.ge [sflag:s19], $0x4000  }
.Ltmp4:
0x4a: {  	[sflag:s19] =	ssyncset.done $0x0;
	(pc) =	sbr.rel @!p0 .LBB2_9-.Ltmp4, $4  }
0x4b: {  	[sflag:s19] =	ssyncadd.s32 $0xFFFFC000  }
0x4c: {  	[spmem:s2] =	stream.indirect.scatter.add.f32 [tilespmem:s18], [sflag:$0x3], $0x80, s23, s17, $0xb8;
	[tilespmem:$0x1C100] =	vst v63  }
0x4d: {  	_ =	swait.ge [sflag:s14], $0x4000  }
0x4e: {  	[sflag:s14] =	ssyncset.done $0x0  }
.LBB2_10:
0x4f: {  	[sflag:s14] =	ssyncadd.s32 $0xFFFFC000  }
.LBB2_2:
0x50: {  	s23 =	sadd.s32 $0x8000007F, s24  }
0x51: {  	s25 =	sshra.s32 s23, $0x7  }
0x52: {  	p0 =	sgt.s32 s25, $0x0  }
.Ltmp5:
0x53: {  	_ = 	snop;
	(pc) =	sbr.rel @!p0 .LBB2_6-.Ltmp5, $1  }
0x54: {  	_ =	sdelay $0x3  }
0x55: {  	s24 =	simm.s32 $0x2800  }
0x56: {  	[tilespmem:s20], [sflag:$0x2] =	stream.indirect.gather [hbm4b:s4+s17], $0x80, s24, s17, $0xb8;
	[tilespmem:$0x1C100] =	vst v63  }
0x57: {  	p0 =	sne.s32 s25, $0x1;
	_ =	swait.ge [sflag:s21], $0x4000  }
.Ltmp6:
0x58: {  	[sflag:s21] =	ssyncset.done $0x0;
	(pc) =	sbr.rel @!p0 .LBB2_5-.Ltmp6, $4  }
0x59: {  	s23 =	simm.s32 $0x7800;
	[sflag:s21] =	ssyncadd.s32 $0xFFFFC000  }
0x5a: {  	[spmem:s2] =	stream.indirect.scatter.add.f32 [tilespmem:s20], [sflag:$0x3], $0x80, s23, s17, $0xb8;
	[tilespmem:$0x1C100] =	vst v63  }
0x5b: {  	_ =	swait.ge [sflag:s14], $0x4000  }
0x5c: {  	s25 =	sadd.s32 $0xFFFFFFFF, s25;
	[sflag:s14] =	ssyncset.done $0x0  }
.LBB2_4:
0x5d: {  	[sflag:s14] =	ssyncadd.s32 $0xFFFFC000;
	s23 =	sadd.s32 $0x80, s23;
	s24 =	sadd.s32 $0x80, s24  }
0x5e: {  	[tilespmem:s20], [sflag:$0x2] =	stream.indirect.gather [hbm4b:s4+s17], $0x80, s24, s17, $0xb8;
	[tilespmem:$0x1C100] =	vst v63  }
0x5f: {  	p0 =	sne.s32 s25, $0x1;
	s25 =	sadd.s32 $0xFFFFFFFF, s25;
	_ =	swait.ge [sflag:s21], $0x4000  }
.Ltmp7:
0x60: {  	[sflag:s21] =	ssyncset.done $0x0;
	(pc) =	sbr.rel @p0 .LBB2_4-.Ltmp7, $4  }
0x61: {  	[sflag:s21] =	ssyncadd.s32 $0xFFFFC000  }
0x62: {  	[spmem:s2] =	stream.indirect.scatter.add.f32 [tilespmem:s20], [sflag:$0x3], $0x80, s23, s17, $0xb8;
	[tilespmem:$0x1C100] =	vst v63  }
0x63: {  	_ =	swait.ge [sflag:s14], $0x4000  }
0x64: {  	[sflag:s14] =	ssyncset.done $0x0  }
.Ltmp8:
0x65: {  	_ = 	snop;
	(pc) =	sbr.rel .LBB2_5-.Ltmp8, $1  }
0x66: {  	_ =	sdelay $0x3  }
.LBB2_7:
0x67: {  	_ =	sfence.sel $0x180000  }
0x68: {  	[bflag:$0x0] =	sbarrier.arrive $0xFFFF  }
0x69: {  	p0 =	sne.s32 s0, $0x0;
	_ =	strace $0x90000050  }
0x6a: {  	s0 =	sadd.s32 @!p0 $0x100000, s1;
	[bflag:$0x2] =	sbarrier.arrive $0xFFFF  }
0x6b: {  	[sflag:s0] =	ssyncadd.tile.s32 @!p0 $0x1;
	_ =	shalt  }
.Lfunc_end2:
_tile_overlayer_lowered:
.L_overlay_start_2:
0x6c: {  	(tag) =	ssettag $0x2  }
0x6d: {  	s0 =	rddreg [dreg:$0x0];
	s2 =	stileid.u32  }
0x6e: {  	s1 =	rddreg [dreg:$0x1];
	p0 =	sne.s32 s2, $0x0  }
0x6f: {  	s3 =	rddreg [dreg:$0x2];
	[bflag:$0x3] =	sbarrier.arrive $0xFFFF;
	s2 =	simm.s32 @!p0 $0x1C03  }
0x70: {  	[timem:s3], [sflag:s2] =	dma.local @!p0 [hbm:s0], s1  }
0x71: {  	s0 =	simm.s32 @!p0 $0x3  }
0x72: {  	_ =	swait.ge @!p0 [sflag:s0], s1  }
0x73: {  	s1 =	ssub.s32 @!p0 $0x0, s1;
	[sflag:s0] =	ssyncset.done @!p0 $0x0  }
0x74: {  	[sflag:s0] =	ssyncadd.s32 @!p0 s1  }
0x75: {  	[bflag:$0x3] =	sbarrier.arrive $0xFFFF  }
0x76: {  	_ =	shalt  }

// kernel: kernel.22.cloned.1.call-start
scs
__scs_entry_jumppad:
0x0: {  	(pc) =	sbr.rel $0x88, $3  }
0x1: {  	(tag) =	ssettag $0x0;
	lr =	simm.s32 $0x1  }
0x2: {  	[smem:$0x3F98] =	sst lr;
	_ =	strace $0xD0000000  }
0x3: {  	_ = 	snop  }
0x4: {  	_ = 	snop  }
0x5: {  	_ = 	snop  }
0x6: {  	_ = 	snop  }
0x7: {  	_ = 	snop  }
__scs_overlays_trampoline_lowered:
0x8: {  	[smem:$0x3FA7] =	sst s0  }
0x9: {  	[smem:$0x3FA8] =	sst s1  }
0xa: {  	[smem:$0x3FA9] =	sst s2  }
0xb: {  	[smem:$0x3FAA] =	sst s3  }
0xc: {  	[smem:$0x3FAB] =	sst s4  }
0xd: {  	[smem:$0x3FAC] =	sst s5  }
0xe: {  	[smem:$0x3FAD] =	sst s6  }
0xf: {  	[smem:$0x3FAE] =	sst s7  }
0x10: {  	[smem:$0x3FAF] =	sst s8  }
0x11: {  	[smem:$0x3FB0] =	sst s9;
	s0 =	simm.s32 @!p0 $0x0  }
0x12: {  	s1 =	sld [smem:$0x3F96];
	s0 =	simm.s32 @p0 $0x1  }
0x13: {  	[smem:$0x3FB1] =	sst s0;
	s0 =	simm.s32 @!p1 $0x0  }
0x14: {  	s2 =	sld [smem:$0x3F95];
	s0 =	simm.s32 @p1 $0x1  }
0x15: {  	[smem:$0x3FB2] =	sst s0;
	s0 =	simm.s32 @!p2 $0x0  }
0x16: {  	s3 =	sld [smem:$0x3FDB];
	s0 =	simm.s32 @p2 $0x1  }
0x17: {  	s4 =	simm.s32 $0x1BF5;
	[smem:$0x3FB4] =	sst s0  }
0x18: {  	s0 =	sld [smem:$0x3F97];
	_ =	swait.ge [sflag:s4], $0x0  }
0x19: {  	s7 =	sld [smem:$0x3F98]  }
0x1a: {  	s8 =	sadd.s32 $0xFFFFE003, lr  }
0x1b: {  	s9 =	sadd.s32 $0xFFFFFEF7, lr;
	s5 =	simm.s32 $0xFFFFFFFF;
	p2 =	slt.u32 s8, $0xFFFFF086  }
0x1c: {  	p1 =	slt.u32 s9, $0xF7A;
	s5 =	simm.s32 @!p2 $0x0  }
0x1d: {  	s5 =	simm.s32 @p1 $0x1;
	p0 =	seq.s32 s7, s2  }
0x1e: {  	s7 =	smul.u32 @!p0 $0xF7A, s2;
	p2 =	seq.s32 @!p0 s5, $0x0  }
0x1f: {  	s9 =	smul.u32 $0xF7A, s1;
	s8 =	simm.s32 @!p0 $0x1BF5;
	p2 =	por !p2, p0  }
0x20: {  	[sflag:s8] =	ssyncset.s32 @!p0 $0xFFFFF086;
	s6 =	sadd.s32 @!p0 s3, s7;
	s7 =	simm.s32 @!p0 $0x108  }
0x21: {  	s3 =	sadd.s32 s3, s9;
	s6 =	sadd.s32 @!p0 $0x88, s6;
	s7 =	simm.s32 @p2 $0x1082  }
0x22: {  	[simem:s7], [sflag:s8] =	dma.local @!p0 [hbm:s6], $0xF7A  }
0x23: {  	s9 =	sor.u32 $0xD0000000, s2;
	s6 =	simm.s32 $0x108;
	_ =	swait.ge @!p0 [sflag:s8], $0x0  }
0x24: {  	s3 =	sadd.s32 $0x88, s3;
	s6 =	simm.s32 @!p1 $0x1082;
	[sflag:s4] =	ssyncset.s32 $0xFFFFF086  }
0x25: {  	[simem:s6], [sflag:s4] =	dma.local [hbm:s3], $0xF7A  }
0x26: {  	[smem:$0x3F98] =	sst s1;
	(tag) =	ssettag s2;
	_ =	strace s9  }
0x27: {  	s1 =	sld [smem:$0x3FA8]  }
0x28: {  	s2 =	sld [smem:$0x3FA9]  }
0x29: {  	s4 =	sld [smem:$0x3FAB]  }
0x2a: {  	p0 =	seq.s32 s5, $0x0;
	s5 =	sld [smem:$0x3FAC]  }
0x2b: {  	s6 =	sld [smem:$0x3FAD]  }
0x2c: {  	s7 =	sld [smem:$0x3FAE]  }
0x2d: {  	s3 =	simm.s32 $0x108;
	s8 =	sld [smem:$0x3FAF]  }
0x2e: {  	s3 =	simm.s32 @!p0 $0x1082;
	s9 =	sld [smem:$0x3FB0]  }
0x2f: {  	lr =	sadd.s32 s0, s3;
	s0 =	sld [smem:$0x3FA7]  }
0x30: {  	s3 =	sld [smem:$0x3FAA]  }
0x31: {  	[smem:$0x3FB3] =	sst s10  }
0x32: {  	s10 =	sld [smem:$0x3FB1];
	_ =	sdelay $0x3  }
0x33: {  	p0 =	seq.s32 s10, $0x1;
	s10 =	sld [smem:$0x3FB3];
	_ =	sdelay $0x3  }
0x34: {  	[smem:$0x3FB3] =	sst s10  }
0x35: {  	s10 =	sld [smem:$0x3FB2];
	_ =	sdelay $0x3  }
0x36: {  	p1 =	seq.s32 s10, $0x1;
	s10 =	sld [smem:$0x3FB3];
	_ =	sdelay $0x3  }
0x37: {  	[smem:$0x3FB3] =	sst s10  }
0x38: {  	s10 =	sld [smem:$0x3FB4]  }
0x39: {  	_ = 	snop;
	(pc) =	sbr.ind lr, $3  }
0x3a: {  	_ = 	snop  }
0x3b: {  	_ = 	snop  }
0x3c: {  	p2 =	seq.s32 s10, $0x1;
	s10 =	sld [smem:$0x3FB3]  }
0x3d: {  	_ =	shalt  }
0x3e: {  	_ =	shalt  }
0x3f: {  	_ =	shalt  }
0x40: {  	_ =	shalt  }
0x41: {  	_ =	shalt  }
0x42: {  	_ =	shalt  }
0x43: {  	_ =	shalt  }
0x44: {  	_ =	shalt  }
0x45: {  	_ =	shalt  }
0x46: {  	_ =	shalt  }
0x47: {  	_ =	shalt  }
0x48: {  	_ =	shalt  }
0x49: {  	_ =	shalt  }
0x4a: {  	_ =	shalt  }
0x4b: {  	_ =	shalt  }
0x4c: {  	_ =	shalt  }
0x4d: {  	_ =	shalt  }
0x4e: {  	_ =	shalt  }
0x4f: {  	_ =	shalt  }
0x50: {  	_ =	shalt  }
0x51: {  	_ =	shalt  }
0x52: {  	_ =	shalt  }
0x53: {  	_ =	shalt  }
0x54: {  	_ =	shalt  }
0x55: {  	_ =	shalt  }
0x56: {  	_ =	shalt  }
0x57: {  	_ =	shalt  }
0x58: {  	_ =	shalt  }
0x59: {  	_ =	shalt  }
0x5a: {  	_ =	shalt  }
0x5b: {  	_ =	shalt  }
0x5c: {  	_ =	shalt  }
0x5d: {  	_ =	shalt  }
0x5e: {  	_ =	shalt  }
0x5f: {  	_ =	shalt  }
0x60: {  	_ =	shalt  }
0x61: {  	_ =	shalt  }
0x62: {  	_ =	shalt  }
0x63: {  	_ =	shalt  }
0x64: {  	_ =	shalt  }
0x65: {  	_ =	shalt  }
0x66: {  	_ =	shalt  }
0x67: {  	_ =	shalt  }
0x68: {  	_ =	shalt  }
0x69: {  	_ =	shalt  }
0x6a: {  	_ =	shalt  }
0x6b: {  	_ =	shalt  }
0x6c: {  	_ =	shalt  }
0x6d: {  	_ =	shalt  }
0x6e: {  	_ =	shalt  }
0x6f: {  	_ =	shalt  }
0x70: {  	_ =	shalt  }
0x71: {  	_ =	shalt  }
0x72: {  	_ =	shalt  }
0x73: {  	_ =	shalt  }
0x74: {  	_ =	shalt  }
0x75: {  	_ =	shalt  }
0x76: {  	_ =	shalt  }
0x77: {  	_ =	shalt  }
0x78: {  	_ =	shalt  }
0x79: {  	_ =	shalt  }
0x7a: {  	_ =	shalt  }
0x7b: {  	_ =	shalt  }
0x7c: {  	_ =	shalt  }
0x7d: {  	_ =	shalt  }
0x7e: {  	_ =	shalt  }
0x7f: {  	_ =	shalt  }
0x80: {  	_ =	shalt  }
0x81: {  	_ =	shalt  }
0x82: {  	_ =	shalt  }
0x83: {  	_ =	shalt  }
0x84: {  	_ =	shalt  }
0x85: {  	_ =	shalt  }
0x86: {  	_ =	shalt  }
0x87: {  	_ =	shalt  }
.Lfunc_end0:
.L_simem_size_0:
called_computation.3_lowered:
.L_overlay_start_0:
0x88: {  	s2 =	sld [smem:$0x3FD9]  }
0x89: {  	s3 =	sld [smem:$0x3FFE];
	_ =	sdelay $0x1  }
0x8a: {  	s1 =	srdreg.scid  }
0x8b: {  	s0 =	sand.u32 $0x1, s1  }
0x8c: {  	s17 =	sshll.u32 s0, $0xA;
	s2 =	sadd.s32 s3, s2  }
0x8d: {  	s2 =	sadd.s32 s2, s17  }
0x8e: {  	[smem:$0x3FBF] =	sst s2  }
0x8f: {  	_ = 	snop  }
0x90: {  	s2 =	sld [smem:$0x3FD0];
	(tm) =	ssettm $0x1  }
0x91: {  	s18 =	sld [smem:$0x3FFB];
	_ =	sdelay $0x3  }
0x92: {  	_ =	strace s18  }
0x93: {  	s3 =	sld [smem:$0x3FFC];
	_ =	sdelay $0x3  }
0x94: {  	_ =	strace s3  }
0x95: {  	s3 =	sld [smem:$0x3FFD];
	_ =	sdelay $0x3  }
0x96: {  	_ =	strace s3  }
0x97: {  	_ =	strace $0x8FFFFFFF  }
0x98: {  	s19 =	sld [smem:$0x3FDB];
	_ =	sdelay $0x1  }
0x99: {  	s4 =	simm.s32 $_scs_section_size  }
0x9a: {  	s5 =	simm.s32 $_size__tile_overlayer_lowered;
	s6 =	simm.s32 $_tile_overlayer_lowered  }
0x9b: {  	s22 =	simm.s32 $0x1BFF;
	s21 =	sshll.u32 s6, $0x1;
	s3 =	sadd.s32 s4, s19  }
0x9c: {  	s7 =	simm.s32 $0x0;
	s20 =	sshll.u32 s5, $0x1;
	s5 =	sadd.s32 s21, s3  }
0x9d: {  	[timem:s7], [sflag:s22] =	dma.local [hbm:s5], s20  }
0x9e: {  	_ =	swait.ge [sflag:s22], s20  }
0x9f: {  	s4 =	ssub.s32 $0x0, s20;
	[sflag:s22] =	ssyncset.done $0x0  }
0xa0: {  	[sflag:s22] =	ssyncadd.s32 s4;
	_ =	sdelay $0x1  }
0xa1: {  	s23 =	simm.s32 $0x1B8B  }
0xa2: {  	_ =	swait.ge [sflag:s23], $0x1  }
0xa3: {  	[sflag:s23] =	ssyncset.done $0x0  }
0xa4: {  	s25 =	simm.s32 $0x1B8E;
	s24 =	sld [smem:$0x3FFE];
	[sflag:s23] =	ssyncadd.s32 $0xFFFFFFFF  }
0xa5: {  	s26 =	simm.s32 $execute0_lowered;
	[smem:$0x3FD2] =	sst s25  }
0xa6: {  	s5 =	sshll.u32 s26, $0x1;
	_ =	strace $0x8000004C;
	[dreg:$0x1] =	wrdreg $0xFFFFFFFF  }
0xa7: {  	s28 =	simm.s32 $_size_execute0_lowered;
	s3 =	sadd.s32 s3, s5;
	[dreg:$0x0] =	wrdreg $0x0  }
0xa8: {  	s5 =	sshll.u32 s28, $0x1;
	[dreg:$0x2] =	wrdreg s3  }
0xa9: {  	[dreg:$0x3] =	wrdreg s5  }
0xaa: {  	[dreg:$0x4] =	wrdreg $0xC0  }
0xab: {  	_ =	task [dreg:s7], $0x5FFFF  }
0xac: {  	[dreg:$0x1] =	wrdreg $0xFFFFFFFF  }
0xad: {  	[dreg:$0x0] =	wrdreg $0x60  }
0xae: {  	[dreg:$0x2] =	wrdreg s24  }
0xaf: {  	[dreg:$0x3] =	wrdreg s2  }
0xb0: {  	[dreg:$0x4] =	wrdreg $0x121000  }
0xb1: {  	[dreg:$0x5] =	wrdreg $0xA  }
0xb2: {  	_ =	task.clear_ibuf [dreg:s7], $0x6FFFF;
	_ =	strace $0x9000004C  }
0xb3: {  	s29 =	simm.s32 $0xA;
	_ =	strace $0x8000004E  }
0xb4: {  	_ =	swait.ge [sflag:s29], $0x1  }
0xb5: {  	[sflag:s29] =	ssyncadd.s32 $0xFFFFFFFF  }
0xb6: {  	_ =	strace $0x9000004E  }
0xb7: {  	_ =	sfence  }
0xb8: {  	s30 =	sld [smem:$0x0];
	_ =	sdelay $0x2  }
0xb9: {  	s31 =	sshll.u32 s1, $0xD;
	s1 =	sshrl.u32 s1, $0x2  }
0xba: {  	s3 =	sand.u32 $0x4000, s31;
	s1 =	sadd.s32 s1, s30  }
0xbb: {  	s0 =	sor.u32 s3, s0;
	s1 =	sshll.u32 s1, $0x11  }
0xbc: {  	s0 =	sor.u32 s1, s0  }
0xbd: {  	s0 =	sadd.s32 $0x8F2B, s0  }
0xbe: {  	[sflag:s0] =	ssyncadd.remote.s32 $0x1  }
0xbf: {  	_ =	sfence.sel $0xFFFF  }
0xc0: {  	[dreg:$0x0] =	wrdreg $0xFFFFFFFF;
	(pc) =	sbr.abs _section_cstart, $3  }
0xc1: {  	[dreg:$0x1] =	wrdreg $0xFFFFFFFF  }
0xc2: {  	_ =	task.clear_ibuf [dreg:s7], $0x2FFFF;
	_ =	strace $0x9FFFFFFF  }
0xc3: {  	(tm) =	ssettm $0x7FFFFFFF  }
tec
execute0_lowered:
.L_overlay_start_1:
0x0: {  	(tag) =	ssettag $0x1  }
0x1: {  	s5 =	rddreg [dreg:$0x0]  }
0x2: {  	s7 =	rddreg [dreg:$0x1]  }
0x3: {  	s0 =	srdreg.scid;
	s2 =	rddreg [dreg:$0x2]  }
0x4: {  	s1 =	rddreg [dreg:$0x3];
	s3 =	simm.s32 $0x0;
	s16 =	simm.s32 $0xA080  }
0x5: {  	s17 =	simm.s32 $0x80;
	s18 =	simm.s32 $0xA100;
	s6 =	sand.u32 $0x1, s0  }
0x6: {  	s19 =	simm.s32 $0x1;
	s0 =	stileid.u32;
	s4 =	smul.u32 $0xA00, s6  }
0x7: {  	s20 =	simm.s32 $0xE100;
	s21 =	simm.s32 $0x2;
	s8 =	smul.u32 $0xA0, s0  }
0x8: {  	s22 =	simm.s32 $0x0;
	[smem:$0x7FF] =	sst s3;
	s26 =	smul.u32 $0x1400, s0  }
0x9: {  	s10 =	smul.u32 $0x14000, s6;
	_ =	strace $0x8000004D;
	s11 =	ssub.s32 $0x2, s6  }
0xa: {  	s12 =	smul.u32 $0x28000, s0;
	s30 =	sshll.u32 s0, $0x6;
	s6 =	sshll.u32 s6, $0x4  }
0xb: {  	s28 =	sshrl.u32 s11, $0x1;
	s31 =	sor.u32 s6, s30;
	s6 =	sor.u32 $0x1C03, s30  }
0xc: {  	s4 =	sadd.s32 s8, s4;
	s10 =	sadd.s32 s26, s10;
	s8 =	sadd.s32 s26, s5  }
0xd: {  	s29 =	sshrl.u32 s12, $0x2;
	s14 =	ssub.s32 s11, s28;
	s7 =	sadd.s32 s7, s31  }
.Ltmp0:
0xe: {  	s9 =	sshll.u32 s4, $0x4;
	s4 =	sadd.s32 $0xF0600, s5;
	(pc) =	sbr.rel .LBB2_1-.Ltmp0, $4  }
0xf: {  	s13 =	sadd.s32 s10, s5;
	s15 =	sadd.s32 s29, s2;
	s10 =	sadd.s32 $0x20, s7  }
0x10: {  	s12 =	smax.u32 s14, $0x1;
	s14 =	simm.s32 $0x3;
	s9 =	sadd.s32 s9, s5  }
0x11: {  	s5 =	sadd.s32 $0x4400, s8;
	s11 =	sadd.s32 $0x54200, s13;
	s13 =	sshrl.u32 s15, $0x3  }
0x12: {  	s15 =	simm.s32 $0xA000;
	s8 =	sadd.s32 $0x2C200, s9;
	s9 =	sadd.s32 $0x40200, s9  }
.LBB2_5:
0x13: {  	[sflag:s14] =	ssyncadd.s32 $0xFFFFC000  }
.LBB2_6:
0x14: {  	s22 =	sadd.s32 $0x1, s22  }
0x15: {  	p0 =	sne.s32 s22, s12  }
.Ltmp1:
0x16: {  	[bflag:$0x0] =	sbarrier.arrive $0xFFFF;
	(pc) =	sbr.rel @!p0 .LBB2_7-.Ltmp1, $4  }
0x17: {  	[hbm:s11], [sflag:s6] =	dma.local [spmem:s13], $0x1400  }
0x18: {  	_ =	swait.ge [sflag:s14], $0x1400  }
0x19: {  	[sflag:s14] =	ssyncset.done $0x0  }
0x1a: {  	[sflag:s14] =	ssyncadd.s32 $0xFFFFEC00  }
.LBB2_1:
0x1b: {  	[spmem:s13], [sflag:s6] =	dma.local [hbm:s5], $0x1400  }
0x1c: {  	_ =	swait.ge [sflag:s14], $0x1400  }
0x1d: {  	[sflag:s14] =	ssyncset.done $0x0  }
0x1e: {  	[sflag:s14] =	ssyncadd.s32 $0xFFFFEC00  }
0x1f: {  	[tilespmem:s3], [sflag:$0x3] =	stream.linear.gather [hbm4b:s8+s3], $0x5000, $0x38;
	[tilespmem:$0x1C100] =	vst v63  }
0x20: {  	_ =	swait.ge [sflag:s14], $0x5000  }
0x21: {  	[sflag:s14] =	ssyncset.done $0x0  }
0x22: {  	s23 =	simm.s32 $0x5000;
	[sflag:s14] =	ssyncadd.s32 $0xFFFFB000  }
0x23: {  	[tilespmem:s23], [sflag:$0x3] =	stream.linear.gather [hbm4b:s9+s3], $0x5000, $0x38;
	[tilespmem:$0x1C100] =	vst v63  }
0x24: {  	_ =	swait.ge [sflag:s14], $0x5000  }
0x25: {  	[sflag:s14] =	ssyncset.done $0x0  }
0x26: {  	[sflag:s14] =	ssyncadd.s32 $0xFFFFB000  }
0x27: {  	[tilespmem:s15], [sflag:$0x3] =	stream.linear.gather [hbm4b:s7+s3], $0x80, $0x38;
	[tilespmem:$0x1C100] =	vst v63  }
0x28: {  	_ =	swait.ge [sflag:s14], $0x80  }
0x29: {  	[sflag:s14] =	ssyncset.done $0x0  }
0x2a: {  	[sflag:s14] =	ssyncadd.s32 $0xFFFFFF80  }
0x2b: {  	[tilespmem:s16], [sflag:$0x3] =	stream.linear.gather [hbm4b:s10+s3], $0x80, $0x38;
	[tilespmem:$0x1C100] =	vst v63  }
0x2c: {  	_ =	swait.ge [sflag:s14], $0x80  }
0x2d: {  	[sflag:s14] =	ssyncset.done $0x0  }
0x2e: {  	[sflag:s14] =	ssyncadd.s32 $0xFFFFFF80  }
0x2f: {  	[bflag:$0x0] =	sbarrier.arrive $0xFFFF  }
0x30: {  	v0 =	vld [tilespmem:$0xA000];
	_ =	sdelay $0x4  }
0x31: {  	v0 =	vxor.u32 $0x80000000, v0  }
0x32: {  	(xrf0) =	vmax.scan.msk.u32 $0xffff, v0;
	_ =	sdelay $0x1  }
0x33: {  	v1 =	vld [tilespmem:$0xA080];
	_ =	sdelay $0x3  }
0x34: {  	v62, _, _ =	vpop (xrf0)  }
0x35: {  	v61 =	vxor.u32 $0x80000000, v1;
	(v2sf) =	vpush v62, $0xF  }
0x36: {  	(xrf0) =	vmax.scan.msk.u32 $0xffff, v61;
	_ =	sdelay $0x5  }
0x37: {  	v63, _, _ =	vpop (xrf0)  }
0x38: {  	(v2sf) =	vpush v63, $0xF;
	_ =	sdelay $0x6  }
0x39: {  	s24 =	spop (v2sf)  }
0x3a: {  	s24 =	sadd.s32 $0x8000007F, s24  }
0x3b: {  	s25 =	sshra.s32 s24, $0x7  }
0x3c: {  	p0 =	sgt.s32 s25, $0x0  }
.Ltmp2:
0x3d: {  	_ = 	snop;
	(pc) =	sbr.rel @!p0 .LBB2_2-.Ltmp2, $2  }
0x3e: {  	_ =	sdelay $0x2  }
0x3f: {  	s24 =	spop (v2sf)  }
0x40: {  	[tilespmem:s18], [sflag:$0x1] =	stream.indirect.gather [hbm4b:s4+s17], $0x80, s3, s17, $0xb8;
	[tilespmem:$0x1C100] =	vst v63  }
0x41: {  	p0 =	seq.s32 s25, $0x1;
	_ =	swait.ge [sflag:s19], $0x4000  }
.Ltmp3:
0x42: {  	[sflag:s19] =	ssyncset.done $0x0;
	(pc) =	sbr.rel @p0 .LBB2_10-.Ltmp3, $4  }
0x43: {  	[sflag:s19] =	ssyncadd.s32 $0xFFFFC000  }
0x44: {  	[spmem:s2] =	stream.indirect.scatter.add.f32 [tilespmem:s18], [sflag:$0x3], $0x80, s23, s17, $0xb8;
	[tilespmem:$0x1C100] =	vst v63  }
0x45: {  	_ =	swait.ge [sflag:s14], $0x4000  }
0x46: {  	s25 =	sadd.s32 $0xFFFFFFFF, s25;
	s26 =	simm.s32 $0x0;
	[sflag:s14] =	ssyncset.done $0x0  }
.LBB2_9:
0x47: {  	[sflag:s14] =	ssyncadd.s32 $0xFFFFC000;
	s26 =	sadd.s32 $0x80, s26;
	s23 =	sadd.s32 $0x80, s23  }
0x48: {  	[tilespmem:s18], [sflag:$0x1] =	stream.indirect.gather [hbm4b:s4+s17], $0x80, s26, s17, $0xb8;
	[tilespmem:$0x1C100] =	vst v63  }
0x49: {  	p0 =	seq.s32 s25, $0x1;
	s25 =	sadd.s32 $0xFFFFFFFF, s25;
	_ =	swait.ge [sflag:s19], $0x4000  }
.Ltmp4:
0x4a: {  	[sflag:s19] =	ssyncset.done $0x0;
	(pc) =	sbr.rel @!p0 .LBB2_9-.Ltmp4, $4  }
0x4b: {  	[sflag:s19] =	ssyncadd.s32 $0xFFFFC000  }
0x4c: {  	[spmem:s2] =	stream.indirect.scatter.add.f32 [tilespmem:s18], [sflag:$0x3], $0x80, s23, s17, $0xb8;
	[tilespmem:$0x1C100] =	vst v63  }
0x4d: {  	_ =	swait.ge [sflag:s14], $0x4000  }
0x4e: {  	[sflag:s14] =	ssyncset.done $0x0  }
.LBB2_10:
0x4f: {  	[sflag:s14] =	ssyncadd.s32 $0xFFFFC000  }
.LBB2_2:
0x50: {  	s23 =	sadd.s32 $0x8000007F, s24  }
0x51: {  	s25 =	sshra.s32 s23, $0x7  }
0x52: {  	p0 =	sgt.s32 s25, $0x0  }
.Ltmp5:
0x53: {  	_ = 	snop;
	(pc) =	sbr.rel @!p0 .LBB2_6-.Ltmp5, $1  }
0x54: {  	_ =	sdelay $0x3  }
0x55: {  	s24 =	simm.s32 $0x2800  }
0x56: {  	[tilespmem:s20], [sflag:$0x2] =	stream.indirect.gather [hbm4b:s4+s17], $0x80, s24, s17, $0xb8;
	[tilespmem:$0x1C100] =	vst v63  }
0x57: {  	p0 =	sne.s32 s25, $0x1;
	_ =	swait.ge [sflag:s21], $0x4000  }
.Ltmp6:
0x58: {  	[sflag:s21] =	ssyncset.done $0x0;
	(pc) =	sbr.rel @!p0 .LBB2_5-.Ltmp6, $4  }
0x59: {  	s23 =	simm.s32 $0x7800;
	[sflag:s21] =	ssyncadd.s32 $0xFFFFC000  }
0x5a: {  	[spmem:s2] =	stream.indirect.scatter.add.f32 [tilespmem:s20], [sflag:$0x3], $0x80, s23, s17, $0xb8;
	[tilespmem:$0x1C100] =	vst v63  }
0x5b: {  	_ =	swait.ge [sflag:s14], $0x4000  }
0x5c: {  	s25 =	sadd.s32 $0xFFFFFFFF, s25;
	[sflag:s14] =	ssyncset.done $0x0  }
.LBB2_4:
0x5d: {  	[sflag:s14] =	ssyncadd.s32 $0xFFFFC000;
	s23 =	sadd.s32 $0x80, s23;
	s24 =	sadd.s32 $0x80, s24  }
0x5e: {  	[tilespmem:s20], [sflag:$0x2] =	stream.indirect.gather [hbm4b:s4+s17], $0x80, s24, s17, $0xb8;
	[tilespmem:$0x1C100] =	vst v63  }
0x5f: {  	p0 =	sne.s32 s25, $0x1;
	s25 =	sadd.s32 $0xFFFFFFFF, s25;
	_ =	swait.ge [sflag:s21], $0x4000  }
.Ltmp7:
0x60: {  	[sflag:s21] =	ssyncset.done $0x0;
	(pc) =	sbr.rel @p0 .LBB2_4-.Ltmp7, $4  }
0x61: {  	[sflag:s21] =	ssyncadd.s32 $0xFFFFC000  }
0x62: {  	[spmem:s2] =	stream.indirect.scatter.add.f32 [tilespmem:s20], [sflag:$0x3], $0x80, s23, s17, $0xb8;
	[tilespmem:$0x1C100] =	vst v63  }
0x63: {  	_ =	swait.ge [sflag:s14], $0x4000  }
0x64: {  	[sflag:s14] =	ssyncset.done $0x0  }
.Ltmp8:
0x65: {  	_ = 	snop;
	(pc) =	sbr.rel .LBB2_5-.Ltmp8, $1  }
0x66: {  	_ =	sdelay $0x3  }
.LBB2_7:
0x67: {  	_ =	sfence.sel $0x180000  }
0x68: {  	[bflag:$0x0] =	sbarrier.arrive $0xFFFF  }
0x69: {  	p0 =	sne.s32 s0, $0x0;
	_ =	strace $0x9000004D  }
0x6a: {  	s0 =	sadd.s32 @!p0 $0x100000, s1;
	[bflag:$0x2] =	sbarrier.arrive $0xFFFF  }
0x6b: {  	[sflag:s0] =	ssyncadd.tile.s32 @!p0 $0x1;
	_ =	shalt  }
.Lfunc_end2:
_tile_overlayer_lowered:
.L_overlay_start_2:
0x6c: {  	(tag) =	ssettag $0x2  }
0x6d: {  	s0 =	rddreg [dreg:$0x0];
	s2 =	stileid.u32  }
0x6e: {  	s1 =	rddreg [dreg:$0x1];
	p0 =	sne.s32 s2, $0x0  }
0x6f: {  	s3 =	rddreg [dreg:$0x2];
	[bflag:$0x3] =	sbarrier.arrive $0xFFFF;
	s2 =	simm.s32 @!p0 $0x1C03  }
0x70: {  	[timem:s3], [sflag:s2] =	dma.local @!p0 [hbm:s0], s1  }
0x71: {  	s0 =	simm.s32 @!p0 $0x3  }
0x72: {  	_ =	swait.ge @!p0 [sflag:s0], s1  }
0x73: {  	s1 =	ssub.s32 @!p0 $0x0, s1;
	[sflag:s0] =	ssyncset.done @!p0 $0x0  }
0x74: {  	[sflag:s0] =	ssyncadd.s32 @!p0 s1  }
0x75: {  	[bflag:$0x3] =	sbarrier.arrive $0xFFFF  }
0x76: {  	_ =	shalt  }

// kernel: kernel.25.cloned.1.call-start
scs
__scs_entry_jumppad:
0x0: {  	(pc) =	sbr.rel $0x88, $3  }
0x1: {  	(tag) =	ssettag $0x0;
	lr =	simm.s32 $0x1  }
0x2: {  	[smem:$0x3F98] =	sst lr;
	_ =	strace $0xD0000000  }
0x3: {  	_ = 	snop  }
0x4: {  	_ = 	snop  }
0x5: {  	_ = 	snop  }
0x6: {  	_ = 	snop  }
0x7: {  	_ = 	snop  }
__scs_overlays_trampoline_lowered:
0x8: {  	[smem:$0x3FA7] =	sst s0  }
0x9: {  	[smem:$0x3FA8] =	sst s1  }
0xa: {  	[smem:$0x3FA9] =	sst s2  }
0xb: {  	[smem:$0x3FAA] =	sst s3  }
0xc: {  	[smem:$0x3FAB] =	sst s4  }
0xd: {  	[smem:$0x3FAC] =	sst s5  }
0xe: {  	[smem:$0x3FAD] =	sst s6  }
0xf: {  	[smem:$0x3FAE] =	sst s7  }
0x10: {  	[smem:$0x3FAF] =	sst s8  }
0x11: {  	[smem:$0x3FB0] =	sst s9;
	s0 =	simm.s32 @!p0 $0x0  }
0x12: {  	s1 =	sld [smem:$0x3F96];
	s0 =	simm.s32 @p0 $0x1  }
0x13: {  	[smem:$0x3FB1] =	sst s0;
	s0 =	simm.s32 @!p1 $0x0  }
0x14: {  	s2 =	sld [smem:$0x3F95];
	s0 =	simm.s32 @p1 $0x1  }
0x15: {  	[smem:$0x3FB2] =	sst s0;
	s0 =	simm.s32 @!p2 $0x0  }
0x16: {  	s3 =	sld [smem:$0x3FDB];
	s0 =	simm.s32 @p2 $0x1  }
0x17: {  	s4 =	simm.s32 $0x1BF5;
	[smem:$0x3FB4] =	sst s0  }
0x18: {  	s0 =	sld [smem:$0x3F97];
	_ =	swait.ge [sflag:s4], $0x0  }
0x19: {  	s7 =	sld [smem:$0x3F98]  }
0x1a: {  	s8 =	sadd.s32 $0xFFFFE003, lr  }
0x1b: {  	s9 =	sadd.s32 $0xFFFFFEF7, lr;
	s5 =	simm.s32 $0xFFFFFFFF;
	p2 =	slt.u32 s8, $0xFFFFF086  }
0x1c: {  	p1 =	slt.u32 s9, $0xF7A;
	s5 =	simm.s32 @!p2 $0x0  }
0x1d: {  	s5 =	simm.s32 @p1 $0x1;
	p0 =	seq.s32 s7, s2  }
0x1e: {  	s7 =	smul.u32 @!p0 $0xF7A, s2;
	p2 =	seq.s32 @!p0 s5, $0x0  }
0x1f: {  	s9 =	smul.u32 $0xF7A, s1;
	s8 =	simm.s32 @!p0 $0x1BF5;
	p2 =	por !p2, p0  }
0x20: {  	[sflag:s8] =	ssyncset.s32 @!p0 $0xFFFFF086;
	s6 =	sadd.s32 @!p0 s3, s7;
	s7 =	simm.s32 @!p0 $0x108  }
0x21: {  	s3 =	sadd.s32 s3, s9;
	s6 =	sadd.s32 @!p0 $0x88, s6;
	s7 =	simm.s32 @p2 $0x1082  }
0x22: {  	[simem:s7], [sflag:s8] =	dma.local @!p0 [hbm:s6], $0xF7A  }
0x23: {  	s9 =	sor.u32 $0xD0000000, s2;
	s6 =	simm.s32 $0x108;
	_ =	swait.ge @!p0 [sflag:s8], $0x0  }
0x24: {  	s3 =	sadd.s32 $0x88, s3;
	s6 =	simm.s32 @!p1 $0x1082;
	[sflag:s4] =	ssyncset.s32 $0xFFFFF086  }
0x25: {  	[simem:s6], [sflag:s4] =	dma.local [hbm:s3], $0xF7A  }
0x26: {  	[smem:$0x3F98] =	sst s1;
	(tag) =	ssettag s2;
	_ =	strace s9  }
0x27: {  	s1 =	sld [smem:$0x3FA8]  }
0x28: {  	s2 =	sld [smem:$0x3FA9]  }
0x29: {  	s4 =	sld [smem:$0x3FAB]  }
0x2a: {  	p0 =	seq.s32 s5, $0x0;
	s5 =	sld [smem:$0x3FAC]  }
0x2b: {  	s6 =	sld [smem:$0x3FAD]  }
0x2c: {  	s7 =	sld [smem:$0x3FAE]  }
0x2d: {  	s3 =	simm.s32 $0x108;
	s8 =	sld [smem:$0x3FAF]  }
0x2e: {  	s3 =	simm.s32 @!p0 $0x1082;
	s9 =	sld [smem:$0x3FB0]  }
0x2f: {  	lr =	sadd.s32 s0, s3;
	s0 =	sld [smem:$0x3FA7]  }
0x30: {  	s3 =	sld [smem:$0x3FAA]  }
0x31: {  	[smem:$0x3FB3] =	sst s10  }
0x32: {  	s10 =	sld [smem:$0x3FB1];
	_ =	sdelay $0x3  }
0x33: {  	p0 =	seq.s32 s10, $0x1;
	s10 =	sld [smem:$0x3FB3];
	_ =	sdelay $0x3  }
0x34: {  	[smem:$0x3FB3] =	sst s10  }
0x35: {  	s10 =	sld [smem:$0x3FB2];
	_ =	sdelay $0x3  }
0x36: {  	p1 =	seq.s32 s10, $0x1;
	s10 =	sld [smem:$0x3FB3];
	_ =	sdelay $0x3  }
0x37: {  	[smem:$0x3FB3] =	sst s10  }
0x38: {  	s10 =	sld [smem:$0x3FB4]  }
0x39: {  	_ = 	snop;
	(pc) =	sbr.ind lr, $3  }
0x3a: {  	_ = 	snop  }
0x3b: {  	_ = 	snop  }
0x3c: {  	p2 =	seq.s32 s10, $0x1;
	s10 =	sld [smem:$0x3FB3]  }
0x3d: {  	_ =	shalt  }
0x3e: {  	_ =	shalt  }
0x3f: {  	_ =	shalt  }
0x40: {  	_ =	shalt  }
0x41: {  	_ =	shalt  }
0x42: {  	_ =	shalt  }
0x43: {  	_ =	shalt  }
0x44: {  	_ =	shalt  }
0x45: {  	_ =	shalt  }
0x46: {  	_ =	shalt  }
0x47: {  	_ =	shalt  }
0x48: {  	_ =	shalt  }
0x49: {  	_ =	shalt  }
0x4a: {  	_ =	shalt  }
0x4b: {  	_ =	shalt  }
0x4c: {  	_ =	shalt  }
0x4d: {  	_ =	shalt  }
0x4e: {  	_ =	shalt  }
0x4f: {  	_ =	shalt  }
0x50: {  	_ =	shalt  }
0x51: {  	_ =	shalt  }
0x52: {  	_ =	shalt  }
0x53: {  	_ =	shalt  }
0x54: {  	_ =	shalt  }
0x55: {  	_ =	shalt  }
0x56: {  	_ =	shalt  }
0x57: {  	_ =	shalt  }
0x58: {  	_ =	shalt  }
0x59: {  	_ =	shalt  }
0x5a: {  	_ =	shalt  }
0x5b: {  	_ =	shalt  }
0x5c: {  	_ =	shalt  }
0x5d: {  	_ =	shalt  }
0x5e: {  	_ =	shalt  }
0x5f: {  	_ =	shalt  }
0x60: {  	_ =	shalt  }
0x61: {  	_ =	shalt  }
0x62: {  	_ =	shalt  }
0x63: {  	_ =	shalt  }
0x64: {  	_ =	shalt  }
0x65: {  	_ =	shalt  }
0x66: {  	_ =	shalt  }
0x67: {  	_ =	shalt  }
0x68: {  	_ =	shalt  }
0x69: {  	_ =	shalt  }
0x6a: {  	_ =	shalt  }
0x6b: {  	_ =	shalt  }
0x6c: {  	_ =	shalt  }
0x6d: {  	_ =	shalt  }
0x6e: {  	_ =	shalt  }
0x6f: {  	_ =	shalt  }
0x70: {  	_ =	shalt  }
0x71: {  	_ =	shalt  }
0x72: {  	_ =	shalt  }
0x73: {  	_ =	shalt  }
0x74: {  	_ =	shalt  }
0x75: {  	_ =	shalt  }
0x76: {  	_ =	shalt  }
0x77: {  	_ =	shalt  }
0x78: {  	_ =	shalt  }
0x79: {  	_ =	shalt  }
0x7a: {  	_ =	shalt  }
0x7b: {  	_ =	shalt  }
0x7c: {  	_ =	shalt  }
0x7d: {  	_ =	shalt  }
0x7e: {  	_ =	shalt  }
0x7f: {  	_ =	shalt  }
0x80: {  	_ =	shalt  }
0x81: {  	_ =	shalt  }
0x82: {  	_ =	shalt  }
0x83: {  	_ =	shalt  }
0x84: {  	_ =	shalt  }
0x85: {  	_ =	shalt  }
0x86: {  	_ =	shalt  }
0x87: {  	_ =	shalt  }
.Lfunc_end0:
.L_simem_size_0:
called_computation.4_lowered:
.L_overlay_start_0:
0x88: {  	s2 =	sld [smem:$0x3FD9]  }
0x89: {  	s3 =	sld [smem:$0x3FFE];
	_ =	sdelay $0x1  }
0x8a: {  	s1 =	srdreg.scid  }
0x8b: {  	s0 =	sand.u32 $0x1, s1  }
0x8c: {  	s17 =	sshll.u32 s0, $0xA;
	s2 =	sadd.s32 s3, s2  }
0x8d: {  	s2 =	sadd.s32 s2, s17  }
0x8e: {  	[smem:$0x3FBF] =	sst s2  }
0x8f: {  	_ = 	snop  }
0x90: {  	s18 =	sld [smem:$0x3FD0];
	(tm) =	ssettm $0x1  }
0x91: {  	s19 =	sld [smem:$0x3FFB];
	_ =	sdelay $0x3  }
0x92: {  	_ =	strace s19  }
0x93: {  	s2 =	sld [smem:$0x3FFC];
	_ =	sdelay $0x3  }
0x94: {  	_ =	strace s2  }
0x95: {  	s2 =	sld [smem:$0x3FFD];
	_ =	sdelay $0x3  }
0x96: {  	_ =	strace s2  }
0x97: {  	_ =	strace $0x8FFFFFFF  }
0x98: {  	s20 =	sld [smem:$0x3FDB];
	_ =	sdelay $0x1  }
0x99: {  	s4 =	simm.s32 $_scs_section_size  }
0x9a: {  	s5 =	simm.s32 $_size__tile_overlayer_lowered;
	s6 =	simm.s32 $_tile_overlayer_lowered  }
0x9b: {  	s7 =	simm.s32 $0x1BFF;
	s21 =	sshll.u32 s6, $0x1;
	s4 =	sadd.s32 s4, s20  }
0x9c: {  	s22 =	simm.s32 $0x0;
	s5 =	sshll.u32 s5, $0x1;
	s6 =	sadd.s32 s21, s4  }
0x9d: {  	[timem:s22], [sflag:s7] =	dma.local [hbm:s6], s5  }
0x9e: {  	_ =	swait.ge [sflag:s7], s5  }
0x9f: {  	s5 =	ssub.s32 $0x0, s5;
	[sflag:s7] =	ssyncset.done $0x0  }
0xa0: {  	[sflag:s7] =	ssyncadd.s32 s5;
	_ =	sdelay $0x1  }
0xa1: {  	s23 =	simm.s32 $0x1B8B  }
0xa2: {  	_ =	swait.ge [sflag:s23], $0x1  }
0xa3: {  	[sflag:s23] =	ssyncset.done $0x0  }
0xa4: {  	[sflag:s23] =	ssyncadd.s32 $0xFFFFFFFF  }
0xa5: {  	s5 =	sld [smem:$0x0]  }
0xa6: {  	s6 =	sand.u32 $0xFFFFFFFE, s1  }
0xa7: {  	p0 =	sne.s32 s1, s6  }
0xa8: {  	s6 =	sshll.u32 @p0 s6, $0xE  }
0xa9: {  	s6 =	sadd.s32 @p0 $0x11B8D, s6;
	s7 =	sshll.u32 @p0 s5, $0x11  }
0xaa: {  	s6 =	sor.u32 @p0 s7, s6  }
0xab: {  	[sflag:s6] =	ssyncadd.remote.s32 @p0 $0x1;
	_ =	sdelay $0x1  }
0xac: {  	s6 =	simm.s32 @p0 $0x1B8D  }
0xad: {  	_ =	swait.eq @p0 [sflag:s6], $0x1  }
0xae: {  	[sflag:s6] =	ssyncadd.s32 @p0 $0xFFFFFFFF  }
0xaf: {  	s7 =	sshll.u32 @!p0 s1, $0xE  }
0xb0: {  	s7 =	sor.u32 @!p0 $0x4000, s7;
	s6 =	simm.s32 @!p0 $0x1B8D  }
0xb1: {  	s5 =	sshll.u32 @!p0 s5, $0x11;
	s7 =	sadd.s32 @!p0 $0x11B8D, s7;
	_ =	swait.eq @!p0 [sflag:s6], $0x1  }
0xb2: {  	s5 =	sor.u32 @!p0 s5, s7;
	[sflag:s6] =	ssyncadd.s32 @!p0 $0xFFFFFFFF  }
0xb3: {  	s25 =	simm.s32 $0x1B8E;
	s24 =	sld [smem:$0x3FFE];
	[sflag:s5] =	ssyncadd.remote.s32 @!p0 $0x1  }
0xb4: {  	s26 =	simm.s32 $execute0_lowered;
	[smem:$0x3FD2] =	sst s25  }
0xb5: {  	s6 =	sshll.u32 s26, $0x1;
	_ =	strace $0x80000055;
	[dreg:$0x1] =	wrdreg $0xFFFFFFFF  }
0xb6: {  	s28 =	simm.s32 $_size_execute0_lowered;
	s4 =	sadd.s32 s4, s6;
	[dreg:$0x0] =	wrdreg $0x0  }
0xb7: {  	s6 =	sshll.u32 s28, $0x1;
	[dreg:$0x2] =	wrdreg s4  }
0xb8: {  	[dreg:$0x3] =	wrdreg s6  }
0xb9: {  	[dreg:$0x4] =	wrdreg $0xC0  }
0xba: {  	_ =	task [dreg:s22], $0x5FFFF  }
0xbb: {  	[dreg:$0x1] =	wrdreg $0xFFFFFFFF  }
0xbc: {  	[dreg:$0x0] =	wrdreg $0x60  }
0xbd: {  	[dreg:$0x2] =	wrdreg s24  }
0xbe: {  	[dreg:$0x3] =	wrdreg s18  }
0xbf: {  	[dreg:$0x4] =	wrdreg $0x121000  }
0xc0: {  	[dreg:$0x5] =	wrdreg $0x9  }
0xc1: {  	_ =	task.clear_ibuf [dreg:s22], $0x6FFFF;
	_ =	strace $0x90000055  }
0xc2: {  	s29 =	simm.s32 $0x9;
	_ =	strace $0x80000057  }
0xc3: {  	_ =	swait.ge [sflag:s29], $0x1  }
0xc4: {  	[sflag:s29] =	ssyncadd.s32 $0xFFFFFFFF  }
0xc5: {  	_ =	strace $0x90000057  }
0xc6: {  	_ =	sfence  }
0xc7: {  	s30 =	sld [smem:$0x0];
	_ =	sdelay $0x2  }
0xc8: {  	s31 =	sshll.u32 s1, $0xD;
	s1 =	sshrl.u32 s1, $0x2  }
0xc9: {  	s4 =	sand.u32 $0x4000, s31;
	s1 =	sadd.s32 s1, s30  }
0xca: {  	s0 =	sor.u32 s4, s0;
	s1 =	sshll.u32 s1, $0x11  }
0xcb: {  	s0 =	sor.u32 s1, s0  }
0xcc: {  	s0 =	sadd.s32 $0x8F2B, s0  }
0xcd: {  	[sflag:s0] =	ssyncadd.remote.s32 $0x1  }
0xce: {  	_ =	sfence.sel $0xFFFF  }
0xcf: {  	[dreg:$0x0] =	wrdreg $0xFFFFFFFF;
	(pc) =	sbr.abs _section_cstart, $3  }
0xd0: {  	[dreg:$0x1] =	wrdreg $0xFFFFFFFF  }
0xd1: {  	_ =	task.clear_ibuf [dreg:s22], $0x2FFFF;
	_ =	strace $0x9FFFFFFF  }
0xd2: {  	(tm) =	ssettm $0x7FFFFFFF  }
0xd3: {  	_ =	shalt  }
tec
execute0_lowered:
.L_overlay_start_1:
0x0: {  	(tag) =	ssettag $0x1  }
0x1: {  	s5 =	rddreg [dreg:$0x0]  }
0x2: {  	s7 =	rddreg [dreg:$0x1]  }
0x3: {  	s0 =	srdreg.scid;
	s2 =	rddreg [dreg:$0x2]  }
0x4: {  	s1 =	rddreg [dreg:$0x3];
	s3 =	simm.s32 $0x0;
	s16 =	simm.s32 $0xA080  }
0x5: {  	s17 =	simm.s32 $0x80;
	s18 =	simm.s32 $0xA100;
	s6 =	sand.u32 $0x1, s0  }
0x6: {  	s19 =	simm.s32 $0x1;
	s0 =	stileid.u32;
	s4 =	smul.u32 $0xA00, s6  }
0x7: {  	s20 =	simm.s32 $0xE100;
	s21 =	simm.s32 $0x2;
	s8 =	smul.u32 $0xA0, s0  }
0x8: {  	s22 =	simm.s32 $0x0;
	[smem:$0x7FF] =	sst s3;
	s26 =	smul.u32 $0x1400, s0  }
0x9: {  	s10 =	smul.u32 $0x14000, s6;
	_ =	strace $0x80000056;
	s11 =	ssub.s32 $0x2, s6  }
0xa: {  	s12 =	smul.u32 $0x28000, s0;
	s30 =	sshll.u32 s0, $0x6;
	s6 =	sshll.u32 s6, $0x4  }
0xb: {  	s28 =	sshrl.u32 s11, $0x1;
	s31 =	sor.u32 s6, s30;
	s6 =	sor.u32 $0x1C03, s30  }
0xc: {  	s4 =	sadd.s32 s8, s4;
	s10 =	sadd.s32 s26, s10;
	s8 =	sadd.s32 s26, s5  }
0xd: {  	s29 =	sshrl.u32 s12, $0x2;
	s14 =	ssub.s32 s11, s28;
	s7 =	sadd.s32 s7, s31  }
.Ltmp0:
0xe: {  	s9 =	sshll.u32 s4, $0x4;
	s4 =	sadd.s32 $0x13E800, s5;
	(pc) =	sbr.rel .LBB2_1-.Ltmp0, $4  }
0xf: {  	s13 =	sadd.s32 s10, s5;
	s15 =	sadd.s32 s29, s2;
	s10 =	sadd.s32 $0x20, s7  }
0x10: {  	s12 =	smax.u32 s14, $0x1;
	s14 =	simm.s32 $0x3;
	s9 =	sadd.s32 s9, s5  }
0x11: {  	s5 =	sadd.s32 $0x4400, s8;
	s11 =	sadd.s32 $0x165A00, s13;
	s13 =	sshrl.u32 s15, $0x3  }
0x12: {  	s15 =	simm.s32 $0xA000;
	s8 =	sadd.s32 $0x2C200, s9;
	s9 =	sadd.s32 $0x40200, s9  }
.LBB2_5:
0x13: {  	[sflag:s14] =	ssyncadd.s32 $0xFFFFC000  }
.LBB2_6:
0x14: {  	s22 =	sadd.s32 $0x1, s22  }
0x15: {  	p0 =	sne.s32 s22, s12  }
.Ltmp1:
0x16: {  	[bflag:$0x0] =	sbarrier.arrive $0xFFFF;
	(pc) =	sbr.rel @!p0 .LBB2_7-.Ltmp1, $4  }
0x17: {  	[hbm:s11], [sflag:s6] =	dma.local [spmem:s13], $0x1400  }
0x18: {  	_ =	swait.ge [sflag:s14], $0x1400  }
0x19: {  	[sflag:s14] =	ssyncset.done $0x0  }
0x1a: {  	[sflag:s14] =	ssyncadd.s32 $0xFFFFEC00  }
.LBB2_1:
0x1b: {  	[spmem:s13], [sflag:s6] =	dma.local [hbm:s5], $0x1400  }
0x1c: {  	_ =	swait.ge [sflag:s14], $0x1400  }
0x1d: {  	[sflag:s14] =	ssyncset.done $0x0  }
0x1e: {  	[sflag:s14] =	ssyncadd.s32 $0xFFFFEC00  }
0x1f: {  	[tilespmem:s3], [sflag:$0x3] =	stream.linear.gather [hbm4b:s8+s3], $0x5000, $0x38;
	[tilespmem:$0x1C100] =	vst v63  }
0x20: {  	_ =	swait.ge [sflag:s14], $0x5000  }
0x21: {  	[sflag:s14] =	ssyncset.done $0x0  }
0x22: {  	s23 =	simm.s32 $0x5000;
	[sflag:s14] =	ssyncadd.s32 $0xFFFFB000  }
0x23: {  	[tilespmem:s23], [sflag:$0x3] =	stream.linear.gather [hbm4b:s9+s3], $0x5000, $0x38;
	[tilespmem:$0x1C100] =	vst v63  }
0x24: {  	_ =	swait.ge [sflag:s14], $0x5000  }
0x25: {  	[sflag:s14] =	ssyncset.done $0x0  }
0x26: {  	[sflag:s14] =	ssyncadd.s32 $0xFFFFB000  }
0x27: {  	[tilespmem:s15], [sflag:$0x3] =	stream.linear.gather [hbm4b:s7+s3], $0x80, $0x38;
	[tilespmem:$0x1C100] =	vst v63  }
0x28: {  	_ =	swait.ge [sflag:s14], $0x80  }
0x29: {  	[sflag:s14] =	ssyncset.done $0x0  }
0x2a: {  	[sflag:s14] =	ssyncadd.s32 $0xFFFFFF80  }
0x2b: {  	[tilespmem:s16], [sflag:$0x3] =	stream.linear.gather [hbm4b:s10+s3], $0x80, $0x38;
	[tilespmem:$0x1C100] =	vst v63  }
0x2c: {  	_ =	swait.ge [sflag:s14], $0x80  }
0x2d: {  	[sflag:s14] =	ssyncset.done $0x0  }
0x2e: {  	[sflag:s14] =	ssyncadd.s32 $0xFFFFFF80  }
0x2f: {  	[bflag:$0x0] =	sbarrier.arrive $0xFFFF  }
0x30: {  	v0 =	vld [tilespmem:$0xA000];
	_ =	sdelay $0x4  }
0x31: {  	v0 =	vxor.u32 $0x80000000, v0  }
0x32: {  	(xrf0) =	vmax.scan.msk.u32 $0xffff, v0;
	_ =	sdelay $0x1  }
0x33: {  	v1 =	vld [tilespmem:$0xA080];
	_ =	sdelay $0x3  }
0x34: {  	v62, _, _ =	vpop (xrf0)  }
0x35: {  	v61 =	vxor.u32 $0x80000000, v1;
	(v2sf) =	vpush v62, $0xF  }
0x36: {  	(xrf0) =	vmax.scan.msk.u32 $0xffff, v61;
	_ =	sdelay $0x5  }
0x37: {  	v63, _, _ =	vpop (xrf0)  }
0x38: {  	(v2sf) =	vpush v63, $0xF;
	_ =	sdelay $0x6  }
0x39: {  	s24 =	spop (v2sf)  }
0x3a: {  	s24 =	sadd.s32 $0x8000007F, s24  }
0x3b: {  	s25 =	sshra.s32 s24, $0x7  }
0x3c: {  	p0 =	sgt.s32 s25, $0x0  }
.Ltmp2:
0x3d: {  	_ = 	snop;
	(pc) =	sbr.rel @!p0 .LBB2_2-.Ltmp2, $2  }
0x3e: {  	_ =	sdelay $0x2  }
0x3f: {  	s24 =	spop (v2sf)  }
0x40: {  	[tilespmem:s18], [sflag:$0x1] =	stream.indirect.gather [hbm4b:s4+s17], $0x80, s3, s17, $0xb8;
	[tilespmem:$0x1C100] =	vst v63  }
0x41: {  	p0 =	seq.s32 s25, $0x1;
	_ =	swait.ge [sflag:s19], $0x4000  }
.Ltmp3:
0x42: {  	[sflag:s19] =	ssyncset.done $0x0;
	(pc) =	sbr.rel @p0 .LBB2_10-.Ltmp3, $4  }
0x43: {  	[sflag:s19] =	ssyncadd.s32 $0xFFFFC000  }
0x44: {  	[spmem:s2] =	stream.indirect.scatter.add.f32 [tilespmem:s18], [sflag:$0x3], $0x80, s23, s17, $0xb8;
	[tilespmem:$0x1C100] =	vst v63  }
0x45: {  	_ =	swait.ge [sflag:s14], $0x4000  }
0x46: {  	s25 =	sadd.s32 $0xFFFFFFFF, s25;
	s26 =	simm.s32 $0x0;
	[sflag:s14] =	ssyncset.done $0x0  }
.LBB2_9:
0x47: {  	[sflag:s14] =	ssyncadd.s32 $0xFFFFC000;
	s26 =	sadd.s32 $0x80, s26;
	s23 =	sadd.s32 $0x80, s23  }
0x48: {  	[tilespmem:s18], [sflag:$0x1] =	stream.indirect.gather [hbm4b:s4+s17], $0x80, s26, s17, $0xb8;
	[tilespmem:$0x1C100] =	vst v63  }
0x49: {  	p0 =	seq.s32 s25, $0x1;
	s25 =	sadd.s32 $0xFFFFFFFF, s25;
	_ =	swait.ge [sflag:s19], $0x4000  }
.Ltmp4:
0x4a: {  	[sflag:s19] =	ssyncset.done $0x0;
	(pc) =	sbr.rel @!p0 .LBB2_9-.Ltmp4, $4  }
0x4b: {  	[sflag:s19] =	ssyncadd.s32 $0xFFFFC000  }
0x4c: {  	[spmem:s2] =	stream.indirect.scatter.add.f32 [tilespmem:s18], [sflag:$0x3], $0x80, s23, s17, $0xb8;
	[tilespmem:$0x1C100] =	vst v63  }
0x4d: {  	_ =	swait.ge [sflag:s14], $0x4000  }
0x4e: {  	[sflag:s14] =	ssyncset.done $0x0  }
.LBB2_10:
0x4f: {  	[sflag:s14] =	ssyncadd.s32 $0xFFFFC000  }
.LBB2_2:
0x50: {  	s23 =	sadd.s32 $0x8000007F, s24  }
0x51: {  	s25 =	sshra.s32 s23, $0x7  }
0x52: {  	p0 =	sgt.s32 s25, $0x0  }
.Ltmp5:
0x53: {  	_ = 	snop;
	(pc) =	sbr.rel @!p0 .LBB2_6-.Ltmp5, $1  }
0x54: {  	_ =	sdelay $0x3  }
0x55: {  	s24 =	simm.s32 $0x2800  }
0x56: {  	[tilespmem:s20], [sflag:$0x2] =	stream.indirect.gather [hbm4b:s4+s17], $0x80, s24, s17, $0xb8;
	[tilespmem:$0x1C100] =	vst v63  }
0x57: {  	p0 =	sne.s32 s25, $0x1;
	_ =	swait.ge [sflag:s21], $0x4000  }
.Ltmp6:
0x58: {  	[sflag:s21] =	ssyncset.done $0x0;
	(pc) =	sbr.rel @!p0 .LBB2_5-.Ltmp6, $4  }
0x59: {  	s23 =	simm.s32 $0x7800;
	[sflag:s21] =	ssyncadd.s32 $0xFFFFC000  }
0x5a: {  	[spmem:s2] =	stream.indirect.scatter.add.f32 [tilespmem:s20], [sflag:$0x3], $0x80, s23, s17, $0xb8;
	[tilespmem:$0x1C100] =	vst v63  }
0x5b: {  	_ =	swait.ge [sflag:s14], $0x4000  }
0x5c: {  	s25 =	sadd.s32 $0xFFFFFFFF, s25;
	[sflag:s14] =	ssyncset.done $0x0  }
.LBB2_4:
0x5d: {  	[sflag:s14] =	ssyncadd.s32 $0xFFFFC000;
	s23 =	sadd.s32 $0x80, s23;
	s24 =	sadd.s32 $0x80, s24  }
0x5e: {  	[tilespmem:s20], [sflag:$0x2] =	stream.indirect.gather [hbm4b:s4+s17], $0x80, s24, s17, $0xb8;
	[tilespmem:$0x1C100] =	vst v63  }
0x5f: {  	p0 =	sne.s32 s25, $0x1;
	s25 =	sadd.s32 $0xFFFFFFFF, s25;
	_ =	swait.ge [sflag:s21], $0x4000  }
.Ltmp7:
0x60: {  	[sflag:s21] =	ssyncset.done $0x0;
	(pc) =	sbr.rel @p0 .LBB2_4-.Ltmp7, $4  }
0x61: {  	[sflag:s21] =	ssyncadd.s32 $0xFFFFC000  }
0x62: {  	[spmem:s2] =	stream.indirect.scatter.add.f32 [tilespmem:s20], [sflag:$0x3], $0x80, s23, s17, $0xb8;
	[tilespmem:$0x1C100] =	vst v63  }
0x63: {  	_ =	swait.ge [sflag:s14], $0x4000  }
0x64: {  	[sflag:s14] =	ssyncset.done $0x0  }
.Ltmp8:
0x65: {  	_ = 	snop;
	(pc) =	sbr.rel .LBB2_5-.Ltmp8, $1  }
0x66: {  	_ =	sdelay $0x3  }
.LBB2_7:
0x67: {  	_ =	sfence.sel $0x180000  }
0x68: {  	[bflag:$0x0] =	sbarrier.arrive $0xFFFF  }
0x69: {  	p0 =	sne.s32 s0, $0x0;
	_ =	strace $0x90000056  }
0x6a: {  	s0 =	sadd.s32 @!p0 $0x100000, s1;
	[bflag:$0x2] =	sbarrier.arrive $0xFFFF  }
0x6b: {  	[sflag:s0] =	ssyncadd.tile.s32 @!p0 $0x1;
	_ =	shalt  }
.Lfunc_end2:
_tile_overlayer_lowered:
.L_overlay_start_2:
0x6c: {  	(tag) =	ssettag $0x2  }
0x6d: {  	s0 =	rddreg [dreg:$0x0];
	s2 =	stileid.u32  }
0x6e: {  	s1 =	rddreg [dreg:$0x1];
	p0 =	sne.s32 s2, $0x0  }
0x6f: {  	s3 =	rddreg [dreg:$0x2];
	[bflag:$0x3] =	sbarrier.arrive $0xFFFF;
	s2 =	simm.s32 @!p0 $0x1C03  }
0x70: {  	[timem:s3], [sflag:s2] =	dma.local @!p0 [hbm:s0], s1  }
0x71: {  	s0 =	simm.s32 @!p0 $0x3  }
0x72: {  	_ =	swait.ge @!p0 [sflag:s0], s1  }
0x73: {  	s1 =	ssub.s32 @!p0 $0x0, s1;
	[sflag:s0] =	ssyncset.done @!p0 $0x0  }
0x74: {  	[sflag:s0] =	ssyncadd.s32 @!p0 s1  }
0x75: {  	[bflag:$0x3] =	sbarrier.arrive $0xFFFF  }
0x76: {  	_ =	shalt  }

// kernel: kernel.28.cloned.1.call-start
scs
__scs_entry_jumppad:
0x0: {  	(pc) =	sbr.rel $0x88, $3  }
0x1: {  	(tag) =	ssettag $0x0;
	lr =	simm.s32 $0x1  }
0x2: {  	[smem:$0x3F98] =	sst lr;
	_ =	strace $0xD0000000  }
0x3: {  	_ = 	snop  }
0x4: {  	_ = 	snop  }
0x5: {  	_ = 	snop  }
0x6: {  	_ = 	snop  }
0x7: {  	_ = 	snop  }
__scs_overlays_trampoline_lowered:
0x8: {  	[smem:$0x3FA7] =	sst s0  }
0x9: {  	[smem:$0x3FA8] =	sst s1  }
0xa: {  	[smem:$0x3FA9] =	sst s2  }
0xb: {  	[smem:$0x3FAA] =	sst s3  }
0xc: {  	[smem:$0x3FAB] =	sst s4  }
0xd: {  	[smem:$0x3FAC] =	sst s5  }
0xe: {  	[smem:$0x3FAD] =	sst s6  }
0xf: {  	[smem:$0x3FAE] =	sst s7  }
0x10: {  	[smem:$0x3FAF] =	sst s8  }
0x11: {  	[smem:$0x3FB0] =	sst s9;
	s0 =	simm.s32 @!p0 $0x0  }
0x12: {  	s1 =	sld [smem:$0x3F96];
	s0 =	simm.s32 @p0 $0x1  }
0x13: {  	[smem:$0x3FB1] =	sst s0;
	s0 =	simm.s32 @!p1 $0x0  }
0x14: {  	s2 =	sld [smem:$0x3F95];
	s0 =	simm.s32 @p1 $0x1  }
0x15: {  	[smem:$0x3FB2] =	sst s0;
	s0 =	simm.s32 @!p2 $0x0  }
0x16: {  	s3 =	sld [smem:$0x3FDB];
	s0 =	simm.s32 @p2 $0x1  }
0x17: {  	s4 =	simm.s32 $0x1BF5;
	[smem:$0x3FB4] =	sst s0  }
0x18: {  	s0 =	sld [smem:$0x3F97];
	_ =	swait.ge [sflag:s4], $0x0  }
0x19: {  	s7 =	sld [smem:$0x3F98]  }
0x1a: {  	s8 =	sadd.s32 $0xFFFFE003, lr  }
0x1b: {  	s9 =	sadd.s32 $0xFFFFFEF7, lr;
	s5 =	simm.s32 $0xFFFFFFFF;
	p2 =	slt.u32 s8, $0xFFFFF086  }
0x1c: {  	p1 =	slt.u32 s9, $0xF7A;
	s5 =	simm.s32 @!p2 $0x0  }
0x1d: {  	s5 =	simm.s32 @p1 $0x1;
	p0 =	seq.s32 s7, s2  }
0x1e: {  	s7 =	smul.u32 @!p0 $0xF7A, s2;
	p2 =	seq.s32 @!p0 s5, $0x0  }
0x1f: {  	s9 =	smul.u32 $0xF7A, s1;
	s8 =	simm.s32 @!p0 $0x1BF5;
	p2 =	por !p2, p0  }
0x20: {  	[sflag:s8] =	ssyncset.s32 @!p0 $0xFFFFF086;
	s6 =	sadd.s32 @!p0 s3, s7;
	s7 =	simm.s32 @!p0 $0x108  }
0x21: {  	s3 =	sadd.s32 s3, s9;
	s6 =	sadd.s32 @!p0 $0x88, s6;
	s7 =	simm.s32 @p2 $0x1082  }
0x22: {  	[simem:s7], [sflag:s8] =	dma.local @!p0 [hbm:s6], $0xF7A  }
0x23: {  	s9 =	sor.u32 $0xD0000000, s2;
	s6 =	simm.s32 $0x108;
	_ =	swait.ge @!p0 [sflag:s8], $0x0  }
0x24: {  	s3 =	sadd.s32 $0x88, s3;
	s6 =	simm.s32 @!p1 $0x1082;
	[sflag:s4] =	ssyncset.s32 $0xFFFFF086  }
0x25: {  	[simem:s6], [sflag:s4] =	dma.local [hbm:s3], $0xF7A  }
0x26: {  	[smem:$0x3F98] =	sst s1;
	(tag) =	ssettag s2;
	_ =	strace s9  }
0x27: {  	s1 =	sld [smem:$0x3FA8]  }
0x28: {  	s2 =	sld [smem:$0x3FA9]  }
0x29: {  	s4 =	sld [smem:$0x3FAB]  }
0x2a: {  	p0 =	seq.s32 s5, $0x0;
	s5 =	sld [smem:$0x3FAC]  }
0x2b: {  	s6 =	sld [smem:$0x3FAD]  }
0x2c: {  	s7 =	sld [smem:$0x3FAE]  }
0x2d: {  	s3 =	simm.s32 $0x108;
	s8 =	sld [smem:$0x3FAF]  }
0x2e: {  	s3 =	simm.s32 @!p0 $0x1082;
	s9 =	sld [smem:$0x3FB0]  }
0x2f: {  	lr =	sadd.s32 s0, s3;
	s0 =	sld [smem:$0x3FA7]  }
0x30: {  	s3 =	sld [smem:$0x3FAA]  }
0x31: {  	[smem:$0x3FB3] =	sst s10  }
0x32: {  	s10 =	sld [smem:$0x3FB1];
	_ =	sdelay $0x3  }
0x33: {  	p0 =	seq.s32 s10, $0x1;
	s10 =	sld [smem:$0x3FB3];
	_ =	sdelay $0x3  }
0x34: {  	[smem:$0x3FB3] =	sst s10  }
0x35: {  	s10 =	sld [smem:$0x3FB2];
	_ =	sdelay $0x3  }
0x36: {  	p1 =	seq.s32 s10, $0x1;
	s10 =	sld [smem:$0x3FB3];
	_ =	sdelay $0x3  }
0x37: {  	[smem:$0x3FB3] =	sst s10  }
0x38: {  	s10 =	sld [smem:$0x3FB4]  }
0x39: {  	_ = 	snop;
	(pc) =	sbr.ind lr, $3  }
0x3a: {  	_ = 	snop  }
0x3b: {  	_ = 	snop  }
0x3c: {  	p2 =	seq.s32 s10, $0x1;
	s10 =	sld [smem:$0x3FB3]  }
0x3d: {  	_ =	shalt  }
0x3e: {  	_ =	shalt  }
0x3f: {  	_ =	shalt  }
0x40: {  	_ =	shalt  }
0x41: {  	_ =	shalt  }
0x42: {  	_ =	shalt  }
0x43: {  	_ =	shalt  }
0x44: {  	_ =	shalt  }
0x45: {  	_ =	shalt  }
0x46: {  	_ =	shalt  }
0x47: {  	_ =	shalt  }
0x48: {  	_ =	shalt  }
0x49: {  	_ =	shalt  }
0x4a: {  	_ =	shalt  }
0x4b: {  	_ =	shalt  }
0x4c: {  	_ =	shalt  }
0x4d: {  	_ =	shalt  }
0x4e: {  	_ =	shalt  }
0x4f: {  	_ =	shalt  }
0x50: {  	_ =	shalt  }
0x51: {  	_ =	shalt  }
0x52: {  	_ =	shalt  }
0x53: {  	_ =	shalt  }
0x54: {  	_ =	shalt  }
0x55: {  	_ =	shalt  }
0x56: {  	_ =	shalt  }
0x57: {  	_ =	shalt  }
0x58: {  	_ =	shalt  }
0x59: {  	_ =	shalt  }
0x5a: {  	_ =	shalt  }
0x5b: {  	_ =	shalt  }
0x5c: {  	_ =	shalt  }
0x5d: {  	_ =	shalt  }
0x5e: {  	_ =	shalt  }
0x5f: {  	_ =	shalt  }
0x60: {  	_ =	shalt  }
0x61: {  	_ =	shalt  }
0x62: {  	_ =	shalt  }
0x63: {  	_ =	shalt  }
0x64: {  	_ =	shalt  }
0x65: {  	_ =	shalt  }
0x66: {  	_ =	shalt  }
0x67: {  	_ =	shalt  }
0x68: {  	_ =	shalt  }
0x69: {  	_ =	shalt  }
0x6a: {  	_ =	shalt  }
0x6b: {  	_ =	shalt  }
0x6c: {  	_ =	shalt  }
0x6d: {  	_ =	shalt  }
0x6e: {  	_ =	shalt  }
0x6f: {  	_ =	shalt  }
0x70: {  	_ =	shalt  }
0x71: {  	_ =	shalt  }
0x72: {  	_ =	shalt  }
0x73: {  	_ =	shalt  }
0x74: {  	_ =	shalt  }
0x75: {  	_ =	shalt  }
0x76: {  	_ =	shalt  }
0x77: {  	_ =	shalt  }
0x78: {  	_ =	shalt  }
0x79: {  	_ =	shalt  }
0x7a: {  	_ =	shalt  }
0x7b: {  	_ =	shalt  }
0x7c: {  	_ =	shalt  }
0x7d: {  	_ =	shalt  }
0x7e: {  	_ =	shalt  }
0x7f: {  	_ =	shalt  }
0x80: {  	_ =	shalt  }
0x81: {  	_ =	shalt  }
0x82: {  	_ =	shalt  }
0x83: {  	_ =	shalt  }
0x84: {  	_ =	shalt  }
0x85: {  	_ =	shalt  }
0x86: {  	_ =	shalt  }
0x87: {  	_ =	shalt  }
.Lfunc_end0:
.L_simem_size_0:
called_computation.5_lowered:
.L_overlay_start_0:
0x88: {  	s2 =	sld [smem:$0x3FD9]  }
0x89: {  	s3 =	sld [smem:$0x3FFE];
	_ =	sdelay $0x1  }
0x8a: {  	s1 =	srdreg.scid  }
0x8b: {  	s0 =	sand.u32 $0x1, s1  }
0x8c: {  	s17 =	sshll.u32 s0, $0xA;
	s2 =	sadd.s32 s3, s2  }
0x8d: {  	s2 =	sadd.s32 s2, s17  }
0x8e: {  	[smem:$0x3FBF] =	sst s2  }
0x8f: {  	_ = 	snop  }
0x90: {  	s2 =	sld [smem:$0x3FD0];
	(tm) =	ssettm $0x1  }
0x91: {  	s18 =	sld [smem:$0x3FFB];
	_ =	sdelay $0x3  }
0x92: {  	_ =	strace s18  }
0x93: {  	s3 =	sld [smem:$0x3FFC];
	_ =	sdelay $0x3  }
0x94: {  	_ =	strace s3  }
0x95: {  	s3 =	sld [smem:$0x3FFD];
	_ =	sdelay $0x3  }
0x96: {  	_ =	strace s3  }
0x97: {  	_ =	strace $0x8FFFFFFF  }
0x98: {  	s19 =	sld [smem:$0x3FDB];
	_ =	sdelay $0x1  }
0x99: {  	s4 =	simm.s32 $_scs_section_size  }
0x9a: {  	s5 =	simm.s32 $_size__tile_overlayer_lowered;
	s6 =	simm.s32 $_tile_overlayer_lowered  }
0x9b: {  	s22 =	simm.s32 $0x1BFF;
	s21 =	sshll.u32 s6, $0x1;
	s3 =	sadd.s32 s4, s19  }
0x9c: {  	s7 =	simm.s32 $0x0;
	s20 =	sshll.u32 s5, $0x1;
	s5 =	sadd.s32 s21, s3  }
0x9d: {  	[timem:s7], [sflag:s22] =	dma.local [hbm:s5], s20  }
0x9e: {  	_ =	swait.ge [sflag:s22], s20  }
0x9f: {  	s4 =	ssub.s32 $0x0, s20;
	[sflag:s22] =	ssyncset.done $0x0  }
0xa0: {  	[sflag:s22] =	ssyncadd.s32 s4;
	_ =	sdelay $0x1  }
0xa1: {  	s23 =	simm.s32 $0x1B8B  }
0xa2: {  	_ =	swait.ge [sflag:s23], $0x1  }
0xa3: {  	[sflag:s23] =	ssyncset.done $0x0  }
0xa4: {  	s25 =	simm.s32 $0x1B8E;
	s24 =	sld [smem:$0x3FFE];
	[sflag:s23] =	ssyncadd.s32 $0xFFFFFFFF  }
0xa5: {  	s26 =	simm.s32 $execute0_lowered;
	[smem:$0x3FD2] =	sst s25  }
0xa6: {  	s5 =	sshll.u32 s26, $0x1;
	_ =	strace $0x80000052;
	[dreg:$0x1] =	wrdreg $0xFFFFFFFF  }
0xa7: {  	s28 =	simm.s32 $_size_execute0_lowered;
	s3 =	sadd.s32 s3, s5;
	[dreg:$0x0] =	wrdreg $0x0  }
0xa8: {  	s5 =	sshll.u32 s28, $0x1;
	[dreg:$0x2] =	wrdreg s3  }
0xa9: {  	[dreg:$0x3] =	wrdreg s5  }
0xaa: {  	[dreg:$0x4] =	wrdreg $0xC0  }
0xab: {  	_ =	task [dreg:s7], $0x5FFFF  }
0xac: {  	[dreg:$0x1] =	wrdreg $0xFFFFFFFF  }
0xad: {  	[dreg:$0x0] =	wrdreg $0x60  }
0xae: {  	[dreg:$0x2] =	wrdreg s24  }
0xaf: {  	[dreg:$0x3] =	wrdreg s2  }
0xb0: {  	[dreg:$0x4] =	wrdreg $0x121000  }
0xb1: {  	[dreg:$0x5] =	wrdreg $0xA  }
0xb2: {  	_ =	task.clear_ibuf [dreg:s7], $0x6FFFF;
	_ =	strace $0x90000052  }
0xb3: {  	s29 =	simm.s32 $0xA;
	_ =	strace $0x80000054  }
0xb4: {  	_ =	swait.ge [sflag:s29], $0x1  }
0xb5: {  	[sflag:s29] =	ssyncadd.s32 $0xFFFFFFFF  }
0xb6: {  	_ =	strace $0x90000054  }
0xb7: {  	_ =	sfence  }
0xb8: {  	s30 =	sld [smem:$0x0];
	_ =	sdelay $0x2  }
0xb9: {  	s31 =	sshll.u32 s1, $0xD;
	s1 =	sshrl.u32 s1, $0x2  }
0xba: {  	s3 =	sand.u32 $0x4000, s31;
	s1 =	sadd.s32 s1, s30  }
0xbb: {  	s0 =	sor.u32 s3, s0;
	s1 =	sshll.u32 s1, $0x11  }
0xbc: {  	s0 =	sor.u32 s1, s0  }
0xbd: {  	s0 =	sadd.s32 $0x8F2B, s0  }
0xbe: {  	[sflag:s0] =	ssyncadd.remote.s32 $0x1  }
0xbf: {  	_ =	sfence.sel $0xFFFF  }
0xc0: {  	[dreg:$0x0] =	wrdreg $0xFFFFFFFF;
	(pc) =	sbr.abs _section_cstart, $3  }
0xc1: {  	[dreg:$0x1] =	wrdreg $0xFFFFFFFF  }
0xc2: {  	_ =	task.clear_ibuf [dreg:s7], $0x2FFFF;
	_ =	strace $0x9FFFFFFF  }
0xc3: {  	(tm) =	ssettm $0x7FFFFFFF  }
tec
execute0_lowered:
.L_overlay_start_1:
0x0: {  	(tag) =	ssettag $0x1  }
0x1: {  	s5 =	rddreg [dreg:$0x0]  }
0x2: {  	s7 =	rddreg [dreg:$0x1]  }
0x3: {  	s0 =	srdreg.scid;
	s2 =	rddreg [dreg:$0x2]  }
0x4: {  	s1 =	rddreg [dreg:$0x3];
	s3 =	simm.s32 $0x0;
	s16 =	simm.s32 $0xA080  }
0x5: {  	s17 =	simm.s32 $0x80;
	s18 =	simm.s32 $0xA100;
	s6 =	sand.u32 $0x1, s0  }
0x6: {  	s19 =	simm.s32 $0x1;
	s0 =	stileid.u32;
	s4 =	smul.u32 $0xA00, s6  }
0x7: {  	s20 =	simm.s32 $0xE100;
	s21 =	simm.s32 $0x2;
	s8 =	smul.u32 $0xA0, s0  }
0x8: {  	s22 =	simm.s32 $0x0;
	[smem:$0x7FF] =	sst s3;
	s26 =	smul.u32 $0x1400, s0  }
0x9: {  	s10 =	smul.u32 $0x14000, s6;
	_ =	strace $0x80000053;
	s11 =	ssub.s32 $0x2, s6  }
0xa: {  	s12 =	smul.u32 $0x28000, s0;
	s30 =	sshll.u32 s0, $0x6;
	s6 =	sshll.u32 s6, $0x4  }
0xb: {  	s28 =	sshrl.u32 s11, $0x1;
	s31 =	sor.u32 s6, s30;
	s6 =	sor.u32 $0x1C03, s30  }
0xc: {  	s4 =	sadd.s32 s8, s4;
	s10 =	sadd.s32 s26, s10;
	s8 =	sadd.s32 s26, s5  }
0xd: {  	s29 =	sshrl.u32 s12, $0x2;
	s14 =	ssub.s32 s11, s28;
	s7 =	sadd.s32 s7, s31  }
.Ltmp0:
0xe: {  	s9 =	sshll.u32 s4, $0x4;
	s4 =	sadd.s32 $0xA2400, s5;
	(pc) =	sbr.rel .LBB2_1-.Ltmp0, $4  }
0xf: {  	s13 =	sadd.s32 s10, s5;
	s15 =	sadd.s32 s29, s2;
	s10 =	sadd.s32 $0x20, s7  }
0x10: {  	s12 =	smax.u32 s14, $0x1;
	s14 =	simm.s32 $0x3;
	s9 =	sadd.s32 s9, s5  }
0x11: {  	s5 =	sadd.s32 $0x4400, s8;
	s11 =	sadd.s32 $0x54200, s13;
	s13 =	sshrl.u32 s15, $0x3  }
0x12: {  	s15 =	simm.s32 $0xA000;
	s8 =	sadd.s32 $0x2C200, s9;
	s9 =	sadd.s32 $0x40200, s9  }
.LBB2_5:
0x13: {  	[sflag:s14] =	ssyncadd.s32 $0xFFFFC000  }
.LBB2_6:
0x14: {  	s22 =	sadd.s32 $0x1, s22  }
0x15: {  	p0 =	sne.s32 s22, s12  }
.Ltmp1:
0x16: {  	[bflag:$0x0] =	sbarrier.arrive $0xFFFF;
	(pc) =	sbr.rel @!p0 .LBB2_7-.Ltmp1, $4  }
0x17: {  	[hbm:s11], [sflag:s6] =	dma.local [spmem:s13], $0x1400  }
0x18: {  	_ =	swait.ge [sflag:s14], $0x1400  }
0x19: {  	[sflag:s14] =	ssyncset.done $0x0  }
0x1a: {  	[sflag:s14] =	ssyncadd.s32 $0xFFFFEC00  }
.LBB2_1:
0x1b: {  	[spmem:s13], [sflag:s6] =	dma.local [hbm:s5], $0x1400  }
0x1c: {  	_ =	swait.ge [sflag:s14], $0x1400  }
0x1d: {  	[sflag:s14] =	ssyncset.done $0x0  }
0x1e: {  	[sflag:s14] =	ssyncadd.s32 $0xFFFFEC00  }
0x1f: {  	[tilespmem:s3], [sflag:$0x3] =	stream.linear.gather [hbm4b:s8+s3], $0x5000, $0x38;
	[tilespmem:$0x1C100] =	vst v63  }
0x20: {  	_ =	swait.ge [sflag:s14], $0x5000  }
0x21: {  	[sflag:s14] =	ssyncset.done $0x0  }
0x22: {  	s23 =	simm.s32 $0x5000;
	[sflag:s14] =	ssyncadd.s32 $0xFFFFB000  }
0x23: {  	[tilespmem:s23], [sflag:$0x3] =	stream.linear.gather [hbm4b:s9+s3], $0x5000, $0x38;
	[tilespmem:$0x1C100] =	vst v63  }
0x24: {  	_ =	swait.ge [sflag:s14], $0x5000  }
0x25: {  	[sflag:s14] =	ssyncset.done $0x0  }
0x26: {  	[sflag:s14] =	ssyncadd.s32 $0xFFFFB000  }
0x27: {  	[tilespmem:s15], [sflag:$0x3] =	stream.linear.gather [hbm4b:s7+s3], $0x80, $0x38;
	[tilespmem:$0x1C100] =	vst v63  }
0x28: {  	_ =	swait.ge [sflag:s14], $0x80  }
0x29: {  	[sflag:s14] =	ssyncset.done $0x0  }
0x2a: {  	[sflag:s14] =	ssyncadd.s32 $0xFFFFFF80  }
0x2b: {  	[tilespmem:s16], [sflag:$0x3] =	stream.linear.gather [hbm4b:s10+s3], $0x80, $0x38;
	[tilespmem:$0x1C100] =	vst v63  }
0x2c: {  	_ =	swait.ge [sflag:s14], $0x80  }
0x2d: {  	[sflag:s14] =	ssyncset.done $0x0  }
0x2e: {  	[sflag:s14] =	ssyncadd.s32 $0xFFFFFF80  }
0x2f: {  	[bflag:$0x0] =	sbarrier.arrive $0xFFFF  }
0x30: {  	v0 =	vld [tilespmem:$0xA000];
	_ =	sdelay $0x4  }
0x31: {  	v0 =	vxor.u32 $0x80000000, v0  }
0x32: {  	(xrf0) =	vmax.scan.msk.u32 $0xffff, v0;
	_ =	sdelay $0x1  }
0x33: {  	v1 =	vld [tilespmem:$0xA080];
	_ =	sdelay $0x3  }
0x34: {  	v62, _, _ =	vpop (xrf0)  }
0x35: {  	v61 =	vxor.u32 $0x80000000, v1;
	(v2sf) =	vpush v62, $0xF  }
0x36: {  	(xrf0) =	vmax.scan.msk.u32 $0xffff, v61;
	_ =	sdelay $0x5  }
0x37: {  	v63, _, _ =	vpop (xrf0)  }
0x38: {  	(v2sf) =	vpush v63, $0xF;
	_ =	sdelay $0x6  }
0x39: {  	s24 =	spop (v2sf)  }
0x3a: {  	s24 =	sadd.s32 $0x8000007F, s24  }
0x3b: {  	s25 =	sshra.s32 s24, $0x7  }
0x3c: {  	p0 =	sgt.s32 s25, $0x0  }
.Ltmp2:
0x3d: {  	_ = 	snop;
	(pc) =	sbr.rel @!p0 .LBB2_2-.Ltmp2, $2  }
0x3e: {  	_ =	sdelay $0x2  }
0x3f: {  	s24 =	spop (v2sf)  }
0x40: {  	[tilespmem:s18], [sflag:$0x1] =	stream.indirect.gather [hbm4b:s4+s17], $0x80, s3, s17, $0xb8;
	[tilespmem:$0x1C100] =	vst v63  }
0x41: {  	p0 =	seq.s32 s25, $0x1;
	_ =	swait.ge [sflag:s19], $0x4000  }
.Ltmp3:
0x42: {  	[sflag:s19] =	ssyncset.done $0x0;
	(pc) =	sbr.rel @p0 .LBB2_10-.Ltmp3, $4  }
0x43: {  	[sflag:s19] =	ssyncadd.s32 $0xFFFFC000  }
0x44: {  	[spmem:s2] =	stream.indirect.scatter.add.f32 [tilespmem:s18], [sflag:$0x3], $0x80, s23, s17, $0xb8;
	[tilespmem:$0x1C100] =	vst v63  }
0x45: {  	_ =	swait.ge [sflag:s14], $0x4000  }
0x46: {  	s25 =	sadd.s32 $0xFFFFFFFF, s25;
	s26 =	simm.s32 $0x0;
	[sflag:s14] =	ssyncset.done $0x0  }
.LBB2_9:
0x47: {  	[sflag:s14] =	ssyncadd.s32 $0xFFFFC000;
	s26 =	sadd.s32 $0x80, s26;
	s23 =	sadd.s32 $0x80, s23  }
0x48: {  	[tilespmem:s18], [sflag:$0x1] =	stream.indirect.gather [hbm4b:s4+s17], $0x80, s26, s17, $0xb8;
	[tilespmem:$0x1C100] =	vst v63  }
0x49: {  	p0 =	seq.s32 s25, $0x1;
	s25 =	sadd.s32 $0xFFFFFFFF, s25;
	_ =	swait.ge [sflag:s19], $0x4000  }
.Ltmp4:
0x4a: {  	[sflag:s19] =	ssyncset.done $0x0;
	(pc) =	sbr.rel @!p0 .LBB2_9-.Ltmp4, $4  }
0x4b: {  	[sflag:s19] =	ssyncadd.s32 $0xFFFFC000  }
0x4c: {  	[spmem:s2] =	stream.indirect.scatter.add.f32 [tilespmem:s18], [sflag:$0x3], $0x80, s23, s17, $0xb8;
	[tilespmem:$0x1C100] =	vst v63  }
0x4d: {  	_ =	swait.ge [sflag:s14], $0x4000  }
0x4e: {  	[sflag:s14] =	ssyncset.done $0x0  }
.LBB2_10:
0x4f: {  	[sflag:s14] =	ssyncadd.s32 $0xFFFFC000  }
.LBB2_2:
0x50: {  	s23 =	sadd.s32 $0x8000007F, s24  }
0x51: {  	s25 =	sshra.s32 s23, $0x7  }
0x52: {  	p0 =	sgt.s32 s25, $0x0  }
.Ltmp5:
0x53: {  	_ = 	snop;
	(pc) =	sbr.rel @!p0 .LBB2_6-.Ltmp5, $1  }
0x54: {  	_ =	sdelay $0x3  }
0x55: {  	s24 =	simm.s32 $0x2800  }
0x56: {  	[tilespmem:s20], [sflag:$0x2] =	stream.indirect.gather [hbm4b:s4+s17], $0x80, s24, s17, $0xb8;
	[tilespmem:$0x1C100] =	vst v63  }
0x57: {  	p0 =	sne.s32 s25, $0x1;
	_ =	swait.ge [sflag:s21], $0x4000  }
.Ltmp6:
0x58: {  	[sflag:s21] =	ssyncset.done $0x0;
	(pc) =	sbr.rel @!p0 .LBB2_5-.Ltmp6, $4  }
0x59: {  	s23 =	simm.s32 $0x7800;
	[sflag:s21] =	ssyncadd.s32 $0xFFFFC000  }
0x5a: {  	[spmem:s2] =	stream.indirect.scatter.add.f32 [tilespmem:s20], [sflag:$0x3], $0x80, s23, s17, $0xb8;
	[tilespmem:$0x1C100] =	vst v63  }
0x5b: {  	_ =	swait.ge [sflag:s14], $0x4000  }
0x5c: {  	s25 =	sadd.s32 $0xFFFFFFFF, s25;
	[sflag:s14] =	ssyncset.done $0x0  }
.LBB2_4:
0x5d: {  	[sflag:s14] =	ssyncadd.s32 $0xFFFFC000;
	s23 =	sadd.s32 $0x80, s23;
	s24 =	sadd.s32 $0x80, s24  }
0x5e: {  	[tilespmem:s20], [sflag:$0x2] =	stream.indirect.gather [hbm4b:s4+s17], $0x80, s24, s17, $0xb8;
	[tilespmem:$0x1C100] =	vst v63  }
0x5f: {  	p0 =	sne.s32 s25, $0x1;
	s25 =	sadd.s32 $0xFFFFFFFF, s25;
	_ =	swait.ge [sflag:s21], $0x4000  }
.Ltmp7:
0x60: {  	[sflag:s21] =	ssyncset.done $0x0;
	(pc) =	sbr.rel @p0 .LBB2_4-.Ltmp7, $4  }
0x61: {  	[sflag:s21] =	ssyncadd.s32 $0xFFFFC000  }
0x62: {  	[spmem:s2] =	stream.indirect.scatter.add.f32 [tilespmem:s20], [sflag:$0x3], $0x80, s23, s17, $0xb8;
	[tilespmem:$0x1C100] =	vst v63  }
0x63: {  	_ =	swait.ge [sflag:s14], $0x4000  }
0x64: {  	[sflag:s14] =	ssyncset.done $0x0  }
.Ltmp8:
0x65: {  	_ = 	snop;
	(pc) =	sbr.rel .LBB2_5-.Ltmp8, $1  }
0x66: {  	_ =	sdelay $0x3  }
.LBB2_7:
0x67: {  	_ =	sfence.sel $0x180000  }
0x68: {  	[bflag:$0x0] =	sbarrier.arrive $0xFFFF  }
0x69: {  	p0 =	sne.s32 s0, $0x0;
	_ =	strace $0x90000053  }
0x6a: {  	s0 =	sadd.s32 @!p0 $0x100000, s1;
	[bflag:$0x2] =	sbarrier.arrive $0xFFFF  }
0x6b: {  	[sflag:s0] =	ssyncadd.tile.s32 @!p0 $0x1;
	_ =	shalt  }
.Lfunc_end2:
_tile_overlayer_lowered:
.L_overlay_start_2:
0x6c: {  	(tag) =	ssettag $0x2  }
0x6d: {  	s0 =	rddreg [dreg:$0x0];
	s2 =	stileid.u32  }
0x6e: {  	s1 =	rddreg [dreg:$0x1];
	p0 =	sne.s32 s2, $0x0  }
0x6f: {  	s3 =	rddreg [dreg:$0x2];
	[bflag:$0x3] =	sbarrier.arrive $0xFFFF;
	s2 =	simm.s32 @!p0 $0x1C03  }
0x70: {  	[timem:s3], [sflag:s2] =	dma.local @!p0 [hbm:s0], s1  }
0x71: {  	s0 =	simm.s32 @!p0 $0x3  }
0x72: {  	_ =	swait.ge @!p0 [sflag:s0], s1  }
0x73: {  	s1 =	ssub.s32 @!p0 $0x0, s1;
	[sflag:s0] =	ssyncset.done @!p0 $0x0  }
0x74: {  	[sflag:s0] =	ssyncadd.s32 @!p0 s1  }
0x75: {  	[bflag:$0x3] =	sbarrier.arrive $0xFFFF  }
0x76: {  	_ =	shalt  }

// kernel: kernel.31.cloned.1.call-start
scs
__scs_entry_jumppad:
0x0: {  	(pc) =	sbr.rel $0x88, $3  }
0x1: {  	(tag) =	ssettag $0x0;
	lr =	simm.s32 $0x1  }
0x2: {  	[smem:$0x3F98] =	sst lr;
	_ =	strace $0xD0000000  }
0x3: {  	_ = 	snop  }
0x4: {  	_ = 	snop  }
0x5: {  	_ = 	snop  }
0x6: {  	_ = 	snop  }
0x7: {  	_ = 	snop  }
__scs_overlays_trampoline_lowered:
0x8: {  	[smem:$0x3FA7] =	sst s0  }
0x9: {  	[smem:$0x3FA8] =	sst s1  }
0xa: {  	[smem:$0x3FA9] =	sst s2  }
0xb: {  	[smem:$0x3FAA] =	sst s3  }
0xc: {  	[smem:$0x3FAB] =	sst s4  }
0xd: {  	[smem:$0x3FAC] =	sst s5  }
0xe: {  	[smem:$0x3FAD] =	sst s6  }
0xf: {  	[smem:$0x3FAE] =	sst s7  }
0x10: {  	[smem:$0x3FAF] =	sst s8  }
0x11: {  	[smem:$0x3FB0] =	sst s9;
	s0 =	simm.s32 @!p0 $0x0  }
0x12: {  	s1 =	sld [smem:$0x3F96];
	s0 =	simm.s32 @p0 $0x1  }
0x13: {  	[smem:$0x3FB1] =	sst s0;
	s0 =	simm.s32 @!p1 $0x0  }
0x14: {  	s2 =	sld [smem:$0x3F95];
	s0 =	simm.s32 @p1 $0x1  }
0x15: {  	[smem:$0x3FB2] =	sst s0;
	s0 =	simm.s32 @!p2 $0x0  }
0x16: {  	s3 =	sld [smem:$0x3FDB];
	s0 =	simm.s32 @p2 $0x1  }
0x17: {  	s4 =	simm.s32 $0x1BF5;
	[smem:$0x3FB4] =	sst s0  }
0x18: {  	s0 =	sld [smem:$0x3F97];
	_ =	swait.ge [sflag:s4], $0x0  }
0x19: {  	s7 =	sld [smem:$0x3F98]  }
0x1a: {  	s8 =	sadd.s32 $0xFFFFE003, lr  }
0x1b: {  	s9 =	sadd.s32 $0xFFFFFEF7, lr;
	s5 =	simm.s32 $0xFFFFFFFF;
	p2 =	slt.u32 s8, $0xFFFFF086  }
0x1c: {  	p1 =	slt.u32 s9, $0xF7A;
	s5 =	simm.s32 @!p2 $0x0  }
0x1d: {  	s5 =	simm.s32 @p1 $0x1;
	p0 =	seq.s32 s7, s2  }
0x1e: {  	s7 =	smul.u32 @!p0 $0xF7A, s2;
	p2 =	seq.s32 @!p0 s5, $0x0  }
0x1f: {  	s9 =	smul.u32 $0xF7A, s1;
	s8 =	simm.s32 @!p0 $0x1BF5;
	p2 =	por !p2, p0  }
0x20: {  	[sflag:s8] =	ssyncset.s32 @!p0 $0xFFFFF086;
	s6 =	sadd.s32 @!p0 s3, s7;
	s7 =	simm.s32 @!p0 $0x108  }
0x21: {  	s3 =	sadd.s32 s3, s9;
	s6 =	sadd.s32 @!p0 $0x88, s6;
	s7 =	simm.s32 @p2 $0x1082  }
0x22: {  	[simem:s7], [sflag:s8] =	dma.local @!p0 [hbm:s6], $0xF7A  }
0x23: {  	s9 =	sor.u32 $0xD0000000, s2;
	s6 =	simm.s32 $0x108;
	_ =	swait.ge @!p0 [sflag:s8], $0x0  }
0x24: {  	s3 =	sadd.s32 $0x88, s3;
	s6 =	simm.s32 @!p1 $0x1082;
	[sflag:s4] =	ssyncset.s32 $0xFFFFF086  }
0x25: {  	[simem:s6], [sflag:s4] =	dma.local [hbm:s3], $0xF7A  }
0x26: {  	[smem:$0x3F98] =	sst s1;
	(tag) =	ssettag s2;
	_ =	strace s9  }
0x27: {  	s1 =	sld [smem:$0x3FA8]  }
0x28: {  	s2 =	sld [smem:$0x3FA9]  }
0x29: {  	s4 =	sld [smem:$0x3FAB]  }
0x2a: {  	p0 =	seq.s32 s5, $0x0;
	s5 =	sld [smem:$0x3FAC]  }
0x2b: {  	s6 =	sld [smem:$0x3FAD]  }
0x2c: {  	s7 =	sld [smem:$0x3FAE]  }
0x2d: {  	s3 =	simm.s32 $0x108;
	s8 =	sld [smem:$0x3FAF]  }
0x2e: {  	s3 =	simm.s32 @!p0 $0x1082;
	s9 =	sld [smem:$0x3FB0]  }
0x2f: {  	lr =	sadd.s32 s0, s3;
	s0 =	sld [smem:$0x3FA7]  }
0x30: {  	s3 =	sld [smem:$0x3FAA]  }
0x31: {  	[smem:$0x3FB3] =	sst s10  }
0x32: {  	s10 =	sld [smem:$0x3FB1];
	_ =	sdelay $0x3  }
0x33: {  	p0 =	seq.s32 s10, $0x1;
	s10 =	sld [smem:$0x3FB3];
	_ =	sdelay $0x3  }
0x34: {  	[smem:$0x3FB3] =	sst s10  }
0x35: {  	s10 =	sld [smem:$0x3FB2];
	_ =	sdelay $0x3  }
0x36: {  	p1 =	seq.s32 s10, $0x1;
	s10 =	sld [smem:$0x3FB3];
	_ =	sdelay $0x3  }
0x37: {  	[smem:$0x3FB3] =	sst s10  }
0x38: {  	s10 =	sld [smem:$0x3FB4]  }
0x39: {  	_ = 	snop;
	(pc) =	sbr.ind lr, $3  }
0x3a: {  	_ = 	snop  }
0x3b: {  	_ = 	snop  }
0x3c: {  	p2 =	seq.s32 s10, $0x1;
	s10 =	sld [smem:$0x3FB3]  }
0x3d: {  	_ =	shalt  }
0x3e: {  	_ =	shalt  }
0x3f: {  	_ =	shalt  }
0x40: {  	_ =	shalt  }
0x41: {  	_ =	shalt  }
0x42: {  	_ =	shalt  }
0x43: {  	_ =	shalt  }
0x44: {  	_ =	shalt  }
0x45: {  	_ =	shalt  }
0x46: {  	_ =	shalt  }
0x47: {  	_ =	shalt  }
0x48: {  	_ =	shalt  }
0x49: {  	_ =	shalt  }
0x4a: {  	_ =	shalt  }
0x4b: {  	_ =	shalt  }
0x4c: {  	_ =	shalt  }
0x4d: {  	_ =	shalt  }
0x4e: {  	_ =	shalt  }
0x4f: {  	_ =	shalt  }
0x50: {  	_ =	shalt  }
0x51: {  	_ =	shalt  }
0x52: {  	_ =	shalt  }
0x53: {  	_ =	shalt  }
0x54: {  	_ =	shalt  }
0x55: {  	_ =	shalt  }
0x56: {  	_ =	shalt  }
0x57: {  	_ =	shalt  }
0x58: {  	_ =	shalt  }
0x59: {  	_ =	shalt  }
0x5a: {  	_ =	shalt  }
0x5b: {  	_ =	shalt  }
0x5c: {  	_ =	shalt  }
0x5d: {  	_ =	shalt  }
0x5e: {  	_ =	shalt  }
0x5f: {  	_ =	shalt  }
0x60: {  	_ =	shalt  }
0x61: {  	_ =	shalt  }
0x62: {  	_ =	shalt  }
0x63: {  	_ =	shalt  }
0x64: {  	_ =	shalt  }
0x65: {  	_ =	shalt  }
0x66: {  	_ =	shalt  }
0x67: {  	_ =	shalt  }
0x68: {  	_ =	shalt  }
0x69: {  	_ =	shalt  }
0x6a: {  	_ =	shalt  }
0x6b: {  	_ =	shalt  }
0x6c: {  	_ =	shalt  }
0x6d: {  	_ =	shalt  }
0x6e: {  	_ =	shalt  }
0x6f: {  	_ =	shalt  }
0x70: {  	_ =	shalt  }
0x71: {  	_ =	shalt  }
0x72: {  	_ =	shalt  }
0x73: {  	_ =	shalt  }
0x74: {  	_ =	shalt  }
0x75: {  	_ =	shalt  }
0x76: {  	_ =	shalt  }
0x77: {  	_ =	shalt  }
0x78: {  	_ =	shalt  }
0x79: {  	_ =	shalt  }
0x7a: {  	_ =	shalt  }
0x7b: {  	_ =	shalt  }
0x7c: {  	_ =	shalt  }
0x7d: {  	_ =	shalt  }
0x7e: {  	_ =	shalt  }
0x7f: {  	_ =	shalt  }
0x80: {  	_ =	shalt  }
0x81: {  	_ =	shalt  }
0x82: {  	_ =	shalt  }
0x83: {  	_ =	shalt  }
0x84: {  	_ =	shalt  }
0x85: {  	_ =	shalt  }
0x86: {  	_ =	shalt  }
0x87: {  	_ =	shalt  }
.Lfunc_end0:
.L_simem_size_0:
called_computation.6_lowered:
.L_overlay_start_0:
0x88: {  	s2 =	sld [smem:$0x3FD9]  }
0x89: {  	s3 =	sld [smem:$0x3FFE];
	_ =	sdelay $0x1  }
0x8a: {  	s1 =	srdreg.scid  }
0x8b: {  	s0 =	sand.u32 $0x1, s1  }
0x8c: {  	s17 =	sshll.u32 s0, $0xA;
	s2 =	sadd.s32 s3, s2  }
0x8d: {  	s2 =	sadd.s32 s2, s17  }
0x8e: {  	[smem:$0x3FBF] =	sst s2  }
0x8f: {  	_ = 	snop  }
0x90: {  	s2 =	sld [smem:$0x3FD0];
	(tm) =	ssettm $0x1  }
0x91: {  	s18 =	sld [smem:$0x3FFB];
	_ =	sdelay $0x3  }
0x92: {  	_ =	strace s18  }
0x93: {  	s3 =	sld [smem:$0x3FFC];
	_ =	sdelay $0x3  }
0x94: {  	_ =	strace s3  }
0x95: {  	s3 =	sld [smem:$0x3FFD];
	_ =	sdelay $0x3  }
0x96: {  	_ =	strace s3  }
0x97: {  	_ =	strace $0x8FFFFFFF  }
0x98: {  	s19 =	sld [smem:$0x3FDB];
	_ =	sdelay $0x1  }
0x99: {  	s4 =	simm.s32 $_scs_section_size  }
0x9a: {  	s5 =	simm.s32 $_size__tile_overlayer_lowered;
	s6 =	simm.s32 $_tile_overlayer_lowered  }
0x9b: {  	s22 =	simm.s32 $0x1BFF;
	s21 =	sshll.u32 s6, $0x1;
	s3 =	sadd.s32 s4, s19  }
0x9c: {  	s7 =	simm.s32 $0x0;
	s20 =	sshll.u32 s5, $0x1;
	s5 =	sadd.s32 s21, s3  }
0x9d: {  	[timem:s7], [sflag:s22] =	dma.local [hbm:s5], s20  }
0x9e: {  	_ =	swait.ge [sflag:s22], s20  }
0x9f: {  	s4 =	ssub.s32 $0x0, s20;
	[sflag:s22] =	ssyncset.done $0x0  }
0xa0: {  	[sflag:s22] =	ssyncadd.s32 s4;
	_ =	sdelay $0x1  }
0xa1: {  	s23 =	simm.s32 $0x1B8B  }
0xa2: {  	_ =	swait.ge [sflag:s23], $0x1  }
0xa3: {  	[sflag:s23] =	ssyncset.done $0x0  }
0xa4: {  	s25 =	simm.s32 $0x1B8E;
	s24 =	sld [smem:$0x3FFE];
	[sflag:s23] =	ssyncadd.s32 $0xFFFFFFFF  }
0xa5: {  	s26 =	simm.s32 $execute0_lowered;
	[smem:$0x3FD2] =	sst s25  }
0xa6: {  	s5 =	sshll.u32 s26, $0x1;
	_ =	strace $0x80000058;
	[dreg:$0x1] =	wrdreg $0xFFFFFFFF  }
0xa7: {  	s28 =	simm.s32 $_size_execute0_lowered;
	s3 =	sadd.s32 s3, s5;
	[dreg:$0x0] =	wrdreg $0x0  }
0xa8: {  	s5 =	sshll.u32 s28, $0x1;
	[dreg:$0x2] =	wrdreg s3  }
0xa9: {  	[dreg:$0x3] =	wrdreg s5  }
0xaa: {  	[dreg:$0x4] =	wrdreg $0xC0  }
0xab: {  	_ =	task [dreg:s7], $0x5FFFF  }
0xac: {  	[dreg:$0x1] =	wrdreg $0xFFFFFFFF  }
0xad: {  	[dreg:$0x0] =	wrdreg $0x60  }
0xae: {  	[dreg:$0x2] =	wrdreg s24  }
0xaf: {  	[dreg:$0x3] =	wrdreg s2  }
0xb0: {  	[dreg:$0x4] =	wrdreg $0x121000  }
0xb1: {  	[dreg:$0x5] =	wrdreg $0x9  }
0xb2: {  	_ =	task.clear_ibuf [dreg:s7], $0x6FFFF;
	_ =	strace $0x90000058  }
0xb3: {  	s29 =	simm.s32 $0x9;
	_ =	strace $0x8000005A  }
0xb4: {  	_ =	swait.ge [sflag:s29], $0x1  }
0xb5: {  	[sflag:s29] =	ssyncadd.s32 $0xFFFFFFFF  }
0xb6: {  	_ =	strace $0x9000005A  }
0xb7: {  	_ =	sfence  }
0xb8: {  	s30 =	sld [smem:$0x0];
	_ =	sdelay $0x2  }
0xb9: {  	s31 =	sshll.u32 s1, $0xD;
	s1 =	sshrl.u32 s1, $0x2  }
0xba: {  	s3 =	sand.u32 $0x4000, s31;
	s1 =	sadd.s32 s1, s30  }
0xbb: {  	s0 =	sor.u32 s3, s0;
	s1 =	sshll.u32 s1, $0x11  }
0xbc: {  	s0 =	sor.u32 s1, s0  }
0xbd: {  	s0 =	sadd.s32 $0x8F2B, s0  }
0xbe: {  	[sflag:s0] =	ssyncadd.remote.s32 $0x1  }
0xbf: {  	_ =	sfence.sel $0xFFFF  }
0xc0: {  	[dreg:$0x0] =	wrdreg $0xFFFFFFFF;
	(pc) =	sbr.abs _section_cstart, $3  }
0xc1: {  	[dreg:$0x1] =	wrdreg $0xFFFFFFFF  }
0xc2: {  	_ =	task.clear_ibuf [dreg:s7], $0x2FFFF;
	_ =	strace $0x9FFFFFFF  }
0xc3: {  	(tm) =	ssettm $0x7FFFFFFF  }
tec
execute0_lowered:
.L_overlay_start_1:
0x0: {  	(tag) =	ssettag $0x1  }
0x1: {  	s5 =	rddreg [dreg:$0x0]  }
0x2: {  	s7 =	rddreg [dreg:$0x1]  }
0x3: {  	s0 =	srdreg.scid;
	s2 =	rddreg [dreg:$0x2]  }
0x4: {  	s1 =	rddreg [dreg:$0x3];
	s3 =	simm.s32 $0x0;
	s16 =	simm.s32 $0xA080  }
0x5: {  	s17 =	simm.s32 $0x80;
	s18 =	simm.s32 $0xA100;
	s6 =	sand.u32 $0x1, s0  }
0x6: {  	s19 =	simm.s32 $0x1;
	s0 =	stileid.u32;
	s4 =	smul.u32 $0xA00, s6  }
0x7: {  	s20 =	simm.s32 $0xE100;
	s21 =	simm.s32 $0x2;
	s8 =	smul.u32 $0xA0, s0  }
0x8: {  	s22 =	simm.s32 $0x0;
	[smem:$0x7FF] =	sst s3;
	s26 =	smul.u32 $0x1400, s0  }
0x9: {  	s10 =	smul.u32 $0x14000, s6;
	_ =	strace $0x80000059;
	s11 =	ssub.s32 $0x2, s6  }
0xa: {  	s12 =	smul.u32 $0x28000, s0;
	s30 =	sshll.u32 s0, $0x6;
	s6 =	sshll.u32 s6, $0x4  }
0xb: {  	s28 =	sshrl.u32 s11, $0x1;
	s31 =	sor.u32 s6, s30;
	s6 =	sor.u32 $0x1C03, s30  }
0xc: {  	s4 =	sadd.s32 s8, s4;
	s10 =	sadd.s32 s26, s10;
	s8 =	sadd.s32 s26, s5  }
0xd: {  	s29 =	sshrl.u32 s12, $0x2;
	s14 =	ssub.s32 s11, s28;
	s7 =	sadd.s32 s7, s31  }
.Ltmp0:
0xe: {  	s9 =	sshll.u32 s4, $0x4;
	s4 =	sadd.s32 $0x54200, s5;
	(pc) =	sbr.rel .LBB2_1-.Ltmp0, $4  }
0xf: {  	s13 =	sadd.s32 s10, s5;
	s15 =	sadd.s32 s29, s2;
	s10 =	sadd.s32 $0x20, s7  }
0x10: {  	s12 =	smax.u32 s14, $0x1;
	s14 =	simm.s32 $0x3;
	s9 =	sadd.s32 s9, s5  }
0x11: {  	s5 =	sadd.s32 $0x4400, s8;
	s11 =	sadd.s32 $0x7B400, s13;
	s13 =	sshrl.u32 s15, $0x3  }
0x12: {  	s15 =	simm.s32 $0xA000;
	s8 =	sadd.s32 $0x2C200, s9;
	s9 =	sadd.s32 $0x40200, s9  }
.LBB2_5:
0x13: {  	[sflag:s14] =	ssyncadd.s32 $0xFFFFC000  }
.LBB2_6:
0x14: {  	s22 =	sadd.s32 $0x1, s22  }
0x15: {  	p0 =	sne.s32 s22, s12  }
.Ltmp1:
0x16: {  	[bflag:$0x0] =	sbarrier.arrive $0xFFFF;
	(pc) =	sbr.rel @!p0 .LBB2_7-.Ltmp1, $4  }
0x17: {  	[hbm:s11], [sflag:s6] =	dma.local [spmem:s13], $0x1400  }
0x18: {  	_ =	swait.ge [sflag:s14], $0x1400  }
0x19: {  	[sflag:s14] =	ssyncset.done $0x0  }
0x1a: {  	[sflag:s14] =	ssyncadd.s32 $0xFFFFEC00  }
.LBB2_1:
0x1b: {  	[spmem:s13], [sflag:s6] =	dma.local [hbm:s5], $0x1400  }
0x1c: {  	_ =	swait.ge [sflag:s14], $0x1400  }
0x1d: {  	[sflag:s14] =	ssyncset.done $0x0  }
0x1e: {  	[sflag:s14] =	ssyncadd.s32 $0xFFFFEC00  }
0x1f: {  	[tilespmem:s3], [sflag:$0x3] =	stream.linear.gather [hbm4b:s8+s3], $0x5000, $0x38;
	[tilespmem:$0x1C100] =	vst v63  }
0x20: {  	_ =	swait.ge [sflag:s14], $0x5000  }
0x21: {  	[sflag:s14] =	ssyncset.done $0x0  }
0x22: {  	s23 =	simm.s32 $0x5000;
	[sflag:s14] =	ssyncadd.s32 $0xFFFFB000  }
0x23: {  	[tilespmem:s23], [sflag:$0x3] =	stream.linear.gather [hbm4b:s9+s3], $0x5000, $0x38;
	[tilespmem:$0x1C100] =	vst v63  }
0x24: {  	_ =	swait.ge [sflag:s14], $0x5000  }
0x25: {  	[sflag:s14] =	ssyncset.done $0x0  }
0x26: {  	[sflag:s14] =	ssyncadd.s32 $0xFFFFB000  }
0x27: {  	[tilespmem:s15], [sflag:$0x3] =	stream.linear.gather [hbm4b:s7+s3], $0x80, $0x38;
	[tilespmem:$0x1C100] =	vst v63  }
0x28: {  	_ =	swait.ge [sflag:s14], $0x80  }
0x29: {  	[sflag:s14] =	ssyncset.done $0x0  }
0x2a: {  	[sflag:s14] =	ssyncadd.s32 $0xFFFFFF80  }
0x2b: {  	[tilespmem:s16], [sflag:$0x3] =	stream.linear.gather [hbm4b:s10+s3], $0x80, $0x38;
	[tilespmem:$0x1C100] =	vst v63  }
0x2c: {  	_ =	swait.ge [sflag:s14], $0x80  }
0x2d: {  	[sflag:s14] =	ssyncset.done $0x0  }
0x2e: {  	[sflag:s14] =	ssyncadd.s32 $0xFFFFFF80  }
0x2f: {  	[bflag:$0x0] =	sbarrier.arrive $0xFFFF  }
0x30: {  	v0 =	vld [tilespmem:$0xA000];
	_ =	sdelay $0x4  }
0x31: {  	v0 =	vxor.u32 $0x80000000, v0  }
0x32: {  	(xrf0) =	vmax.scan.msk.u32 $0xffff, v0;
	_ =	sdelay $0x1  }
0x33: {  	v1 =	vld [tilespmem:$0xA080];
	_ =	sdelay $0x3  }
0x34: {  	v62, _, _ =	vpop (xrf0)  }
0x35: {  	v61 =	vxor.u32 $0x80000000, v1;
	(v2sf) =	vpush v62, $0xF  }
0x36: {  	(xrf0) =	vmax.scan.msk.u32 $0xffff, v61;
	_ =	sdelay $0x5  }
0x37: {  	v63, _, _ =	vpop (xrf0)  }
0x38: {  	(v2sf) =	vpush v63, $0xF;
	_ =	sdelay $0x6  }
0x39: {  	s24 =	spop (v2sf)  }
0x3a: {  	s24 =	sadd.s32 $0x8000007F, s24  }
0x3b: {  	s25 =	sshra.s32 s24, $0x7  }
0x3c: {  	p0 =	sgt.s32 s25, $0x0  }
.Ltmp2:
0x3d: {  	_ = 	snop;
	(pc) =	sbr.rel @!p0 .LBB2_2-.Ltmp2, $2  }
0x3e: {  	_ =	sdelay $0x2  }
0x3f: {  	s24 =	spop (v2sf)  }
0x40: {  	[tilespmem:s18], [sflag:$0x1] =	stream.indirect.gather [hbm4b:s4+s17], $0x80, s3, s17, $0xb8;
	[tilespmem:$0x1C100] =	vst v63  }
0x41: {  	p0 =	seq.s32 s25, $0x1;
	_ =	swait.ge [sflag:s19], $0x4000  }
.Ltmp3:
0x42: {  	[sflag:s19] =	ssyncset.done $0x0;
	(pc) =	sbr.rel @p0 .LBB2_10-.Ltmp3, $4  }
0x43: {  	[sflag:s19] =	ssyncadd.s32 $0xFFFFC000  }
0x44: {  	[spmem:s2] =	stream.indirect.scatter.add.f32 [tilespmem:s18], [sflag:$0x3], $0x80, s23, s17, $0xb8;
	[tilespmem:$0x1C100] =	vst v63  }
0x45: {  	_ =	swait.ge [sflag:s14], $0x4000  }
0x46: {  	s25 =	sadd.s32 $0xFFFFFFFF, s25;
	s26 =	simm.s32 $0x0;
	[sflag:s14] =	ssyncset.done $0x0  }
.LBB2_9:
0x47: {  	[sflag:s14] =	ssyncadd.s32 $0xFFFFC000;
	s26 =	sadd.s32 $0x80, s26;
	s23 =	sadd.s32 $0x80, s23  }
0x48: {  	[tilespmem:s18], [sflag:$0x1] =	stream.indirect.gather [hbm4b:s4+s17], $0x80, s26, s17, $0xb8;
	[tilespmem:$0x1C100] =	vst v63  }
0x49: {  	p0 =	seq.s32 s25, $0x1;
	s25 =	sadd.s32 $0xFFFFFFFF, s25;
	_ =	swait.ge [sflag:s19], $0x4000  }
.Ltmp4:
0x4a: {  	[sflag:s19] =	ssyncset.done $0x0;
	(pc) =	sbr.rel @!p0 .LBB2_9-.Ltmp4, $4  }
0x4b: {  	[sflag:s19] =	ssyncadd.s32 $0xFFFFC000  }
0x4c: {  	[spmem:s2] =	stream.indirect.scatter.add.f32 [tilespmem:s18], [sflag:$0x3], $0x80, s23, s17, $0xb8;
	[tilespmem:$0x1C100] =	vst v63  }
0x4d: {  	_ =	swait.ge [sflag:s14], $0x4000  }
0x4e: {  	[sflag:s14] =	ssyncset.done $0x0  }
.LBB2_10:
0x4f: {  	[sflag:s14] =	ssyncadd.s32 $0xFFFFC000  }
.LBB2_2:
0x50: {  	s23 =	sadd.s32 $0x8000007F, s24  }
0x51: {  	s25 =	sshra.s32 s23, $0x7  }
0x52: {  	p0 =	sgt.s32 s25, $0x0  }
.Ltmp5:
0x53: {  	_ = 	snop;
	(pc) =	sbr.rel @!p0 .LBB2_6-.Ltmp5, $1  }
0x54: {  	_ =	sdelay $0x3  }
0x55: {  	s24 =	simm.s32 $0x2800  }
0x56: {  	[tilespmem:s20], [sflag:$0x2] =	stream.indirect.gather [hbm4b:s4+s17], $0x80, s24, s17, $0xb8;
	[tilespmem:$0x1C100] =	vst v63  }
0x57: {  	p0 =	sne.s32 s25, $0x1;
	_ =	swait.ge [sflag:s21], $0x4000  }
.Ltmp6:
0x58: {  	[sflag:s21] =	ssyncset.done $0x0;
	(pc) =	sbr.rel @!p0 .LBB2_5-.Ltmp6, $4  }
0x59: {  	s23 =	simm.s32 $0x7800;
	[sflag:s21] =	ssyncadd.s32 $0xFFFFC000  }
0x5a: {  	[spmem:s2] =	stream.indirect.scatter.add.f32 [tilespmem:s20], [sflag:$0x3], $0x80, s23, s17, $0xb8;
	[tilespmem:$0x1C100] =	vst v63  }
0x5b: {  	_ =	swait.ge [sflag:s14], $0x4000  }
0x5c: {  	s25 =	sadd.s32 $0xFFFFFFFF, s25;
	[sflag:s14] =	ssyncset.done $0x0  }
.LBB2_4:
0x5d: {  	[sflag:s14] =	ssyncadd.s32 $0xFFFFC000;
	s23 =	sadd.s32 $0x80, s23;
	s24 =	sadd.s32 $0x80, s24  }
0x5e: {  	[tilespmem:s20], [sflag:$0x2] =	stream.indirect.gather [hbm4b:s4+s17], $0x80, s24, s17, $0xb8;
	[tilespmem:$0x1C100] =	vst v63  }
0x5f: {  	p0 =	sne.s32 s25, $0x1;
	s25 =	sadd.s32 $0xFFFFFFFF, s25;
	_ =	swait.ge [sflag:s21], $0x4000  }
.Ltmp7:
0x60: {  	[sflag:s21] =	ssyncset.done $0x0;
	(pc) =	sbr.rel @p0 .LBB2_4-.Ltmp7, $4  }
0x61: {  	[sflag:s21] =	ssyncadd.s32 $0xFFFFC000  }
0x62: {  	[spmem:s2] =	stream.indirect.scatter.add.f32 [tilespmem:s20], [sflag:$0x3], $0x80, s23, s17, $0xb8;
	[tilespmem:$0x1C100] =	vst v63  }
0x63: {  	_ =	swait.ge [sflag:s14], $0x4000  }
0x64: {  	[sflag:s14] =	ssyncset.done $0x0  }
.Ltmp8:
0x65: {  	_ = 	snop;
	(pc) =	sbr.rel .LBB2_5-.Ltmp8, $1  }
0x66: {  	_ =	sdelay $0x3  }
.LBB2_7:
0x67: {  	_ =	sfence.sel $0x180000  }
0x68: {  	[bflag:$0x0] =	sbarrier.arrive $0xFFFF  }
0x69: {  	p0 =	sne.s32 s0, $0x0;
	_ =	strace $0x90000059  }
0x6a: {  	s0 =	sadd.s32 @!p0 $0x100000, s1;
	[bflag:$0x2] =	sbarrier.arrive $0xFFFF  }
0x6b: {  	[sflag:s0] =	ssyncadd.tile.s32 @!p0 $0x1;
	_ =	shalt  }
.Lfunc_end2:
_tile_overlayer_lowered:
.L_overlay_start_2:
0x6c: {  	(tag) =	ssettag $0x2  }
0x6d: {  	s0 =	rddreg [dreg:$0x0];
	s2 =	stileid.u32  }
0x6e: {  	s1 =	rddreg [dreg:$0x1];
	p0 =	sne.s32 s2, $0x0  }
0x6f: {  	s3 =	rddreg [dreg:$0x2];
	[bflag:$0x3] =	sbarrier.arrive $0xFFFF;
	s2 =	simm.s32 @!p0 $0x1C03  }
0x70: {  	[timem:s3], [sflag:s2] =	dma.local @!p0 [hbm:s0], s1  }
0x71: {  	s0 =	simm.s32 @!p0 $0x3  }
0x72: {  	_ =	swait.ge @!p0 [sflag:s0], s1  }
0x73: {  	s1 =	ssub.s32 @!p0 $0x0, s1;
	[sflag:s0] =	ssyncset.done @!p0 $0x0  }
0x74: {  	[sflag:s0] =	ssyncadd.s32 @!p0 s1  }
0x75: {  	[bflag:$0x3] =	sbarrier.arrive $0xFFFF  }
0x76: {  	_ =	shalt  }

</sc_bundles>
